<compile_context>
chip_gen: v7x
topology: tpu7x:2x2x1
jax: 0.10.2.dev20260603
libtpu: 0.0.44.dev20260713+nightly
codegen_flags: <defaults>
</compile_context>

<pallas_src>
import functools

import jax
import jax.numpy as jnp
from jax import lax
from jax.experimental import pallas as pl
from jax.experimental.pallas import tpu as pltpu
from jax.experimental.pallas import tpu_sc as plsc

N_NODES = 10000
F_IN = 128
HID = 64
G_PER = 16
NCAT = 2 * N_NODES
NPAD = 20096
E_EDGES = 320000
ECAT = 2 * E_EDGES
EPAD = 655360
NW = 32
EPW = EPAD // NW
K = 128
CHUNKS = EPW // K
HC = CHUNKS // 2
SEG = 80
CH_A = 160
CH_B = EPAD // (16 * K) - CH_A
RPS = NPAD // 16

_sc_mesh = plsc.VectorSubcoreMesh(core_axis_name="c", subcore_axis_name="s")


@functools.partial(
    pl.kernel,
    out_type=jax.ShapeDtypeStruct((NW, NPAD), jnp.float32),
    mesh=_sc_mesh,
    compiler_params=pltpu.CompilerParams(needs_layout_passes=False),
    scratch_types=[
        pltpu.VMEM((NPAD,), jnp.float32),
        pltpu.VMEM((CHUNKS, K), jnp.int32),
    ],
)
def _sc_degree(dst_hbm, out_hbm, deg_v, idx_v):
    c = lax.axis_index("c")
    s = lax.axis_index("s")
    wid = s * 2 + c
    pltpu.sync_copy(dst_hbm.at[wid], idx_v)

    def zero_body(i, carry):
        deg_v[pl.ds(i * 16, 16)] = jnp.zeros((16,), jnp.float32)
        return carry

    lax.fori_loop(0, NPAD // 16, zero_body, 0)

    ones16 = jnp.ones((16,), jnp.float32)

    def chunk_body(j, carry):
        for k in range(K // 16):
            iv = idx_v[j, pl.ds(k * 16, 16)]
            plsc.addupdate_scatter(deg_v, [iv], ones16)
        return carry

    lax.fori_loop(0, CHUNKS, chunk_body, 0)
    pltpu.sync_copy(deg_v, out_hbm.at[wid])


@functools.partial(
    pl.kernel,
    out_type=jax.ShapeDtypeStruct((2, NPAD, HID), jnp.float32),
    mesh=_sc_mesh,
    compiler_params=pltpu.CompilerParams(
        needs_layout_passes=False, use_tc_tiling_on_sc=False),
    scratch_types=[
        pltpu.VMEM_SHARED((NPAD, HID), jnp.float32),
        pltpu.VMEM((K, HID), jnp.float32),
        pltpu.VMEM((K, HID), jnp.float32),
        pltpu.VMEM((SEG, K), jnp.int32),
        pltpu.VMEM((SEG, K), jnp.int32),
        pltpu.SemaphoreType.DMA,
        pltpu.SemaphoreType.DMA,
    ],
)
def _sc_scatter(m_hbm, srca_hbm, srcb_hbm, dsta_hbm, dstb_hbm,
                out_hbm, acc, buf0, buf1, sidx, didx, sem0, sem1):
    c = lax.axis_index("c")
    s = lax.axis_index("s")
    r0 = s * RPS

    def zrow_body(i, carry):
        for f in range(HID // 16):
            buf0[i, pl.ds(f * 16, 16)] = jnp.zeros((16,), jnp.float32)
        return carry

    lax.fori_loop(0, K, zrow_body, 0)
    for z in range(RPS // K):
        pltpu.sync_copy(buf0, acc.at[pl.ds(r0 + z * K, K)])
    rem = RPS - (RPS // K) * K
    if rem:
        pltpu.sync_copy(buf0.at[pl.ds(0, rem)],
                        acc.at[pl.ds(r0 + (RPS // K) * K, rem)])
    plsc.subcore_barrier()

    def start(ch, buf, sem):
        pltpu.async_copy(m_hbm.at[sidx.at[ch]], buf, sem)

    def drain(buf, sem):
        pltpu.make_async_copy(m_hbm.at[pl.ds(0, K)], buf, sem).wait()

    def scat(ch, buf):
        pltpu.sync_copy(buf, acc.at[didx.at[ch]], add=True)

    def run(src_hbm, dst_hbm, nch):
        for g in range(nch // SEG):
            pltpu.sync_copy(src_hbm.at[s, pl.ds(g * SEG, SEG)], sidx)
            pltpu.sync_copy(dst_hbm.at[s, pl.ds(g * SEG, SEG)], didx)
            start(0, buf0, sem0)

            def body(i, carry):
                start(2 * i + 1, buf1, sem1)
                drain(buf0, sem0)
                scat(2 * i, buf0)
                start(2 * i + 2, buf0, sem0)
                drain(buf1, sem1)
                scat(2 * i + 1, buf1)
                return carry

            lax.fori_loop(0, SEG // 2 - 1, body, 0)
            start(SEG - 1, buf1, sem1)
            drain(buf0, sem0)
            scat(SEG - 2, buf0)
            drain(buf1, sem1)
            scat(SEG - 1, buf1)

    @pl.when(c == 0)
    def _run_a():
        run(srca_hbm, dsta_hbm, CH_A)

    @pl.when(c == 1)
    def _run_b():
        run(srcb_hbm, dstb_hbm, CH_B)

    plsc.subcore_barrier()
    pltpu.sync_copy(acc.at[pl.ds(r0, RPS)], out_hbm.at[c, pl.ds(r0, RPS)])


def _tc_prep(xp, degp, W1):
    def body(x_ref, dp_ref, w_ref, m1_ref, dinv_ref):
        deg = jnp.sum(dp_ref[...], axis=0, keepdims=True) + 1.0
        dinv = lax.rsqrt(deg)
        dinv_ref[...] = dinv
        dcol = jnp.reshape(dinv, (NPAD, 1))
        h0 = jnp.dot(x_ref[...], w_ref[...], preferred_element_type=jnp.float32)
        m1_ref[...] = h0 * dcol

    return pl.pallas_call(
        body,
        out_shape=[
            jax.ShapeDtypeStruct((NPAD, HID), jnp.float32),
            jax.ShapeDtypeStruct((1, NPAD), jnp.float32),
        ],
    )(xp, degp, W1)


def _tc_mid(s1p, m1, dinv, W2, b1):
    def body(s_ref, m_ref, d_ref, w_ref, b_ref, m2_ref):
        dcol = jnp.reshape(d_ref[...], (NPAD, 1))
        s = s_ref[0] + s_ref[1]
        h1 = jnp.maximum(dcol * (s + m_ref[...]) + b_ref[...], 0.0)
        m2 = jnp.dot(h1, w_ref[...], preferred_element_type=jnp.float32) * dcol
        rows = lax.broadcasted_iota(jnp.int32, (NPAD, 1), 0)
        m2_ref[...] = jnp.where(rows < NCAT, m2, 0.0)

    return pl.pallas_call(
        body,
        out_shape=jax.ShapeDtypeStruct((NPAD, HID), jnp.float32),
    )(s1p, m1, dinv, W2, b1)


def _tc_final(s2p, m2, dinv, b2, batchf, fc1_W, fc1_b, fc2_W, fc2_b):
    def body(s_ref, m_ref, d_ref, b2_ref, bat_ref, f1w_ref, f1b_ref,
             f2w_ref, f2b_ref, o_ref):
        dcol = jnp.reshape(d_ref[...], (NPAD, 1))
        s = s_ref[0] + s_ref[1]
        h2 = jnp.maximum(dcol * (s + m_ref[...]) + b2_ref[...], 0.0)
        gids = lax.broadcasted_iota(jnp.int32, (2 * G_PER, 1), 0).astype(jnp.float32)
        P = (gids == bat_ref[...]).astype(jnp.float32)
        sums = jnp.dot(P, h2, preferred_element_type=jnp.float32)
        cnt = jnp.sum(P, axis=1, keepdims=True)
        pooled = sums / jnp.maximum(cnt, 1.0)
        e1 = pooled[0:G_PER]
        e2 = pooled[G_PER:2 * G_PER]
        f1w = f1w_ref[...]
        z = (jnp.dot(e1, f1w[0:HID], preferred_element_type=jnp.float32)
             + jnp.dot(e2, f1w[HID:2 * HID], preferred_element_type=jnp.float32)
             + jnp.dot(jnp.abs(e1 - e2), f1w[2 * HID:3 * HID],
                       preferred_element_type=jnp.float32)
             + f1b_ref[...])
        z = jnp.maximum(z, 0.0)
        o = jnp.dot(z, f2w_ref[...], preferred_element_type=jnp.float32) + f2b_ref[...]
        o_ref[...] = jax.nn.sigmoid(o)

    return pl.pallas_call(
        body,
        out_shape=jax.ShapeDtypeStruct((G_PER, 1), jnp.float32),
    )(s2p, m2, dinv, b2, batchf, fc1_W, fc1_b, fc2_W, fc2_b)


def kernel(x1, edge_index1, batch1, x2, edge_index2, batch2,
           W1, b1, W2, b2, fc1_W, fc1_b, fc2_W, fc2_b):
    f32 = jnp.float32
    i32 = jnp.int32
    pad_e = EPAD - ECAT
    pad_n = NPAD - NCAT
    src = jnp.concatenate([edge_index1[0], edge_index2[0] + N_NODES,
                           jnp.full((pad_e,), NCAT, i32)])
    dst = jnp.concatenate([edge_index1[1], edge_index2[1] + N_NODES,
                           jnp.full((pad_e,), NCAT, i32)])
    ea = 16 * CH_A * K
    src_a = src[:ea].reshape(16, CH_A, K)
    src_b = src[ea:].reshape(16, CH_B, K)
    dst_a = dst[:ea].reshape(16, CH_A, K)
    dst_b = dst[ea:].reshape(16, CH_B, K)
    xp = jnp.concatenate([x1, x2, jnp.zeros((pad_n, F_IN), f32)], axis=0)
    batchf = jnp.concatenate(
        [batch1, batch2 + G_PER, jnp.full((pad_n,), 2 * G_PER + 7, i32)]
    ).astype(f32).reshape(1, NPAD)

    degp = _sc_degree(dst.reshape(NW, CHUNKS, K))
    m1, dinv = _tc_prep(xp, degp, W1)
    s1 = _sc_scatter(m1, src_a, src_b, dst_a, dst_b)
    m2 = _tc_mid(s1, m1, dinv, W2, b1.reshape(1, HID))
    s2 = _sc_scatter(m2, src_a, src_b, dst_a, dst_b)
    o = _tc_final(s2, m2, dinv, b2.reshape(1, HID), batchf,
                  fc1_W, fc1_b.reshape(1, HID), fc2_W, fc2_b.reshape(1, 1))
    return o[:, 0]

# --- scband reference (transcript-rebuilt; emitter-appended) ---
"""Pipeline reference for scband-zxnet-65317862637645 (READ-ONLY COPY).

The authoritative reference and input builder live on the scoring server;
editing this copy changes nothing except your own understanding.
"""

import jax, jax.numpy as jnp
import numpy as np

N = 10000
E = 320000
F_IN = 128
HID = 64
G = 16


def setup_inputs(seed: int = 0) -> dict:
    key = jax.random.key(seed)
    ks = jax.random.split(key, 16)
    x1 = jax.random.normal(ks[0], (N, F_IN), dtype=jnp.float32)
    x2 = jax.random.normal(ks[1], (N, F_IN), dtype=jnp.float32)
    edge_index1 = jax.random.randint(ks[2], (2, E), 0, N, dtype=jnp.int32)
    edge_index2 = jax.random.randint(ks[3], (2, E), 0, N, dtype=jnp.int32)
    batch1 = jnp.sort(jax.random.randint(ks[4], (N,), 0, G, dtype=jnp.int32))
    batch2 = jnp.sort(jax.random.randint(ks[5], (N,), 0, G, dtype=jnp.int32))
    W1 = jax.random.normal(ks[6], (F_IN, HID), dtype=jnp.float32) * (1.0 / np.sqrt(F_IN))
    b1 = jnp.zeros((HID,), dtype=jnp.float32)
    W2 = jax.random.normal(ks[7], (HID, HID), dtype=jnp.float32) * (1.0 / np.sqrt(HID))
    b2 = jnp.zeros((HID,), dtype=jnp.float32)
    fc1_W = jax.random.normal(ks[8], (3 * HID, HID), dtype=jnp.float32) * (1.0 / np.sqrt(3 * HID))
    fc1_b = jnp.zeros((HID,), dtype=jnp.float32)
    fc2_W = jax.random.normal(ks[9], (HID, 1), dtype=jnp.float32) * (1.0 / np.sqrt(HID))
    fc2_b = jnp.zeros((1,), dtype=jnp.float32)
    return {
        "x1": x1, "edge_index1": edge_index1, "batch1": batch1,
        "x2": x2, "edge_index2": edge_index2, "batch2": batch2,
        "W1": W1, "b1": b1, "W2": W2, "b2": b2,
        "fc1_W": fc1_W, "fc1_b": fc1_b, "fc2_W": fc2_W, "fc2_b": fc2_b,
    }


def _gcn_conv(x, edge_index, W, b):
    # GCNConv: D^{-1/2} (A + I) D^{-1/2} X W + b
    n = x.shape[0]
    h = x @ W
    loop = jnp.arange(n, dtype=edge_index.dtype)
    src = jnp.concatenate([edge_index[0], loop])
    dst = jnp.concatenate([edge_index[1], loop])
    deg = jax.ops.segment_sum(jnp.ones_like(dst, dtype=jnp.float32), dst, num_segments=n)
    dinv = jnp.where(deg > 0, jax.lax.rsqrt(deg), 0.0)
    norm = dinv[src] * dinv[dst]
    msg = h[src] * norm[:, None]
    out = jax.ops.segment_sum(msg, dst, num_segments=n)
    return out + b


def _global_mean_pool(h, batch):
    s = jax.ops.segment_sum(h, batch, num_segments=G)
    cnt = jax.ops.segment_sum(jnp.ones((h.shape[0],), dtype=jnp.float32), batch, num_segments=G)
    return s / jnp.clip(cnt, 1.0)[:, None]


def _branch(x, edge_index, batch, W1, b1, W2, b2):
    h = jax.nn.relu(_gcn_conv(x, edge_index, W1, b1))
    h = jax.nn.relu(_gcn_conv(h, edge_index, W2, b2))
    return _global_mean_pool(h, batch)


def reference(x1, edge_index1, batch1, x2, edge_index2, batch2, W1, b1, W2, b2, fc1_W, fc1_b, fc2_W, fc2_b):
    emb1 = _branch(x1, edge_index1, batch1, W1, b1, W2, b2)
    emb2 = _branch(x2, edge_index2, batch2, W1, b1, W2, b2)
    combined = jnp.concatenate([emb1, emb2, jnp.abs(emb1 - emb2)], axis=1)
    out = jax.nn.relu(combined @ fc1_W + fc1_b)
    out = jax.nn.sigmoid(out @ fc2_W + fc2_b)
    return jnp.squeeze(out, axis=-1)

if __name__ == "__main__":
    import jax
    _d = setup_inputs()
    print(jax.jit(kernel)(*tuple(_d.values())))

</pallas_src>

<mosaic_0001>
#map = affine_map<(d0, d1) -> (0, 0, 0)>
#map1 = affine_map<(d0, d1) -> (0, 0)>
module attributes {stable_mosaic.version = 14 : i64} {
  func.func @_sc_degree(%arg0: i32, %arg1: i32, %arg2: memref<32x160x128xi32, #tpu.memory_space<hbm>>, %arg3: memref<32x20096xf32, #tpu.memory_space<hbm>>, %arg4: memref<20096xf32, #tpu.memory_space<vmem>>, %arg5: memref<160x128xi32, #tpu.memory_space<vmem>>) attributes {dimension_semantics = [#tpu.dimension_semantics<core_parallel>, #tpu.dimension_semantics<subcore_parallel>], iteration_bounds = array<i64: 2, 16>, scalar_prefetch = 0 : i64, scratch_operands = 2 : i64, tpu.core_type = #tpu.core_type<sc_vector_subcore>, window_params = [{transform_indices = #map}, {transform_indices = #map1}]} {
    %mul3A = arith.constant 2 : i32
    %mul3A_0 = arith.muli %arg1, %mul3A : i32
    %add3A = arith.addi %mul3A_0, %arg0 : i32
    "tpu.region"() ({
      %run_scoped3A = tpu.sem_alloc : memref<!tpu.dma_semaphore, #tpu.memory_space<semaphore_mem>>
      %dma_start3A = arith.constant 0 : i32
      %dma_start3A_13 = arith.constant 0 : i32
      %dma_start3A_14 = tpu.memref_slice %arg2[%add3A, %dma_start3A, %dma_start3A_13] : memref<32x160x128xi32, #tpu.memory_space<hbm>> -> memref<1x160x128xi32, #tpu.memory_space<hbm>>
      %dma_start3A_15 = tpu.memref_squeeze %dma_start3A_14 : memref<1x160x128xi32, #tpu.memory_space<hbm>> -> memref<160x128xi32, #tpu.memory_space<hbm>>
      %dma_start3A_16 = arith.constant 0 : i32
      %dma_start3A_17 = arith.constant 0 : i32
      %dma_start3A_18 = tpu.memref_slice %arg2[%add3A, %dma_start3A_16, %dma_start3A_17] : memref<32x160x128xi32, #tpu.memory_space<hbm>> -> memref<1x160x128xi32, #tpu.memory_space<hbm>>
      %dma_start3A_19 = tpu.memref_squeeze %dma_start3A_18 : memref<1x160x128xi32, #tpu.memory_space<hbm>> -> memref<160x128xi32, #tpu.memory_space<hbm>>
      tpu.enqueue_dma source(%dma_start3A_19 : memref<160x128xi32, #tpu.memory_space<hbm>>) target(%arg5 : memref<160x128xi32, #tpu.memory_space<vmem>>) target_semaphore(%run_scoped3A : memref<!tpu.dma_semaphore, #tpu.memory_space<semaphore_mem>>)
      %dma_wait3A = arith.constant 0 : i32
      %dma_wait3A_20 = arith.constant 0 : i32
      %dma_wait3A_21 = tpu.memref_slice %arg2[%add3A, %dma_wait3A, %dma_wait3A_20] : memref<32x160x128xi32, #tpu.memory_space<hbm>> -> memref<1x160x128xi32, #tpu.memory_space<hbm>>
      %dma_wait3A_22 = tpu.memref_squeeze %dma_wait3A_21 : memref<1x160x128xi32, #tpu.memory_space<hbm>> -> memref<160x128xi32, #tpu.memory_space<hbm>>
      %dma_wait3A_23 = arith.constant 0 : i32
      %dma_wait3A_24 = arith.constant 0 : i32
      %dma_wait3A_25 = tpu.memref_slice %arg2[%add3A, %dma_wait3A_23, %dma_wait3A_24] : memref<32x160x128xi32, #tpu.memory_space<hbm>> -> memref<1x160x128xi32, #tpu.memory_space<hbm>>
      %dma_wait3A_26 = tpu.memref_squeeze %dma_wait3A_25 : memref<1x160x128xi32, #tpu.memory_space<hbm>> -> memref<160x128xi32, #tpu.memory_space<hbm>>
      tpu.wait_dma2 semaphore(%run_scoped3A : memref<!tpu.dma_semaphore, #tpu.memory_space<semaphore_mem>>) src(%dma_wait3A_26 : memref<160x128xi32, #tpu.memory_space<hbm>>) dst(%arg5 : memref<160x128xi32, #tpu.memory_space<vmem>>)
      tpu.yield
    }) : () -> ()
    %scan3A = arith.constant 0 : i32
    %scan3A_1 = arith.constant 0 : i32
    %scan3A_2 = arith.constant 1256 : i32
    %scan3A_3 = arith.addi %scan3A_1, %scan3A_2 : i32
    %scan3A_4 = arith.constant 1 : i32
    scf.for %scan3A_13 = %scan3A_1 to %scan3A_3 step %scan3A_4  : i32 {
      %broadcast_in_dim3A_14 = arith.constant 0.000000e+00 : f32
      %broadcast_in_dim3A_15 = vector.broadcast %broadcast_in_dim3A_14 : f32 to vector<16xf32>
      %mul3A_16 = arith.constant 16 : i32
      %mul3A_17 = arith.muli %scan3A_13, %mul3A_16 : i32
      %swap3A = arith.index_cast %mul3A_17 : i32 to index
      %swap3A_18 = tpu.vector_load %arg4[%swap3A] {strides = array<i32>} : memref<20096xf32, #tpu.memory_space<vmem>>, vector<16xf32>,
      tpu.vector_store %arg4[%swap3A], %broadcast_in_dim3A_15 {strides = array<i32>} : memref<20096xf32, #tpu.memory_space<vmem>>, vector<16xf32>,
    }
    %scan3A_5 = arith.constant 1256 : i32
    %broadcast_in_dim3A = arith.constant 1.000000e+00 : f32
    %broadcast_in_dim3A_6 = vector.broadcast %broadcast_in_dim3A : f32 to vector<16xf32>
    %scan3A_7 = arith.constant 0 : i32
    %scan3A_8 = arith.constant 0 : i32
    %scan3A_9 = arith.constant 160 : i32
    %scan3A_10 = arith.addi %scan3A_8, %scan3A_9 : i32
    %scan3A_11 = arith.constant 1 : i32
    scf.for %scan3A_13 = %scan3A_8 to %scan3A_10 step %scan3A_11  : i32 {
      %get3A = arith.index_cast %scan3A_13 : i32 to index
      %get3A_14 = arith.constant 0 : index
      %get3A_15 = tpu.vector_load %arg5[%get3A, %get3A_14] {strides = array<i32>} : memref<160x128xi32, #tpu.memory_space<vmem>>, vector<16xi32>,
      tpu.vector_store_idx %arg4[%get3A_15], %broadcast_in_dim3A_6 {add = true} : memref<20096xf32, #tpu.memory_space<vmem>>[vector<16xi32>], vector<16xf32>,
      %get3A_16 = arith.index_cast %scan3A_13 : i32 to index
      %get3A_17 = arith.constant 16 : index
      %get3A_18 = tpu.vector_load %arg5[%get3A_16, %get3A_17] {strides = array<i32>} : memref<160x128xi32, #tpu.memory_space<vmem>>, vector<16xi32>,
      tpu.vector_store_idx %arg4[%get3A_18], %broadcast_in_dim3A_6 {add = true} : memref<20096xf32, #tpu.memory_space<vmem>>[vector<16xi32>], vector<16xf32>,
      %get3A_19 = arith.index_cast %scan3A_13 : i32 to index
      %get3A_20 = arith.constant 32 : index
      %get3A_21 = tpu.vector_load %arg5[%get3A_19, %get3A_20] {strides = array<i32>} : memref<160x128xi32, #tpu.memory_space<vmem>>, vector<16xi32>,
      tpu.vector_store_idx %arg4[%get3A_21], %broadcast_in_dim3A_6 {add = true} : memref<20096xf32, #tpu.memory_space<vmem>>[vector<16xi32>], vector<16xf32>,
      %get3A_22 = arith.index_cast %scan3A_13 : i32 to index
      %get3A_23 = arith.constant 48 : index
      %get3A_24 = tpu.vector_load %arg5[%get3A_22, %get3A_23] {strides = array<i32>} : memref<160x128xi32, #tpu.memory_space<vmem>>, vector<16xi32>,
      tpu.vector_store_idx %arg4[%get3A_24], %broadcast_in_dim3A_6 {add = true} : memref<20096xf32, #tpu.memory_space<vmem>>[vector<16xi32>], vector<16xf32>,
      %get3A_25 = arith.index_cast %scan3A_13 : i32 to index
      %get3A_26 = arith.constant 64 : index
      %get3A_27 = tpu.vector_load %arg5[%get3A_25, %get3A_26] {strides = array<i32>} : memref<160x128xi32, #tpu.memory_space<vmem>>, vector<16xi32>,
      tpu.vector_store_idx %arg4[%get3A_27], %broadcast_in_dim3A_6 {add = true} : memref<20096xf32, #tpu.memory_space<vmem>>[vector<16xi32>], vector<16xf32>,
      %get3A_28 = arith.index_cast %scan3A_13 : i32 to index
      %get3A_29 = arith.constant 80 : index
      %get3A_30 = tpu.vector_load %arg5[%get3A_28, %get3A_29] {strides = array<i32>} : memref<160x128xi32, #tpu.memory_space<vmem>>, vector<16xi32>,
      tpu.vector_store_idx %arg4[%get3A_30], %broadcast_in_dim3A_6 {add = true} : memref<20096xf32, #tpu.memory_space<vmem>>[vector<16xi32>], vector<16xf32>,
      %get3A_31 = arith.index_cast %scan3A_13 : i32 to index
      %get3A_32 = arith.constant 96 : index
      %get3A_33 = tpu.vector_load %arg5[%get3A_31, %get3A_32] {strides = array<i32>} : memref<160x128xi32, #tpu.memory_space<vmem>>, vector<16xi32>,
      tpu.vector_store_idx %arg4[%get3A_33], %broadcast_in_dim3A_6 {add = true} : memref<20096xf32, #tpu.memory_space<vmem>>[vector<16xi32>], vector<16xf32>,
      %get3A_34 = arith.index_cast %scan3A_13 : i32 to index
      %get3A_35 = arith.constant 112 : index
      %get3A_36 = tpu.vector_load %arg5[%get3A_34, %get3A_35] {strides = array<i32>} : memref<160x128xi32, #tpu.memory_space<vmem>>, vector<16xi32>,
      tpu.vector_store_idx %arg4[%get3A_36], %broadcast_in_dim3A_6 {add = true} : memref<20096xf32, #tpu.memory_space<vmem>>[vector<16xi32>], vector<16xf32>,
    }
    %scan3A_12 = arith.constant 160 : i32
    "tpu.region"() ({
      %run_scoped3A = tpu.sem_alloc : memref<!tpu.dma_semaphore, #tpu.memory_space<semaphore_mem>>
      %dma_start3A = arith.constant 0 : i32
      %dma_start3A_13 = tpu.memref_slice %arg3[%add3A, %dma_start3A] : memref<32x20096xf32, #tpu.memory_space<hbm>> -> memref<1x20096xf32, #tpu.memory_space<hbm>>
      %dma_start3A_14 = tpu.memref_squeeze %dma_start3A_13 : memref<1x20096xf32, #tpu.memory_space<hbm>> -> memref<20096xf32, #tpu.memory_space<hbm>>
      %dma_start3A_15 = arith.constant 0 : i32
      %dma_start3A_16 = tpu.memref_slice %arg3[%add3A, %dma_start3A_15] : memref<32x20096xf32, #tpu.memory_space<hbm>> -> memref<1x20096xf32, #tpu.memory_space<hbm>>
      %dma_start3A_17 = tpu.memref_squeeze %dma_start3A_16 : memref<1x20096xf32, #tpu.memory_space<hbm>> -> memref<20096xf32, #tpu.memory_space<hbm>>
      tpu.enqueue_dma source(%arg4 : memref<20096xf32, #tpu.memory_space<vmem>>) target(%dma_start3A_17 : memref<20096xf32, #tpu.memory_space<hbm>>) target_semaphore(%run_scoped3A : memref<!tpu.dma_semaphore, #tpu.memory_space<semaphore_mem>>)
      %dma_wait3A = arith.constant 0 : i32
      %dma_wait3A_18 = tpu.memref_slice %arg3[%add3A, %dma_wait3A] : memref<32x20096xf32, #tpu.memory_space<hbm>> -> memref<1x20096xf32, #tpu.memory_space<hbm>>
      %dma_wait3A_19 = tpu.memref_squeeze %dma_wait3A_18 : memref<1x20096xf32, #tpu.memory_space<hbm>> -> memref<20096xf32, #tpu.memory_space<hbm>>
      %dma_wait3A_20 = arith.constant 0 : i32
      %dma_wait3A_21 = tpu.memref_slice %arg3[%add3A, %dma_wait3A_20] : memref<32x20096xf32, #tpu.memory_space<hbm>> -> memref<1x20096xf32, #tpu.memory_space<hbm>>
      %dma_wait3A_22 = tpu.memref_squeeze %dma_wait3A_21 : memref<1x20096xf32, #tpu.memory_space<hbm>> -> memref<20096xf32, #tpu.memory_space<hbm>>
      tpu.wait_dma2 semaphore(%run_scoped3A : memref<!tpu.dma_semaphore, #tpu.memory_space<semaphore_mem>>) src(%arg4 : memref<20096xf32, #tpu.memory_space<vmem>>) dst(%dma_wait3A_22 : memref<20096xf32, #tpu.memory_space<hbm>>)
      tpu.yield
    }) : () -> ()
    return
  }
}

#map = affine_map<(d0, d1) -> (0, 0)>
#map1 = affine_map<(d0, d1) -> (0, 0, 0)>
module attributes {stable_mosaic.version = 14 : i64} {
  func.func @_sc_scatter(%arg0: i32, %arg1: i32, %arg2: memref<20096x64xf32, #tpu.memory_space<hbm>>, %arg3: memref<16x160x128xi32, #tpu.memory_space<hbm>>, %arg4: memref<16x160x128xi32, #tpu.memory_space<hbm>>, %arg5: memref<16x160x128xi32, #tpu.memory_space<hbm>>, %arg6: memref<16x160x128xi32, #tpu.memory_space<hbm>>, %arg7: memref<2x20096x64xf32, #tpu.memory_space<hbm>>, %arg8: memref<20096x64xf32, #tpu.memory_space<vmem_shared>>, %arg9: memref<128x64xf32, #tpu.memory_space<vmem>>, %arg10: memref<128x64xf32, #tpu.memory_space<vmem>>, %arg11: memref<80x128xi32, #tpu.memory_space<vmem>>, %arg12: memref<80x128xi32, #tpu.memory_space<vmem>>, %arg13: memref<!tpu.dma_semaphore, #tpu.memory_space<semaphore_mem>>, %arg14: memref<!tpu.dma_semaphore, #tpu.memory_space<semaphore_mem>>) attributes {dimension_semantics = [#tpu.dimension_semantics<core_parallel>, #tpu.dimension_semantics<subcore_parallel>], iteration_bounds = array<i64: 2, 16>, scalar_prefetch = 0 : i64, scratch_operands = 7 : i64, tpu.core_type = #tpu.core_type<sc_vector_subcore>, window_params = [{transform_indices = #map}, {transform_indices = #map1}, {transform_indices = #map1}, {transform_indices = #map1}, {transform_indices = #map1}, {transform_indices = #map1}]} {
    %mul3A = arith.constant 1256 : i32
    %mul3A_0 = arith.muli %arg1, %mul3A : i32
    %scan3A = arith.constant 0 : i32
    %scan3A_1 = arith.constant 0 : i32
    %scan3A_2 = arith.constant 128 : i32
    %scan3A_3 = arith.addi %scan3A_1, %scan3A_2 : i32
    %scan3A_4 = arith.constant 1 : i32
    scf.for %scan3A_33 = %scan3A_1 to %scan3A_3 step %scan3A_4  : i32 {
      %broadcast_in_dim3A = arith.constant 0.000000e+00 : f32
      %broadcast_in_dim3A_34 = vector.broadcast %broadcast_in_dim3A : f32 to vector<16xf32>
      %swap3A = arith.index_cast %scan3A_33 : i32 to index
      %swap3A_35 = arith.constant 0 : index
      %swap3A_36 = tpu.vector_load %arg9[%swap3A, %swap3A_35] {strides = array<i32>} : memref<128x64xf32, #tpu.memory_space<vmem>>, vector<16xf32>,
      tpu.vector_store %arg9[%swap3A, %swap3A_35], %broadcast_in_dim3A_34 {strides = array<i32>} : memref<128x64xf32, #tpu.memory_space<vmem>>, vector<16xf32>,
      %broadcast_in_dim3A_37 = arith.constant 0.000000e+00 : f32
      %broadcast_in_dim3A_38 = vector.broadcast %broadcast_in_dim3A_37 : f32 to vector<16xf32>
      %swap3A_39 = arith.index_cast %scan3A_33 : i32 to index
      %swap3A_40 = arith.constant 16 : index
      %swap3A_41 = tpu.vector_load %arg9[%swap3A_39, %swap3A_40] {strides = array<i32>} : memref<128x64xf32, #tpu.memory_space<vmem>>, vector<16xf32>,
      tpu.vector_store %arg9[%swap3A_39, %swap3A_40], %broadcast_in_dim3A_38 {strides = array<i32>} : memref<128x64xf32, #tpu.memory_space<vmem>>, vector<16xf32>,
      %broadcast_in_dim3A_42 = arith.constant 0.000000e+00 : f32
      %broadcast_in_dim3A_43 = vector.broadcast %broadcast_in_dim3A_42 : f32 to vector<16xf32>
      %swap3A_44 = arith.index_cast %scan3A_33 : i32 to index
      %swap3A_45 = arith.constant 32 : index
      %swap3A_46 = tpu.vector_load %arg9[%swap3A_44, %swap3A_45] {strides = array<i32>} : memref<128x64xf32, #tpu.memory_space<vmem>>, vector<16xf32>,
      tpu.vector_store %arg9[%swap3A_44, %swap3A_45], %broadcast_in_dim3A_43 {strides = array<i32>} : memref<128x64xf32, #tpu.memory_space<vmem>>, vector<16xf32>,
      %broadcast_in_dim3A_47 = arith.constant 0.000000e+00 : f32
      %broadcast_in_dim3A_48 = vector.broadcast %broadcast_in_dim3A_47 : f32 to vector<16xf32>
      %swap3A_49 = arith.index_cast %scan3A_33 : i32 to index
      %swap3A_50 = arith.constant 48 : index
      %swap3A_51 = tpu.vector_load %arg9[%swap3A_49, %swap3A_50] {strides = array<i32>} : memref<128x64xf32, #tpu.memory_space<vmem>>, vector<16xf32>,
      tpu.vector_store %arg9[%swap3A_49, %swap3A_50], %broadcast_in_dim3A_48 {strides = array<i32>} : memref<128x64xf32, #tpu.memory_space<vmem>>, vector<16xf32>,
    }
    %scan3A_5 = arith.constant 128 : i32
    %add3A = arith.constant 0 : i32
    %add3A_6 = arith.addi %mul3A_0, %add3A : i32
    "tpu.region"() ({
      %run_scoped3A = tpu.sem_alloc : memref<!tpu.dma_semaphore, #tpu.memory_space<semaphore_mem>>
      %dma_start3A = arith.constant 0 : i32
      %dma_start3A_33 = tpu.memref_slice %arg8[%add3A_6, %dma_start3A] : memref<20096x64xf32, #tpu.memory_space<vmem_shared>> -> memref<128x64xf32, #tpu.memory_space<vmem_shared>>
      %dma_start3A_34 = arith.constant 0 : i32
      %dma_start3A_35 = tpu.memref_slice %arg8[%add3A_6, %dma_start3A_34] : memref<20096x64xf32, #tpu.memory_space<vmem_shared>> -> memref<128x64xf32, #tpu.memory_space<vmem_shared>>
      tpu.enqueue_dma source(%arg9 : memref<128x64xf32, #tpu.memory_space<vmem>>) target(%dma_start3A_35 : memref<128x64xf32, #tpu.memory_space<vmem_shared>>) target_semaphore(%run_scoped3A : memref<!tpu.dma_semaphore, #tpu.memory_space<semaphore_mem>>)
      %dma_wait3A = arith.constant 0 : i32
      %dma_wait3A_36 = tpu.memref_slice %arg8[%add3A_6, %dma_wait3A] : memref<20096x64xf32, #tpu.memory_space<vmem_shared>> -> memref<128x64xf32, #tpu.memory_space<vmem_shared>>
      %dma_wait3A_37 = arith.constant 0 : i32
      %dma_wait3A_38 = tpu.memref_slice %arg8[%add3A_6, %dma_wait3A_37] : memref<20096x64xf32, #tpu.memory_space<vmem_shared>> -> memref<128x64xf32, #tpu.memory_space<vmem_shared>>
      tpu.wait_dma2 semaphore(%run_scoped3A : memref<!tpu.dma_semaphore, #tpu.memory_space<semaphore_mem>>) src(%arg9 : memref<128x64xf32, #tpu.memory_space<vmem>>) dst(%dma_wait3A_38 : memref<128x64xf32, #tpu.memory_space<vmem_shared>>)
      tpu.yield
    }) : () -> ()
    %add3A_7 = arith.constant 128 : i32
    %add3A_8 = arith.addi %mul3A_0, %add3A_7 : i32
    "tpu.region"() ({
      %run_scoped3A = tpu.sem_alloc : memref<!tpu.dma_semaphore, #tpu.memory_space<semaphore_mem>>
      %dma_start3A = arith.constant 0 : i32
      %dma_start3A_33 = tpu.memref_slice %arg8[%add3A_8, %dma_start3A] : memref<20096x64xf32, #tpu.memory_space<vmem_shared>> -> memref<128x64xf32, #tpu.memory_space<vmem_shared>>
      %dma_start3A_34 = arith.constant 0 : i32
      %dma_start3A_35 = tpu.memref_slice %arg8[%add3A_8, %dma_start3A_34] : memref<20096x64xf32, #tpu.memory_space<vmem_shared>> -> memref<128x64xf32, #tpu.memory_space<vmem_shared>>
      tpu.enqueue_dma source(%arg9 : memref<128x64xf32, #tpu.memory_space<vmem>>) target(%dma_start3A_35 : memref<128x64xf32, #tpu.memory_space<vmem_shared>>) target_semaphore(%run_scoped3A : memref<!tpu.dma_semaphore, #tpu.memory_space<semaphore_mem>>)
      %dma_wait3A = arith.constant 0 : i32
      %dma_wait3A_36 = tpu.memref_slice %arg8[%add3A_8, %dma_wait3A] : memref<20096x64xf32, #tpu.memory_space<vmem_shared>> -> memref<128x64xf32, #tpu.memory_space<vmem_shared>>
      %dma_wait3A_37 = arith.constant 0 : i32
      %dma_wait3A_38 = tpu.memref_slice %arg8[%add3A_8, %dma_wait3A_37] : memref<20096x64xf32, #tpu.memory_space<vmem_shared>> -> memref<128x64xf32, #tpu.memory_space<vmem_shared>>
      tpu.wait_dma2 semaphore(%run_scoped3A : memref<!tpu.dma_semaphore, #tpu.memory_space<semaphore_mem>>) src(%arg9 : memref<128x64xf32, #tpu.memory_space<vmem>>) dst(%dma_wait3A_38 : memref<128x64xf32, #tpu.memory_space<vmem_shared>>)
      tpu.yield
    }) : () -> ()
    %add3A_9 = arith.constant 256 : i32
    %add3A_10 = arith.addi %mul3A_0, %add3A_9 : i32
    "tpu.region"() ({
      %run_scoped3A = tpu.sem_alloc : memref<!tpu.dma_semaphore, #tpu.memory_space<semaphore_mem>>
      %dma_start3A = arith.constant 0 : i32
      %dma_start3A_33 = tpu.memref_slice %arg8[%add3A_10, %dma_start3A] : memref<20096x64xf32, #tpu.memory_space<vmem_shared>> -> memref<128x64xf32, #tpu.memory_space<vmem_shared>>
      %dma_start3A_34 = arith.constant 0 : i32
      %dma_start3A_35 = tpu.memref_slice %arg8[%add3A_10, %dma_start3A_34] : memref<20096x64xf32, #tpu.memory_space<vmem_shared>> -> memref<128x64xf32, #tpu.memory_space<vmem_shared>>
      tpu.enqueue_dma source(%arg9 : memref<128x64xf32, #tpu.memory_space<vmem>>) target(%dma_start3A_35 : memref<128x64xf32, #tpu.memory_space<vmem_shared>>) target_semaphore(%run_scoped3A : memref<!tpu.dma_semaphore, #tpu.memory_space<semaphore_mem>>)
      %dma_wait3A = arith.constant 0 : i32
      %dma_wait3A_36 = tpu.memref_slice %arg8[%add3A_10, %dma_wait3A] : memref<20096x64xf32, #tpu.memory_space<vmem_shared>> -> memref<128x64xf32, #tpu.memory_space<vmem_shared>>
      %dma_wait3A_37 = arith.constant 0 : i32
      %dma_wait3A_38 = tpu.memref_slice %arg8[%add3A_10, %dma_wait3A_37] : memref<20096x64xf32, #tpu.memory_space<vmem_shared>> -> memref<128x64xf32, #tpu.memory_space<vmem_shared>>
      tpu.wait_dma2 semaphore(%run_scoped3A : memref<!tpu.dma_semaphore, #tpu.memory_space<semaphore_mem>>) src(%arg9 : memref<128x64xf32, #tpu.memory_space<vmem>>) dst(%dma_wait3A_38 : memref<128x64xf32, #tpu.memory_space<vmem_shared>>)
      tpu.yield
    }) : () -> ()
    %add3A_11 = arith.constant 384 : i32
    %add3A_12 = arith.addi %mul3A_0, %add3A_11 : i32
    "tpu.region"() ({
      %run_scoped3A = tpu.sem_alloc : memref<!tpu.dma_semaphore, #tpu.memory_space<semaphore_mem>>
      %dma_start3A = arith.constant 0 : i32
      %dma_start3A_33 = tpu.memref_slice %arg8[%add3A_12, %dma_start3A] : memref<20096x64xf32, #tpu.memory_space<vmem_shared>> -> memref<128x64xf32, #tpu.memory_space<vmem_shared>>
      %dma_start3A_34 = arith.constant 0 : i32
      %dma_start3A_35 = tpu.memref_slice %arg8[%add3A_12, %dma_start3A_34] : memref<20096x64xf32, #tpu.memory_space<vmem_shared>> -> memref<128x64xf32, #tpu.memory_space<vmem_shared>>
      tpu.enqueue_dma source(%arg9 : memref<128x64xf32, #tpu.memory_space<vmem>>) target(%dma_start3A_35 : memref<128x64xf32, #tpu.memory_space<vmem_shared>>) target_semaphore(%run_scoped3A : memref<!tpu.dma_semaphore, #tpu.memory_space<semaphore_mem>>)
      %dma_wait3A = arith.constant 0 : i32
      %dma_wait3A_36 = tpu.memref_slice %arg8[%add3A_12, %dma_wait3A] : memref<20096x64xf32, #tpu.memory_space<vmem_shared>> -> memref<128x64xf32, #tpu.memory_space<vmem_shared>>
      %dma_wait3A_37 = arith.constant 0 : i32
      %dma_wait3A_38 = tpu.memref_slice %arg8[%add3A_12, %dma_wait3A_37] : memref<20096x64xf32, #tpu.memory_space<vmem_shared>> -> memref<128x64xf32, #tpu.memory_space<vmem_shared>>
      tpu.wait_dma2 semaphore(%run_scoped3A : memref<!tpu.dma_semaphore, #tpu.memory_space<semaphore_mem>>) src(%arg9 : memref<128x64xf32, #tpu.memory_space<vmem>>) dst(%dma_wait3A_38 : memref<128x64xf32, #tpu.memory_space<vmem_shared>>)
      tpu.yield
    }) : () -> ()
    %add3A_13 = arith.constant 512 : i32
    %add3A_14 = arith.addi %mul3A_0, %add3A_13 : i32
    "tpu.region"() ({
      %run_scoped3A = tpu.sem_alloc : memref<!tpu.dma_semaphore, #tpu.memory_space<semaphore_mem>>
      %dma_start3A = arith.constant 0 : i32
      %dma_start3A_33 = tpu.memref_slice %arg8[%add3A_14, %dma_start3A] : memref<20096x64xf32, #tpu.memory_space<vmem_shared>> -> memref<128x64xf32, #tpu.memory_space<vmem_shared>>
      %dma_start3A_34 = arith.constant 0 : i32
      %dma_start3A_35 = tpu.memref_slice %arg8[%add3A_14, %dma_start3A_34] : memref<20096x64xf32, #tpu.memory_space<vmem_shared>> -> memref<128x64xf32, #tpu.memory_space<vmem_shared>>
      tpu.enqueue_dma source(%arg9 : memref<128x64xf32, #tpu.memory_space<vmem>>) target(%dma_start3A_35 : memref<128x64xf32, #tpu.memory_space<vmem_shared>>) target_semaphore(%run_scoped3A : memref<!tpu.dma_semaphore, #tpu.memory_space<semaphore_mem>>)
      %dma_wait3A = arith.constant 0 : i32
      %dma_wait3A_36 = tpu.memref_slice %arg8[%add3A_14, %dma_wait3A] : memref<20096x64xf32, #tpu.memory_space<vmem_shared>> -> memref<128x64xf32, #tpu.memory_space<vmem_shared>>
      %dma_wait3A_37 = arith.constant 0 : i32
      %dma_wait3A_38 = tpu.memref_slice %arg8[%add3A_14, %dma_wait3A_37] : memref<20096x64xf32, #tpu.memory_space<vmem_shared>> -> memref<128x64xf32, #tpu.memory_space<vmem_shared>>
      tpu.wait_dma2 semaphore(%run_scoped3A : memref<!tpu.dma_semaphore, #tpu.memory_space<semaphore_mem>>) src(%arg9 : memref<128x64xf32, #tpu.memory_space<vmem>>) dst(%dma_wait3A_38 : memref<128x64xf32, #tpu.memory_space<vmem_shared>>)
      tpu.yield
    }) : () -> ()
    %add3A_15 = arith.constant 640 : i32
    %add3A_16 = arith.addi %mul3A_0, %add3A_15 : i32
    "tpu.region"() ({
      %run_scoped3A = tpu.sem_alloc : memref<!tpu.dma_semaphore, #tpu.memory_space<semaphore_mem>>
      %dma_start3A = arith.constant 0 : i32
      %dma_start3A_33 = tpu.memref_slice %arg8[%add3A_16, %dma_start3A] : memref<20096x64xf32, #tpu.memory_space<vmem_shared>> -> memref<128x64xf32, #tpu.memory_space<vmem_shared>>
      %dma_start3A_34 = arith.constant 0 : i32
      %dma_start3A_35 = tpu.memref_slice %arg8[%add3A_16, %dma_start3A_34] : memref<20096x64xf32, #tpu.memory_space<vmem_shared>> -> memref<128x64xf32, #tpu.memory_space<vmem_shared>>
      tpu.enqueue_dma source(%arg9 : memref<128x64xf32, #tpu.memory_space<vmem>>) target(%dma_start3A_35 : memref<128x64xf32, #tpu.memory_space<vmem_shared>>) target_semaphore(%run_scoped3A : memref<!tpu.dma_semaphore, #tpu.memory_space<semaphore_mem>>)
      %dma_wait3A = arith.constant 0 : i32
      %dma_wait3A_36 = tpu.memref_slice %arg8[%add3A_16, %dma_wait3A] : memref<20096x64xf32, #tpu.memory_space<vmem_shared>> -> memref<128x64xf32, #tpu.memory_space<vmem_shared>>
      %dma_wait3A_37 = arith.constant 0 : i32
      %dma_wait3A_38 = tpu.memref_slice %arg8[%add3A_16, %dma_wait3A_37] : memref<20096x64xf32, #tpu.memory_space<vmem_shared>> -> memref<128x64xf32, #tpu.memory_space<vmem_shared>>
      tpu.wait_dma2 semaphore(%run_scoped3A : memref<!tpu.dma_semaphore, #tpu.memory_space<semaphore_mem>>) src(%arg9 : memref<128x64xf32, #tpu.memory_space<vmem>>) dst(%dma_wait3A_38 : memref<128x64xf32, #tpu.memory_space<vmem_shared>>)
      tpu.yield
    }) : () -> ()
    %add3A_17 = arith.constant 768 : i32
    %add3A_18 = arith.addi %mul3A_0, %add3A_17 : i32
    "tpu.region"() ({
      %run_scoped3A = tpu.sem_alloc : memref<!tpu.dma_semaphore, #tpu.memory_space<semaphore_mem>>
      %dma_start3A = arith.constant 0 : i32
      %dma_start3A_33 = tpu.memref_slice %arg8[%add3A_18, %dma_start3A] : memref<20096x64xf32, #tpu.memory_space<vmem_shared>> -> memref<128x64xf32, #tpu.memory_space<vmem_shared>>
      %dma_start3A_34 = arith.constant 0 : i32
      %dma_start3A_35 = tpu.memref_slice %arg8[%add3A_18, %dma_start3A_34] : memref<20096x64xf32, #tpu.memory_space<vmem_shared>> -> memref<128x64xf32, #tpu.memory_space<vmem_shared>>
      tpu.enqueue_dma source(%arg9 : memref<128x64xf32, #tpu.memory_space<vmem>>) target(%dma_start3A_35 : memref<128x64xf32, #tpu.memory_space<vmem_shared>>) target_semaphore(%run_scoped3A : memref<!tpu.dma_semaphore, #tpu.memory_space<semaphore_mem>>)
      %dma_wait3A = arith.constant 0 : i32
      %dma_wait3A_36 = tpu.memref_slice %arg8[%add3A_18, %dma_wait3A] : memref<20096x64xf32, #tpu.memory_space<vmem_shared>> -> memref<128x64xf32, #tpu.memory_space<vmem_shared>>
      %dma_wait3A_37 = arith.constant 0 : i32
      %dma_wait3A_38 = tpu.memref_slice %arg8[%add3A_18, %dma_wait3A_37] : memref<20096x64xf32, #tpu.memory_space<vmem_shared>> -> memref<128x64xf32, #tpu.memory_space<vmem_shared>>
      tpu.wait_dma2 semaphore(%run_scoped3A : memref<!tpu.dma_semaphore, #tpu.memory_space<semaphore_mem>>) src(%arg9 : memref<128x64xf32, #tpu.memory_space<vmem>>) dst(%dma_wait3A_38 : memref<128x64xf32, #tpu.memory_space<vmem_shared>>)
      tpu.yield
    }) : () -> ()
    %add3A_19 = arith.constant 896 : i32
    %add3A_20 = arith.addi %mul3A_0, %add3A_19 : i32
    "tpu.region"() ({
      %run_scoped3A = tpu.sem_alloc : memref<!tpu.dma_semaphore, #tpu.memory_space<semaphore_mem>>
      %dma_start3A = arith.constant 0 : i32
      %dma_start3A_33 = tpu.memref_slice %arg8[%add3A_20, %dma_start3A] : memref<20096x64xf32, #tpu.memory_space<vmem_shared>> -> memref<128x64xf32, #tpu.memory_space<vmem_shared>>
      %dma_start3A_34 = arith.constant 0 : i32
      %dma_start3A_35 = tpu.memref_slice %arg8[%add3A_20, %dma_start3A_34] : memref<20096x64xf32, #tpu.memory_space<vmem_shared>> -> memref<128x64xf32, #tpu.memory_space<vmem_shared>>
      tpu.enqueue_dma source(%arg9 : memref<128x64xf32, #tpu.memory_space<vmem>>) target(%dma_start3A_35 : memref<128x64xf32, #tpu.memory_space<vmem_shared>>) target_semaphore(%run_scoped3A : memref<!tpu.dma_semaphore, #tpu.memory_space<semaphore_mem>>)
      %dma_wait3A = arith.constant 0 : i32
      %dma_wait3A_36 = tpu.memref_slice %arg8[%add3A_20, %dma_wait3A] : memref<20096x64xf32, #tpu.memory_space<vmem_shared>> -> memref<128x64xf32, #tpu.memory_space<vmem_shared>>
      %dma_wait3A_37 = arith.constant 0 : i32
      %dma_wait3A_38 = tpu.memref_slice %arg8[%add3A_20, %dma_wait3A_37] : memref<20096x64xf32, #tpu.memory_space<vmem_shared>> -> memref<128x64xf32, #tpu.memory_space<vmem_shared>>
      tpu.wait_dma2 semaphore(%run_scoped3A : memref<!tpu.dma_semaphore, #tpu.memory_space<semaphore_mem>>) src(%arg9 : memref<128x64xf32, #tpu.memory_space<vmem>>) dst(%dma_wait3A_38 : memref<128x64xf32, #tpu.memory_space<vmem_shared>>)
      tpu.yield
    }) : () -> ()
    %add3A_21 = arith.constant 1024 : i32
    %add3A_22 = arith.addi %mul3A_0, %add3A_21 : i32
    "tpu.region"() ({
      %run_scoped3A = tpu.sem_alloc : memref<!tpu.dma_semaphore, #tpu.memory_space<semaphore_mem>>
      %dma_start3A = arith.constant 0 : i32
      %dma_start3A_33 = tpu.memref_slice %arg8[%add3A_22, %dma_start3A] : memref<20096x64xf32, #tpu.memory_space<vmem_shared>> -> memref<128x64xf32, #tpu.memory_space<vmem_shared>>
      %dma_start3A_34 = arith.constant 0 : i32
      %dma_start3A_35 = tpu.memref_slice %arg8[%add3A_22, %dma_start3A_34] : memref<20096x64xf32, #tpu.memory_space<vmem_shared>> -> memref<128x64xf32, #tpu.memory_space<vmem_shared>>
      tpu.enqueue_dma source(%arg9 : memref<128x64xf32, #tpu.memory_space<vmem>>) target(%dma_start3A_35 : memref<128x64xf32, #tpu.memory_space<vmem_shared>>) target_semaphore(%run_scoped3A : memref<!tpu.dma_semaphore, #tpu.memory_space<semaphore_mem>>)
      %dma_wait3A = arith.constant 0 : i32
      %dma_wait3A_36 = tpu.memref_slice %arg8[%add3A_22, %dma_wait3A] : memref<20096x64xf32, #tpu.memory_space<vmem_shared>> -> memref<128x64xf32, #tpu.memory_space<vmem_shared>>
      %dma_wait3A_37 = arith.constant 0 : i32
      %dma_wait3A_38 = tpu.memref_slice %arg8[%add3A_22, %dma_wait3A_37] : memref<20096x64xf32, #tpu.memory_space<vmem_shared>> -> memref<128x64xf32, #tpu.memory_space<vmem_shared>>
      tpu.wait_dma2 semaphore(%run_scoped3A : memref<!tpu.dma_semaphore, #tpu.memory_space<semaphore_mem>>) src(%arg9 : memref<128x64xf32, #tpu.memory_space<vmem>>) dst(%dma_wait3A_38 : memref<128x64xf32, #tpu.memory_space<vmem_shared>>)
      tpu.yield
    }) : () -> ()
    %add3A_23 = arith.constant 1152 : i32
    %add3A_24 = arith.addi %mul3A_0, %add3A_23 : i32
    "tpu.region"() ({
      %run_scoped3A = tpu.sem_alloc : memref<!tpu.dma_semaphore, #tpu.memory_space<semaphore_mem>>
      %dma_start3A = arith.constant 0 : i32
      %dma_start3A_33 = arith.constant 0 : i32
      %dma_start3A_34 = tpu.memref_slice %arg9[%dma_start3A, %dma_start3A_33] : memref<128x64xf32, #tpu.memory_space<vmem>> -> memref<104x64xf32, #tpu.memory_space<vmem>>
      %dma_start3A_35 = arith.constant 0 : i32
      %dma_start3A_36 = tpu.memref_slice %arg8[%add3A_24, %dma_start3A_35] : memref<20096x64xf32, #tpu.memory_space<vmem_shared>> -> memref<104x64xf32, #tpu.memory_space<vmem_shared>>
      %dma_start3A_37 = arith.constant 0 : i32
      %dma_start3A_38 = tpu.memref_slice %arg8[%add3A_24, %dma_start3A_37] : memref<20096x64xf32, #tpu.memory_space<vmem_shared>> -> memref<104x64xf32, #tpu.memory_space<vmem_shared>>
      %dma_start3A_39 = arith.constant 0 : i32
      %dma_start3A_40 = arith.constant 0 : i32
      %dma_start3A_41 = tpu.memref_slice %arg9[%dma_start3A_39, %dma_start3A_40] : memref<128x64xf32, #tpu.memory_space<vmem>> -> memref<104x64xf32, #tpu.memory_space<vmem>>
      tpu.enqueue_dma source(%dma_start3A_41 : memref<104x64xf32, #tpu.memory_space<vmem>>) target(%dma_start3A_38 : memref<104x64xf32, #tpu.memory_space<vmem_shared>>) target_semaphore(%run_scoped3A : memref<!tpu.dma_semaphore, #tpu.memory_space<semaphore_mem>>)
      %dma_wait3A = arith.constant 0 : i32
      %dma_wait3A_42 = arith.constant 0 : i32
      %dma_wait3A_43 = tpu.memref_slice %arg9[%dma_wait3A, %dma_wait3A_42] : memref<128x64xf32, #tpu.memory_space<vmem>> -> memref<104x64xf32, #tpu.memory_space<vmem>>
      %dma_wait3A_44 = arith.constant 0 : i32
      %dma_wait3A_45 = tpu.memref_slice %arg8[%add3A_24, %dma_wait3A_44] : memref<20096x64xf32, #tpu.memory_space<vmem_shared>> -> memref<104x64xf32, #tpu.memory_space<vmem_shared>>
      %dma_wait3A_46 = arith.constant 0 : i32
      %dma_wait3A_47 = tpu.memref_slice %arg8[%add3A_24, %dma_wait3A_46] : memref<20096x64xf32, #tpu.memory_space<vmem_shared>> -> memref<104x64xf32, #tpu.memory_space<vmem_shared>>
      %dma_wait3A_48 = arith.constant 0 : i32
      %dma_wait3A_49 = arith.constant 0 : i32
      %dma_wait3A_50 = tpu.memref_slice %arg9[%dma_wait3A_48, %dma_wait3A_49] : memref<128x64xf32, #tpu.memory_space<vmem>> -> memref<104x64xf32, #tpu.memory_space<vmem>>
      tpu.wait_dma2 semaphore(%run_scoped3A : memref<!tpu.dma_semaphore, #tpu.memory_space<semaphore_mem>>) src(%dma_wait3A_50 : memref<104x64xf32, #tpu.memory_space<vmem>>) dst(%dma_wait3A_47 : memref<104x64xf32, #tpu.memory_space<vmem_shared>>)
      tpu.yield
    }) : () -> ()
    %barrier3A = arith.constant 0 : index
    tpu.barrier barrier_id(%barrier3A)
    %eq3A = arith.constant 0 : i32
    %eq3A_25 = arith.cmpi eq, %arg0, %eq3A : i32
    %convert_element_type3A = arith.extui %eq3A_25 : i1 to i32
    %cond3A = arith.constant 0 : i32
    %cond3A_26 = arith.cmpi ne, %convert_element_type3A, %cond3A : i32
    scf.if %cond3A_26 {
      "tpu.region"() ({
        %run_scoped3A_98 = tpu.sem_alloc : memref<!tpu.dma_semaphore, #tpu.memory_space<semaphore_mem>>
        %dma_start3A_99 = arith.constant 0 : i32
        %dma_start3A_100 = arith.constant 0 : i32
        %dma_start3A_101 = tpu.memref_slice %arg3[%arg1, %dma_start3A_99, %dma_start3A_100] : memref<16x160x128xi32, #tpu.memory_space<hbm>> -> memref<1x80x128xi32, #tpu.memory_space<hbm>>
        %dma_start3A_102 = tpu.memref_squeeze %dma_start3A_101 : memref<1x80x128xi32, #tpu.memory_space<hbm>> -> memref<80x128xi32, #tpu.memory_space<hbm>>
        %dma_start3A_103 = arith.constant 0 : i32
        %dma_start3A_104 = arith.constant 0 : i32
        %dma_start3A_105 = tpu.memref_slice %arg3[%arg1, %dma_start3A_103, %dma_start3A_104] : memref<16x160x128xi32, #tpu.memory_space<hbm>> -> memref<1x80x128xi32, #tpu.memory_space<hbm>>
        %dma_start3A_106 = tpu.memref_squeeze %dma_start3A_105 : memref<1x80x128xi32, #tpu.memory_space<hbm>> -> memref<80x128xi32, #tpu.memory_space<hbm>>
        tpu.enqueue_dma source(%dma_start3A_106 : memref<80x128xi32, #tpu.memory_space<hbm>>) target(%arg11 : memref<80x128xi32, #tpu.memory_space<vmem>>) target_semaphore(%run_scoped3A_98 : memref<!tpu.dma_semaphore, #tpu.memory_space<semaphore_mem>>)
        %dma_wait3A_107 = arith.constant 0 : i32
        %dma_wait3A_108 = arith.constant 0 : i32
        %dma_wait3A_109 = tpu.memref_slice %arg3[%arg1, %dma_wait3A_107, %dma_wait3A_108] : memref<16x160x128xi32, #tpu.memory_space<hbm>> -> memref<1x80x128xi32, #tpu.memory_space<hbm>>
        %dma_wait3A_110 = tpu.memref_squeeze %dma_wait3A_109 : memref<1x80x128xi32, #tpu.memory_space<hbm>> -> memref<80x128xi32, #tpu.memory_space<hbm>>
        %dma_wait3A_111 = arith.constant 0 : i32
        %dma_wait3A_112 = arith.constant 0 : i32
        %dma_wait3A_113 = tpu.memref_slice %arg3[%arg1, %dma_wait3A_111, %dma_wait3A_112] : memref<16x160x128xi32, #tpu.memory_space<hbm>> -> memref<1x80x128xi32, #tpu.memory_space<hbm>>
        %dma_wait3A_114 = tpu.memref_squeeze %dma_wait3A_113 : memref<1x80x128xi32, #tpu.memory_space<hbm>> -> memref<80x128xi32, #tpu.memory_space<hbm>>
        tpu.wait_dma2 semaphore(%run_scoped3A_98 : memref<!tpu.dma_semaphore, #tpu.memory_space<semaphore_mem>>) src(%dma_wait3A_114 : memref<80x128xi32, #tpu.memory_space<hbm>>) dst(%arg11 : memref<80x128xi32, #tpu.memory_space<vmem>>)
        tpu.yield
      }) : () -> ()
      "tpu.region"() ({
        %run_scoped3A_98 = tpu.sem_alloc : memref<!tpu.dma_semaphore, #tpu.memory_space<semaphore_mem>>
        %dma_start3A_99 = arith.constant 0 : i32
        %dma_start3A_100 = arith.constant 0 : i32
        %dma_start3A_101 = tpu.memref_slice %arg5[%arg1, %dma_start3A_99, %dma_start3A_100] : memref<16x160x128xi32, #tpu.memory_space<hbm>> -> memref<1x80x128xi32, #tpu.memory_space<hbm>>
        %dma_start3A_102 = tpu.memref_squeeze %dma_start3A_101 : memref<1x80x128xi32, #tpu.memory_space<hbm>> -> memref<80x128xi32, #tpu.memory_space<hbm>>
        %dma_start3A_103 = arith.constant 0 : i32
        %dma_start3A_104 = arith.constant 0 : i32
        %dma_start3A_105 = tpu.memref_slice %arg5[%arg1, %dma_start3A_103, %dma_start3A_104] : memref<16x160x128xi32, #tpu.memory_space<hbm>> -> memref<1x80x128xi32, #tpu.memory_space<hbm>>
        %dma_start3A_106 = tpu.memref_squeeze %dma_start3A_105 : memref<1x80x128xi32, #tpu.memory_space<hbm>> -> memref<80x128xi32, #tpu.memory_space<hbm>>
        tpu.enqueue_dma source(%dma_start3A_106 : memref<80x128xi32, #tpu.memory_space<hbm>>) target(%arg12 : memref<80x128xi32, #tpu.memory_space<vmem>>) target_semaphore(%run_scoped3A_98 : memref<!tpu.dma_semaphore, #tpu.memory_space<semaphore_mem>>)
        %dma_wait3A_107 = arith.constant 0 : i32
        %dma_wait3A_108 = arith.constant 0 : i32
        %dma_wait3A_109 = tpu.memref_slice %arg5[%arg1, %dma_wait3A_107, %dma_wait3A_108] : memref<16x160x128xi32, #tpu.memory_space<hbm>> -> memref<1x80x128xi32, #tpu.memory_space<hbm>>
        %dma_wait3A_110 = tpu.memref_squeeze %dma_wait3A_109 : memref<1x80x128xi32, #tpu.memory_space<hbm>> -> memref<80x128xi32, #tpu.memory_space<hbm>>
        %dma_wait3A_111 = arith.constant 0 : i32
        %dma_wait3A_112 = arith.constant 0 : i32
        %dma_wait3A_113 = tpu.memref_slice %arg5[%arg1, %dma_wait3A_111, %dma_wait3A_112] : memref<16x160x128xi32, #tpu.memory_space<hbm>> -> memref<1x80x128xi32, #tpu.memory_space<hbm>>
        %dma_wait3A_114 = tpu.memref_squeeze %dma_wait3A_113 : memref<1x80x128xi32, #tpu.memory_space<hbm>> -> memref<80x128xi32, #tpu.memory_space<hbm>>
        tpu.wait_dma2 semaphore(%run_scoped3A_98 : memref<!tpu.dma_semaphore, #tpu.memory_space<semaphore_mem>>) src(%dma_wait3A_114 : memref<80x128xi32, #tpu.memory_space<hbm>>) dst(%arg12 : memref<80x128xi32, #tpu.memory_space<vmem>>)
        tpu.yield
      }) : () -> ()
      %dma_start3A = arith.constant 0 : i32
      %dma_start3A_33 = arith.constant 0 : i32
      %dma_start3A_34 = tpu.memref_slice %arg11[%dma_start3A, %dma_start3A_33] : memref<80x128xi32, #tpu.memory_space<vmem>> -> memref<1x128xi32, #tpu.memory_space<vmem>>
      %dma_start3A_35 = tpu.memref_squeeze %dma_start3A_34 : memref<1x128xi32, #tpu.memory_space<vmem>> -> memref<128xi32, #tpu.memory_space<vmem>>
      %dma_start3A_36 = arith.constant 0 : i32
      %dma_start3A_37 = arith.constant 0 : i32
      %dma_start3A_38 = tpu.memref_slice %arg2[%dma_start3A_36, %dma_start3A_37] : memref<20096x64xf32, #tpu.memory_space<hbm>> -> memref<20096x64xf32, #tpu.memory_space<hbm>>
      tpu.enqueue_indirect_dma source(%dma_start3A_38 : memref<20096x64xf32, #tpu.memory_space<hbm>>) target(%arg9 : memref<128x64xf32, #tpu.memory_space<vmem>>) offsets(%dma_start3A_35 : memref<128xi32, #tpu.memory_space<vmem>>) semaphore(%arg13 : memref<!tpu.dma_semaphore, #tpu.memory_space<semaphore_mem>>)
      %scan3A_39 = arith.constant 0 : i32
      %scan3A_40 = arith.constant 0 : i32
      %scan3A_41 = arith.constant 39 : i32
      %scan3A_42 = arith.addi %scan3A_40, %scan3A_41 : i32
      %scan3A_43 = arith.constant 1 : i32
      scf.for %scan3A_98 = %scan3A_40 to %scan3A_42 step %scan3A_43  : i32 {
        %mul3A_99 = arith.constant 2 : i32
        %mul3A_100 = arith.muli %mul3A_99, %scan3A_98 : i32
        %add3A_101 = arith.constant 1 : i32
        %add3A_102 = arith.addi %mul3A_100, %add3A_101 : i32
        %dma_start3A_103 = arith.constant 0 : i32
        %dma_start3A_104 = tpu.memref_slice %arg11[%add3A_102, %dma_start3A_103] : memref<80x128xi32, #tpu.memory_space<vmem>> -> memref<1x128xi32, #tpu.memory_space<vmem>>
        %dma_start3A_105 = tpu.memref_squeeze %dma_start3A_104 : memref<1x128xi32, #tpu.memory_space<vmem>> -> memref<128xi32, #tpu.memory_space<vmem>>
        %dma_start3A_106 = arith.constant 0 : i32
        %dma_start3A_107 = arith.constant 0 : i32
        %dma_start3A_108 = tpu.memref_slice %arg2[%dma_start3A_106, %dma_start3A_107] : memref<20096x64xf32, #tpu.memory_space<hbm>> -> memref<20096x64xf32, #tpu.memory_space<hbm>>
        tpu.enqueue_indirect_dma source(%dma_start3A_108 : memref<20096x64xf32, #tpu.memory_space<hbm>>) target(%arg10 : memref<128x64xf32, #tpu.memory_space<vmem>>) offsets(%dma_start3A_105 : memref<128xi32, #tpu.memory_space<vmem>>) semaphore(%arg14 : memref<!tpu.dma_semaphore, #tpu.memory_space<semaphore_mem>>)
        %dma_wait3A_109 = arith.constant 0 : i32
        %dma_wait3A_110 = arith.constant 0 : i32
        %dma_wait3A_111 = tpu.memref_slice %arg2[%dma_wait3A_109, %dma_wait3A_110] : memref<20096x64xf32, #tpu.memory_space<hbm>> -> memref<128x64xf32, #tpu.memory_space<hbm>>
        %dma_wait3A_112 = arith.constant 0 : i32
        %dma_wait3A_113 = arith.constant 0 : i32
        %dma_wait3A_114 = tpu.memref_slice %arg2[%dma_wait3A_112, %dma_wait3A_113] : memref<20096x64xf32, #tpu.memory_space<hbm>> -> memref<128x64xf32, #tpu.memory_space<hbm>>
        tpu.wait_dma2 semaphore(%arg13 : memref<!tpu.dma_semaphore, #tpu.memory_space<semaphore_mem>>) src(%dma_wait3A_114 : memref<128x64xf32, #tpu.memory_space<hbm>>) dst(%arg9 : memref<128x64xf32, #tpu.memory_space<vmem>>)
        %mul3A_115 = arith.constant 2 : i32
        %mul3A_116 = arith.muli %mul3A_115, %scan3A_98 : i32
        "tpu.region"() ({
          %run_scoped3A_137 = tpu.sem_alloc : memref<!tpu.dma_semaphore, #tpu.memory_space<semaphore_mem>>
          %dma_start3A_138 = arith.constant 0 : i32
          %dma_start3A_139 = tpu.memref_slice %arg12[%mul3A_116, %dma_start3A_138] : memref<80x128xi32, #tpu.memory_space<vmem>> -> memref<1x128xi32, #tpu.memory_space<vmem>>
          %dma_start3A_140 = tpu.memref_squeeze %dma_start3A_139 : memref<1x128xi32, #tpu.memory_space<vmem>> -> memref<128xi32, #tpu.memory_space<vmem>>
          %dma_start3A_141 = arith.constant 0 : i32
          %dma_start3A_142 = arith.constant 0 : i32
          %dma_start3A_143 = tpu.memref_slice %arg8[%dma_start3A_141, %dma_start3A_142] : memref<20096x64xf32, #tpu.memory_space<vmem_shared>> -> memref<20096x64xf32, #tpu.memory_space<vmem_shared>>
          tpu.enqueue_indirect_dma source(%arg9 : memref<128x64xf32, #tpu.memory_space<vmem>>) target(%dma_start3A_143 : memref<20096x64xf32, #tpu.memory_space<vmem_shared>>) offsets(%dma_start3A_140 : memref<128xi32, #tpu.memory_space<vmem>>) semaphore(%run_scoped3A_137 : memref<!tpu.dma_semaphore, #tpu.memory_space<semaphore_mem>>) {add = true}
          %dma_wait3A_144 = arith.constant 0 : i32
          %dma_wait3A_145 = tpu.memref_slice %arg12[%mul3A_116, %dma_wait3A_144] : memref<80x128xi32, #tpu.memory_space<vmem>> -> memref<1x128xi32, #tpu.memory_space<vmem>>
          %dma_wait3A_146 = tpu.memref_squeeze %dma_wait3A_145 : memref<1x128xi32, #tpu.memory_space<vmem>> -> memref<128xi32, #tpu.memory_space<vmem>>
          %dma_wait3A_147 = arith.constant 0 : i32
          %dma_wait3A_148 = arith.constant 0 : i32
          %dma_wait3A_149 = tpu.memref_slice %arg8[%dma_wait3A_147, %dma_wait3A_148] : memref<20096x64xf32, #tpu.memory_space<vmem_shared>> -> memref<20096x64xf32, #tpu.memory_space<vmem_shared>>
          tpu.wait_indirect_dma semaphore(%run_scoped3A_137 : memref<!tpu.dma_semaphore, #tpu.memory_space<semaphore_mem>>) src(%arg9 : memref<128x64xf32, #tpu.memory_space<vmem>>) dst(%dma_wait3A_149 : memref<20096x64xf32, #tpu.memory_space<vmem_shared>>)
          tpu.yield
        }) : () -> ()
        %mul3A_117 = arith.constant 2 : i32
        %mul3A_118 = arith.muli %mul3A_117, %scan3A_98 : i32
        %add3A_119 = arith.constant 2 : i32
        %add3A_120 = arith.addi %mul3A_118, %add3A_119 : i32
        %dma_start3A_121 = arith.constant 0 : i32
        %dma_start3A_122 = tpu.memref_slice %arg11[%add3A_120, %dma_start3A_121] : memref<80x128xi32, #tpu.memory_space<vmem>> -> memref<1x128xi32, #tpu.memory_space<vmem>>
        %dma_start3A_123 = tpu.memref_squeeze %dma_start3A_122 : memref<1x128xi32, #tpu.memory_space<vmem>> -> memref<128xi32, #tpu.memory_space<vmem>>
        %dma_start3A_124 = arith.constant 0 : i32
        %dma_start3A_125 = arith.constant 0 : i32
        %dma_start3A_126 = tpu.memref_slice %arg2[%dma_start3A_124, %dma_start3A_125] : memref<20096x64xf32, #tpu.memory_space<hbm>> -> memref<20096x64xf32, #tpu.memory_space<hbm>>
        tpu.enqueue_indirect_dma source(%dma_start3A_126 : memref<20096x64xf32, #tpu.memory_space<hbm>>) target(%arg9 : memref<128x64xf32, #tpu.memory_space<vmem>>) offsets(%dma_start3A_123 : memref<128xi32, #tpu.memory_space<vmem>>) semaphore(%arg13 : memref<!tpu.dma_semaphore, #tpu.memory_space<semaphore_mem>>)
        %dma_wait3A_127 = arith.constant 0 : i32
        %dma_wait3A_128 = arith.constant 0 : i32
        %dma_wait3A_129 = tpu.memref_slice %arg2[%dma_wait3A_127, %dma_wait3A_128] : memref<20096x64xf32, #tpu.memory_space<hbm>> -> memref<128x64xf32, #tpu.memory_space<hbm>>
        %dma_wait3A_130 = arith.constant 0 : i32
        %dma_wait3A_131 = arith.constant 0 : i32
        %dma_wait3A_132 = tpu.memref_slice %arg2[%dma_wait3A_130, %dma_wait3A_131] : memref<20096x64xf32, #tpu.memory_space<hbm>> -> memref<128x64xf32, #tpu.memory_space<hbm>>
        tpu.wait_dma2 semaphore(%arg14 : memref<!tpu.dma_semaphore, #tpu.memory_space<semaphore_mem>>) src(%dma_wait3A_132 : memref<128x64xf32, #tpu.memory_space<hbm>>) dst(%arg10 : memref<128x64xf32, #tpu.memory_space<vmem>>)
        %mul3A_133 = arith.constant 2 : i32
        %mul3A_134 = arith.muli %mul3A_133, %scan3A_98 : i32
        %add3A_135 = arith.constant 1 : i32
        %add3A_136 = arith.addi %mul3A_134, %add3A_135 : i32
        "tpu.region"() ({
          %run_scoped3A_137 = tpu.sem_alloc : memref<!tpu.dma_semaphore, #tpu.memory_space<semaphore_mem>>
          %dma_start3A_138 = arith.constant 0 : i32
          %dma_start3A_139 = tpu.memref_slice %arg12[%add3A_136, %dma_start3A_138] : memref<80x128xi32, #tpu.memory_space<vmem>> -> memref<1x128xi32, #tpu.memory_space<vmem>>
          %dma_start3A_140 = tpu.memref_squeeze %dma_start3A_139 : memref<1x128xi32, #tpu.memory_space<vmem>> -> memref<128xi32, #tpu.memory_space<vmem>>
          %dma_start3A_141 = arith.constant 0 : i32
          %dma_start3A_142 = arith.constant 0 : i32
          %dma_start3A_143 = tpu.memref_slice %arg8[%dma_start3A_141, %dma_start3A_142] : memref<20096x64xf32, #tpu.memory_space<vmem_shared>> -> memref<20096x64xf32, #tpu.memory_space<vmem_shared>>
          tpu.enqueue_indirect_dma source(%arg10 : memref<128x64xf32, #tpu.memory_space<vmem>>) target(%dma_start3A_143 : memref<20096x64xf32, #tpu.memory_space<vmem_shared>>) offsets(%dma_start3A_140 : memref<128xi32, #tpu.memory_space<vmem>>) semaphore(%run_scoped3A_137 : memref<!tpu.dma_semaphore, #tpu.memory_space<semaphore_mem>>) {add = true}
          %dma_wait3A_144 = arith.constant 0 : i32
          %dma_wait3A_145 = tpu.memref_slice %arg12[%add3A_136, %dma_wait3A_144] : memref<80x128xi32, #tpu.memory_space<vmem>> -> memref<1x128xi32, #tpu.memory_space<vmem>>
          %dma_wait3A_146 = tpu.memref_squeeze %dma_wait3A_145 : memref<1x128xi32, #tpu.memory_space<vmem>> -> memref<128xi32, #tpu.memory_space<vmem>>
          %dma_wait3A_147 = arith.constant 0 : i32
          %dma_wait3A_148 = arith.constant 0 : i32
          %dma_wait3A_149 = tpu.memref_slice %arg8[%dma_wait3A_147, %dma_wait3A_148] : memref<20096x64xf32, #tpu.memory_space<vmem_shared>> -> memref<20096x64xf32, #tpu.memory_space<vmem_shared>>
          tpu.wait_indirect_dma semaphore(%run_scoped3A_137 : memref<!tpu.dma_semaphore, #tpu.memory_space<semaphore_mem>>) src(%arg10 : memref<128x64xf32, #tpu.memory_space<vmem>>) dst(%dma_wait3A_149 : memref<20096x64xf32, #tpu.memory_space<vmem_shared>>)
          tpu.yield
        }) : () -> ()
      }
      %scan3A_44 = arith.constant 39 : i32
      %dma_start3A_45 = arith.constant 79 : i32
      %dma_start3A_46 = arith.constant 0 : i32
      %dma_start3A_47 = tpu.memref_slice %arg11[%dma_start3A_45, %dma_start3A_46] : memref<80x128xi32, #tpu.memory_space<vmem>> -> memref<1x128xi32, #tpu.memory_space<vmem>>
      %dma_start3A_48 = tpu.memref_squeeze %dma_start3A_47 : memref<1x128xi32, #tpu.memory_space<vmem>> -> memref<128xi32, #tpu.memory_space<vmem>>
      %dma_start3A_49 = arith.constant 0 : i32
      %dma_start3A_50 = arith.constant 0 : i32
      %dma_start3A_51 = tpu.memref_slice %arg2[%dma_start3A_49, %dma_start3A_50] : memref<20096x64xf32, #tpu.memory_space<hbm>> -> memref<20096x64xf32, #tpu.memory_space<hbm>>
      tpu.enqueue_indirect_dma source(%dma_start3A_51 : memref<20096x64xf32, #tpu.memory_space<hbm>>) target(%arg10 : memref<128x64xf32, #tpu.memory_space<vmem>>) offsets(%dma_start3A_48 : memref<128xi32, #tpu.memory_space<vmem>>) semaphore(%arg14 : memref<!tpu.dma_semaphore, #tpu.memory_space<semaphore_mem>>)
      %dma_wait3A = arith.constant 0 : i32
      %dma_wait3A_52 = arith.constant 0 : i32
      %dma_wait3A_53 = tpu.memref_slice %arg2[%dma_wait3A, %dma_wait3A_52] : memref<20096x64xf32, #tpu.memory_space<hbm>> -> memref<128x64xf32, #tpu.memory_space<hbm>>
      %dma_wait3A_54 = arith.constant 0 : i32
      %dma_wait3A_55 = arith.constant 0 : i32
      %dma_wait3A_56 = tpu.memref_slice %arg2[%dma_wait3A_54, %dma_wait3A_55] : memref<20096x64xf32, #tpu.memory_space<hbm>> -> memref<128x64xf32, #tpu.memory_space<hbm>>
      tpu.wait_dma2 semaphore(%arg13 : memref<!tpu.dma_semaphore, #tpu.memory_space<semaphore_mem>>) src(%dma_wait3A_56 : memref<128x64xf32, #tpu.memory_space<hbm>>) dst(%arg9 : memref<128x64xf32, #tpu.memory_space<vmem>>)
      %run_scoped3A = arith.constant 78 : i32
      "tpu.region"() ({
        %run_scoped3A_98 = tpu.sem_alloc : memref<!tpu.dma_semaphore, #tpu.memory_space<semaphore_mem>>
        %dma_start3A_99 = arith.constant 0 : i32
        %dma_start3A_100 = tpu.memref_slice %arg12[%run_scoped3A, %dma_start3A_99] : memref<80x128xi32, #tpu.memory_space<vmem>> -> memref<1x128xi32, #tpu.memory_space<vmem>>
        %dma_start3A_101 = tpu.memref_squeeze %dma_start3A_100 : memref<1x128xi32, #tpu.memory_space<vmem>> -> memref<128xi32, #tpu.memory_space<vmem>>
        %dma_start3A_102 = arith.constant 0 : i32
        %dma_start3A_103 = arith.constant 0 : i32
        %dma_start3A_104 = tpu.memref_slice %arg8[%dma_start3A_102, %dma_start3A_103] : memref<20096x64xf32, #tpu.memory_space<vmem_shared>> -> memref<20096x64xf32, #tpu.memory_space<vmem_shared>>
        tpu.enqueue_indirect_dma source(%arg9 : memref<128x64xf32, #tpu.memory_space<vmem>>) target(%dma_start3A_104 : memref<20096x64xf32, #tpu.memory_space<vmem_shared>>) offsets(%dma_start3A_101 : memref<128xi32, #tpu.memory_space<vmem>>) semaphore(%run_scoped3A_98 : memref<!tpu.dma_semaphore, #tpu.memory_space<semaphore_mem>>) {add = true}
        %dma_wait3A_105 = arith.constant 0 : i32
        %dma_wait3A_106 = tpu.memref_slice %arg12[%run_scoped3A, %dma_wait3A_105] : memref<80x128xi32, #tpu.memory_space<vmem>> -> memref<1x128xi32, #tpu.memory_space<vmem>>
        %dma_wait3A_107 = tpu.memref_squeeze %dma_wait3A_106 : memref<1x128xi32, #tpu.memory_space<vmem>> -> memref<128xi32, #tpu.memory_space<vmem>>
        %dma_wait3A_108 = arith.constant 0 : i32
        %dma_wait3A_109 = arith.constant 0 : i32
        %dma_wait3A_110 = tpu.memref_slice %arg8[%dma_wait3A_108, %dma_wait3A_109] : memref<20096x64xf32, #tpu.memory_space<vmem_shared>> -> memref<20096x64xf32, #tpu.memory_space<vmem_shared>>
        tpu.wait_indirect_dma semaphore(%run_scoped3A_98 : memref<!tpu.dma_semaphore, #tpu.memory_space<semaphore_mem>>) src(%arg9 : memref<128x64xf32, #tpu.memory_space<vmem>>) dst(%dma_wait3A_110 : memref<20096x64xf32, #tpu.memory_space<vmem_shared>>)
        tpu.yield
      }) : () -> ()
      %dma_wait3A_57 = arith.constant 0 : i32
      %dma_wait3A_58 = arith.constant 0 : i32
      %dma_wait3A_59 = tpu.memref_slice %arg2[%dma_wait3A_57, %dma_wait3A_58] : memref<20096x64xf32, #tpu.memory_space<hbm>> -> memref<128x64xf32, #tpu.memory_space<hbm>>
      %dma_wait3A_60 = arith.constant 0 : i32
      %dma_wait3A_61 = arith.constant 0 : i32
      %dma_wait3A_62 = tpu.memref_slice %arg2[%dma_wait3A_60, %dma_wait3A_61] : memref<20096x64xf32, #tpu.memory_space<hbm>> -> memref<128x64xf32, #tpu.memory_space<hbm>>
      tpu.wait_dma2 semaphore(%arg14 : memref<!tpu.dma_semaphore, #tpu.memory_space<semaphore_mem>>) src(%dma_wait3A_62 : memref<128x64xf32, #tpu.memory_space<hbm>>) dst(%arg10 : memref<128x64xf32, #tpu.memory_space<vmem>>)
      %run_scoped3A_63 = arith.constant 79 : i32
      "tpu.region"() ({
        %run_scoped3A_98 = tpu.sem_alloc : memref<!tpu.dma_semaphore, #tpu.memory_space<semaphore_mem>>
        %dma_start3A_99 = arith.constant 0 : i32
        %dma_start3A_100 = tpu.memref_slice %arg12[%run_scoped3A_63, %dma_start3A_99] : memref<80x128xi32, #tpu.memory_space<vmem>> -> memref<1x128xi32, #tpu.memory_space<vmem>>
        %dma_start3A_101 = tpu.memref_squeeze %dma_start3A_100 : memref<1x128xi32, #tpu.memory_space<vmem>> -> memref<128xi32, #tpu.memory_space<vmem>>
        %dma_start3A_102 = arith.constant 0 : i32
        %dma_start3A_103 = arith.constant 0 : i32
        %dma_start3A_104 = tpu.memref_slice %arg8[%dma_start3A_102, %dma_start3A_103] : memref<20096x64xf32, #tpu.memory_space<vmem_shared>> -> memref<20096x64xf32, #tpu.memory_space<vmem_shared>>
        tpu.enqueue_indirect_dma source(%arg10 : memref<128x64xf32, #tpu.memory_space<vmem>>) target(%dma_start3A_104 : memref<20096x64xf32, #tpu.memory_space<vmem_shared>>) offsets(%dma_start3A_101 : memref<128xi32, #tpu.memory_space<vmem>>) semaphore(%run_scoped3A_98 : memref<!tpu.dma_semaphore, #tpu.memory_space<semaphore_mem>>) {add = true}
        %dma_wait3A_105 = arith.constant 0 : i32
        %dma_wait3A_106 = tpu.memref_slice %arg12[%run_scoped3A_63, %dma_wait3A_105] : memref<80x128xi32, #tpu.memory_space<vmem>> -> memref<1x128xi32, #tpu.memory_space<vmem>>
        %dma_wait3A_107 = tpu.memref_squeeze %dma_wait3A_106 : memref<1x128xi32, #tpu.memory_space<vmem>> -> memref<128xi32, #tpu.memory_space<vmem>>
        %dma_wait3A_108 = arith.constant 0 : i32
        %dma_wait3A_109 = arith.constant 0 : i32
        %dma_wait3A_110 = tpu.memref_slice %arg8[%dma_wait3A_108, %dma_wait3A_109] : memref<20096x64xf32, #tpu.memory_space<vmem_shared>> -> memref<20096x64xf32, #tpu.memory_space<vmem_shared>>
        tpu.wait_indirect_dma semaphore(%run_scoped3A_98 : memref<!tpu.dma_semaphore, #tpu.memory_space<semaphore_mem>>) src(%arg10 : memref<128x64xf32, #tpu.memory_space<vmem>>) dst(%dma_wait3A_110 : memref<20096x64xf32, #tpu.memory_space<vmem_shared>>)
        tpu.yield
      }) : () -> ()
      "tpu.region"() ({
        %run_scoped3A_98 = tpu.sem_alloc : memref<!tpu.dma_semaphore, #tpu.memory_space<semaphore_mem>>
        %dma_start3A_99 = arith.constant 80 : i32
        %dma_start3A_100 = arith.constant 0 : i32
        %dma_start3A_101 = tpu.memref_slice %arg3[%arg1, %dma_start3A_99, %dma_start3A_100] : memref<16x160x128xi32, #tpu.memory_space<hbm>> -> memref<1x80x128xi32, #tpu.memory_space<hbm>>
        %dma_start3A_102 = tpu.memref_squeeze %dma_start3A_101 : memref<1x80x128xi32, #tpu.memory_space<hbm>> -> memref<80x128xi32, #tpu.memory_space<hbm>>
        %dma_start3A_103 = arith.constant 80 : i32
        %dma_start3A_104 = arith.constant 0 : i32
        %dma_start3A_105 = tpu.memref_slice %arg3[%arg1, %dma_start3A_103, %dma_start3A_104] : memref<16x160x128xi32, #tpu.memory_space<hbm>> -> memref<1x80x128xi32, #tpu.memory_space<hbm>>
        %dma_start3A_106 = tpu.memref_squeeze %dma_start3A_105 : memref<1x80x128xi32, #tpu.memory_space<hbm>> -> memref<80x128xi32, #tpu.memory_space<hbm>>
        tpu.enqueue_dma source(%dma_start3A_106 : memref<80x128xi32, #tpu.memory_space<hbm>>) target(%arg11 : memref<80x128xi32, #tpu.memory_space<vmem>>) target_semaphore(%run_scoped3A_98 : memref<!tpu.dma_semaphore, #tpu.memory_space<semaphore_mem>>)
        %dma_wait3A_107 = arith.constant 80 : i32
        %dma_wait3A_108 = arith.constant 0 : i32
        %dma_wait3A_109 = tpu.memref_slice %arg3[%arg1, %dma_wait3A_107, %dma_wait3A_108] : memref<16x160x128xi32, #tpu.memory_space<hbm>> -> memref<1x80x128xi32, #tpu.memory_space<hbm>>
        %dma_wait3A_110 = tpu.memref_squeeze %dma_wait3A_109 : memref<1x80x128xi32, #tpu.memory_space<hbm>> -> memref<80x128xi32, #tpu.memory_space<hbm>>
        %dma_wait3A_111 = arith.constant 80 : i32
        %dma_wait3A_112 = arith.constant 0 : i32
        %dma_wait3A_113 = tpu.memref_slice %arg3[%arg1, %dma_wait3A_111, %dma_wait3A_112] : memref<16x160x128xi32, #tpu.memory_space<hbm>> -> memref<1x80x128xi32, #tpu.memory_space<hbm>>
        %dma_wait3A_114 = tpu.memref_squeeze %dma_wait3A_113 : memref<1x80x128xi32, #tpu.memory_space<hbm>> -> memref<80x128xi32, #tpu.memory_space<hbm>>
        tpu.wait_dma2 semaphore(%run_scoped3A_98 : memref<!tpu.dma_semaphore, #tpu.memory_space<semaphore_mem>>) src(%dma_wait3A_114 : memref<80x128xi32, #tpu.memory_space<hbm>>) dst(%arg11 : memref<80x128xi32, #tpu.memory_space<vmem>>)
        tpu.yield
      }) : () -> ()
      "tpu.region"() ({
        %run_scoped3A_98 = tpu.sem_alloc : memref<!tpu.dma_semaphore, #tpu.memory_space<semaphore_mem>>
        %dma_start3A_99 = arith.constant 80 : i32
        %dma_start3A_100 = arith.constant 0 : i32
        %dma_start3A_101 = tpu.memref_slice %arg5[%arg1, %dma_start3A_99, %dma_start3A_100] : memref<16x160x128xi32, #tpu.memory_space<hbm>> -> memref<1x80x128xi32, #tpu.memory_space<hbm>>
        %dma_start3A_102 = tpu.memref_squeeze %dma_start3A_101 : memref<1x80x128xi32, #tpu.memory_space<hbm>> -> memref<80x128xi32, #tpu.memory_space<hbm>>
        %dma_start3A_103 = arith.constant 80 : i32
        %dma_start3A_104 = arith.constant 0 : i32
        %dma_start3A_105 = tpu.memref_slice %arg5[%arg1, %dma_start3A_103, %dma_start3A_104] : memref<16x160x128xi32, #tpu.memory_space<hbm>> -> memref<1x80x128xi32, #tpu.memory_space<hbm>>
        %dma_start3A_106 = tpu.memref_squeeze %dma_start3A_105 : memref<1x80x128xi32, #tpu.memory_space<hbm>> -> memref<80x128xi32, #tpu.memory_space<hbm>>
        tpu.enqueue_dma source(%dma_start3A_106 : memref<80x128xi32, #tpu.memory_space<hbm>>) target(%arg12 : memref<80x128xi32, #tpu.memory_space<vmem>>) target_semaphore(%run_scoped3A_98 : memref<!tpu.dma_semaphore, #tpu.memory_space<semaphore_mem>>)
        %dma_wait3A_107 = arith.constant 80 : i32
        %dma_wait3A_108 = arith.constant 0 : i32
        %dma_wait3A_109 = tpu.memref_slice %arg5[%arg1, %dma_wait3A_107, %dma_wait3A_108] : memref<16x160x128xi32, #tpu.memory_space<hbm>> -> memref<1x80x128xi32, #tpu.memory_space<hbm>>
        %dma_wait3A_110 = tpu.memref_squeeze %dma_wait3A_109 : memref<1x80x128xi32, #tpu.memory_space<hbm>> -> memref<80x128xi32, #tpu.memory_space<hbm>>
        %dma_wait3A_111 = arith.constant 80 : i32
        %dma_wait3A_112 = arith.constant 0 : i32
        %dma_wait3A_113 = tpu.memref_slice %arg5[%arg1, %dma_wait3A_111, %dma_wait3A_112] : memref<16x160x128xi32, #tpu.memory_space<hbm>> -> memref<1x80x128xi32, #tpu.memory_space<hbm>>
        %dma_wait3A_114 = tpu.memref_squeeze %dma_wait3A_113 : memref<1x80x128xi32, #tpu.memory_space<hbm>> -> memref<80x128xi32, #tpu.memory_space<hbm>>
        tpu.wait_dma2 semaphore(%run_scoped3A_98 : memref<!tpu.dma_semaphore, #tpu.memory_space<semaphore_mem>>) src(%dma_wait3A_114 : memref<80x128xi32, #tpu.memory_space<hbm>>) dst(%arg12 : memref<80x128xi32, #tpu.memory_space<vmem>>)
        tpu.yield
      }) : () -> ()
      %dma_start3A_64 = arith.constant 0 : i32
      %dma_start3A_65 = arith.constant 0 : i32
      %dma_start3A_66 = tpu.memref_slice %arg11[%dma_start3A_64, %dma_start3A_65] : memref<80x128xi32, #tpu.memory_space<vmem>> -> memref<1x128xi32, #tpu.memory_space<vmem>>
      %dma_start3A_67 = tpu.memref_squeeze %dma_start3A_66 : memref<1x128xi32, #tpu.memory_space<vmem>> -> memref<128xi32, #tpu.memory_space<vmem>>
      %dma_start3A_68 = arith.constant 0 : i32
      %dma_start3A_69 = arith.constant 0 : i32
      %dma_start3A_70 = tpu.memref_slice %arg2[%dma_start3A_68, %dma_start3A_69] : memref<20096x64xf32, #tpu.memory_space<hbm>> -> memref<20096x64xf32, #tpu.memory_space<hbm>>
      tpu.enqueue_indirect_dma source(%dma_start3A_70 : memref<20096x64xf32, #tpu.memory_space<hbm>>) target(%arg9 : memref<128x64xf32, #tpu.memory_space<vmem>>) offsets(%dma_start3A_67 : memref<128xi32, #tpu.memory_space<vmem>>) semaphore(%arg13 : memref<!tpu.dma_semaphore, #tpu.memory_space<semaphore_mem>>)
      %scan3A_71 = arith.constant 0 : i32
      %scan3A_72 = arith.constant 0 : i32
      %scan3A_73 = arith.constant 39 : i32
      %scan3A_74 = arith.addi %scan3A_72, %scan3A_73 : i32
      %scan3A_75 = arith.constant 1 : i32
      scf.for %scan3A_98 = %scan3A_72 to %scan3A_74 step %scan3A_75  : i32 {
        %mul3A_99 = arith.constant 2 : i32
        %mul3A_100 = arith.muli %mul3A_99, %scan3A_98 : i32
        %add3A_101 = arith.constant 1 : i32
        %add3A_102 = arith.addi %mul3A_100, %add3A_101 : i32
        %dma_start3A_103 = arith.constant 0 : i32
        %dma_start3A_104 = tpu.memref_slice %arg11[%add3A_102, %dma_start3A_103] : memref<80x128xi32, #tpu.memory_space<vmem>> -> memref<1x128xi32, #tpu.memory_space<vmem>>
        %dma_start3A_105 = tpu.memref_squeeze %dma_start3A_104 : memref<1x128xi32, #tpu.memory_space<vmem>> -> memref<128xi32, #tpu.memory_space<vmem>>
        %dma_start3A_106 = arith.constant 0 : i32
        %dma_start3A_107 = arith.constant 0 : i32
        %dma_start3A_108 = tpu.memref_slice %arg2[%dma_start3A_106, %dma_start3A_107] : memref<20096x64xf32, #tpu.memory_space<hbm>> -> memref<20096x64xf32, #tpu.memory_space<hbm>>
        tpu.enqueue_indirect_dma source(%dma_start3A_108 : memref<20096x64xf32, #tpu.memory_space<hbm>>) target(%arg10 : memref<128x64xf32, #tpu.memory_space<vmem>>) offsets(%dma_start3A_105 : memref<128xi32, #tpu.memory_space<vmem>>) semaphore(%arg14 : memref<!tpu.dma_semaphore, #tpu.memory_space<semaphore_mem>>)
        %dma_wait3A_109 = arith.constant 0 : i32
        %dma_wait3A_110 = arith.constant 0 : i32
        %dma_wait3A_111 = tpu.memref_slice %arg2[%dma_wait3A_109, %dma_wait3A_110] : memref<20096x64xf32, #tpu.memory_space<hbm>> -> memref<128x64xf32, #tpu.memory_space<hbm>>
        %dma_wait3A_112 = arith.constant 0 : i32
        %dma_wait3A_113 = arith.constant 0 : i32
        %dma_wait3A_114 = tpu.memref_slice %arg2[%dma_wait3A_112, %dma_wait3A_113] : memref<20096x64xf32, #tpu.memory_space<hbm>> -> memref<128x64xf32, #tpu.memory_space<hbm>>
        tpu.wait_dma2 semaphore(%arg13 : memref<!tpu.dma_semaphore, #tpu.memory_space<semaphore_mem>>) src(%dma_wait3A_114 : memref<128x64xf32, #tpu.memory_space<hbm>>) dst(%arg9 : memref<128x64xf32, #tpu.memory_space<vmem>>)
        %mul3A_115 = arith.constant 2 : i32
        %mul3A_116 = arith.muli %mul3A_115, %scan3A_98 : i32
        "tpu.region"() ({
          %run_scoped3A_137 = tpu.sem_alloc : memref<!tpu.dma_semaphore, #tpu.memory_space<semaphore_mem>>
          %dma_start3A_138 = arith.constant 0 : i32
          %dma_start3A_139 = tpu.memref_slice %arg12[%mul3A_116, %dma_start3A_138] : memref<80x128xi32, #tpu.memory_space<vmem>> -> memref<1x128xi32, #tpu.memory_space<vmem>>
          %dma_start3A_140 = tpu.memref_squeeze %dma_start3A_139 : memref<1x128xi32, #tpu.memory_space<vmem>> -> memref<128xi32, #tpu.memory_space<vmem>>
          %dma_start3A_141 = arith.constant 0 : i32
          %dma_start3A_142 = arith.constant 0 : i32
          %dma_start3A_143 = tpu.memref_slice %arg8[%dma_start3A_141, %dma_start3A_142] : memref<20096x64xf32, #tpu.memory_space<vmem_shared>> -> memref<20096x64xf32, #tpu.memory_space<vmem_shared>>
          tpu.enqueue_indirect_dma source(%arg9 : memref<128x64xf32, #tpu.memory_space<vmem>>) target(%dma_start3A_143 : memref<20096x64xf32, #tpu.memory_space<vmem_shared>>) offsets(%dma_start3A_140 : memref<128xi32, #tpu.memory_space<vmem>>) semaphore(%run_scoped3A_137 : memref<!tpu.dma_semaphore, #tpu.memory_space<semaphore_mem>>) {add = true}
          %dma_wait3A_144 = arith.constant 0 : i32
          %dma_wait3A_145 = tpu.memref_slice %arg12[%mul3A_116, %dma_wait3A_144] : memref<80x128xi32, #tpu.memory_space<vmem>> -> memref<1x128xi32, #tpu.memory_space<vmem>>
          %dma_wait3A_146 = tpu.memref_squeeze %dma_wait3A_145 : memref<1x128xi32, #tpu.memory_space<vmem>> -> memref<128xi32, #tpu.memory_space<vmem>>
          %dma_wait3A_147 = arith.constant 0 : i32
          %dma_wait3A_148 = arith.constant 0 : i32
          %dma_wait3A_149 = tpu.memref_slice %arg8[%dma_wait3A_147, %dma_wait3A_148] : memref<20096x64xf32, #tpu.memory_space<vmem_shared>> -> memref<20096x64xf32, #tpu.memory_space<vmem_shared>>
          tpu.wait_indirect_dma semaphore(%run_scoped3A_137 : memref<!tpu.dma_semaphore, #tpu.memory_space<semaphore_mem>>) src(%arg9 : memref<128x64xf32, #tpu.memory_space<vmem>>) dst(%dma_wait3A_149 : memref<20096x64xf32, #tpu.memory_space<vmem_shared>>)
          tpu.yield
        }) : () -> ()
        %mul3A_117 = arith.constant 2 : i32
        %mul3A_118 = arith.muli %mul3A_117, %scan3A_98 : i32
        %add3A_119 = arith.constant 2 : i32
        %add3A_120 = arith.addi %mul3A_118, %add3A_119 : i32
        %dma_start3A_121 = arith.constant 0 : i32
        %dma_start3A_122 = tpu.memref_slice %arg11[%add3A_120, %dma_start3A_121] : memref<80x128xi32, #tpu.memory_space<vmem>> -> memref<1x128xi32, #tpu.memory_space<vmem>>
        %dma_start3A_123 = tpu.memref_squeeze %dma_start3A_122 : memref<1x128xi32, #tpu.memory_space<vmem>> -> memref<128xi32, #tpu.memory_space<vmem>>
        %dma_start3A_124 = arith.constant 0 : i32
        %dma_start3A_125 = arith.constant 0 : i32
        %dma_start3A_126 = tpu.memref_slice %arg2[%dma_start3A_124, %dma_start3A_125] : memref<20096x64xf32, #tpu.memory_space<hbm>> -> memref<20096x64xf32, #tpu.memory_space<hbm>>
        tpu.enqueue_indirect_dma source(%dma_start3A_126 : memref<20096x64xf32, #tpu.memory_space<hbm>>) target(%arg9 : memref<128x64xf32, #tpu.memory_space<vmem>>) offsets(%dma_start3A_123 : memref<128xi32, #tpu.memory_space<vmem>>) semaphore(%arg13 : memref<!tpu.dma_semaphore, #tpu.memory_space<semaphore_mem>>)
        %dma_wait3A_127 = arith.constant 0 : i32
        %dma_wait3A_128 = arith.constant 0 : i32
        %dma_wait3A_129 = tpu.memref_slice %arg2[%dma_wait3A_127, %dma_wait3A_128] : memref<20096x64xf32, #tpu.memory_space<hbm>> -> memref<128x64xf32, #tpu.memory_space<hbm>>
        %dma_wait3A_130 = arith.constant 0 : i32
        %dma_wait3A_131 = arith.constant 0 : i32
        %dma_wait3A_132 = tpu.memref_slice %arg2[%dma_wait3A_130, %dma_wait3A_131] : memref<20096x64xf32, #tpu.memory_space<hbm>> -> memref<128x64xf32, #tpu.memory_space<hbm>>
        tpu.wait_dma2 semaphore(%arg14 : memref<!tpu.dma_semaphore, #tpu.memory_space<semaphore_mem>>) src(%dma_wait3A_132 : memref<128x64xf32, #tpu.memory_space<hbm>>) dst(%arg10 : memref<128x64xf32, #tpu.memory_space<vmem>>)
        %mul3A_133 = arith.constant 2 : i32
        %mul3A_134 = arith.muli %mul3A_133, %scan3A_98 : i32
        %add3A_135 = arith.constant 1 : i32
        %add3A_136 = arith.addi %mul3A_134, %add3A_135 : i32
        "tpu.region"() ({
          %run_scoped3A_137 = tpu.sem_alloc : memref<!tpu.dma_semaphore, #tpu.memory_space<semaphore_mem>>
          %dma_start3A_138 = arith.constant 0 : i32
          %dma_start3A_139 = tpu.memref_slice %arg12[%add3A_136, %dma_start3A_138] : memref<80x128xi32, #tpu.memory_space<vmem>> -> memref<1x128xi32, #tpu.memory_space<vmem>>
          %dma_start3A_140 = tpu.memref_squeeze %dma_start3A_139 : memref<1x128xi32, #tpu.memory_space<vmem>> -> memref<128xi32, #tpu.memory_space<vmem>>
          %dma_start3A_141 = arith.constant 0 : i32
          %dma_start3A_142 = arith.constant 0 : i32
          %dma_start3A_143 = tpu.memref_slice %arg8[%dma_start3A_141, %dma_start3A_142] : memref<20096x64xf32, #tpu.memory_space<vmem_shared>> -> memref<20096x64xf32, #tpu.memory_space<vmem_shared>>
          tpu.enqueue_indirect_dma source(%arg10 : memref<128x64xf32, #tpu.memory_space<vmem>>) target(%dma_start3A_143 : memref<20096x64xf32, #tpu.memory_space<vmem_shared>>) offsets(%dma_start3A_140 : memref<128xi32, #tpu.memory_space<vmem>>) semaphore(%run_scoped3A_137 : memref<!tpu.dma_semaphore, #tpu.memory_space<semaphore_mem>>) {add = true}
          %dma_wait3A_144 = arith.constant 0 : i32
          %dma_wait3A_145 = tpu.memref_slice %arg12[%add3A_136, %dma_wait3A_144] : memref<80x128xi32, #tpu.memory_space<vmem>> -> memref<1x128xi32, #tpu.memory_space<vmem>>
          %dma_wait3A_146 = tpu.memref_squeeze %dma_wait3A_145 : memref<1x128xi32, #tpu.memory_space<vmem>> -> memref<128xi32, #tpu.memory_space<vmem>>
          %dma_wait3A_147 = arith.constant 0 : i32
          %dma_wait3A_148 = arith.constant 0 : i32
          %dma_wait3A_149 = tpu.memref_slice %arg8[%dma_wait3A_147, %dma_wait3A_148] : memref<20096x64xf32, #tpu.memory_space<vmem_shared>> -> memref<20096x64xf32, #tpu.memory_space<vmem_shared>>
          tpu.wait_indirect_dma semaphore(%run_scoped3A_137 : memref<!tpu.dma_semaphore, #tpu.memory_space<semaphore_mem>>) src(%arg10 : memref<128x64xf32, #tpu.memory_space<vmem>>) dst(%dma_wait3A_149 : memref<20096x64xf32, #tpu.memory_space<vmem_shared>>)
          tpu.yield
        }) : () -> ()
      }
      %scan3A_76 = arith.constant 39 : i32
      %dma_start3A_77 = arith.constant 79 : i32
      %dma_start3A_78 = arith.constant 0 : i32
      %dma_start3A_79 = tpu.memref_slice %arg11[%dma_start3A_77, %dma_start3A_78] : memref<80x128xi32, #tpu.memory_space<vmem>> -> memref<1x128xi32, #tpu.memory_space<vmem>>
      %dma_start3A_80 = tpu.memref_squeeze %dma_start3A_79 : memref<1x128xi32, #tpu.memory_space<vmem>> -> memref<128xi32, #tpu.memory_space<vmem>>
      %dma_start3A_81 = arith.constant 0 : i32
      %dma_start3A_82 = arith.constant 0 : i32
      %dma_start3A_83 = tpu.memref_slice %arg2[%dma_start3A_81, %dma_start3A_82] : memref<20096x64xf32, #tpu.memory_space<hbm>> -> memref<20096x64xf32, #tpu.memory_space<hbm>>
      tpu.enqueue_indirect_dma source(%dma_start3A_83 : memref<20096x64xf32, #tpu.memory_space<hbm>>) target(%arg10 : memref<128x64xf32, #tpu.memory_space<vmem>>) offsets(%dma_start3A_80 : memref<128xi32, #tpu.memory_space<vmem>>) semaphore(%arg14 : memref<!tpu.dma_semaphore, #tpu.memory_space<semaphore_mem>>)
      %dma_wait3A_84 = arith.constant 0 : i32
      %dma_wait3A_85 = arith.constant 0 : i32
      %dma_wait3A_86 = tpu.memref_slice %arg2[%dma_wait3A_84, %dma_wait3A_85] : memref<20096x64xf32, #tpu.memory_space<hbm>> -> memref<128x64xf32, #tpu.memory_space<hbm>>
      %dma_wait3A_87 = arith.constant 0 : i32
      %dma_wait3A_88 = arith.constant 0 : i32
      %dma_wait3A_89 = tpu.memref_slice %arg2[%dma_wait3A_87, %dma_wait3A_88] : memref<20096x64xf32, #tpu.memory_space<hbm>> -> memref<128x64xf32, #tpu.memory_space<hbm>>
      tpu.wait_dma2 semaphore(%arg13 : memref<!tpu.dma_semaphore, #tpu.memory_space<semaphore_mem>>) src(%dma_wait3A_89 : memref<128x64xf32, #tpu.memory_space<hbm>>) dst(%arg9 : memref<128x64xf32, #tpu.memory_space<vmem>>)
      %run_scoped3A_90 = arith.constant 78 : i32
      "tpu.region"() ({
        %run_scoped3A_98 = tpu.sem_alloc : memref<!tpu.dma_semaphore, #tpu.memory_space<semaphore_mem>>
        %dma_start3A_99 = arith.constant 0 : i32
        %dma_start3A_100 = tpu.memref_slice %arg12[%run_scoped3A_90, %dma_start3A_99] : memref<80x128xi32, #tpu.memory_space<vmem>> -> memref<1x128xi32, #tpu.memory_space<vmem>>
        %dma_start3A_101 = tpu.memref_squeeze %dma_start3A_100 : memref<1x128xi32, #tpu.memory_space<vmem>> -> memref<128xi32, #tpu.memory_space<vmem>>
        %dma_start3A_102 = arith.constant 0 : i32
        %dma_start3A_103 = arith.constant 0 : i32
        %dma_start3A_104 = tpu.memref_slice %arg8[%dma_start3A_102, %dma_start3A_103] : memref<20096x64xf32, #tpu.memory_space<vmem_shared>> -> memref<20096x64xf32, #tpu.memory_space<vmem_shared>>
        tpu.enqueue_indirect_dma source(%arg9 : memref<128x64xf32, #tpu.memory_space<vmem>>) target(%dma_start3A_104 : memref<20096x64xf32, #tpu.memory_space<vmem_shared>>) offsets(%dma_start3A_101 : memref<128xi32, #tpu.memory_space<vmem>>) semaphore(%run_scoped3A_98 : memref<!tpu.dma_semaphore, #tpu.memory_space<semaphore_mem>>) {add = true}
        %dma_wait3A_105 = arith.constant 0 : i32
        %dma_wait3A_106 = tpu.memref_slice %arg12[%run_scoped3A_90, %dma_wait3A_105] : memref<80x128xi32, #tpu.memory_space<vmem>> -> memref<1x128xi32, #tpu.memory_space<vmem>>
        %dma_wait3A_107 = tpu.memref_squeeze %dma_wait3A_106 : memref<1x128xi32, #tpu.memory_space<vmem>> -> memref<128xi32, #tpu.memory_space<vmem>>
        %dma_wait3A_108 = arith.constant 0 : i32
        %dma_wait3A_109 = arith.constant 0 : i32
        %dma_wait3A_110 = tpu.memref_slice %arg8[%dma_wait3A_108, %dma_wait3A_109] : memref<20096x64xf32, #tpu.memory_space<vmem_shared>> -> memref<20096x64xf32, #tpu.memory_space<vmem_shared>>
        tpu.wait_indirect_dma semaphore(%run_scoped3A_98 : memref<!tpu.dma_semaphore, #tpu.memory_space<semaphore_mem>>) src(%arg9 : memref<128x64xf32, #tpu.memory_space<vmem>>) dst(%dma_wait3A_110 : memref<20096x64xf32, #tpu.memory_space<vmem_shared>>)
        tpu.yield
      }) : () -> ()
      %dma_wait3A_91 = arith.constant 0 : i32
      %dma_wait3A_92 = arith.constant 0 : i32
      %dma_wait3A_93 = tpu.memref_slice %arg2[%dma_wait3A_91, %dma_wait3A_92] : memref<20096x64xf32, #tpu.memory_space<hbm>> -> memref<128x64xf32, #tpu.memory_space<hbm>>
      %dma_wait3A_94 = arith.constant 0 : i32
      %dma_wait3A_95 = arith.constant 0 : i32
      %dma_wait3A_96 = tpu.memref_slice %arg2[%dma_wait3A_94, %dma_wait3A_95] : memref<20096x64xf32, #tpu.memory_space<hbm>> -> memref<128x64xf32, #tpu.memory_space<hbm>>
      tpu.wait_dma2 semaphore(%arg14 : memref<!tpu.dma_semaphore, #tpu.memory_space<semaphore_mem>>) src(%dma_wait3A_96 : memref<128x64xf32, #tpu.memory_space<hbm>>) dst(%arg10 : memref<128x64xf32, #tpu.memory_space<vmem>>)
      %run_scoped3A_97 = arith.constant 79 : i32
      "tpu.region"() ({
        %run_scoped3A_98 = tpu.sem_alloc : memref<!tpu.dma_semaphore, #tpu.memory_space<semaphore_mem>>
        %dma_start3A_99 = arith.constant 0 : i32
        %dma_start3A_100 = tpu.memref_slice %arg12[%run_scoped3A_97, %dma_start3A_99] : memref<80x128xi32, #tpu.memory_space<vmem>> -> memref<1x128xi32, #tpu.memory_space<vmem>>
        %dma_start3A_101 = tpu.memref_squeeze %dma_start3A_100 : memref<1x128xi32, #tpu.memory_space<vmem>> -> memref<128xi32, #tpu.memory_space<vmem>>
        %dma_start3A_102 = arith.constant 0 : i32
        %dma_start3A_103 = arith.constant 0 : i32
        %dma_start3A_104 = tpu.memref_slice %arg8[%dma_start3A_102, %dma_start3A_103] : memref<20096x64xf32, #tpu.memory_space<vmem_shared>> -> memref<20096x64xf32, #tpu.memory_space<vmem_shared>>
        tpu.enqueue_indirect_dma source(%arg10 : memref<128x64xf32, #tpu.memory_space<vmem>>) target(%dma_start3A_104 : memref<20096x64xf32, #tpu.memory_space<vmem_shared>>) offsets(%dma_start3A_101 : memref<128xi32, #tpu.memory_space<vmem>>) semaphore(%run_scoped3A_98 : memref<!tpu.dma_semaphore, #tpu.memory_space<semaphore_mem>>) {add = true}
        %dma_wait3A_105 = arith.constant 0 : i32
        %dma_wait3A_106 = tpu.memref_slice %arg12[%run_scoped3A_97, %dma_wait3A_105] : memref<80x128xi32, #tpu.memory_space<vmem>> -> memref<1x128xi32, #tpu.memory_space<vmem>>
        %dma_wait3A_107 = tpu.memref_squeeze %dma_wait3A_106 : memref<1x128xi32, #tpu.memory_space<vmem>> -> memref<128xi32, #tpu.memory_space<vmem>>
        %dma_wait3A_108 = arith.constant 0 : i32
        %dma_wait3A_109 = arith.constant 0 : i32
        %dma_wait3A_110 = tpu.memref_slice %arg8[%dma_wait3A_108, %dma_wait3A_109] : memref<20096x64xf32, #tpu.memory_space<vmem_shared>> -> memref<20096x64xf32, #tpu.memory_space<vmem_shared>>
        tpu.wait_indirect_dma semaphore(%run_scoped3A_98 : memref<!tpu.dma_semaphore, #tpu.memory_space<semaphore_mem>>) src(%arg10 : memref<128x64xf32, #tpu.memory_space<vmem>>) dst(%dma_wait3A_110 : memref<20096x64xf32, #tpu.memory_space<vmem_shared>>)
        tpu.yield
      }) : () -> ()
    } else {
    }
    %eq3A_27 = arith.constant 1 : i32
    %eq3A_28 = arith.cmpi eq, %arg0, %eq3A_27 : i32
    %convert_element_type3A_29 = arith.extui %eq3A_28 : i1 to i32
    %cond3A_30 = arith.constant 0 : i32
    %cond3A_31 = arith.cmpi ne, %convert_element_type3A_29, %cond3A_30 : i32
    scf.if %cond3A_31 {
      "tpu.region"() ({
        %run_scoped3A_98 = tpu.sem_alloc : memref<!tpu.dma_semaphore, #tpu.memory_space<semaphore_mem>>
        %dma_start3A_99 = arith.constant 0 : i32
        %dma_start3A_100 = arith.constant 0 : i32
        %dma_start3A_101 = tpu.memref_slice %arg4[%arg1, %dma_start3A_99, %dma_start3A_100] : memref<16x160x128xi32, #tpu.memory_space<hbm>> -> memref<1x80x128xi32, #tpu.memory_space<hbm>>
        %dma_start3A_102 = tpu.memref_squeeze %dma_start3A_101 : memref<1x80x128xi32, #tpu.memory_space<hbm>> -> memref<80x128xi32, #tpu.memory_space<hbm>>
        %dma_start3A_103 = arith.constant 0 : i32
        %dma_start3A_104 = arith.constant 0 : i32
        %dma_start3A_105 = tpu.memref_slice %arg4[%arg1, %dma_start3A_103, %dma_start3A_104] : memref<16x160x128xi32, #tpu.memory_space<hbm>> -> memref<1x80x128xi32, #tpu.memory_space<hbm>>
        %dma_start3A_106 = tpu.memref_squeeze %dma_start3A_105 : memref<1x80x128xi32, #tpu.memory_space<hbm>> -> memref<80x128xi32, #tpu.memory_space<hbm>>
        tpu.enqueue_dma source(%dma_start3A_106 : memref<80x128xi32, #tpu.memory_space<hbm>>) target(%arg11 : memref<80x128xi32, #tpu.memory_space<vmem>>) target_semaphore(%run_scoped3A_98 : memref<!tpu.dma_semaphore, #tpu.memory_space<semaphore_mem>>)
        %dma_wait3A_107 = arith.constant 0 : i32
        %dma_wait3A_108 = arith.constant 0 : i32
        %dma_wait3A_109 = tpu.memref_slice %arg4[%arg1, %dma_wait3A_107, %dma_wait3A_108] : memref<16x160x128xi32, #tpu.memory_space<hbm>> -> memref<1x80x128xi32, #tpu.memory_space<hbm>>
        %dma_wait3A_110 = tpu.memref_squeeze %dma_wait3A_109 : memref<1x80x128xi32, #tpu.memory_space<hbm>> -> memref<80x128xi32, #tpu.memory_space<hbm>>
        %dma_wait3A_111 = arith.constant 0 : i32
        %dma_wait3A_112 = arith.constant 0 : i32
        %dma_wait3A_113 = tpu.memref_slice %arg4[%arg1, %dma_wait3A_111, %dma_wait3A_112] : memref<16x160x128xi32, #tpu.memory_space<hbm>> -> memref<1x80x128xi32, #tpu.memory_space<hbm>>
        %dma_wait3A_114 = tpu.memref_squeeze %dma_wait3A_113 : memref<1x80x128xi32, #tpu.memory_space<hbm>> -> memref<80x128xi32, #tpu.memory_space<hbm>>
        tpu.wait_dma2 semaphore(%run_scoped3A_98 : memref<!tpu.dma_semaphore, #tpu.memory_space<semaphore_mem>>) src(%dma_wait3A_114 : memref<80x128xi32, #tpu.memory_space<hbm>>) dst(%arg11 : memref<80x128xi32, #tpu.memory_space<vmem>>)
        tpu.yield
      }) : () -> ()
      "tpu.region"() ({
        %run_scoped3A_98 = tpu.sem_alloc : memref<!tpu.dma_semaphore, #tpu.memory_space<semaphore_mem>>
        %dma_start3A_99 = arith.constant 0 : i32
        %dma_start3A_100 = arith.constant 0 : i32
        %dma_start3A_101 = tpu.memref_slice %arg6[%arg1, %dma_start3A_99, %dma_start3A_100] : memref<16x160x128xi32, #tpu.memory_space<hbm>> -> memref<1x80x128xi32, #tpu.memory_space<hbm>>
        %dma_start3A_102 = tpu.memref_squeeze %dma_start3A_101 : memref<1x80x128xi32, #tpu.memory_space<hbm>> -> memref<80x128xi32, #tpu.memory_space<hbm>>
        %dma_start3A_103 = arith.constant 0 : i32
        %dma_start3A_104 = arith.constant 0 : i32
        %dma_start3A_105 = tpu.memref_slice %arg6[%arg1, %dma_start3A_103, %dma_start3A_104] : memref<16x160x128xi32, #tpu.memory_space<hbm>> -> memref<1x80x128xi32, #tpu.memory_space<hbm>>
        %dma_start3A_106 = tpu.memref_squeeze %dma_start3A_105 : memref<1x80x128xi32, #tpu.memory_space<hbm>> -> memref<80x128xi32, #tpu.memory_space<hbm>>
        tpu.enqueue_dma source(%dma_start3A_106 : memref<80x128xi32, #tpu.memory_space<hbm>>) target(%arg12 : memref<80x128xi32, #tpu.memory_space<vmem>>) target_semaphore(%run_scoped3A_98 : memref<!tpu.dma_semaphore, #tpu.memory_space<semaphore_mem>>)
        %dma_wait3A_107 = arith.constant 0 : i32
        %dma_wait3A_108 = arith.constant 0 : i32
        %dma_wait3A_109 = tpu.memref_slice %arg6[%arg1, %dma_wait3A_107, %dma_wait3A_108] : memref<16x160x128xi32, #tpu.memory_space<hbm>> -> memref<1x80x128xi32, #tpu.memory_space<hbm>>
        %dma_wait3A_110 = tpu.memref_squeeze %dma_wait3A_109 : memref<1x80x128xi32, #tpu.memory_space<hbm>> -> memref<80x128xi32, #tpu.memory_space<hbm>>
        %dma_wait3A_111 = arith.constant 0 : i32
        %dma_wait3A_112 = arith.constant 0 : i32
        %dma_wait3A_113 = tpu.memref_slice %arg6[%arg1, %dma_wait3A_111, %dma_wait3A_112] : memref<16x160x128xi32, #tpu.memory_space<hbm>> -> memref<1x80x128xi32, #tpu.memory_space<hbm>>
        %dma_wait3A_114 = tpu.memref_squeeze %dma_wait3A_113 : memref<1x80x128xi32, #tpu.memory_space<hbm>> -> memref<80x128xi32, #tpu.memory_space<hbm>>
        tpu.wait_dma2 semaphore(%run_scoped3A_98 : memref<!tpu.dma_semaphore, #tpu.memory_space<semaphore_mem>>) src(%dma_wait3A_114 : memref<80x128xi32, #tpu.memory_space<hbm>>) dst(%arg12 : memref<80x128xi32, #tpu.memory_space<vmem>>)
        tpu.yield
      }) : () -> ()
      %dma_start3A = arith.constant 0 : i32
      %dma_start3A_33 = arith.constant 0 : i32
      %dma_start3A_34 = tpu.memref_slice %arg11[%dma_start3A, %dma_start3A_33] : memref<80x128xi32, #tpu.memory_space<vmem>> -> memref<1x128xi32, #tpu.memory_space<vmem>>
      %dma_start3A_35 = tpu.memref_squeeze %dma_start3A_34 : memref<1x128xi32, #tpu.memory_space<vmem>> -> memref<128xi32, #tpu.memory_space<vmem>>
      %dma_start3A_36 = arith.constant 0 : i32
      %dma_start3A_37 = arith.constant 0 : i32
      %dma_start3A_38 = tpu.memref_slice %arg2[%dma_start3A_36, %dma_start3A_37] : memref<20096x64xf32, #tpu.memory_space<hbm>> -> memref<20096x64xf32, #tpu.memory_space<hbm>>
      tpu.enqueue_indirect_dma source(%dma_start3A_38 : memref<20096x64xf32, #tpu.memory_space<hbm>>) target(%arg9 : memref<128x64xf32, #tpu.memory_space<vmem>>) offsets(%dma_start3A_35 : memref<128xi32, #tpu.memory_space<vmem>>) semaphore(%arg13 : memref<!tpu.dma_semaphore, #tpu.memory_space<semaphore_mem>>)
      %scan3A_39 = arith.constant 0 : i32
      %scan3A_40 = arith.constant 0 : i32
      %scan3A_41 = arith.constant 39 : i32
      %scan3A_42 = arith.addi %scan3A_40, %scan3A_41 : i32
      %scan3A_43 = arith.constant 1 : i32
      scf.for %scan3A_98 = %scan3A_40 to %scan3A_42 step %scan3A_43  : i32 {
        %mul3A_99 = arith.constant 2 : i32
        %mul3A_100 = arith.muli %mul3A_99, %scan3A_98 : i32
        %add3A_101 = arith.constant 1 : i32
        %add3A_102 = arith.addi %mul3A_100, %add3A_101 : i32
        %dma_start3A_103 = arith.constant 0 : i32
        %dma_start3A_104 = tpu.memref_slice %arg11[%add3A_102, %dma_start3A_103] : memref<80x128xi32, #tpu.memory_space<vmem>> -> memref<1x128xi32, #tpu.memory_space<vmem>>
        %dma_start3A_105 = tpu.memref_squeeze %dma_start3A_104 : memref<1x128xi32, #tpu.memory_space<vmem>> -> memref<128xi32, #tpu.memory_space<vmem>>
        %dma_start3A_106 = arith.constant 0 : i32
        %dma_start3A_107 = arith.constant 0 : i32
        %dma_start3A_108 = tpu.memref_slice %arg2[%dma_start3A_106, %dma_start3A_107] : memref<20096x64xf32, #tpu.memory_space<hbm>> -> memref<20096x64xf32, #tpu.memory_space<hbm>>
        tpu.enqueue_indirect_dma source(%dma_start3A_108 : memref<20096x64xf32, #tpu.memory_space<hbm>>) target(%arg10 : memref<128x64xf32, #tpu.memory_space<vmem>>) offsets(%dma_start3A_105 : memref<128xi32, #tpu.memory_space<vmem>>) semaphore(%arg14 : memref<!tpu.dma_semaphore, #tpu.memory_space<semaphore_mem>>)
        %dma_wait3A_109 = arith.constant 0 : i32
        %dma_wait3A_110 = arith.constant 0 : i32
        %dma_wait3A_111 = tpu.memref_slice %arg2[%dma_wait3A_109, %dma_wait3A_110] : memref<20096x64xf32, #tpu.memory_space<hbm>> -> memref<128x64xf32, #tpu.memory_space<hbm>>
        %dma_wait3A_112 = arith.constant 0 : i32
        %dma_wait3A_113 = arith.constant 0 : i32
        %dma_wait3A_114 = tpu.memref_slice %arg2[%dma_wait3A_112, %dma_wait3A_113] : memref<20096x64xf32, #tpu.memory_space<hbm>> -> memref<128x64xf32, #tpu.memory_space<hbm>>
        tpu.wait_dma2 semaphore(%arg13 : memref<!tpu.dma_semaphore, #tpu.memory_space<semaphore_mem>>) src(%dma_wait3A_114 : memref<128x64xf32, #tpu.memory_space<hbm>>) dst(%arg9 : memref<128x64xf32, #tpu.memory_space<vmem>>)
        %mul3A_115 = arith.constant 2 : i32
        %mul3A_116 = arith.muli %mul3A_115, %scan3A_98 : i32
        "tpu.region"() ({
          %run_scoped3A_137 = tpu.sem_alloc : memref<!tpu.dma_semaphore, #tpu.memory_space<semaphore_mem>>
          %dma_start3A_138 = arith.constant 0 : i32
          %dma_start3A_139 = tpu.memref_slice %arg12[%mul3A_116, %dma_start3A_138] : memref<80x128xi32, #tpu.memory_space<vmem>> -> memref<1x128xi32, #tpu.memory_space<vmem>>
          %dma_start3A_140 = tpu.memref_squeeze %dma_start3A_139 : memref<1x128xi32, #tpu.memory_space<vmem>> -> memref<128xi32, #tpu.memory_space<vmem>>
          %dma_start3A_141 = arith.constant 0 : i32
          %dma_start3A_142 = arith.constant 0 : i32
          %dma_start3A_143 = tpu.memref_slice %arg8[%dma_start3A_141, %dma_start3A_142] : memref<20096x64xf32, #tpu.memory_space<vmem_shared>> -> memref<20096x64xf32, #tpu.memory_space<vmem_shared>>
          tpu.enqueue_indirect_dma source(%arg9 : memref<128x64xf32, #tpu.memory_space<vmem>>) target(%dma_start3A_143 : memref<20096x64xf32, #tpu.memory_space<vmem_shared>>) offsets(%dma_start3A_140 : memref<128xi32, #tpu.memory_space<vmem>>) semaphore(%run_scoped3A_137 : memref<!tpu.dma_semaphore, #tpu.memory_space<semaphore_mem>>) {add = true}
          %dma_wait3A_144 = arith.constant 0 : i32
          %dma_wait3A_145 = tpu.memref_slice %arg12[%mul3A_116, %dma_wait3A_144] : memref<80x128xi32, #tpu.memory_space<vmem>> -> memref<1x128xi32, #tpu.memory_space<vmem>>
          %dma_wait3A_146 = tpu.memref_squeeze %dma_wait3A_145 : memref<1x128xi32, #tpu.memory_space<vmem>> -> memref<128xi32, #tpu.memory_space<vmem>>
          %dma_wait3A_147 = arith.constant 0 : i32
          %dma_wait3A_148 = arith.constant 0 : i32
          %dma_wait3A_149 = tpu.memref_slice %arg8[%dma_wait3A_147, %dma_wait3A_148] : memref<20096x64xf32, #tpu.memory_space<vmem_shared>> -> memref<20096x64xf32, #tpu.memory_space<vmem_shared>>
          tpu.wait_indirect_dma semaphore(%run_scoped3A_137 : memref<!tpu.dma_semaphore, #tpu.memory_space<semaphore_mem>>) src(%arg9 : memref<128x64xf32, #tpu.memory_space<vmem>>) dst(%dma_wait3A_149 : memref<20096x64xf32, #tpu.memory_space<vmem_shared>>)
          tpu.yield
        }) : () -> ()
        %mul3A_117 = arith.constant 2 : i32
        %mul3A_118 = arith.muli %mul3A_117, %scan3A_98 : i32
        %add3A_119 = arith.constant 2 : i32
        %add3A_120 = arith.addi %mul3A_118, %add3A_119 : i32
        %dma_start3A_121 = arith.constant 0 : i32
        %dma_start3A_122 = tpu.memref_slice %arg11[%add3A_120, %dma_start3A_121] : memref<80x128xi32, #tpu.memory_space<vmem>> -> memref<1x128xi32, #tpu.memory_space<vmem>>
        %dma_start3A_123 = tpu.memref_squeeze %dma_start3A_122 : memref<1x128xi32, #tpu.memory_space<vmem>> -> memref<128xi32, #tpu.memory_space<vmem>>
        %dma_start3A_124 = arith.constant 0 : i32
        %dma_start3A_125 = arith.constant 0 : i32
        %dma_start3A_126 = tpu.memref_slice %arg2[%dma_start3A_124, %dma_start3A_125] : memref<20096x64xf32, #tpu.memory_space<hbm>> -> memref<20096x64xf32, #tpu.memory_space<hbm>>
        tpu.enqueue_indirect_dma source(%dma_start3A_126 : memref<20096x64xf32, #tpu.memory_space<hbm>>) target(%arg9 : memref<128x64xf32, #tpu.memory_space<vmem>>) offsets(%dma_start3A_123 : memref<128xi32, #tpu.memory_space<vmem>>) semaphore(%arg13 : memref<!tpu.dma_semaphore, #tpu.memory_space<semaphore_mem>>)
        %dma_wait3A_127 = arith.constant 0 : i32
        %dma_wait3A_128 = arith.constant 0 : i32
        %dma_wait3A_129 = tpu.memref_slice %arg2[%dma_wait3A_127, %dma_wait3A_128] : memref<20096x64xf32, #tpu.memory_space<hbm>> -> memref<128x64xf32, #tpu.memory_space<hbm>>
        %dma_wait3A_130 = arith.constant 0 : i32
        %dma_wait3A_131 = arith.constant 0 : i32
        %dma_wait3A_132 = tpu.memref_slice %arg2[%dma_wait3A_130, %dma_wait3A_131] : memref<20096x64xf32, #tpu.memory_space<hbm>> -> memref<128x64xf32, #tpu.memory_space<hbm>>
        tpu.wait_dma2 semaphore(%arg14 : memref<!tpu.dma_semaphore, #tpu.memory_space<semaphore_mem>>) src(%dma_wait3A_132 : memref<128x64xf32, #tpu.memory_space<hbm>>) dst(%arg10 : memref<128x64xf32, #tpu.memory_space<vmem>>)
        %mul3A_133 = arith.constant 2 : i32
        %mul3A_134 = arith.muli %mul3A_133, %scan3A_98 : i32
        %add3A_135 = arith.constant 1 : i32
        %add3A_136 = arith.addi %mul3A_134, %add3A_135 : i32
        "tpu.region"() ({
          %run_scoped3A_137 = tpu.sem_alloc : memref<!tpu.dma_semaphore, #tpu.memory_space<semaphore_mem>>
          %dma_start3A_138 = arith.constant 0 : i32
          %dma_start3A_139 = tpu.memref_slice %arg12[%add3A_136, %dma_start3A_138] : memref<80x128xi32, #tpu.memory_space<vmem>> -> memref<1x128xi32, #tpu.memory_space<vmem>>
          %dma_start3A_140 = tpu.memref_squeeze %dma_start3A_139 : memref<1x128xi32, #tpu.memory_space<vmem>> -> memref<128xi32, #tpu.memory_space<vmem>>
          %dma_start3A_141 = arith.constant 0 : i32
          %dma_start3A_142 = arith.constant 0 : i32
          %dma_start3A_143 = tpu.memref_slice %arg8[%dma_start3A_141, %dma_start3A_142] : memref<20096x64xf32, #tpu.memory_space<vmem_shared>> -> memref<20096x64xf32, #tpu.memory_space<vmem_shared>>
          tpu.enqueue_indirect_dma source(%arg10 : memref<128x64xf32, #tpu.memory_space<vmem>>) target(%dma_start3A_143 : memref<20096x64xf32, #tpu.memory_space<vmem_shared>>) offsets(%dma_start3A_140 : memref<128xi32, #tpu.memory_space<vmem>>) semaphore(%run_scoped3A_137 : memref<!tpu.dma_semaphore, #tpu.memory_space<semaphore_mem>>) {add = true}
          %dma_wait3A_144 = arith.constant 0 : i32
          %dma_wait3A_145 = tpu.memref_slice %arg12[%add3A_136, %dma_wait3A_144] : memref<80x128xi32, #tpu.memory_space<vmem>> -> memref<1x128xi32, #tpu.memory_space<vmem>>
          %dma_wait3A_146 = tpu.memref_squeeze %dma_wait3A_145 : memref<1x128xi32, #tpu.memory_space<vmem>> -> memref<128xi32, #tpu.memory_space<vmem>>
          %dma_wait3A_147 = arith.constant 0 : i32
          %dma_wait3A_148 = arith.constant 0 : i32
          %dma_wait3A_149 = tpu.memref_slice %arg8[%dma_wait3A_147, %dma_wait3A_148] : memref<20096x64xf32, #tpu.memory_space<vmem_shared>> -> memref<20096x64xf32, #tpu.memory_space<vmem_shared>>
          tpu.wait_indirect_dma semaphore(%run_scoped3A_137 : memref<!tpu.dma_semaphore, #tpu.memory_space<semaphore_mem>>) src(%arg10 : memref<128x64xf32, #tpu.memory_space<vmem>>) dst(%dma_wait3A_149 : memref<20096x64xf32, #tpu.memory_space<vmem_shared>>)
          tpu.yield
        }) : () -> ()
      }
      %scan3A_44 = arith.constant 39 : i32
      %dma_start3A_45 = arith.constant 79 : i32
      %dma_start3A_46 = arith.constant 0 : i32
      %dma_start3A_47 = tpu.memref_slice %arg11[%dma_start3A_45, %dma_start3A_46] : memref<80x128xi32, #tpu.memory_space<vmem>> -> memref<1x128xi32, #tpu.memory_space<vmem>>
      %dma_start3A_48 = tpu.memref_squeeze %dma_start3A_47 : memref<1x128xi32, #tpu.memory_space<vmem>> -> memref<128xi32, #tpu.memory_space<vmem>>
      %dma_start3A_49 = arith.constant 0 : i32
      %dma_start3A_50 = arith.constant 0 : i32
      %dma_start3A_51 = tpu.memref_slice %arg2[%dma_start3A_49, %dma_start3A_50] : memref<20096x64xf32, #tpu.memory_space<hbm>> -> memref<20096x64xf32, #tpu.memory_space<hbm>>
      tpu.enqueue_indirect_dma source(%dma_start3A_51 : memref<20096x64xf32, #tpu.memory_space<hbm>>) target(%arg10 : memref<128x64xf32, #tpu.memory_space<vmem>>) offsets(%dma_start3A_48 : memref<128xi32, #tpu.memory_space<vmem>>) semaphore(%arg14 : memref<!tpu.dma_semaphore, #tpu.memory_space<semaphore_mem>>)
      %dma_wait3A = arith.constant 0 : i32
      %dma_wait3A_52 = arith.constant 0 : i32
      %dma_wait3A_53 = tpu.memref_slice %arg2[%dma_wait3A, %dma_wait3A_52] : memref<20096x64xf32, #tpu.memory_space<hbm>> -> memref<128x64xf32, #tpu.memory_space<hbm>>
      %dma_wait3A_54 = arith.constant 0 : i32
      %dma_wait3A_55 = arith.constant 0 : i32
      %dma_wait3A_56 = tpu.memref_slice %arg2[%dma_wait3A_54, %dma_wait3A_55] : memref<20096x64xf32, #tpu.memory_space<hbm>> -> memref<128x64xf32, #tpu.memory_space<hbm>>
      tpu.wait_dma2 semaphore(%arg13 : memref<!tpu.dma_semaphore, #tpu.memory_space<semaphore_mem>>) src(%dma_wait3A_56 : memref<128x64xf32, #tpu.memory_space<hbm>>) dst(%arg9 : memref<128x64xf32, #tpu.memory_space<vmem>>)
      %run_scoped3A = arith.constant 78 : i32
      "tpu.region"() ({
        %run_scoped3A_98 = tpu.sem_alloc : memref<!tpu.dma_semaphore, #tpu.memory_space<semaphore_mem>>
        %dma_start3A_99 = arith.constant 0 : i32
        %dma_start3A_100 = tpu.memref_slice %arg12[%run_scoped3A, %dma_start3A_99] : memref<80x128xi32, #tpu.memory_space<vmem>> -> memref<1x128xi32, #tpu.memory_space<vmem>>
        %dma_start3A_101 = tpu.memref_squeeze %dma_start3A_100 : memref<1x128xi32, #tpu.memory_space<vmem>> -> memref<128xi32, #tpu.memory_space<vmem>>
        %dma_start3A_102 = arith.constant 0 : i32
        %dma_start3A_103 = arith.constant 0 : i32
        %dma_start3A_104 = tpu.memref_slice %arg8[%dma_start3A_102, %dma_start3A_103] : memref<20096x64xf32, #tpu.memory_space<vmem_shared>> -> memref<20096x64xf32, #tpu.memory_space<vmem_shared>>
        tpu.enqueue_indirect_dma source(%arg9 : memref<128x64xf32, #tpu.memory_space<vmem>>) target(%dma_start3A_104 : memref<20096x64xf32, #tpu.memory_space<vmem_shared>>) offsets(%dma_start3A_101 : memref<128xi32, #tpu.memory_space<vmem>>) semaphore(%run_scoped3A_98 : memref<!tpu.dma_semaphore, #tpu.memory_space<semaphore_mem>>) {add = true}
        %dma_wait3A_105 = arith.constant 0 : i32
        %dma_wait3A_106 = tpu.memref_slice %arg12[%run_scoped3A, %dma_wait3A_105] : memref<80x128xi32, #tpu.memory_space<vmem>> -> memref<1x128xi32, #tpu.memory_space<vmem>>
        %dma_wait3A_107 = tpu.memref_squeeze %dma_wait3A_106 : memref<1x128xi32, #tpu.memory_space<vmem>> -> memref<128xi32, #tpu.memory_space<vmem>>
        %dma_wait3A_108 = arith.constant 0 : i32
        %dma_wait3A_109 = arith.constant 0 : i32
        %dma_wait3A_110 = tpu.memref_slice %arg8[%dma_wait3A_108, %dma_wait3A_109] : memref<20096x64xf32, #tpu.memory_space<vmem_shared>> -> memref<20096x64xf32, #tpu.memory_space<vmem_shared>>
        tpu.wait_indirect_dma semaphore(%run_scoped3A_98 : memref<!tpu.dma_semaphore, #tpu.memory_space<semaphore_mem>>) src(%arg9 : memref<128x64xf32, #tpu.memory_space<vmem>>) dst(%dma_wait3A_110 : memref<20096x64xf32, #tpu.memory_space<vmem_shared>>)
        tpu.yield
      }) : () -> ()
      %dma_wait3A_57 = arith.constant 0 : i32
      %dma_wait3A_58 = arith.constant 0 : i32
      %dma_wait3A_59 = tpu.memref_slice %arg2[%dma_wait3A_57, %dma_wait3A_58] : memref<20096x64xf32, #tpu.memory_space<hbm>> -> memref<128x64xf32, #tpu.memory_space<hbm>>
      %dma_wait3A_60 = arith.constant 0 : i32
      %dma_wait3A_61 = arith.constant 0 : i32
      %dma_wait3A_62 = tpu.memref_slice %arg2[%dma_wait3A_60, %dma_wait3A_61] : memref<20096x64xf32, #tpu.memory_space<hbm>> -> memref<128x64xf32, #tpu.memory_space<hbm>>
      tpu.wait_dma2 semaphore(%arg14 : memref<!tpu.dma_semaphore, #tpu.memory_space<semaphore_mem>>) src(%dma_wait3A_62 : memref<128x64xf32, #tpu.memory_space<hbm>>) dst(%arg10 : memref<128x64xf32, #tpu.memory_space<vmem>>)
      %run_scoped3A_63 = arith.constant 79 : i32
      "tpu.region"() ({
        %run_scoped3A_98 = tpu.sem_alloc : memref<!tpu.dma_semaphore, #tpu.memory_space<semaphore_mem>>
        %dma_start3A_99 = arith.constant 0 : i32
        %dma_start3A_100 = tpu.memref_slice %arg12[%run_scoped3A_63, %dma_start3A_99] : memref<80x128xi32, #tpu.memory_space<vmem>> -> memref<1x128xi32, #tpu.memory_space<vmem>>
        %dma_start3A_101 = tpu.memref_squeeze %dma_start3A_100 : memref<1x128xi32, #tpu.memory_space<vmem>> -> memref<128xi32, #tpu.memory_space<vmem>>
        %dma_start3A_102 = arith.constant 0 : i32
        %dma_start3A_103 = arith.constant 0 : i32
        %dma_start3A_104 = tpu.memref_slice %arg8[%dma_start3A_102, %dma_start3A_103] : memref<20096x64xf32, #tpu.memory_space<vmem_shared>> -> memref<20096x64xf32, #tpu.memory_space<vmem_shared>>
        tpu.enqueue_indirect_dma source(%arg10 : memref<128x64xf32, #tpu.memory_space<vmem>>) target(%dma_start3A_104 : memref<20096x64xf32, #tpu.memory_space<vmem_shared>>) offsets(%dma_start3A_101 : memref<128xi32, #tpu.memory_space<vmem>>) semaphore(%run_scoped3A_98 : memref<!tpu.dma_semaphore, #tpu.memory_space<semaphore_mem>>) {add = true}
        %dma_wait3A_105 = arith.constant 0 : i32
        %dma_wait3A_106 = tpu.memref_slice %arg12[%run_scoped3A_63, %dma_wait3A_105] : memref<80x128xi32, #tpu.memory_space<vmem>> -> memref<1x128xi32, #tpu.memory_space<vmem>>
        %dma_wait3A_107 = tpu.memref_squeeze %dma_wait3A_106 : memref<1x128xi32, #tpu.memory_space<vmem>> -> memref<128xi32, #tpu.memory_space<vmem>>
        %dma_wait3A_108 = arith.constant 0 : i32
        %dma_wait3A_109 = arith.constant 0 : i32
        %dma_wait3A_110 = tpu.memref_slice %arg8[%dma_wait3A_108, %dma_wait3A_109] : memref<20096x64xf32, #tpu.memory_space<vmem_shared>> -> memref<20096x64xf32, #tpu.memory_space<vmem_shared>>
        tpu.wait_indirect_dma semaphore(%run_scoped3A_98 : memref<!tpu.dma_semaphore, #tpu.memory_space<semaphore_mem>>) src(%arg10 : memref<128x64xf32, #tpu.memory_space<vmem>>) dst(%dma_wait3A_110 : memref<20096x64xf32, #tpu.memory_space<vmem_shared>>)
        tpu.yield
      }) : () -> ()
      "tpu.region"() ({
        %run_scoped3A_98 = tpu.sem_alloc : memref<!tpu.dma_semaphore, #tpu.memory_space<semaphore_mem>>
        %dma_start3A_99 = arith.constant 80 : i32
        %dma_start3A_100 = arith.constant 0 : i32
        %dma_start3A_101 = tpu.memref_slice %arg4[%arg1, %dma_start3A_99, %dma_start3A_100] : memref<16x160x128xi32, #tpu.memory_space<hbm>> -> memref<1x80x128xi32, #tpu.memory_space<hbm>>
        %dma_start3A_102 = tpu.memref_squeeze %dma_start3A_101 : memref<1x80x128xi32, #tpu.memory_space<hbm>> -> memref<80x128xi32, #tpu.memory_space<hbm>>
        %dma_start3A_103 = arith.constant 80 : i32
        %dma_start3A_104 = arith.constant 0 : i32
        %dma_start3A_105 = tpu.memref_slice %arg4[%arg1, %dma_start3A_103, %dma_start3A_104] : memref<16x160x128xi32, #tpu.memory_space<hbm>> -> memref<1x80x128xi32, #tpu.memory_space<hbm>>
        %dma_start3A_106 = tpu.memref_squeeze %dma_start3A_105 : memref<1x80x128xi32, #tpu.memory_space<hbm>> -> memref<80x128xi32, #tpu.memory_space<hbm>>
        tpu.enqueue_dma source(%dma_start3A_106 : memref<80x128xi32, #tpu.memory_space<hbm>>) target(%arg11 : memref<80x128xi32, #tpu.memory_space<vmem>>) target_semaphore(%run_scoped3A_98 : memref<!tpu.dma_semaphore, #tpu.memory_space<semaphore_mem>>)
        %dma_wait3A_107 = arith.constant 80 : i32
        %dma_wait3A_108 = arith.constant 0 : i32
        %dma_wait3A_109 = tpu.memref_slice %arg4[%arg1, %dma_wait3A_107, %dma_wait3A_108] : memref<16x160x128xi32, #tpu.memory_space<hbm>> -> memref<1x80x128xi32, #tpu.memory_space<hbm>>
        %dma_wait3A_110 = tpu.memref_squeeze %dma_wait3A_109 : memref<1x80x128xi32, #tpu.memory_space<hbm>> -> memref<80x128xi32, #tpu.memory_space<hbm>>
        %dma_wait3A_111 = arith.constant 80 : i32
        %dma_wait3A_112 = arith.constant 0 : i32
        %dma_wait3A_113 = tpu.memref_slice %arg4[%arg1, %dma_wait3A_111, %dma_wait3A_112] : memref<16x160x128xi32, #tpu.memory_space<hbm>> -> memref<1x80x128xi32, #tpu.memory_space<hbm>>
        %dma_wait3A_114 = tpu.memref_squeeze %dma_wait3A_113 : memref<1x80x128xi32, #tpu.memory_space<hbm>> -> memref<80x128xi32, #tpu.memory_space<hbm>>
        tpu.wait_dma2 semaphore(%run_scoped3A_98 : memref<!tpu.dma_semaphore, #tpu.memory_space<semaphore_mem>>) src(%dma_wait3A_114 : memref<80x128xi32, #tpu.memory_space<hbm>>) dst(%arg11 : memref<80x128xi32, #tpu.memory_space<vmem>>)
        tpu.yield
      }) : () -> ()
      "tpu.region"() ({
        %run_scoped3A_98 = tpu.sem_alloc : memref<!tpu.dma_semaphore, #tpu.memory_space<semaphore_mem>>
        %dma_start3A_99 = arith.constant 80 : i32
        %dma_start3A_100 = arith.constant 0 : i32
        %dma_start3A_101 = tpu.memref_slice %arg6[%arg1, %dma_start3A_99, %dma_start3A_100] : memref<16x160x128xi32, #tpu.memory_space<hbm>> -> memref<1x80x128xi32, #tpu.memory_space<hbm>>
        %dma_start3A_102 = tpu.memref_squeeze %dma_start3A_101 : memref<1x80x128xi32, #tpu.memory_space<hbm>> -> memref<80x128xi32, #tpu.memory_space<hbm>>
        %dma_start3A_103 = arith.constant 80 : i32
        %dma_start3A_104 = arith.constant 0 : i32
        %dma_start3A_105 = tpu.memref_slice %arg6[%arg1, %dma_start3A_103, %dma_start3A_104] : memref<16x160x128xi32, #tpu.memory_space<hbm>> -> memref<1x80x128xi32, #tpu.memory_space<hbm>>
        %dma_start3A_106 = tpu.memref_squeeze %dma_start3A_105 : memref<1x80x128xi32, #tpu.memory_space<hbm>> -> memref<80x128xi32, #tpu.memory_space<hbm>>
        tpu.enqueue_dma source(%dma_start3A_106 : memref<80x128xi32, #tpu.memory_space<hbm>>) target(%arg12 : memref<80x128xi32, #tpu.memory_space<vmem>>) target_semaphore(%run_scoped3A_98 : memref<!tpu.dma_semaphore, #tpu.memory_space<semaphore_mem>>)
        %dma_wait3A_107 = arith.constant 80 : i32
        %dma_wait3A_108 = arith.constant 0 : i32
        %dma_wait3A_109 = tpu.memref_slice %arg6[%arg1, %dma_wait3A_107, %dma_wait3A_108] : memref<16x160x128xi32, #tpu.memory_space<hbm>> -> memref<1x80x128xi32, #tpu.memory_space<hbm>>
        %dma_wait3A_110 = tpu.memref_squeeze %dma_wait3A_109 : memref<1x80x128xi32, #tpu.memory_space<hbm>> -> memref<80x128xi32, #tpu.memory_space<hbm>>
        %dma_wait3A_111 = arith.constant 80 : i32
        %dma_wait3A_112 = arith.constant 0 : i32
        %dma_wait3A_113 = tpu.memref_slice %arg6[%arg1, %dma_wait3A_111, %dma_wait3A_112] : memref<16x160x128xi32, #tpu.memory_space<hbm>> -> memref<1x80x128xi32, #tpu.memory_space<hbm>>
        %dma_wait3A_114 = tpu.memref_squeeze %dma_wait3A_113 : memref<1x80x128xi32, #tpu.memory_space<hbm>> -> memref<80x128xi32, #tpu.memory_space<hbm>>
        tpu.wait_dma2 semaphore(%run_scoped3A_98 : memref<!tpu.dma_semaphore, #tpu.memory_space<semaphore_mem>>) src(%dma_wait3A_114 : memref<80x128xi32, #tpu.memory_space<hbm>>) dst(%arg12 : memref<80x128xi32, #tpu.memory_space<vmem>>)
        tpu.yield
      }) : () -> ()
      %dma_start3A_64 = arith.constant 0 : i32
      %dma_start3A_65 = arith.constant 0 : i32
      %dma_start3A_66 = tpu.memref_slice %arg11[%dma_start3A_64, %dma_start3A_65] : memref<80x128xi32, #tpu.memory_space<vmem>> -> memref<1x128xi32, #tpu.memory_space<vmem>>
      %dma_start3A_67 = tpu.memref_squeeze %dma_start3A_66 : memref<1x128xi32, #tpu.memory_space<vmem>> -> memref<128xi32, #tpu.memory_space<vmem>>
      %dma_start3A_68 = arith.constant 0 : i32
      %dma_start3A_69 = arith.constant 0 : i32
      %dma_start3A_70 = tpu.memref_slice %arg2[%dma_start3A_68, %dma_start3A_69] : memref<20096x64xf32, #tpu.memory_space<hbm>> -> memref<20096x64xf32, #tpu.memory_space<hbm>>
      tpu.enqueue_indirect_dma source(%dma_start3A_70 : memref<20096x64xf32, #tpu.memory_space<hbm>>) target(%arg9 : memref<128x64xf32, #tpu.memory_space<vmem>>) offsets(%dma_start3A_67 : memref<128xi32, #tpu.memory_space<vmem>>) semaphore(%arg13 : memref<!tpu.dma_semaphore, #tpu.memory_space<semaphore_mem>>)
      %scan3A_71 = arith.constant 0 : i32
      %scan3A_72 = arith.constant 0 : i32
      %scan3A_73 = arith.constant 39 : i32
      %scan3A_74 = arith.addi %scan3A_72, %scan3A_73 : i32
      %scan3A_75 = arith.constant 1 : i32
      scf.for %scan3A_98 = %scan3A_72 to %scan3A_74 step %scan3A_75  : i32 {
        %mul3A_99 = arith.constant 2 : i32
        %mul3A_100 = arith.muli %mul3A_99, %scan3A_98 : i32
        %add3A_101 = arith.constant 1 : i32
        %add3A_102 = arith.addi %mul3A_100, %add3A_101 : i32
        %dma_start3A_103 = arith.constant 0 : i32
        %dma_start3A_104 = tpu.memref_slice %arg11[%add3A_102, %dma_start3A_103] : memref<80x128xi32, #tpu.memory_space<vmem>> -> memref<1x128xi32, #tpu.memory_space<vmem>>
        %dma_start3A_105 = tpu.memref_squeeze %dma_start3A_104 : memref<1x128xi32, #tpu.memory_space<vmem>> -> memref<128xi32, #tpu.memory_space<vmem>>
        %dma_start3A_106 = arith.constant 0 : i32
        %dma_start3A_107 = arith.constant 0 : i32
        %dma_start3A_108 = tpu.memref_slice %arg2[%dma_start3A_106, %dma_start3A_107] : memref<20096x64xf32, #tpu.memory_space<hbm>> -> memref<20096x64xf32, #tpu.memory_space<hbm>>
        tpu.enqueue_indirect_dma source(%dma_start3A_108 : memref<20096x64xf32, #tpu.memory_space<hbm>>) target(%arg10 : memref<128x64xf32, #tpu.memory_space<vmem>>) offsets(%dma_start3A_105 : memref<128xi32, #tpu.memory_space<vmem>>) semaphore(%arg14 : memref<!tpu.dma_semaphore, #tpu.memory_space<semaphore_mem>>)
        %dma_wait3A_109 = arith.constant 0 : i32
        %dma_wait3A_110 = arith.constant 0 : i32
        %dma_wait3A_111 = tpu.memref_slice %arg2[%dma_wait3A_109, %dma_wait3A_110] : memref<20096x64xf32, #tpu.memory_space<hbm>> -> memref<128x64xf32, #tpu.memory_space<hbm>>
        %dma_wait3A_112 = arith.constant 0 : i32
        %dma_wait3A_113 = arith.constant 0 : i32
        %dma_wait3A_114 = tpu.memref_slice %arg2[%dma_wait3A_112, %dma_wait3A_113] : memref<20096x64xf32, #tpu.memory_space<hbm>> -> memref<128x64xf32, #tpu.memory_space<hbm>>
        tpu.wait_dma2 semaphore(%arg13 : memref<!tpu.dma_semaphore, #tpu.memory_space<semaphore_mem>>) src(%dma_wait3A_114 : memref<128x64xf32, #tpu.memory_space<hbm>>) dst(%arg9 : memref<128x64xf32, #tpu.memory_space<vmem>>)
        %mul3A_115 = arith.constant 2 : i32
        %mul3A_116 = arith.muli %mul3A_115, %scan3A_98 : i32
        "tpu.region"() ({
          %run_scoped3A_137 = tpu.sem_alloc : memref<!tpu.dma_semaphore, #tpu.memory_space<semaphore_mem>>
          %dma_start3A_138 = arith.constant 0 : i32
          %dma_start3A_139 = tpu.memref_slice %arg12[%mul3A_116, %dma_start3A_138] : memref<80x128xi32, #tpu.memory_space<vmem>> -> memref<1x128xi32, #tpu.memory_space<vmem>>
          %dma_start3A_140 = tpu.memref_squeeze %dma_start3A_139 : memref<1x128xi32, #tpu.memory_space<vmem>> -> memref<128xi32, #tpu.memory_space<vmem>>
          %dma_start3A_141 = arith.constant 0 : i32
          %dma_start3A_142 = arith.constant 0 : i32
          %dma_start3A_143 = tpu.memref_slice %arg8[%dma_start3A_141, %dma_start3A_142] : memref<20096x64xf32, #tpu.memory_space<vmem_shared>> -> memref<20096x64xf32, #tpu.memory_space<vmem_shared>>
          tpu.enqueue_indirect_dma source(%arg9 : memref<128x64xf32, #tpu.memory_space<vmem>>) target(%dma_start3A_143 : memref<20096x64xf32, #tpu.memory_space<vmem_shared>>) offsets(%dma_start3A_140 : memref<128xi32, #tpu.memory_space<vmem>>) semaphore(%run_scoped3A_137 : memref<!tpu.dma_semaphore, #tpu.memory_space<semaphore_mem>>) {add = true}
          %dma_wait3A_144 = arith.constant 0 : i32
          %dma_wait3A_145 = tpu.memref_slice %arg12[%mul3A_116, %dma_wait3A_144] : memref<80x128xi32, #tpu.memory_space<vmem>> -> memref<1x128xi32, #tpu.memory_space<vmem>>
          %dma_wait3A_146 = tpu.memref_squeeze %dma_wait3A_145 : memref<1x128xi32, #tpu.memory_space<vmem>> -> memref<128xi32, #tpu.memory_space<vmem>>
          %dma_wait3A_147 = arith.constant 0 : i32
          %dma_wait3A_148 = arith.constant 0 : i32
          %dma_wait3A_149 = tpu.memref_slice %arg8[%dma_wait3A_147, %dma_wait3A_148] : memref<20096x64xf32, #tpu.memory_space<vmem_shared>> -> memref<20096x64xf32, #tpu.memory_space<vmem_shared>>
          tpu.wait_indirect_dma semaphore(%run_scoped3A_137 : memref<!tpu.dma_semaphore, #tpu.memory_space<semaphore_mem>>) src(%arg9 : memref<128x64xf32, #tpu.memory_space<vmem>>) dst(%dma_wait3A_149 : memref<20096x64xf32, #tpu.memory_space<vmem_shared>>)
          tpu.yield
        }) : () -> ()
        %mul3A_117 = arith.constant 2 : i32
        %mul3A_118 = arith.muli %mul3A_117, %scan3A_98 : i32
        %add3A_119 = arith.constant 2 : i32
        %add3A_120 = arith.addi %mul3A_118, %add3A_119 : i32
        %dma_start3A_121 = arith.constant 0 : i32
        %dma_start3A_122 = tpu.memref_slice %arg11[%add3A_120, %dma_start3A_121] : memref<80x128xi32, #tpu.memory_space<vmem>> -> memref<1x128xi32, #tpu.memory_space<vmem>>
        %dma_start3A_123 = tpu.memref_squeeze %dma_start3A_122 : memref<1x128xi32, #tpu.memory_space<vmem>> -> memref<128xi32, #tpu.memory_space<vmem>>
        %dma_start3A_124 = arith.constant 0 : i32
        %dma_start3A_125 = arith.constant 0 : i32
        %dma_start3A_126 = tpu.memref_slice %arg2[%dma_start3A_124, %dma_start3A_125] : memref<20096x64xf32, #tpu.memory_space<hbm>> -> memref<20096x64xf32, #tpu.memory_space<hbm>>
        tpu.enqueue_indirect_dma source(%dma_start3A_126 : memref<20096x64xf32, #tpu.memory_space<hbm>>) target(%arg9 : memref<128x64xf32, #tpu.memory_space<vmem>>) offsets(%dma_start3A_123 : memref<128xi32, #tpu.memory_space<vmem>>) semaphore(%arg13 : memref<!tpu.dma_semaphore, #tpu.memory_space<semaphore_mem>>)
        %dma_wait3A_127 = arith.constant 0 : i32
        %dma_wait3A_128 = arith.constant 0 : i32
        %dma_wait3A_129 = tpu.memref_slice %arg2[%dma_wait3A_127, %dma_wait3A_128] : memref<20096x64xf32, #tpu.memory_space<hbm>> -> memref<128x64xf32, #tpu.memory_space<hbm>>
        %dma_wait3A_130 = arith.constant 0 : i32
        %dma_wait3A_131 = arith.constant 0 : i32
        %dma_wait3A_132 = tpu.memref_slice %arg2[%dma_wait3A_130, %dma_wait3A_131] : memref<20096x64xf32, #tpu.memory_space<hbm>> -> memref<128x64xf32, #tpu.memory_space<hbm>>
        tpu.wait_dma2 semaphore(%arg14 : memref<!tpu.dma_semaphore, #tpu.memory_space<semaphore_mem>>) src(%dma_wait3A_132 : memref<128x64xf32, #tpu.memory_space<hbm>>) dst(%arg10 : memref<128x64xf32, #tpu.memory_space<vmem>>)
        %mul3A_133 = arith.constant 2 : i32
        %mul3A_134 = arith.muli %mul3A_133, %scan3A_98 : i32
        %add3A_135 = arith.constant 1 : i32
        %add3A_136 = arith.addi %mul3A_134, %add3A_135 : i32
        "tpu.region"() ({
          %run_scoped3A_137 = tpu.sem_alloc : memref<!tpu.dma_semaphore, #tpu.memory_space<semaphore_mem>>
          %dma_start3A_138 = arith.constant 0 : i32
          %dma_start3A_139 = tpu.memref_slice %arg12[%add3A_136, %dma_start3A_138] : memref<80x128xi32, #tpu.memory_space<vmem>> -> memref<1x128xi32, #tpu.memory_space<vmem>>
          %dma_start3A_140 = tpu.memref_squeeze %dma_start3A_139 : memref<1x128xi32, #tpu.memory_space<vmem>> -> memref<128xi32, #tpu.memory_space<vmem>>
          %dma_start3A_141 = arith.constant 0 : i32
          %dma_start3A_142 = arith.constant 0 : i32
          %dma_start3A_143 = tpu.memref_slice %arg8[%dma_start3A_141, %dma_start3A_142] : memref<20096x64xf32, #tpu.memory_space<vmem_shared>> -> memref<20096x64xf32, #tpu.memory_space<vmem_shared>>
          tpu.enqueue_indirect_dma source(%arg10 : memref<128x64xf32, #tpu.memory_space<vmem>>) target(%dma_start3A_143 : memref<20096x64xf32, #tpu.memory_space<vmem_shared>>) offsets(%dma_start3A_140 : memref<128xi32, #tpu.memory_space<vmem>>) semaphore(%run_scoped3A_137 : memref<!tpu.dma_semaphore, #tpu.memory_space<semaphore_mem>>) {add = true}
          %dma_wait3A_144 = arith.constant 0 : i32
          %dma_wait3A_145 = tpu.memref_slice %arg12[%add3A_136, %dma_wait3A_144] : memref<80x128xi32, #tpu.memory_space<vmem>> -> memref<1x128xi32, #tpu.memory_space<vmem>>
          %dma_wait3A_146 = tpu.memref_squeeze %dma_wait3A_145 : memref<1x128xi32, #tpu.memory_space<vmem>> -> memref<128xi32, #tpu.memory_space<vmem>>
          %dma_wait3A_147 = arith.constant 0 : i32
          %dma_wait3A_148 = arith.constant 0 : i32
          %dma_wait3A_149 = tpu.memref_slice %arg8[%dma_wait3A_147, %dma_wait3A_148] : memref<20096x64xf32, #tpu.memory_space<vmem_shared>> -> memref<20096x64xf32, #tpu.memory_space<vmem_shared>>
          tpu.wait_indirect_dma semaphore(%run_scoped3A_137 : memref<!tpu.dma_semaphore, #tpu.memory_space<semaphore_mem>>) src(%arg10 : memref<128x64xf32, #tpu.memory_space<vmem>>) dst(%dma_wait3A_149 : memref<20096x64xf32, #tpu.memory_space<vmem_shared>>)
          tpu.yield
        }) : () -> ()
      }
      %scan3A_76 = arith.constant 39 : i32
      %dma_start3A_77 = arith.constant 79 : i32
      %dma_start3A_78 = arith.constant 0 : i32
      %dma_start3A_79 = tpu.memref_slice %arg11[%dma_start3A_77, %dma_start3A_78] : memref<80x128xi32, #tpu.memory_space<vmem>> -> memref<1x128xi32, #tpu.memory_space<vmem>>
      %dma_start3A_80 = tpu.memref_squeeze %dma_start3A_79 : memref<1x128xi32, #tpu.memory_space<vmem>> -> memref<128xi32, #tpu.memory_space<vmem>>
      %dma_start3A_81 = arith.constant 0 : i32
      %dma_start3A_82 = arith.constant 0 : i32
      %dma_start3A_83 = tpu.memref_slice %arg2[%dma_start3A_81, %dma_start3A_82] : memref<20096x64xf32, #tpu.memory_space<hbm>> -> memref<20096x64xf32, #tpu.memory_space<hbm>>
      tpu.enqueue_indirect_dma source(%dma_start3A_83 : memref<20096x64xf32, #tpu.memory_space<hbm>>) target(%arg10 : memref<128x64xf32, #tpu.memory_space<vmem>>) offsets(%dma_start3A_80 : memref<128xi32, #tpu.memory_space<vmem>>) semaphore(%arg14 : memref<!tpu.dma_semaphore, #tpu.memory_space<semaphore_mem>>)
      %dma_wait3A_84 = arith.constant 0 : i32
      %dma_wait3A_85 = arith.constant 0 : i32
      %dma_wait3A_86 = tpu.memref_slice %arg2[%dma_wait3A_84, %dma_wait3A_85] : memref<20096x64xf32, #tpu.memory_space<hbm>> -> memref<128x64xf32, #tpu.memory_space<hbm>>
      %dma_wait3A_87 = arith.constant 0 : i32
      %dma_wait3A_88 = arith.constant 0 : i32
      %dma_wait3A_89 = tpu.memref_slice %arg2[%dma_wait3A_87, %dma_wait3A_88] : memref<20096x64xf32, #tpu.memory_space<hbm>> -> memref<128x64xf32, #tpu.memory_space<hbm>>
      tpu.wait_dma2 semaphore(%arg13 : memref<!tpu.dma_semaphore, #tpu.memory_space<semaphore_mem>>) src(%dma_wait3A_89 : memref<128x64xf32, #tpu.memory_space<hbm>>) dst(%arg9 : memref<128x64xf32, #tpu.memory_space<vmem>>)
      %run_scoped3A_90 = arith.constant 78 : i32
      "tpu.region"() ({
        %run_scoped3A_98 = tpu.sem_alloc : memref<!tpu.dma_semaphore, #tpu.memory_space<semaphore_mem>>
        %dma_start3A_99 = arith.constant 0 : i32
        %dma_start3A_100 = tpu.memref_slice %arg12[%run_scoped3A_90, %dma_start3A_99] : memref<80x128xi32, #tpu.memory_space<vmem>> -> memref<1x128xi32, #tpu.memory_space<vmem>>
        %dma_start3A_101 = tpu.memref_squeeze %dma_start3A_100 : memref<1x128xi32, #tpu.memory_space<vmem>> -> memref<128xi32, #tpu.memory_space<vmem>>
        %dma_start3A_102 = arith.constant 0 : i32
        %dma_start3A_103 = arith.constant 0 : i32
        %dma_start3A_104 = tpu.memref_slice %arg8[%dma_start3A_102, %dma_start3A_103] : memref<20096x64xf32, #tpu.memory_space<vmem_shared>> -> memref<20096x64xf32, #tpu.memory_space<vmem_shared>>
        tpu.enqueue_indirect_dma source(%arg9 : memref<128x64xf32, #tpu.memory_space<vmem>>) target(%dma_start3A_104 : memref<20096x64xf32, #tpu.memory_space<vmem_shared>>) offsets(%dma_start3A_101 : memref<128xi32, #tpu.memory_space<vmem>>) semaphore(%run_scoped3A_98 : memref<!tpu.dma_semaphore, #tpu.memory_space<semaphore_mem>>) {add = true}
        %dma_wait3A_105 = arith.constant 0 : i32
        %dma_wait3A_106 = tpu.memref_slice %arg12[%run_scoped3A_90, %dma_wait3A_105] : memref<80x128xi32, #tpu.memory_space<vmem>> -> memref<1x128xi32, #tpu.memory_space<vmem>>
        %dma_wait3A_107 = tpu.memref_squeeze %dma_wait3A_106 : memref<1x128xi32, #tpu.memory_space<vmem>> -> memref<128xi32, #tpu.memory_space<vmem>>
        %dma_wait3A_108 = arith.constant 0 : i32
        %dma_wait3A_109 = arith.constant 0 : i32
        %dma_wait3A_110 = tpu.memref_slice %arg8[%dma_wait3A_108, %dma_wait3A_109] : memref<20096x64xf32, #tpu.memory_space<vmem_shared>> -> memref<20096x64xf32, #tpu.memory_space<vmem_shared>>
        tpu.wait_indirect_dma semaphore(%run_scoped3A_98 : memref<!tpu.dma_semaphore, #tpu.memory_space<semaphore_mem>>) src(%arg9 : memref<128x64xf32, #tpu.memory_space<vmem>>) dst(%dma_wait3A_110 : memref<20096x64xf32, #tpu.memory_space<vmem_shared>>)
        tpu.yield
      }) : () -> ()
      %dma_wait3A_91 = arith.constant 0 : i32
      %dma_wait3A_92 = arith.constant 0 : i32
      %dma_wait3A_93 = tpu.memref_slice %arg2[%dma_wait3A_91, %dma_wait3A_92] : memref<20096x64xf32, #tpu.memory_space<hbm>> -> memref<128x64xf32, #tpu.memory_space<hbm>>
      %dma_wait3A_94 = arith.constant 0 : i32
      %dma_wait3A_95 = arith.constant 0 : i32
      %dma_wait3A_96 = tpu.memref_slice %arg2[%dma_wait3A_94, %dma_wait3A_95] : memref<20096x64xf32, #tpu.memory_space<hbm>> -> memref<128x64xf32, #tpu.memory_space<hbm>>
      tpu.wait_dma2 semaphore(%arg14 : memref<!tpu.dma_semaphore, #tpu.memory_space<semaphore_mem>>) src(%dma_wait3A_96 : memref<128x64xf32, #tpu.memory_space<hbm>>) dst(%arg10 : memref<128x64xf32, #tpu.memory_space<vmem>>)
      %run_scoped3A_97 = arith.constant 79 : i32
      "tpu.region"() ({
        %run_scoped3A_98 = tpu.sem_alloc : memref<!tpu.dma_semaphore, #tpu.memory_space<semaphore_mem>>
        %dma_start3A_99 = arith.constant 0 : i32
        %dma_start3A_100 = tpu.memref_slice %arg12[%run_scoped3A_97, %dma_start3A_99] : memref<80x128xi32, #tpu.memory_space<vmem>> -> memref<1x128xi32, #tpu.memory_space<vmem>>
        %dma_start3A_101 = tpu.memref_squeeze %dma_start3A_100 : memref<1x128xi32, #tpu.memory_space<vmem>> -> memref<128xi32, #tpu.memory_space<vmem>>
        %dma_start3A_102 = arith.constant 0 : i32
        %dma_start3A_103 = arith.constant 0 : i32
        %dma_start3A_104 = tpu.memref_slice %arg8[%dma_start3A_102, %dma_start3A_103] : memref<20096x64xf32, #tpu.memory_space<vmem_shared>> -> memref<20096x64xf32, #tpu.memory_space<vmem_shared>>
        tpu.enqueue_indirect_dma source(%arg10 : memref<128x64xf32, #tpu.memory_space<vmem>>) target(%dma_start3A_104 : memref<20096x64xf32, #tpu.memory_space<vmem_shared>>) offsets(%dma_start3A_101 : memref<128xi32, #tpu.memory_space<vmem>>) semaphore(%run_scoped3A_98 : memref<!tpu.dma_semaphore, #tpu.memory_space<semaphore_mem>>) {add = true}
        %dma_wait3A_105 = arith.constant 0 : i32
        %dma_wait3A_106 = tpu.memref_slice %arg12[%run_scoped3A_97, %dma_wait3A_105] : memref<80x128xi32, #tpu.memory_space<vmem>> -> memref<1x128xi32, #tpu.memory_space<vmem>>
        %dma_wait3A_107 = tpu.memref_squeeze %dma_wait3A_106 : memref<1x128xi32, #tpu.memory_space<vmem>> -> memref<128xi32, #tpu.memory_space<vmem>>
        %dma_wait3A_108 = arith.constant 0 : i32
        %dma_wait3A_109 = arith.constant 0 : i32
        %dma_wait3A_110 = tpu.memref_slice %arg8[%dma_wait3A_108, %dma_wait3A_109] : memref<20096x64xf32, #tpu.memory_space<vmem_shared>> -> memref<20096x64xf32, #tpu.memory_space<vmem_shared>>
        tpu.wait_indirect_dma semaphore(%run_scoped3A_98 : memref<!tpu.dma_semaphore, #tpu.memory_space<semaphore_mem>>) src(%arg10 : memref<128x64xf32, #tpu.memory_space<vmem>>) dst(%dma_wait3A_110 : memref<20096x64xf32, #tpu.memory_space<vmem_shared>>)
        tpu.yield
      }) : () -> ()
    } else {
    }
    %barrier3A_32 = arith.constant 0 : index
    tpu.barrier barrier_id(%barrier3A_32)
    "tpu.region"() ({
      %run_scoped3A = tpu.sem_alloc : memref<!tpu.dma_semaphore, #tpu.memory_space<semaphore_mem>>
      %dma_start3A = arith.constant 0 : i32
      %dma_start3A_33 = tpu.memref_slice %arg7[%arg0, %mul3A_0, %dma_start3A] : memref<2x20096x64xf32, #tpu.memory_space<hbm>> -> memref<1x1256x64xf32, #tpu.memory_space<hbm>>
      %dma_start3A_34 = tpu.memref_squeeze %dma_start3A_33 : memref<1x1256x64xf32, #tpu.memory_space<hbm>> -> memref<1256x64xf32, #tpu.memory_space<hbm>>
      %dma_start3A_35 = arith.constant 0 : i32
      %dma_start3A_36 = tpu.memref_slice %arg8[%mul3A_0, %dma_start3A_35] : memref<20096x64xf32, #tpu.memory_space<vmem_shared>> -> memref<1256x64xf32, #tpu.memory_space<vmem_shared>>
      tpu.enqueue_dma source(%dma_start3A_36 : memref<1256x64xf32, #tpu.memory_space<vmem_shared>>) target(%dma_start3A_34 : memref<1256x64xf32, #tpu.memory_space<hbm>>) target_semaphore(%run_scoped3A : memref<!tpu.dma_semaphore, #tpu.memory_space<semaphore_mem>>)
      %dma_wait3A = arith.constant 0 : i32
      %dma_wait3A_37 = tpu.memref_slice %arg7[%arg0, %mul3A_0, %dma_wait3A] : memref<2x20096x64xf32, #tpu.memory_space<hbm>> -> memref<1x1256x64xf32, #tpu.memory_space<hbm>>
      %dma_wait3A_38 = tpu.memref_squeeze %dma_wait3A_37 : memref<1x1256x64xf32, #tpu.memory_space<hbm>> -> memref<1256x64xf32, #tpu.memory_space<hbm>>
      %dma_wait3A_39 = arith.constant 0 : i32
      %dma_wait3A_40 = tpu.memref_slice %arg8[%mul3A_0, %dma_wait3A_39] : memref<20096x64xf32, #tpu.memory_space<vmem_shared>> -> memref<1256x64xf32, #tpu.memory_space<vmem_shared>>
      tpu.wait_dma2 semaphore(%run_scoped3A : memref<!tpu.dma_semaphore, #tpu.memory_space<semaphore_mem>>) src(%dma_wait3A_40 : memref<1256x64xf32, #tpu.memory_space<vmem_shared>>) dst(%dma_wait3A_38 : memref<1256x64xf32, #tpu.memory_space<hbm>>)
      tpu.yield
    }) : () -> ()
    return
  }
}

#map = affine_map<(d0, d1) -> (0, 0)>
#map1 = affine_map<(d0, d1) -> (0, 0, 0)>
module attributes {stable_mosaic.version = 14 : i64} {
  func.func @_sc_scatter(%arg0: i32, %arg1: i32, %arg2: memref<20096x64xf32, #tpu.memory_space<hbm>>, %arg3: memref<16x160x128xi32, #tpu.memory_space<hbm>>, %arg4: memref<16x160x128xi32, #tpu.memory_space<hbm>>, %arg5: memref<16x160x128xi32, #tpu.memory_space<hbm>>, %arg6: memref<16x160x128xi32, #tpu.memory_space<hbm>>, %arg7: memref<2x20096x64xf32, #tpu.memory_space<hbm>>, %arg8: memref<20096x64xf32, #tpu.memory_space<vmem_shared>>, %arg9: memref<128x64xf32, #tpu.memory_space<vmem>>, %arg10: memref<128x64xf32, #tpu.memory_space<vmem>>, %arg11: memref<80x128xi32, #tpu.memory_space<vmem>>, %arg12: memref<80x128xi32, #tpu.memory_space<vmem>>, %arg13: memref<!tpu.dma_semaphore, #tpu.memory_space<semaphore_mem>>, %arg14: memref<!tpu.dma_semaphore, #tpu.memory_space<semaphore_mem>>) attributes {dimension_semantics = [#tpu.dimension_semantics<core_parallel>, #tpu.dimension_semantics<subcore_parallel>], iteration_bounds = array<i64: 2, 16>, scalar_prefetch = 0 : i64, scratch_operands = 7 : i64, tpu.core_type = #tpu.core_type<sc_vector_subcore>, window_params = [{transform_indices = #map}, {transform_indices = #map1}, {transform_indices = #map1}, {transform_indices = #map1}, {transform_indices = #map1}, {transform_indices = #map1}]} {
    %mul3A = arith.constant 1256 : i32
    %mul3A_0 = arith.muli %arg1, %mul3A : i32
    %scan3A = arith.constant 0 : i32
    %scan3A_1 = arith.constant 0 : i32
    %scan3A_2 = arith.constant 128 : i32
    %scan3A_3 = arith.addi %scan3A_1, %scan3A_2 : i32
    %scan3A_4 = arith.constant 1 : i32
    scf.for %scan3A_33 = %scan3A_1 to %scan3A_3 step %scan3A_4  : i32 {
      %broadcast_in_dim3A = arith.constant 0.000000e+00 : f32
      %broadcast_in_dim3A_34 = vector.broadcast %broadcast_in_dim3A : f32 to vector<16xf32>
      %swap3A = arith.index_cast %scan3A_33 : i32 to index
      %swap3A_35 = arith.constant 0 : index
      %swap3A_36 = tpu.vector_load %arg9[%swap3A, %swap3A_35] {strides = array<i32>} : memref<128x64xf32, #tpu.memory_space<vmem>>, vector<16xf32>,
      tpu.vector_store %arg9[%swap3A, %swap3A_35], %broadcast_in_dim3A_34 {strides = array<i32>} : memref<128x64xf32, #tpu.memory_space<vmem>>, vector<16xf32>,
      %broadcast_in_dim3A_37 = arith.constant 0.000000e+00 : f32
      %broadcast_in_dim3A_38 = vector.broadcast %broadcast_in_dim3A_37 : f32 to vector<16xf32>
      %swap3A_39 = arith.index_cast %scan3A_33 : i32 to index
      %swap3A_40 = arith.constant 16 : index
      %swap3A_41 = tpu.vector_load %arg9[%swap3A_39, %swap3A_40] {strides = array<i32>} : memref<128x64xf32, #tpu.memory_space<vmem>>, vector<16xf32>,
      tpu.vector_store %arg9[%swap3A_39, %swap3A_40], %broadcast_in_dim3A_38 {strides = array<i32>} : memref<128x64xf32, #tpu.memory_space<vmem>>, vector<16xf32>,
      %broadcast_in_dim3A_42 = arith.constant 0.000000e+00 : f32
      %broadcast_in_dim3A_43 = vector.broadcast %broadcast_in_dim3A_42 : f32 to vector<16xf32>
      %swap3A_44 = arith.index_cast %scan3A_33 : i32 to index
      %swap3A_45 = arith.constant 32 : index
      %swap3A_46 = tpu.vector_load %arg9[%swap3A_44, %swap3A_45] {strides = array<i32>} : memref<128x64xf32, #tpu.memory_space<vmem>>, vector<16xf32>,
      tpu.vector_store %arg9[%swap3A_44, %swap3A_45], %broadcast_in_dim3A_43 {strides = array<i32>} : memref<128x64xf32, #tpu.memory_space<vmem>>, vector<16xf32>,
      %broadcast_in_dim3A_47 = arith.constant 0.000000e+00 : f32
      %broadcast_in_dim3A_48 = vector.broadcast %broadcast_in_dim3A_47 : f32 to vector<16xf32>
      %swap3A_49 = arith.index_cast %scan3A_33 : i32 to index
      %swap3A_50 = arith.constant 48 : index
      %swap3A_51 = tpu.vector_load %arg9[%swap3A_49, %swap3A_50] {strides = array<i32>} : memref<128x64xf32, #tpu.memory_space<vmem>>, vector<16xf32>,
      tpu.vector_store %arg9[%swap3A_49, %swap3A_50], %broadcast_in_dim3A_48 {strides = array<i32>} : memref<128x64xf32, #tpu.memory_space<vmem>>, vector<16xf32>,
    }
    %scan3A_5 = arith.constant 128 : i32
    %add3A = arith.constant 0 : i32
    %add3A_6 = arith.addi %mul3A_0, %add3A : i32
    "tpu.region"() ({
      %run_scoped3A = tpu.sem_alloc : memref<!tpu.dma_semaphore, #tpu.memory_space<semaphore_mem>>
      %dma_start3A = arith.constant 0 : i32
      %dma_start3A_33 = tpu.memref_slice %arg8[%add3A_6, %dma_start3A] : memref<20096x64xf32, #tpu.memory_space<vmem_shared>> -> memref<128x64xf32, #tpu.memory_space<vmem_shared>>
      %dma_start3A_34 = arith.constant 0 : i32
      %dma_start3A_35 = tpu.memref_slice %arg8[%add3A_6, %dma_start3A_34] : memref<20096x64xf32, #tpu.memory_space<vmem_shared>> -> memref<128x64xf32, #tpu.memory_space<vmem_shared>>
      tpu.enqueue_dma source(%arg9 : memref<128x64xf32, #tpu.memory_space<vmem>>) target(%dma_start3A_35 : memref<128x64xf32, #tpu.memory_space<vmem_shared>>) target_semaphore(%run_scoped3A : memref<!tpu.dma_semaphore, #tpu.memory_space<semaphore_mem>>)
      %dma_wait3A = arith.constant 0 : i32
      %dma_wait3A_36 = tpu.memref_slice %arg8[%add3A_6, %dma_wait3A] : memref<20096x64xf32, #tpu.memory_space<vmem_shared>> -> memref<128x64xf32, #tpu.memory_space<vmem_shared>>
      %dma_wait3A_37 = arith.constant 0 : i32
      %dma_wait3A_38 = tpu.memref_slice %arg8[%add3A_6, %dma_wait3A_37] : memref<20096x64xf32, #tpu.memory_space<vmem_shared>> -> memref<128x64xf32, #tpu.memory_space<vmem_shared>>
      tpu.wait_dma2 semaphore(%run_scoped3A : memref<!tpu.dma_semaphore, #tpu.memory_space<semaphore_mem>>) src(%arg9 : memref<128x64xf32, #tpu.memory_space<vmem>>) dst(%dma_wait3A_38 : memref<128x64xf32, #tpu.memory_space<vmem_shared>>)
      tpu.yield
    }) : () -> ()
    %add3A_7 = arith.constant 128 : i32
    %add3A_8 = arith.addi %mul3A_0, %add3A_7 : i32
    "tpu.region"() ({
      %run_scoped3A = tpu.sem_alloc : memref<!tpu.dma_semaphore, #tpu.memory_space<semaphore_mem>>
      %dma_start3A = arith.constant 0 : i32
      %dma_start3A_33 = tpu.memref_slice %arg8[%add3A_8, %dma_start3A] : memref<20096x64xf32, #tpu.memory_space<vmem_shared>> -> memref<128x64xf32, #tpu.memory_space<vmem_shared>>
      %dma_start3A_34 = arith.constant 0 : i32
      %dma_start3A_35 = tpu.memref_slice %arg8[%add3A_8, %dma_start3A_34] : memref<20096x64xf32, #tpu.memory_space<vmem_shared>> -> memref<128x64xf32, #tpu.memory_space<vmem_shared>>
      tpu.enqueue_dma source(%arg9 : memref<128x64xf32, #tpu.memory_space<vmem>>) target(%dma_start3A_35 : memref<128x64xf32, #tpu.memory_space<vmem_shared>>) target_semaphore(%run_scoped3A : memref<!tpu.dma_semaphore, #tpu.memory_space<semaphore_mem>>)
      %dma_wait3A = arith.constant 0 : i32
      %dma_wait3A_36 = tpu.memref_slice %arg8[%add3A_8, %dma_wait3A] : memref<20096x64xf32, #tpu.memory_space<vmem_shared>> -> memref<128x64xf32, #tpu.memory_space<vmem_shared>>
      %dma_wait3A_37 = arith.constant 0 : i32
      %dma_wait3A_38 = tpu.memref_slice %arg8[%add3A_8, %dma_wait3A_37] : memref<20096x64xf32, #tpu.memory_space<vmem_shared>> -> memref<128x64xf32, #tpu.memory_space<vmem_shared>>
      tpu.wait_dma2 semaphore(%run_scoped3A : memref<!tpu.dma_semaphore, #tpu.memory_space<semaphore_mem>>) src(%arg9 : memref<128x64xf32, #tpu.memory_space<vmem>>) dst(%dma_wait3A_38 : memref<128x64xf32, #tpu.memory_space<vmem_shared>>)
      tpu.yield
    }) : () -> ()
    %add3A_9 = arith.constant 256 : i32
    %add3A_10 = arith.addi %mul3A_0, %add3A_9 : i32
    "tpu.region"() ({
      %run_scoped3A = tpu.sem_alloc : memref<!tpu.dma_semaphore, #tpu.memory_space<semaphore_mem>>
      %dma_start3A = arith.constant 0 : i32
      %dma_start3A_33 = tpu.memref_slice %arg8[%add3A_10, %dma_start3A] : memref<20096x64xf32, #tpu.memory_space<vmem_shared>> -> memref<128x64xf32, #tpu.memory_space<vmem_shared>>
      %dma_start3A_34 = arith.constant 0 : i32
      %dma_start3A_35 = tpu.memref_slice %arg8[%add3A_10, %dma_start3A_34] : memref<20096x64xf32, #tpu.memory_space<vmem_shared>> -> memref<128x64xf32, #tpu.memory_space<vmem_shared>>
      tpu.enqueue_dma source(%arg9 : memref<128x64xf32, #tpu.memory_space<vmem>>) target(%dma_start3A_35 : memref<128x64xf32, #tpu.memory_space<vmem_shared>>) target_semaphore(%run_scoped3A : memref<!tpu.dma_semaphore, #tpu.memory_space<semaphore_mem>>)
      %dma_wait3A = arith.constant 0 : i32
      %dma_wait3A_36 = tpu.memref_slice %arg8[%add3A_10, %dma_wait3A] : memref<20096x64xf32, #tpu.memory_space<vmem_shared>> -> memref<128x64xf32, #tpu.memory_space<vmem_shared>>
      %dma_wait3A_37 = arith.constant 0 : i32
      %dma_wait3A_38 = tpu.memref_slice %arg8[%add3A_10, %dma_wait3A_37] : memref<20096x64xf32, #tpu.memory_space<vmem_shared>> -> memref<128x64xf32, #tpu.memory_space<vmem_shared>>
      tpu.wait_dma2 semaphore(%run_scoped3A : memref<!tpu.dma_semaphore, #tpu.memory_space<semaphore_mem>>) src(%arg9 : memref<128x64xf32, #tpu.memory_space<vmem>>) dst(%dma_wait3A_38 : memref<128x64xf32, #tpu.memory_space<vmem_shared>>)
      tpu.yield
    }) : () -> ()
    %add3A_11 = arith.constant 384 : i32
    %add3A_12 = arith.addi %mul3A_0, %add3A_11 : i32
    "tpu.region"() ({
      %run_scoped3A = tpu.sem_alloc : memref<!tpu.dma_semaphore, #tpu.memory_space<semaphore_mem>>
      %dma_start3A = arith.constant 0 : i32
      %dma_start3A_33 = tpu.memref_slice %arg8[%add3A_12, %dma_start3A] : memref<20096x64xf32, #tpu.memory_space<vmem_shared>> -> memref<128x64xf32, #tpu.memory_space<vmem_shared>>
      %dma_start3A_34 = arith.constant 0 : i32
      %dma_start3A_35 = tpu.memref_slice %arg8[%add3A_12, %dma_start3A_34] : memref<20096x64xf32, #tpu.memory_space<vmem_shared>> -> memref<128x64xf32, #tpu.memory_space<vmem_shared>>
      tpu.enqueue_dma source(%arg9 : memref<128x64xf32, #tpu.memory_space<vmem>>) target(%dma_start3A_35 : memref<128x64xf32, #tpu.memory_space<vmem_shared>>) target_semaphore(%run_scoped3A : memref<!tpu.dma_semaphore, #tpu.memory_space<semaphore_mem>>)
      %dma_wait3A = arith.constant 0 : i32
      %dma_wait3A_36 = tpu.memref_slice %arg8[%add3A_12, %dma_wait3A] : memref<20096x64xf32, #tpu.memory_space<vmem_shared>> -> memref<128x64xf32, #tpu.memory_space<vmem_shared>>
      %dma_wait3A_37 = arith.constant 0 : i32
      %dma_wait3A_38 = tpu.memref_slice %arg8[%add3A_12, %dma_wait3A_37] : memref<20096x64xf32, #tpu.memory_space<vmem_shared>> -> memref<128x64xf32, #tpu.memory_space<vmem_shared>>
      tpu.wait_dma2 semaphore(%run_scoped3A : memref<!tpu.dma_semaphore, #tpu.memory_space<semaphore_mem>>) src(%arg9 : memref<128x64xf32, #tpu.memory_space<vmem>>) dst(%dma_wait3A_38 : memref<128x64xf32, #tpu.memory_space<vmem_shared>>)
      tpu.yield
    }) : () -> ()
    %add3A_13 = arith.constant 512 : i32
    %add3A_14 = arith.addi %mul3A_0, %add3A_13 : i32
    "tpu.region"() ({
      %run_scoped3A = tpu.sem_alloc : memref<!tpu.dma_semaphore, #tpu.memory_space<semaphore_mem>>
      %dma_start3A = arith.constant 0 : i32
      %dma_start3A_33 = tpu.memref_slice %arg8[%add3A_14, %dma_start3A] : memref<20096x64xf32, #tpu.memory_space<vmem_shared>> -> memref<128x64xf32, #tpu.memory_space<vmem_shared>>
      %dma_start3A_34 = arith.constant 0 : i32
      %dma_start3A_35 = tpu.memref_slice %arg8[%add3A_14, %dma_start3A_34] : memref<20096x64xf32, #tpu.memory_space<vmem_shared>> -> memref<128x64xf32, #tpu.memory_space<vmem_shared>>
      tpu.enqueue_dma source(%arg9 : memref<128x64xf32, #tpu.memory_space<vmem>>) target(%dma_start3A_35 : memref<128x64xf32, #tpu.memory_space<vmem_shared>>) target_semaphore(%run_scoped3A : memref<!tpu.dma_semaphore, #tpu.memory_space<semaphore_mem>>)
      %dma_wait3A = arith.constant 0 : i32
      %dma_wait3A_36 = tpu.memref_slice %arg8[%add3A_14, %dma_wait3A] : memref<20096x64xf32, #tpu.memory_space<vmem_shared>> -> memref<128x64xf32, #tpu.memory_space<vmem_shared>>
      %dma_wait3A_37 = arith.constant 0 : i32
      %dma_wait3A_38 = tpu.memref_slice %arg8[%add3A_14, %dma_wait3A_37] : memref<20096x64xf32, #tpu.memory_space<vmem_shared>> -> memref<128x64xf32, #tpu.memory_space<vmem_shared>>
      tpu.wait_dma2 semaphore(%run_scoped3A : memref<!tpu.dma_semaphore, #tpu.memory_space<semaphore_mem>>) src(%arg9 : memref<128x64xf32, #tpu.memory_space<vmem>>) dst(%dma_wait3A_38 : memref<128x64xf32, #tpu.memory_space<vmem_shared>>)
      tpu.yield
    }) : () -> ()
    %add3A_15 = arith.constant 640 : i32
    %add3A_16 = arith.addi %mul3A_0, %add3A_15 : i32
    "tpu.region"() ({
      %run_scoped3A = tpu.sem_alloc : memref<!tpu.dma_semaphore, #tpu.memory_space<semaphore_mem>>
      %dma_start3A = arith.constant 0 : i32
      %dma_start3A_33 = tpu.memref_slice %arg8[%add3A_16, %dma_start3A] : memref<20096x64xf32, #tpu.memory_space<vmem_shared>> -> memref<128x64xf32, #tpu.memory_space<vmem_shared>>
      %dma_start3A_34 = arith.constant 0 : i32
      %dma_start3A_35 = tpu.memref_slice %arg8[%add3A_16, %dma_start3A_34] : memref<20096x64xf32, #tpu.memory_space<vmem_shared>> -> memref<128x64xf32, #tpu.memory_space<vmem_shared>>
      tpu.enqueue_dma source(%arg9 : memref<128x64xf32, #tpu.memory_space<vmem>>) target(%dma_start3A_35 : memref<128x64xf32, #tpu.memory_space<vmem_shared>>) target_semaphore(%run_scoped3A : memref<!tpu.dma_semaphore, #tpu.memory_space<semaphore_mem>>)
      %dma_wait3A = arith.constant 0 : i32
      %dma_wait3A_36 = tpu.memref_slice %arg8[%add3A_16, %dma_wait3A] : memref<20096x64xf32, #tpu.memory_space<vmem_shared>> -> memref<128x64xf32, #tpu.memory_space<vmem_shared>>
      %dma_wait3A_37 = arith.constant 0 : i32
      %dma_wait3A_38 = tpu.memref_slice %arg8[%add3A_16, %dma_wait3A_37] : memref<20096x64xf32, #tpu.memory_space<vmem_shared>> -> memref<128x64xf32, #tpu.memory_space<vmem_shared>>
      tpu.wait_dma2 semaphore(%run_scoped3A : memref<!tpu.dma_semaphore, #tpu.memory_space<semaphore_mem>>) src(%arg9 : memref<128x64xf32, #tpu.memory_space<vmem>>) dst(%dma_wait3A_38 : memref<128x64xf32, #tpu.memory_space<vmem_shared>>)
      tpu.yield
    }) : () -> ()
    %add3A_17 = arith.constant 768 : i32
    %add3A_18 = arith.addi %mul3A_0, %add3A_17 : i32
    "tpu.region"() ({
      %run_scoped3A = tpu.sem_alloc : memref<!tpu.dma_semaphore, #tpu.memory_space<semaphore_mem>>
      %dma_start3A = arith.constant 0 : i32
      %dma_start3A_33 = tpu.memref_slice %arg8[%add3A_18, %dma_start3A] : memref<20096x64xf32, #tpu.memory_space<vmem_shared>> -> memref<128x64xf32, #tpu.memory_space<vmem_shared>>
      %dma_start3A_34 = arith.constant 0 : i32
      %dma_start3A_35 = tpu.memref_slice %arg8[%add3A_18, %dma_start3A_34] : memref<20096x64xf32, #tpu.memory_space<vmem_shared>> -> memref<128x64xf32, #tpu.memory_space<vmem_shared>>
      tpu.enqueue_dma source(%arg9 : memref<128x64xf32, #tpu.memory_space<vmem>>) target(%dma_start3A_35 : memref<128x64xf32, #tpu.memory_space<vmem_shared>>) target_semaphore(%run_scoped3A : memref<!tpu.dma_semaphore, #tpu.memory_space<semaphore_mem>>)
      %dma_wait3A = arith.constant 0 : i32
      %dma_wait3A_36 = tpu.memref_slice %arg8[%add3A_18, %dma_wait3A] : memref<20096x64xf32, #tpu.memory_space<vmem_shared>> -> memref<128x64xf32, #tpu.memory_space<vmem_shared>>
      %dma_wait3A_37 = arith.constant 0 : i32
      %dma_wait3A_38 = tpu.memref_slice %arg8[%add3A_18, %dma_wait3A_37] : memref<20096x64xf32, #tpu.memory_space<vmem_shared>> -> memref<128x64xf32, #tpu.memory_space<vmem_shared>>
      tpu.wait_dma2 semaphore(%run_scoped3A : memref<!tpu.dma_semaphore, #tpu.memory_space<semaphore_mem>>) src(%arg9 : memref<128x64xf32, #tpu.memory_space<vmem>>) dst(%dma_wait3A_38 : memref<128x64xf32, #tpu.memory_space<vmem_shared>>)
      tpu.yield
    }) : () -> ()
    %add3A_19 = arith.constant 896 : i32
    %add3A_20 = arith.addi %mul3A_0, %add3A_19 : i32
    "tpu.region"() ({
      %run_scoped3A = tpu.sem_alloc : memref<!tpu.dma_semaphore, #tpu.memory_space<semaphore_mem>>
      %dma_start3A = arith.constant 0 : i32
      %dma_start3A_33 = tpu.memref_slice %arg8[%add3A_20, %dma_start3A] : memref<20096x64xf32, #tpu.memory_space<vmem_shared>> -> memref<128x64xf32, #tpu.memory_space<vmem_shared>>
      %dma_start3A_34 = arith.constant 0 : i32
      %dma_start3A_35 = tpu.memref_slice %arg8[%add3A_20, %dma_start3A_34] : memref<20096x64xf32, #tpu.memory_space<vmem_shared>> -> memref<128x64xf32, #tpu.memory_space<vmem_shared>>
      tpu.enqueue_dma source(%arg9 : memref<128x64xf32, #tpu.memory_space<vmem>>) target(%dma_start3A_35 : memref<128x64xf32, #tpu.memory_space<vmem_shared>>) target_semaphore(%run_scoped3A : memref<!tpu.dma_semaphore, #tpu.memory_space<semaphore_mem>>)
      %dma_wait3A = arith.constant 0 : i32
      %dma_wait3A_36 = tpu.memref_slice %arg8[%add3A_20, %dma_wait3A] : memref<20096x64xf32, #tpu.memory_space<vmem_shared>> -> memref<128x64xf32, #tpu.memory_space<vmem_shared>>
      %dma_wait3A_37 = arith.constant 0 : i32
      %dma_wait3A_38 = tpu.memref_slice %arg8[%add3A_20, %dma_wait3A_37] : memref<20096x64xf32, #tpu.memory_space<vmem_shared>> -> memref<128x64xf32, #tpu.memory_space<vmem_shared>>
      tpu.wait_dma2 semaphore(%run_scoped3A : memref<!tpu.dma_semaphore, #tpu.memory_space<semaphore_mem>>) src(%arg9 : memref<128x64xf32, #tpu.memory_space<vmem>>) dst(%dma_wait3A_38 : memref<128x64xf32, #tpu.memory_space<vmem_shared>>)
      tpu.yield
    }) : () -> ()
    %add3A_21 = arith.constant 1024 : i32
    %add3A_22 = arith.addi %mul3A_0, %add3A_21 : i32
    "tpu.region"() ({
      %run_scoped3A = tpu.sem_alloc : memref<!tpu.dma_semaphore, #tpu.memory_space<semaphore_mem>>
      %dma_start3A = arith.constant 0 : i32
      %dma_start3A_33 = tpu.memref_slice %arg8[%add3A_22, %dma_start3A] : memref<20096x64xf32, #tpu.memory_space<vmem_shared>> -> memref<128x64xf32, #tpu.memory_space<vmem_shared>>
      %dma_start3A_34 = arith.constant 0 : i32
      %dma_start3A_35 = tpu.memref_slice %arg8[%add3A_22, %dma_start3A_34] : memref<20096x64xf32, #tpu.memory_space<vmem_shared>> -> memref<128x64xf32, #tpu.memory_space<vmem_shared>>
      tpu.enqueue_dma source(%arg9 : memref<128x64xf32, #tpu.memory_space<vmem>>) target(%dma_start3A_35 : memref<128x64xf32, #tpu.memory_space<vmem_shared>>) target_semaphore(%run_scoped3A : memref<!tpu.dma_semaphore, #tpu.memory_space<semaphore_mem>>)
      %dma_wait3A = arith.constant 0 : i32
      %dma_wait3A_36 = tpu.memref_slice %arg8[%add3A_22, %dma_wait3A] : memref<20096x64xf32, #tpu.memory_space<vmem_shared>> -> memref<128x64xf32, #tpu.memory_space<vmem_shared>>
      %dma_wait3A_37 = arith.constant 0 : i32
      %dma_wait3A_38 = tpu.memref_slice %arg8[%add3A_22, %dma_wait3A_37] : memref<20096x64xf32, #tpu.memory_space<vmem_shared>> -> memref<128x64xf32, #tpu.memory_space<vmem_shared>>
      tpu.wait_dma2 semaphore(%run_scoped3A : memref<!tpu.dma_semaphore, #tpu.memory_space<semaphore_mem>>) src(%arg9 : memref<128x64xf32, #tpu.memory_space<vmem>>) dst(%dma_wait3A_38 : memref<128x64xf32, #tpu.memory_space<vmem_shared>>)
      tpu.yield
    }) : () -> ()
    %add3A_23 = arith.constant 1152 : i32
    %add3A_24 = arith.addi %mul3A_0, %add3A_23 : i32
    "tpu.region"() ({
      %run_scoped3A = tpu.sem_alloc : memref<!tpu.dma_semaphore, #tpu.memory_space<semaphore_mem>>
      %dma_start3A = arith.constant 0 : i32
      %dma_start3A_33 = arith.constant 0 : i32
      %dma_start3A_34 = tpu.memref_slice %arg9[%dma_start3A, %dma_start3A_33] : memref<128x64xf32, #tpu.memory_space<vmem>> -> memref<104x64xf32, #tpu.memory_space<vmem>>
      %dma_start3A_35 = arith.constant 0 : i32
      %dma_start3A_36 = tpu.memref_slice %arg8[%add3A_24, %dma_start3A_35] : memref<20096x64xf32, #tpu.memory_space<vmem_shared>> -> memref<104x64xf32, #tpu.memory_space<vmem_shared>>
      %dma_start3A_37 = arith.constant 0 : i32
      %dma_start3A_38 = tpu.memref_slice %arg8[%add3A_24, %dma_start3A_37] : memref<20096x64xf32, #tpu.memory_space<vmem_shared>> -> memref<104x64xf32, #tpu.memory_space<vmem_shared>>
      %dma_start3A_39 = arith.constant 0 : i32
      %dma_start3A_40 = arith.constant 0 : i32
      %dma_start3A_41 = tpu.memref_slice %arg9[%dma_start3A_39, %dma_start3A_40] : memref<128x64xf32, #tpu.memory_space<vmem>> -> memref<104x64xf32, #tpu.memory_space<vmem>>
      tpu.enqueue_dma source(%dma_start3A_41 : memref<104x64xf32, #tpu.memory_space<vmem>>) target(%dma_start3A_38 : memref<104x64xf32, #tpu.memory_space<vmem_shared>>) target_semaphore(%run_scoped3A : memref<!tpu.dma_semaphore, #tpu.memory_space<semaphore_mem>>)
      %dma_wait3A = arith.constant 0 : i32
      %dma_wait3A_42 = arith.constant 0 : i32
      %dma_wait3A_43 = tpu.memref_slice %arg9[%dma_wait3A, %dma_wait3A_42] : memref<128x64xf32, #tpu.memory_space<vmem>> -> memref<104x64xf32, #tpu.memory_space<vmem>>
      %dma_wait3A_44 = arith.constant 0 : i32
      %dma_wait3A_45 = tpu.memref_slice %arg8[%add3A_24, %dma_wait3A_44] : memref<20096x64xf32, #tpu.memory_space<vmem_shared>> -> memref<104x64xf32, #tpu.memory_space<vmem_shared>>
      %dma_wait3A_46 = arith.constant 0 : i32
      %dma_wait3A_47 = tpu.memref_slice %arg8[%add3A_24, %dma_wait3A_46] : memref<20096x64xf32, #tpu.memory_space<vmem_shared>> -> memref<104x64xf32, #tpu.memory_space<vmem_shared>>
      %dma_wait3A_48 = arith.constant 0 : i32
      %dma_wait3A_49 = arith.constant 0 : i32
      %dma_wait3A_50 = tpu.memref_slice %arg9[%dma_wait3A_48, %dma_wait3A_49] : memref<128x64xf32, #tpu.memory_space<vmem>> -> memref<104x64xf32, #tpu.memory_space<vmem>>
      tpu.wait_dma2 semaphore(%run_scoped3A : memref<!tpu.dma_semaphore, #tpu.memory_space<semaphore_mem>>) src(%dma_wait3A_50 : memref<104x64xf32, #tpu.memory_space<vmem>>) dst(%dma_wait3A_47 : memref<104x64xf32, #tpu.memory_space<vmem_shared>>)
      tpu.yield
    }) : () -> ()
    %barrier3A = arith.constant 0 : index
    tpu.barrier barrier_id(%barrier3A)
    %eq3A = arith.constant 0 : i32
    %eq3A_25 = arith.cmpi eq, %arg0, %eq3A : i32
    %convert_element_type3A = arith.extui %eq3A_25 : i1 to i32
    %cond3A = arith.constant 0 : i32
    %cond3A_26 = arith.cmpi ne, %convert_element_type3A, %cond3A : i32
    scf.if %cond3A_26 {
      "tpu.region"() ({
        %run_scoped3A_98 = tpu.sem_alloc : memref<!tpu.dma_semaphore, #tpu.memory_space<semaphore_mem>>
        %dma_start3A_99 = arith.constant 0 : i32
        %dma_start3A_100 = arith.constant 0 : i32
        %dma_start3A_101 = tpu.memref_slice %arg3[%arg1, %dma_start3A_99, %dma_start3A_100] : memref<16x160x128xi32, #tpu.memory_space<hbm>> -> memref<1x80x128xi32, #tpu.memory_space<hbm>>
        %dma_start3A_102 = tpu.memref_squeeze %dma_start3A_101 : memref<1x80x128xi32, #tpu.memory_space<hbm>> -> memref<80x128xi32, #tpu.memory_space<hbm>>
        %dma_start3A_103 = arith.constant 0 : i32
        %dma_start3A_104 = arith.constant 0 : i32
        %dma_start3A_105 = tpu.memref_slice %arg3[%arg1, %dma_start3A_103, %dma_start3A_104] : memref<16x160x128xi32, #tpu.memory_space<hbm>> -> memref<1x80x128xi32, #tpu.memory_space<hbm>>
        %dma_start3A_106 = tpu.memref_squeeze %dma_start3A_105 : memref<1x80x128xi32, #tpu.memory_space<hbm>> -> memref<80x128xi32, #tpu.memory_space<hbm>>
        tpu.enqueue_dma source(%dma_start3A_106 : memref<80x128xi32, #tpu.memory_space<hbm>>) target(%arg11 : memref<80x128xi32, #tpu.memory_space<vmem>>) target_semaphore(%run_scoped3A_98 : memref<!tpu.dma_semaphore, #tpu.memory_space<semaphore_mem>>)
        %dma_wait3A_107 = arith.constant 0 : i32
        %dma_wait3A_108 = arith.constant 0 : i32
        %dma_wait3A_109 = tpu.memref_slice %arg3[%arg1, %dma_wait3A_107, %dma_wait3A_108] : memref<16x160x128xi32, #tpu.memory_space<hbm>> -> memref<1x80x128xi32, #tpu.memory_space<hbm>>
        %dma_wait3A_110 = tpu.memref_squeeze %dma_wait3A_109 : memref<1x80x128xi32, #tpu.memory_space<hbm>> -> memref<80x128xi32, #tpu.memory_space<hbm>>
        %dma_wait3A_111 = arith.constant 0 : i32
        %dma_wait3A_112 = arith.constant 0 : i32
        %dma_wait3A_113 = tpu.memref_slice %arg3[%arg1, %dma_wait3A_111, %dma_wait3A_112] : memref<16x160x128xi32, #tpu.memory_space<hbm>> -> memref<1x80x128xi32, #tpu.memory_space<hbm>>
        %dma_wait3A_114 = tpu.memref_squeeze %dma_wait3A_113 : memref<1x80x128xi32, #tpu.memory_space<hbm>> -> memref<80x128xi32, #tpu.memory_space<hbm>>
        tpu.wait_dma2 semaphore(%run_scoped3A_98 : memref<!tpu.dma_semaphore, #tpu.memory_space<semaphore_mem>>) src(%dma_wait3A_114 : memref<80x128xi32, #tpu.memory_space<hbm>>) dst(%arg11 : memref<80x128xi32, #tpu.memory_space<vmem>>)
        tpu.yield
      }) : () -> ()
      "tpu.region"() ({
        %run_scoped3A_98 = tpu.sem_alloc : memref<!tpu.dma_semaphore, #tpu.memory_space<semaphore_mem>>
        %dma_start3A_99 = arith.constant 0 : i32
        %dma_start3A_100 = arith.constant 0 : i32
        %dma_start3A_101 = tpu.memref_slice %arg5[%arg1, %dma_start3A_99, %dma_start3A_100] : memref<16x160x128xi32, #tpu.memory_space<hbm>> -> memref<1x80x128xi32, #tpu.memory_space<hbm>>
        %dma_start3A_102 = tpu.memref_squeeze %dma_start3A_101 : memref<1x80x128xi32, #tpu.memory_space<hbm>> -> memref<80x128xi32, #tpu.memory_space<hbm>>
        %dma_start3A_103 = arith.constant 0 : i32
        %dma_start3A_104 = arith.constant 0 : i32
        %dma_start3A_105 = tpu.memref_slice %arg5[%arg1, %dma_start3A_103, %dma_start3A_104] : memref<16x160x128xi32, #tpu.memory_space<hbm>> -> memref<1x80x128xi32, #tpu.memory_space<hbm>>
        %dma_start3A_106 = tpu.memref_squeeze %dma_start3A_105 : memref<1x80x128xi32, #tpu.memory_space<hbm>> -> memref<80x128xi32, #tpu.memory_space<hbm>>
        tpu.enqueue_dma source(%dma_start3A_106 : memref<80x128xi32, #tpu.memory_space<hbm>>) target(%arg12 : memref<80x128xi32, #tpu.memory_space<vmem>>) target_semaphore(%run_scoped3A_98 : memref<!tpu.dma_semaphore, #tpu.memory_space<semaphore_mem>>)
        %dma_wait3A_107 = arith.constant 0 : i32
        %dma_wait3A_108 = arith.constant 0 : i32
        %dma_wait3A_109 = tpu.memref_slice %arg5[%arg1, %dma_wait3A_107, %dma_wait3A_108] : memref<16x160x128xi32, #tpu.memory_space<hbm>> -> memref<1x80x128xi32, #tpu.memory_space<hbm>>
        %dma_wait3A_110 = tpu.memref_squeeze %dma_wait3A_109 : memref<1x80x128xi32, #tpu.memory_space<hbm>> -> memref<80x128xi32, #tpu.memory_space<hbm>>
        %dma_wait3A_111 = arith.constant 0 : i32
        %dma_wait3A_112 = arith.constant 0 : i32
        %dma_wait3A_113 = tpu.memref_slice %arg5[%arg1, %dma_wait3A_111, %dma_wait3A_112] : memref<16x160x128xi32, #tpu.memory_space<hbm>> -> memref<1x80x128xi32, #tpu.memory_space<hbm>>
        %dma_wait3A_114 = tpu.memref_squeeze %dma_wait3A_113 : memref<1x80x128xi32, #tpu.memory_space<hbm>> -> memref<80x128xi32, #tpu.memory_space<hbm>>
        tpu.wait_dma2 semaphore(%run_scoped3A_98 : memref<!tpu.dma_semaphore, #tpu.memory_space<semaphore_mem>>) src(%dma_wait3A_114 : memref<80x128xi32, #tpu.memory_space<hbm>>) dst(%arg12 : memref<80x128xi32, #tpu.memory_space<vmem>>)
        tpu.yield
      }) : () -> ()
      %dma_start3A = arith.constant 0 : i32
      %dma_start3A_33 = arith.constant 0 : i32
      %dma_start3A_34 = tpu.memref_slice %arg11[%dma_start3A, %dma_start3A_33] : memref<80x128xi32, #tpu.memory_space<vmem>> -> memref<1x128xi32, #tpu.memory_space<vmem>>
      %dma_start3A_35 = tpu.memref_squeeze %dma_start3A_34 : memref<1x128xi32, #tpu.memory_space<vmem>> -> memref<128xi32, #tpu.memory_space<vmem>>
      %dma_start3A_36 = arith.constant 0 : i32
      %dma_start3A_37 = arith.constant 0 : i32
      %dma_start3A_38 = tpu.memref_slice %arg2[%dma_start3A_36, %dma_start3A_37] : memref<20096x64xf32, #tpu.memory_space<hbm>> -> memref<20096x64xf32, #tpu.memory_space<hbm>>
      tpu.enqueue_indirect_dma source(%dma_start3A_38 : memref<20096x64xf32, #tpu.memory_space<hbm>>) target(%arg9 : memref<128x64xf32, #tpu.memory_space<vmem>>) offsets(%dma_start3A_35 : memref<128xi32, #tpu.memory_space<vmem>>) semaphore(%arg13 : memref<!tpu.dma_semaphore, #tpu.memory_space<semaphore_mem>>)
      %scan3A_39 = arith.constant 0 : i32
      %scan3A_40 = arith.constant 0 : i32
      %scan3A_41 = arith.constant 39 : i32
      %scan3A_42 = arith.addi %scan3A_40, %scan3A_41 : i32
      %scan3A_43 = arith.constant 1 : i32
      scf.for %scan3A_98 = %scan3A_40 to %scan3A_42 step %scan3A_43  : i32 {
        %mul3A_99 = arith.constant 2 : i32
        %mul3A_100 = arith.muli %mul3A_99, %scan3A_98 : i32
        %add3A_101 = arith.constant 1 : i32
        %add3A_102 = arith.addi %mul3A_100, %add3A_101 : i32
        %dma_start3A_103 = arith.constant 0 : i32
        %dma_start3A_104 = tpu.memref_slice %arg11[%add3A_102, %dma_start3A_103] : memref<80x128xi32, #tpu.memory_space<vmem>> -> memref<1x128xi32, #tpu.memory_space<vmem>>
        %dma_start3A_105 = tpu.memref_squeeze %dma_start3A_104 : memref<1x128xi32, #tpu.memory_space<vmem>> -> memref<128xi32, #tpu.memory_space<vmem>>
        %dma_start3A_106 = arith.constant 0 : i32
        %dma_start3A_107 = arith.constant 0 : i32
        %dma_start3A_108 = tpu.memref_slice %arg2[%dma_start3A_106, %dma_start3A_107] : memref<20096x64xf32, #tpu.memory_space<hbm>> -> memref<20096x64xf32, #tpu.memory_space<hbm>>
        tpu.enqueue_indirect_dma source(%dma_start3A_108 : memref<20096x64xf32, #tpu.memory_space<hbm>>) target(%arg10 : memref<128x64xf32, #tpu.memory_space<vmem>>) offsets(%dma_start3A_105 : memref<128xi32, #tpu.memory_space<vmem>>) semaphore(%arg14 : memref<!tpu.dma_semaphore, #tpu.memory_space<semaphore_mem>>)
        %dma_wait3A_109 = arith.constant 0 : i32
        %dma_wait3A_110 = arith.constant 0 : i32
        %dma_wait3A_111 = tpu.memref_slice %arg2[%dma_wait3A_109, %dma_wait3A_110] : memref<20096x64xf32, #tpu.memory_space<hbm>> -> memref<128x64xf32, #tpu.memory_space<hbm>>
        %dma_wait3A_112 = arith.constant 0 : i32
        %dma_wait3A_113 = arith.constant 0 : i32
        %dma_wait3A_114 = tpu.memref_slice %arg2[%dma_wait3A_112, %dma_wait3A_113] : memref<20096x64xf32, #tpu.memory_space<hbm>> -> memref<128x64xf32, #tpu.memory_space<hbm>>
        tpu.wait_dma2 semaphore(%arg13 : memref<!tpu.dma_semaphore, #tpu.memory_space<semaphore_mem>>) src(%dma_wait3A_114 : memref<128x64xf32, #tpu.memory_space<hbm>>) dst(%arg9 : memref<128x64xf32, #tpu.memory_space<vmem>>)
        %mul3A_115 = arith.constant 2 : i32
        %mul3A_116 = arith.muli %mul3A_115, %scan3A_98 : i32
        "tpu.region"() ({
          %run_scoped3A_137 = tpu.sem_alloc : memref<!tpu.dma_semaphore, #tpu.memory_space<semaphore_mem>>
          %dma_start3A_138 = arith.constant 0 : i32
          %dma_start3A_139 = tpu.memref_slice %arg12[%mul3A_116, %dma_start3A_138] : memref<80x128xi32, #tpu.memory_space<vmem>> -> memref<1x128xi32, #tpu.memory_space<vmem>>
          %dma_start3A_140 = tpu.memref_squeeze %dma_start3A_139 : memref<1x128xi32, #tpu.memory_space<vmem>> -> memref<128xi32, #tpu.memory_space<vmem>>
          %dma_start3A_141 = arith.constant 0 : i32
          %dma_start3A_142 = arith.constant 0 : i32
          %dma_start3A_143 = tpu.memref_slice %arg8[%dma_start3A_141, %dma_start3A_142] : memref<20096x64xf32, #tpu.memory_space<vmem_shared>> -> memref<20096x64xf32, #tpu.memory_space<vmem_shared>>
          tpu.enqueue_indirect_dma source(%arg9 : memref<128x64xf32, #tpu.memory_space<vmem>>) target(%dma_start3A_143 : memref<20096x64xf32, #tpu.memory_space<vmem_shared>>) offsets(%dma_start3A_140 : memref<128xi32, #tpu.memory_space<vmem>>) semaphore(%run_scoped3A_137 : memref<!tpu.dma_semaphore, #tpu.memory_space<semaphore_mem>>) {add = true}
          %dma_wait3A_144 = arith.constant 0 : i32
          %dma_wait3A_145 = tpu.memref_slice %arg12[%mul3A_116, %dma_wait3A_144] : memref<80x128xi32, #tpu.memory_space<vmem>> -> memref<1x128xi32, #tpu.memory_space<vmem>>
          %dma_wait3A_146 = tpu.memref_squeeze %dma_wait3A_145 : memref<1x128xi32, #tpu.memory_space<vmem>> -> memref<128xi32, #tpu.memory_space<vmem>>
          %dma_wait3A_147 = arith.constant 0 : i32
          %dma_wait3A_148 = arith.constant 0 : i32
          %dma_wait3A_149 = tpu.memref_slice %arg8[%dma_wait3A_147, %dma_wait3A_148] : memref<20096x64xf32, #tpu.memory_space<vmem_shared>> -> memref<20096x64xf32, #tpu.memory_space<vmem_shared>>
          tpu.wait_indirect_dma semaphore(%run_scoped3A_137 : memref<!tpu.dma_semaphore, #tpu.memory_space<semaphore_mem>>) src(%arg9 : memref<128x64xf32, #tpu.memory_space<vmem>>) dst(%dma_wait3A_149 : memref<20096x64xf32, #tpu.memory_space<vmem_shared>>)
          tpu.yield
        }) : () -> ()
        %mul3A_117 = arith.constant 2 : i32
        %mul3A_118 = arith.muli %mul3A_117, %scan3A_98 : i32
        %add3A_119 = arith.constant 2 : i32
        %add3A_120 = arith.addi %mul3A_118, %add3A_119 : i32
        %dma_start3A_121 = arith.constant 0 : i32
        %dma_start3A_122 = tpu.memref_slice %arg11[%add3A_120, %dma_start3A_121] : memref<80x128xi32, #tpu.memory_space<vmem>> -> memref<1x128xi32, #tpu.memory_space<vmem>>
        %dma_start3A_123 = tpu.memref_squeeze %dma_start3A_122 : memref<1x128xi32, #tpu.memory_space<vmem>> -> memref<128xi32, #tpu.memory_space<vmem>>
        %dma_start3A_124 = arith.constant 0 : i32
        %dma_start3A_125 = arith.constant 0 : i32
        %dma_start3A_126 = tpu.memref_slice %arg2[%dma_start3A_124, %dma_start3A_125] : memref<20096x64xf32, #tpu.memory_space<hbm>> -> memref<20096x64xf32, #tpu.memory_space<hbm>>
        tpu.enqueue_indirect_dma source(%dma_start3A_126 : memref<20096x64xf32, #tpu.memory_space<hbm>>) target(%arg9 : memref<128x64xf32, #tpu.memory_space<vmem>>) offsets(%dma_start3A_123 : memref<128xi32, #tpu.memory_space<vmem>>) semaphore(%arg13 : memref<!tpu.dma_semaphore, #tpu.memory_space<semaphore_mem>>)
        %dma_wait3A_127 = arith.constant 0 : i32
        %dma_wait3A_128 = arith.constant 0 : i32
        %dma_wait3A_129 = tpu.memref_slice %arg2[%dma_wait3A_127, %dma_wait3A_128] : memref<20096x64xf32, #tpu.memory_space<hbm>> -> memref<128x64xf32, #tpu.memory_space<hbm>>
        %dma_wait3A_130 = arith.constant 0 : i32
        %dma_wait3A_131 = arith.constant 0 : i32
        %dma_wait3A_132 = tpu.memref_slice %arg2[%dma_wait3A_130, %dma_wait3A_131] : memref<20096x64xf32, #tpu.memory_space<hbm>> -> memref<128x64xf32, #tpu.memory_space<hbm>>
        tpu.wait_dma2 semaphore(%arg14 : memref<!tpu.dma_semaphore, #tpu.memory_space<semaphore_mem>>) src(%dma_wait3A_132 : memref<128x64xf32, #tpu.memory_space<hbm>>) dst(%arg10 : memref<128x64xf32, #tpu.memory_space<vmem>>)
        %mul3A_133 = arith.constant 2 : i32
        %mul3A_134 = arith.muli %mul3A_133, %scan3A_98 : i32
        %add3A_135 = arith.constant 1 : i32
        %add3A_136 = arith.addi %mul3A_134, %add3A_135 : i32
        "tpu.region"() ({
          %run_scoped3A_137 = tpu.sem_alloc : memref<!tpu.dma_semaphore, #tpu.memory_space<semaphore_mem>>
          %dma_start3A_138 = arith.constant 0 : i32
          %dma_start3A_139 = tpu.memref_slice %arg12[%add3A_136, %dma_start3A_138] : memref<80x128xi32, #tpu.memory_space<vmem>> -> memref<1x128xi32, #tpu.memory_space<vmem>>
          %dma_start3A_140 = tpu.memref_squeeze %dma_start3A_139 : memref<1x128xi32, #tpu.memory_space<vmem>> -> memref<128xi32, #tpu.memory_space<vmem>>
          %dma_start3A_141 = arith.constant 0 : i32
          %dma_start3A_142 = arith.constant 0 : i32
          %dma_start3A_143 = tpu.memref_slice %arg8[%dma_start3A_141, %dma_start3A_142] : memref<20096x64xf32, #tpu.memory_space<vmem_shared>> -> memref<20096x64xf32, #tpu.memory_space<vmem_shared>>
          tpu.enqueue_indirect_dma source(%arg10 : memref<128x64xf32, #tpu.memory_space<vmem>>) target(%dma_start3A_143 : memref<20096x64xf32, #tpu.memory_space<vmem_shared>>) offsets(%dma_start3A_140 : memref<128xi32, #tpu.memory_space<vmem>>) semaphore(%run_scoped3A_137 : memref<!tpu.dma_semaphore, #tpu.memory_space<semaphore_mem>>) {add = true}
          %dma_wait3A_144 = arith.constant 0 : i32
          %dma_wait3A_145 = tpu.memref_slice %arg12[%add3A_136, %dma_wait3A_144] : memref<80x128xi32, #tpu.memory_space<vmem>> -> memref<1x128xi32, #tpu.memory_space<vmem>>
          %dma_wait3A_146 = tpu.memref_squeeze %dma_wait3A_145 : memref<1x128xi32, #tpu.memory_space<vmem>> -> memref<128xi32, #tpu.memory_space<vmem>>
          %dma_wait3A_147 = arith.constant 0 : i32
          %dma_wait3A_148 = arith.constant 0 : i32
          %dma_wait3A_149 = tpu.memref_slice %arg8[%dma_wait3A_147, %dma_wait3A_148] : memref<20096x64xf32, #tpu.memory_space<vmem_shared>> -> memref<20096x64xf32, #tpu.memory_space<vmem_shared>>
          tpu.wait_indirect_dma semaphore(%run_scoped3A_137 : memref<!tpu.dma_semaphore, #tpu.memory_space<semaphore_mem>>) src(%arg10 : memref<128x64xf32, #tpu.memory_space<vmem>>) dst(%dma_wait3A_149 : memref<20096x64xf32, #tpu.memory_space<vmem_shared>>)
          tpu.yield
        }) : () -> ()
      }
      %scan3A_44 = arith.constant 39 : i32
      %dma_start3A_45 = arith.constant 79 : i32
      %dma_start3A_46 = arith.constant 0 : i32
      %dma_start3A_47 = tpu.memref_slice %arg11[%dma_start3A_45, %dma_start3A_46] : memref<80x128xi32, #tpu.memory_space<vmem>> -> memref<1x128xi32, #tpu.memory_space<vmem>>
      %dma_start3A_48 = tpu.memref_squeeze %dma_start3A_47 : memref<1x128xi32, #tpu.memory_space<vmem>> -> memref<128xi32, #tpu.memory_space<vmem>>
      %dma_start3A_49 = arith.constant 0 : i32
      %dma_start3A_50 = arith.constant 0 : i32
      %dma_start3A_51 = tpu.memref_slice %arg2[%dma_start3A_49, %dma_start3A_50] : memref<20096x64xf32, #tpu.memory_space<hbm>> -> memref<20096x64xf32, #tpu.memory_space<hbm>>
      tpu.enqueue_indirect_dma source(%dma_start3A_51 : memref<20096x64xf32, #tpu.memory_space<hbm>>) target(%arg10 : memref<128x64xf32, #tpu.memory_space<vmem>>) offsets(%dma_start3A_48 : memref<128xi32, #tpu.memory_space<vmem>>) semaphore(%arg14 : memref<!tpu.dma_semaphore, #tpu.memory_space<semaphore_mem>>)
      %dma_wait3A = arith.constant 0 : i32
      %dma_wait3A_52 = arith.constant 0 : i32
      %dma_wait3A_53 = tpu.memref_slice %arg2[%dma_wait3A, %dma_wait3A_52] : memref<20096x64xf32, #tpu.memory_space<hbm>> -> memref<128x64xf32, #tpu.memory_space<hbm>>
      %dma_wait3A_54 = arith.constant 0 : i32
      %dma_wait3A_55 = arith.constant 0 : i32
      %dma_wait3A_56 = tpu.memref_slice %arg2[%dma_wait3A_54, %dma_wait3A_55] : memref<20096x64xf32, #tpu.memory_space<hbm>> -> memref<128x64xf32, #tpu.memory_space<hbm>>
      tpu.wait_dma2 semaphore(%arg13 : memref<!tpu.dma_semaphore, #tpu.memory_space<semaphore_mem>>) src(%dma_wait3A_56 : memref<128x64xf32, #tpu.memory_space<hbm>>) dst(%arg9 : memref<128x64xf32, #tpu.memory_space<vmem>>)
      %run_scoped3A = arith.constant 78 : i32
      "tpu.region"() ({
        %run_scoped3A_98 = tpu.sem_alloc : memref<!tpu.dma_semaphore, #tpu.memory_space<semaphore_mem>>
        %dma_start3A_99 = arith.constant 0 : i32
        %dma_start3A_100 = tpu.memref_slice %arg12[%run_scoped3A, %dma_start3A_99] : memref<80x128xi32, #tpu.memory_space<vmem>> -> memref<1x128xi32, #tpu.memory_space<vmem>>
        %dma_start3A_101 = tpu.memref_squeeze %dma_start3A_100 : memref<1x128xi32, #tpu.memory_space<vmem>> -> memref<128xi32, #tpu.memory_space<vmem>>
        %dma_start3A_102 = arith.constant 0 : i32
        %dma_start3A_103 = arith.constant 0 : i32
        %dma_start3A_104 = tpu.memref_slice %arg8[%dma_start3A_102, %dma_start3A_103] : memref<20096x64xf32, #tpu.memory_space<vmem_shared>> -> memref<20096x64xf32, #tpu.memory_space<vmem_shared>>
        tpu.enqueue_indirect_dma source(%arg9 : memref<128x64xf32, #tpu.memory_space<vmem>>) target(%dma_start3A_104 : memref<20096x64xf32, #tpu.memory_space<vmem_shared>>) offsets(%dma_start3A_101 : memref<128xi32, #tpu.memory_space<vmem>>) semaphore(%run_scoped3A_98 : memref<!tpu.dma_semaphore, #tpu.memory_space<semaphore_mem>>) {add = true}
        %dma_wait3A_105 = arith.constant 0 : i32
        %dma_wait3A_106 = tpu.memref_slice %arg12[%run_scoped3A, %dma_wait3A_105] : memref<80x128xi32, #tpu.memory_space<vmem>> -> memref<1x128xi32, #tpu.memory_space<vmem>>
        %dma_wait3A_107 = tpu.memref_squeeze %dma_wait3A_106 : memref<1x128xi32, #tpu.memory_space<vmem>> -> memref<128xi32, #tpu.memory_space<vmem>>
        %dma_wait3A_108 = arith.constant 0 : i32
        %dma_wait3A_109 = arith.constant 0 : i32
        %dma_wait3A_110 = tpu.memref_slice %arg8[%dma_wait3A_108, %dma_wait3A_109] : memref<20096x64xf32, #tpu.memory_space<vmem_shared>> -> memref<20096x64xf32, #tpu.memory_space<vmem_shared>>
        tpu.wait_indirect_dma semaphore(%run_scoped3A_98 : memref<!tpu.dma_semaphore, #tpu.memory_space<semaphore_mem>>) src(%arg9 : memref<128x64xf32, #tpu.memory_space<vmem>>) dst(%dma_wait3A_110 : memref<20096x64xf32, #tpu.memory_space<vmem_shared>>)
        tpu.yield
      }) : () -> ()
      %dma_wait3A_57 = arith.constant 0 : i32
      %dma_wait3A_58 = arith.constant 0 : i32
      %dma_wait3A_59 = tpu.memref_slice %arg2[%dma_wait3A_57, %dma_wait3A_58] : memref<20096x64xf32, #tpu.memory_space<hbm>> -> memref<128x64xf32, #tpu.memory_space<hbm>>
      %dma_wait3A_60 = arith.constant 0 : i32
      %dma_wait3A_61 = arith.constant 0 : i32
      %dma_wait3A_62 = tpu.memref_slice %arg2[%dma_wait3A_60, %dma_wait3A_61] : memref<20096x64xf32, #tpu.memory_space<hbm>> -> memref<128x64xf32, #tpu.memory_space<hbm>>
      tpu.wait_dma2 semaphore(%arg14 : memref<!tpu.dma_semaphore, #tpu.memory_space<semaphore_mem>>) src(%dma_wait3A_62 : memref<128x64xf32, #tpu.memory_space<hbm>>) dst(%arg10 : memref<128x64xf32, #tpu.memory_space<vmem>>)
      %run_scoped3A_63 = arith.constant 79 : i32
      "tpu.region"() ({
        %run_scoped3A_98 = tpu.sem_alloc : memref<!tpu.dma_semaphore, #tpu.memory_space<semaphore_mem>>
        %dma_start3A_99 = arith.constant 0 : i32
        %dma_start3A_100 = tpu.memref_slice %arg12[%run_scoped3A_63, %dma_start3A_99] : memref<80x128xi32, #tpu.memory_space<vmem>> -> memref<1x128xi32, #tpu.memory_space<vmem>>
        %dma_start3A_101 = tpu.memref_squeeze %dma_start3A_100 : memref<1x128xi32, #tpu.memory_space<vmem>> -> memref<128xi32, #tpu.memory_space<vmem>>
        %dma_start3A_102 = arith.constant 0 : i32
        %dma_start3A_103 = arith.constant 0 : i32
        %dma_start3A_104 = tpu.memref_slice %arg8[%dma_start3A_102, %dma_start3A_103] : memref<20096x64xf32, #tpu.memory_space<vmem_shared>> -> memref<20096x64xf32, #tpu.memory_space<vmem_shared>>
        tpu.enqueue_indirect_dma source(%arg10 : memref<128x64xf32, #tpu.memory_space<vmem>>) target(%dma_start3A_104 : memref<20096x64xf32, #tpu.memory_space<vmem_shared>>) offsets(%dma_start3A_101 : memref<128xi32, #tpu.memory_space<vmem>>) semaphore(%run_scoped3A_98 : memref<!tpu.dma_semaphore, #tpu.memory_space<semaphore_mem>>) {add = true}
        %dma_wait3A_105 = arith.constant 0 : i32
        %dma_wait3A_106 = tpu.memref_slice %arg12[%run_scoped3A_63, %dma_wait3A_105] : memref<80x128xi32, #tpu.memory_space<vmem>> -> memref<1x128xi32, #tpu.memory_space<vmem>>
        %dma_wait3A_107 = tpu.memref_squeeze %dma_wait3A_106 : memref<1x128xi32, #tpu.memory_space<vmem>> -> memref<128xi32, #tpu.memory_space<vmem>>
        %dma_wait3A_108 = arith.constant 0 : i32
        %dma_wait3A_109 = arith.constant 0 : i32
        %dma_wait3A_110 = tpu.memref_slice %arg8[%dma_wait3A_108, %dma_wait3A_109] : memref<20096x64xf32, #tpu.memory_space<vmem_shared>> -> memref<20096x64xf32, #tpu.memory_space<vmem_shared>>
        tpu.wait_indirect_dma semaphore(%run_scoped3A_98 : memref<!tpu.dma_semaphore, #tpu.memory_space<semaphore_mem>>) src(%arg10 : memref<128x64xf32, #tpu.memory_space<vmem>>) dst(%dma_wait3A_110 : memref<20096x64xf32, #tpu.memory_space<vmem_shared>>)
        tpu.yield
      }) : () -> ()
      "tpu.region"() ({
        %run_scoped3A_98 = tpu.sem_alloc : memref<!tpu.dma_semaphore, #tpu.memory_space<semaphore_mem>>
        %dma_start3A_99 = arith.constant 80 : i32
        %dma_start3A_100 = arith.constant 0 : i32
        %dma_start3A_101 = tpu.memref_slice %arg3[%arg1, %dma_start3A_99, %dma_start3A_100] : memref<16x160x128xi32, #tpu.memory_space<hbm>> -> memref<1x80x128xi32, #tpu.memory_space<hbm>>
        %dma_start3A_102 = tpu.memref_squeeze %dma_start3A_101 : memref<1x80x128xi32, #tpu.memory_space<hbm>> -> memref<80x128xi32, #tpu.memory_space<hbm>>
        %dma_start3A_103 = arith.constant 80 : i32
        %dma_start3A_104 = arith.constant 0 : i32
        %dma_start3A_105 = tpu.memref_slice %arg3[%arg1, %dma_start3A_103, %dma_start3A_104] : memref<16x160x128xi32, #tpu.memory_space<hbm>> -> memref<1x80x128xi32, #tpu.memory_space<hbm>>
        %dma_start3A_106 = tpu.memref_squeeze %dma_start3A_105 : memref<1x80x128xi32, #tpu.memory_space<hbm>> -> memref<80x128xi32, #tpu.memory_space<hbm>>
        tpu.enqueue_dma source(%dma_start3A_106 : memref<80x128xi32, #tpu.memory_space<hbm>>) target(%arg11 : memref<80x128xi32, #tpu.memory_space<vmem>>) target_semaphore(%run_scoped3A_98 : memref<!tpu.dma_semaphore, #tpu.memory_space<semaphore_mem>>)
        %dma_wait3A_107 = arith.constant 80 : i32
        %dma_wait3A_108 = arith.constant 0 : i32
        %dma_wait3A_109 = tpu.memref_slice %arg3[%arg1, %dma_wait3A_107, %dma_wait3A_108] : memref<16x160x128xi32, #tpu.memory_space<hbm>> -> memref<1x80x128xi32, #tpu.memory_space<hbm>>
        %dma_wait3A_110 = tpu.memref_squeeze %dma_wait3A_109 : memref<1x80x128xi32, #tpu.memory_space<hbm>> -> memref<80x128xi32, #tpu.memory_space<hbm>>
        %dma_wait3A_111 = arith.constant 80 : i32
        %dma_wait3A_112 = arith.constant 0 : i32
        %dma_wait3A_113 = tpu.memref_slice %arg3[%arg1, %dma_wait3A_111, %dma_wait3A_112] : memref<16x160x128xi32, #tpu.memory_space<hbm>> -> memref<1x80x128xi32, #tpu.memory_space<hbm>>
        %dma_wait3A_114 = tpu.memref_squeeze %dma_wait3A_113 : memref<1x80x128xi32, #tpu.memory_space<hbm>> -> memref<80x128xi32, #tpu.memory_space<hbm>>
        tpu.wait_dma2 semaphore(%run_scoped3A_98 : memref<!tpu.dma_semaphore, #tpu.memory_space<semaphore_mem>>) src(%dma_wait3A_114 : memref<80x128xi32, #tpu.memory_space<hbm>>) dst(%arg11 : memref<80x128xi32, #tpu.memory_space<vmem>>)
        tpu.yield
      }) : () -> ()
      "tpu.region"() ({
        %run_scoped3A_98 = tpu.sem_alloc : memref<!tpu.dma_semaphore, #tpu.memory_space<semaphore_mem>>
        %dma_start3A_99 = arith.constant 80 : i32
        %dma_start3A_100 = arith.constant 0 : i32
        %dma_start3A_101 = tpu.memref_slice %arg5[%arg1, %dma_start3A_99, %dma_start3A_100] : memref<16x160x128xi32, #tpu.memory_space<hbm>> -> memref<1x80x128xi32, #tpu.memory_space<hbm>>
        %dma_start3A_102 = tpu.memref_squeeze %dma_start3A_101 : memref<1x80x128xi32, #tpu.memory_space<hbm>> -> memref<80x128xi32, #tpu.memory_space<hbm>>
        %dma_start3A_103 = arith.constant 80 : i32
        %dma_start3A_104 = arith.constant 0 : i32
        %dma_start3A_105 = tpu.memref_slice %arg5[%arg1, %dma_start3A_103, %dma_start3A_104] : memref<16x160x128xi32, #tpu.memory_space<hbm>> -> memref<1x80x128xi32, #tpu.memory_space<hbm>>
        %dma_start3A_106 = tpu.memref_squeeze %dma_start3A_105 : memref<1x80x128xi32, #tpu.memory_space<hbm>> -> memref<80x128xi32, #tpu.memory_space<hbm>>
        tpu.enqueue_dma source(%dma_start3A_106 : memref<80x128xi32, #tpu.memory_space<hbm>>) target(%arg12 : memref<80x128xi32, #tpu.memory_space<vmem>>) target_semaphore(%run_scoped3A_98 : memref<!tpu.dma_semaphore, #tpu.memory_space<semaphore_mem>>)
        %dma_wait3A_107 = arith.constant 80 : i32
        %dma_wait3A_108 = arith.constant 0 : i32
        %dma_wait3A_109 = tpu.memref_slice %arg5[%arg1, %dma_wait3A_107, %dma_wait3A_108] : memref<16x160x128xi32, #tpu.memory_space<hbm>> -> memref<1x80x128xi32, #tpu.memory_space<hbm>>
        %dma_wait3A_110 = tpu.memref_squeeze %dma_wait3A_109 : memref<1x80x128xi32, #tpu.memory_space<hbm>> -> memref<80x128xi32, #tpu.memory_space<hbm>>
        %dma_wait3A_111 = arith.constant 80 : i32
        %dma_wait3A_112 = arith.constant 0 : i32
        %dma_wait3A_113 = tpu.memref_slice %arg5[%arg1, %dma_wait3A_111, %dma_wait3A_112] : memref<16x160x128xi32, #tpu.memory_space<hbm>> -> memref<1x80x128xi32, #tpu.memory_space<hbm>>
        %dma_wait3A_114 = tpu.memref_squeeze %dma_wait3A_113 : memref<1x80x128xi32, #tpu.memory_space<hbm>> -> memref<80x128xi32, #tpu.memory_space<hbm>>
        tpu.wait_dma2 semaphore(%run_scoped3A_98 : memref<!tpu.dma_semaphore, #tpu.memory_space<semaphore_mem>>) src(%dma_wait3A_114 : memref<80x128xi32, #tpu.memory_space<hbm>>) dst(%arg12 : memref<80x128xi32, #tpu.memory_space<vmem>>)
        tpu.yield
      }) : () -> ()
      %dma_start3A_64 = arith.constant 0 : i32
      %dma_start3A_65 = arith.constant 0 : i32
      %dma_start3A_66 = tpu.memref_slice %arg11[%dma_start3A_64, %dma_start3A_65] : memref<80x128xi32, #tpu.memory_space<vmem>> -> memref<1x128xi32, #tpu.memory_space<vmem>>
      %dma_start3A_67 = tpu.memref_squeeze %dma_start3A_66 : memref<1x128xi32, #tpu.memory_space<vmem>> -> memref<128xi32, #tpu.memory_space<vmem>>
      %dma_start3A_68 = arith.constant 0 : i32
      %dma_start3A_69 = arith.constant 0 : i32
      %dma_start3A_70 = tpu.memref_slice %arg2[%dma_start3A_68, %dma_start3A_69] : memref<20096x64xf32, #tpu.memory_space<hbm>> -> memref<20096x64xf32, #tpu.memory_space<hbm>>
      tpu.enqueue_indirect_dma source(%dma_start3A_70 : memref<20096x64xf32, #tpu.memory_space<hbm>>) target(%arg9 : memref<128x64xf32, #tpu.memory_space<vmem>>) offsets(%dma_start3A_67 : memref<128xi32, #tpu.memory_space<vmem>>) semaphore(%arg13 : memref<!tpu.dma_semaphore, #tpu.memory_space<semaphore_mem>>)
      %scan3A_71 = arith.constant 0 : i32
      %scan3A_72 = arith.constant 0 : i32
      %scan3A_73 = arith.constant 39 : i32
      %scan3A_74 = arith.addi %scan3A_72, %scan3A_73 : i32
      %scan3A_75 = arith.constant 1 : i32
      scf.for %scan3A_98 = %scan3A_72 to %scan3A_74 step %scan3A_75  : i32 {
        %mul3A_99 = arith.constant 2 : i32
        %mul3A_100 = arith.muli %mul3A_99, %scan3A_98 : i32
        %add3A_101 = arith.constant 1 : i32
        %add3A_102 = arith.addi %mul3A_100, %add3A_101 : i32
        %dma_start3A_103 = arith.constant 0 : i32
        %dma_start3A_104 = tpu.memref_slice %arg11[%add3A_102, %dma_start3A_103] : memref<80x128xi32, #tpu.memory_space<vmem>> -> memref<1x128xi32, #tpu.memory_space<vmem>>
        %dma_start3A_105 = tpu.memref_squeeze %dma_start3A_104 : memref<1x128xi32, #tpu.memory_space<vmem>> -> memref<128xi32, #tpu.memory_space<vmem>>
        %dma_start3A_106 = arith.constant 0 : i32
        %dma_start3A_107 = arith.constant 0 : i32
        %dma_start3A_108 = tpu.memref_slice %arg2[%dma_start3A_106, %dma_start3A_107] : memref<20096x64xf32, #tpu.memory_space<hbm>> -> memref<20096x64xf32, #tpu.memory_space<hbm>>
        tpu.enqueue_indirect_dma source(%dma_start3A_108 : memref<20096x64xf32, #tpu.memory_space<hbm>>) target(%arg10 : memref<128x64xf32, #tpu.memory_space<vmem>>) offsets(%dma_start3A_105 : memref<128xi32, #tpu.memory_space<vmem>>) semaphore(%arg14 : memref<!tpu.dma_semaphore, #tpu.memory_space<semaphore_mem>>)
        %dma_wait3A_109 = arith.constant 0 : i32
        %dma_wait3A_110 = arith.constant 0 : i32
        %dma_wait3A_111 = tpu.memref_slice %arg2[%dma_wait3A_109, %dma_wait3A_110] : memref<20096x64xf32, #tpu.memory_space<hbm>> -> memref<128x64xf32, #tpu.memory_space<hbm>>
        %dma_wait3A_112 = arith.constant 0 : i32
        %dma_wait3A_113 = arith.constant 0 : i32
        %dma_wait3A_114 = tpu.memref_slice %arg2[%dma_wait3A_112, %dma_wait3A_113] : memref<20096x64xf32, #tpu.memory_space<hbm>> -> memref<128x64xf32, #tpu.memory_space<hbm>>
        tpu.wait_dma2 semaphore(%arg13 : memref<!tpu.dma_semaphore, #tpu.memory_space<semaphore_mem>>) src(%dma_wait3A_114 : memref<128x64xf32, #tpu.memory_space<hbm>>) dst(%arg9 : memref<128x64xf32, #tpu.memory_space<vmem>>)
        %mul3A_115 = arith.constant 2 : i32
        %mul3A_116 = arith.muli %mul3A_115, %scan3A_98 : i32
        "tpu.region"() ({
          %run_scoped3A_137 = tpu.sem_alloc : memref<!tpu.dma_semaphore, #tpu.memory_space<semaphore_mem>>
          %dma_start3A_138 = arith.constant 0 : i32
          %dma_start3A_139 = tpu.memref_slice %arg12[%mul3A_116, %dma_start3A_138] : memref<80x128xi32, #tpu.memory_space<vmem>> -> memref<1x128xi32, #tpu.memory_space<vmem>>
          %dma_start3A_140 = tpu.memref_squeeze %dma_start3A_139 : memref<1x128xi32, #tpu.memory_space<vmem>> -> memref<128xi32, #tpu.memory_space<vmem>>
          %dma_start3A_141 = arith.constant 0 : i32
          %dma_start3A_142 = arith.constant 0 : i32
          %dma_start3A_143 = tpu.memref_slice %arg8[%dma_start3A_141, %dma_start3A_142] : memref<20096x64xf32, #tpu.memory_space<vmem_shared>> -> memref<20096x64xf32, #tpu.memory_space<vmem_shared>>
          tpu.enqueue_indirect_dma source(%arg9 : memref<128x64xf32, #tpu.memory_space<vmem>>) target(%dma_start3A_143 : memref<20096x64xf32, #tpu.memory_space<vmem_shared>>) offsets(%dma_start3A_140 : memref<128xi32, #tpu.memory_space<vmem>>) semaphore(%run_scoped3A_137 : memref<!tpu.dma_semaphore, #tpu.memory_space<semaphore_mem>>) {add = true}
          %dma_wait3A_144 = arith.constant 0 : i32
          %dma_wait3A_145 = tpu.memref_slice %arg12[%mul3A_116, %dma_wait3A_144] : memref<80x128xi32, #tpu.memory_space<vmem>> -> memref<1x128xi32, #tpu.memory_space<vmem>>
          %dma_wait3A_146 = tpu.memref_squeeze %dma_wait3A_145 : memref<1x128xi32, #tpu.memory_space<vmem>> -> memref<128xi32, #tpu.memory_space<vmem>>
          %dma_wait3A_147 = arith.constant 0 : i32
          %dma_wait3A_148 = arith.constant 0 : i32
          %dma_wait3A_149 = tpu.memref_slice %arg8[%dma_wait3A_147, %dma_wait3A_148] : memref<20096x64xf32, #tpu.memory_space<vmem_shared>> -> memref<20096x64xf32, #tpu.memory_space<vmem_shared>>
          tpu.wait_indirect_dma semaphore(%run_scoped3A_137 : memref<!tpu.dma_semaphore, #tpu.memory_space<semaphore_mem>>) src(%arg9 : memref<128x64xf32, #tpu.memory_space<vmem>>) dst(%dma_wait3A_149 : memref<20096x64xf32, #tpu.memory_space<vmem_shared>>)
          tpu.yield
        }) : () -> ()
        %mul3A_117 = arith.constant 2 : i32
        %mul3A_118 = arith.muli %mul3A_117, %scan3A_98 : i32
        %add3A_119 = arith.constant 2 : i32
        %add3A_120 = arith.addi %mul3A_118, %add3A_119 : i32
        %dma_start3A_121 = arith.constant 0 : i32
        %dma_start3A_122 = tpu.memref_slice %arg11[%add3A_120, %dma_start3A_121] : memref<80x128xi32, #tpu.memory_space<vmem>> -> memref<1x128xi32, #tpu.memory_space<vmem>>
        %dma_start3A_123 = tpu.memref_squeeze %dma_start3A_122 : memref<1x128xi32, #tpu.memory_space<vmem>> -> memref<128xi32, #tpu.memory_space<vmem>>
        %dma_start3A_124 = arith.constant 0 : i32
        %dma_start3A_125 = arith.constant 0 : i32
        %dma_start3A_126 = tpu.memref_slice %arg2[%dma_start3A_124, %dma_start3A_125] : memref<20096x64xf32, #tpu.memory_space<hbm>> -> memref<20096x64xf32, #tpu.memory_space<hbm>>
        tpu.enqueue_indirect_dma source(%dma_start3A_126 : memref<20096x64xf32, #tpu.memory_space<hbm>>) target(%arg9 : memref<128x64xf32, #tpu.memory_space<vmem>>) offsets(%dma_start3A_123 : memref<128xi32, #tpu.memory_space<vmem>>) semaphore(%arg13 : memref<!tpu.dma_semaphore, #tpu.memory_space<semaphore_mem>>)
        %dma_wait3A_127 = arith.constant 0 : i32
        %dma_wait3A_128 = arith.constant 0 : i32
        %dma_wait3A_129 = tpu.memref_slice %arg2[%dma_wait3A_127, %dma_wait3A_128] : memref<20096x64xf32, #tpu.memory_space<hbm>> -> memref<128x64xf32, #tpu.memory_space<hbm>>
        %dma_wait3A_130 = arith.constant 0 : i32
        %dma_wait3A_131 = arith.constant 0 : i32
        %dma_wait3A_132 = tpu.memref_slice %arg2[%dma_wait3A_130, %dma_wait3A_131] : memref<20096x64xf32, #tpu.memory_space<hbm>> -> memref<128x64xf32, #tpu.memory_space<hbm>>
        tpu.wait_dma2 semaphore(%arg14 : memref<!tpu.dma_semaphore, #tpu.memory_space<semaphore_mem>>) src(%dma_wait3A_132 : memref<128x64xf32, #tpu.memory_space<hbm>>) dst(%arg10 : memref<128x64xf32, #tpu.memory_space<vmem>>)
        %mul3A_133 = arith.constant 2 : i32
        %mul3A_134 = arith.muli %mul3A_133, %scan3A_98 : i32
        %add3A_135 = arith.constant 1 : i32
        %add3A_136 = arith.addi %mul3A_134, %add3A_135 : i32
        "tpu.region"() ({
          %run_scoped3A_137 = tpu.sem_alloc : memref<!tpu.dma_semaphore, #tpu.memory_space<semaphore_mem>>
          %dma_start3A_138 = arith.constant 0 : i32
          %dma_start3A_139 = tpu.memref_slice %arg12[%add3A_136, %dma_start3A_138] : memref<80x128xi32, #tpu.memory_space<vmem>> -> memref<1x128xi32, #tpu.memory_space<vmem>>
          %dma_start3A_140 = tpu.memref_squeeze %dma_start3A_139 : memref<1x128xi32, #tpu.memory_space<vmem>> -> memref<128xi32, #tpu.memory_space<vmem>>
          %dma_start3A_141 = arith.constant 0 : i32
          %dma_start3A_142 = arith.constant 0 : i32
          %dma_start3A_143 = tpu.memref_slice %arg8[%dma_start3A_141, %dma_start3A_142] : memref<20096x64xf32, #tpu.memory_space<vmem_shared>> -> memref<20096x64xf32, #tpu.memory_space<vmem_shared>>
          tpu.enqueue_indirect_dma source(%arg10 : memref<128x64xf32, #tpu.memory_space<vmem>>) target(%dma_start3A_143 : memref<20096x64xf32, #tpu.memory_space<vmem_shared>>) offsets(%dma_start3A_140 : memref<128xi32, #tpu.memory_space<vmem>>) semaphore(%run_scoped3A_137 : memref<!tpu.dma_semaphore, #tpu.memory_space<semaphore_mem>>) {add = true}
          %dma_wait3A_144 = arith.constant 0 : i32
          %dma_wait3A_145 = tpu.memref_slice %arg12[%add3A_136, %dma_wait3A_144] : memref<80x128xi32, #tpu.memory_space<vmem>> -> memref<1x128xi32, #tpu.memory_space<vmem>>
          %dma_wait3A_146 = tpu.memref_squeeze %dma_wait3A_145 : memref<1x128xi32, #tpu.memory_space<vmem>> -> memref<128xi32, #tpu.memory_space<vmem>>
          %dma_wait3A_147 = arith.constant 0 : i32
          %dma_wait3A_148 = arith.constant 0 : i32
          %dma_wait3A_149 = tpu.memref_slice %arg8[%dma_wait3A_147, %dma_wait3A_148] : memref<20096x64xf32, #tpu.memory_space<vmem_shared>> -> memref<20096x64xf32, #tpu.memory_space<vmem_shared>>
          tpu.wait_indirect_dma semaphore(%run_scoped3A_137 : memref<!tpu.dma_semaphore, #tpu.memory_space<semaphore_mem>>) src(%arg10 : memref<128x64xf32, #tpu.memory_space<vmem>>) dst(%dma_wait3A_149 : memref<20096x64xf32, #tpu.memory_space<vmem_shared>>)
          tpu.yield
        }) : () -> ()
      }
      %scan3A_76 = arith.constant 39 : i32
      %dma_start3A_77 = arith.constant 79 : i32
      %dma_start3A_78 = arith.constant 0 : i32
      %dma_start3A_79 = tpu.memref_slice %arg11[%dma_start3A_77, %dma_start3A_78] : memref<80x128xi32, #tpu.memory_space<vmem>> -> memref<1x128xi32, #tpu.memory_space<vmem>>
      %dma_start3A_80 = tpu.memref_squeeze %dma_start3A_79 : memref<1x128xi32, #tpu.memory_space<vmem>> -> memref<128xi32, #tpu.memory_space<vmem>>
      %dma_start3A_81 = arith.constant 0 : i32
      %dma_start3A_82 = arith.constant 0 : i32
      %dma_start3A_83 = tpu.memref_slice %arg2[%dma_start3A_81, %dma_start3A_82] : memref<20096x64xf32, #tpu.memory_space<hbm>> -> memref<20096x64xf32, #tpu.memory_space<hbm>>
      tpu.enqueue_indirect_dma source(%dma_start3A_83 : memref<20096x64xf32, #tpu.memory_space<hbm>>) target(%arg10 : memref<128x64xf32, #tpu.memory_space<vmem>>) offsets(%dma_start3A_80 : memref<128xi32, #tpu.memory_space<vmem>>) semaphore(%arg14 : memref<!tpu.dma_semaphore, #tpu.memory_space<semaphore_mem>>)
      %dma_wait3A_84 = arith.constant 0 : i32
      %dma_wait3A_85 = arith.constant 0 : i32
      %dma_wait3A_86 = tpu.memref_slice %arg2[%dma_wait3A_84, %dma_wait3A_85] : memref<20096x64xf32, #tpu.memory_space<hbm>> -> memref<128x64xf32, #tpu.memory_space<hbm>>
      %dma_wait3A_87 = arith.constant 0 : i32
      %dma_wait3A_88 = arith.constant 0 : i32
      %dma_wait3A_89 = tpu.memref_slice %arg2[%dma_wait3A_87, %dma_wait3A_88] : memref<20096x64xf32, #tpu.memory_space<hbm>> -> memref<128x64xf32, #tpu.memory_space<hbm>>
      tpu.wait_dma2 semaphore(%arg13 : memref<!tpu.dma_semaphore, #tpu.memory_space<semaphore_mem>>) src(%dma_wait3A_89 : memref<128x64xf32, #tpu.memory_space<hbm>>) dst(%arg9 : memref<128x64xf32, #tpu.memory_space<vmem>>)
      %run_scoped3A_90 = arith.constant 78 : i32
      "tpu.region"() ({
        %run_scoped3A_98 = tpu.sem_alloc : memref<!tpu.dma_semaphore, #tpu.memory_space<semaphore_mem>>
        %dma_start3A_99 = arith.constant 0 : i32
        %dma_start3A_100 = tpu.memref_slice %arg12[%run_scoped3A_90, %dma_start3A_99] : memref<80x128xi32, #tpu.memory_space<vmem>> -> memref<1x128xi32, #tpu.memory_space<vmem>>
        %dma_start3A_101 = tpu.memref_squeeze %dma_start3A_100 : memref<1x128xi32, #tpu.memory_space<vmem>> -> memref<128xi32, #tpu.memory_space<vmem>>
        %dma_start3A_102 = arith.constant 0 : i32
        %dma_start3A_103 = arith.constant 0 : i32
        %dma_start3A_104 = tpu.memref_slice %arg8[%dma_start3A_102, %dma_start3A_103] : memref<20096x64xf32, #tpu.memory_space<vmem_shared>> -> memref<20096x64xf32, #tpu.memory_space<vmem_shared>>
        tpu.enqueue_indirect_dma source(%arg9 : memref<128x64xf32, #tpu.memory_space<vmem>>) target(%dma_start3A_104 : memref<20096x64xf32, #tpu.memory_space<vmem_shared>>) offsets(%dma_start3A_101 : memref<128xi32, #tpu.memory_space<vmem>>) semaphore(%run_scoped3A_98 : memref<!tpu.dma_semaphore, #tpu.memory_space<semaphore_mem>>) {add = true}
        %dma_wait3A_105 = arith.constant 0 : i32
        %dma_wait3A_106 = tpu.memref_slice %arg12[%run_scoped3A_90, %dma_wait3A_105] : memref<80x128xi32, #tpu.memory_space<vmem>> -> memref<1x128xi32, #tpu.memory_space<vmem>>
        %dma_wait3A_107 = tpu.memref_squeeze %dma_wait3A_106 : memref<1x128xi32, #tpu.memory_space<vmem>> -> memref<128xi32, #tpu.memory_space<vmem>>
        %dma_wait3A_108 = arith.constant 0 : i32
        %dma_wait3A_109 = arith.constant 0 : i32
        %dma_wait3A_110 = tpu.memref_slice %arg8[%dma_wait3A_108, %dma_wait3A_109] : memref<20096x64xf32, #tpu.memory_space<vmem_shared>> -> memref<20096x64xf32, #tpu.memory_space<vmem_shared>>
        tpu.wait_indirect_dma semaphore(%run_scoped3A_98 : memref<!tpu.dma_semaphore, #tpu.memory_space<semaphore_mem>>) src(%arg9 : memref<128x64xf32, #tpu.memory_space<vmem>>) dst(%dma_wait3A_110 : memref<20096x64xf32, #tpu.memory_space<vmem_shared>>)
        tpu.yield
      }) : () -> ()
      %dma_wait3A_91 = arith.constant 0 : i32
      %dma_wait3A_92 = arith.constant 0 : i32
      %dma_wait3A_93 = tpu.memref_slice %arg2[%dma_wait3A_91, %dma_wait3A_92] : memref<20096x64xf32, #tpu.memory_space<hbm>> -> memref<128x64xf32, #tpu.memory_space<hbm>>
      %dma_wait3A_94 = arith.constant 0 : i32
      %dma_wait3A_95 = arith.constant 0 : i32
      %dma_wait3A_96 = tpu.memref_slice %arg2[%dma_wait3A_94, %dma_wait3A_95] : memref<20096x64xf32, #tpu.memory_space<hbm>> -> memref<128x64xf32, #tpu.memory_space<hbm>>
      tpu.wait_dma2 semaphore(%arg14 : memref<!tpu.dma_semaphore, #tpu.memory_space<semaphore_mem>>) src(%dma_wait3A_96 : memref<128x64xf32, #tpu.memory_space<hbm>>) dst(%arg10 : memref<128x64xf32, #tpu.memory_space<vmem>>)
      %run_scoped3A_97 = arith.constant 79 : i32
      "tpu.region"() ({
        %run_scoped3A_98 = tpu.sem_alloc : memref<!tpu.dma_semaphore, #tpu.memory_space<semaphore_mem>>
        %dma_start3A_99 = arith.constant 0 : i32
        %dma_start3A_100 = tpu.memref_slice %arg12[%run_scoped3A_97, %dma_start3A_99] : memref<80x128xi32, #tpu.memory_space<vmem>> -> memref<1x128xi32, #tpu.memory_space<vmem>>
        %dma_start3A_101 = tpu.memref_squeeze %dma_start3A_100 : memref<1x128xi32, #tpu.memory_space<vmem>> -> memref<128xi32, #tpu.memory_space<vmem>>
        %dma_start3A_102 = arith.constant 0 : i32
        %dma_start3A_103 = arith.constant 0 : i32
        %dma_start3A_104 = tpu.memref_slice %arg8[%dma_start3A_102, %dma_start3A_103] : memref<20096x64xf32, #tpu.memory_space<vmem_shared>> -> memref<20096x64xf32, #tpu.memory_space<vmem_shared>>
        tpu.enqueue_indirect_dma source(%arg10 : memref<128x64xf32, #tpu.memory_space<vmem>>) target(%dma_start3A_104 : memref<20096x64xf32, #tpu.memory_space<vmem_shared>>) offsets(%dma_start3A_101 : memref<128xi32, #tpu.memory_space<vmem>>) semaphore(%run_scoped3A_98 : memref<!tpu.dma_semaphore, #tpu.memory_space<semaphore_mem>>) {add = true}
        %dma_wait3A_105 = arith.constant 0 : i32
        %dma_wait3A_106 = tpu.memref_slice %arg12[%run_scoped3A_97, %dma_wait3A_105] : memref<80x128xi32, #tpu.memory_space<vmem>> -> memref<1x128xi32, #tpu.memory_space<vmem>>
        %dma_wait3A_107 = tpu.memref_squeeze %dma_wait3A_106 : memref<1x128xi32, #tpu.memory_space<vmem>> -> memref<128xi32, #tpu.memory_space<vmem>>
        %dma_wait3A_108 = arith.constant 0 : i32
        %dma_wait3A_109 = arith.constant 0 : i32
        %dma_wait3A_110 = tpu.memref_slice %arg8[%dma_wait3A_108, %dma_wait3A_109] : memref<20096x64xf32, #tpu.memory_space<vmem_shared>> -> memref<20096x64xf32, #tpu.memory_space<vmem_shared>>
        tpu.wait_indirect_dma semaphore(%run_scoped3A_98 : memref<!tpu.dma_semaphore, #tpu.memory_space<semaphore_mem>>) src(%arg10 : memref<128x64xf32, #tpu.memory_space<vmem>>) dst(%dma_wait3A_110 : memref<20096x64xf32, #tpu.memory_space<vmem_shared>>)
        tpu.yield
      }) : () -> ()
    } else {
    }
    %eq3A_27 = arith.constant 1 : i32
    %eq3A_28 = arith.cmpi eq, %arg0, %eq3A_27 : i32
    %convert_element_type3A_29 = arith.extui %eq3A_28 : i1 to i32
    %cond3A_30 = arith.constant 0 : i32
    %cond3A_31 = arith.cmpi ne, %convert_element_type3A_29, %cond3A_30 : i32
    scf.if %cond3A_31 {
      "tpu.region"() ({
        %run_scoped3A_98 = tpu.sem_alloc : memref<!tpu.dma_semaphore, #tpu.memory_space<semaphore_mem>>
        %dma_start3A_99 = arith.constant 0 : i32
        %dma_start3A_100 = arith.constant 0 : i32
        %dma_start3A_101 = tpu.memref_slice %arg4[%arg1, %dma_start3A_99, %dma_start3A_100] : memref<16x160x128xi32, #tpu.memory_space<hbm>> -> memref<1x80x128xi32, #tpu.memory_space<hbm>>
        %dma_start3A_102 = tpu.memref_squeeze %dma_start3A_101 : memref<1x80x128xi32, #tpu.memory_space<hbm>> -> memref<80x128xi32, #tpu.memory_space<hbm>>
        %dma_start3A_103 = arith.constant 0 : i32
        %dma_start3A_104 = arith.constant 0 : i32
        %dma_start3A_105 = tpu.memref_slice %arg4[%arg1, %dma_start3A_103, %dma_start3A_104] : memref<16x160x128xi32, #tpu.memory_space<hbm>> -> memref<1x80x128xi32, #tpu.memory_space<hbm>>
        %dma_start3A_106 = tpu.memref_squeeze %dma_start3A_105 : memref<1x80x128xi32, #tpu.memory_space<hbm>> -> memref<80x128xi32, #tpu.memory_space<hbm>>
        tpu.enqueue_dma source(%dma_start3A_106 : memref<80x128xi32, #tpu.memory_space<hbm>>) target(%arg11 : memref<80x128xi32, #tpu.memory_space<vmem>>) target_semaphore(%run_scoped3A_98 : memref<!tpu.dma_semaphore, #tpu.memory_space<semaphore_mem>>)
        %dma_wait3A_107 = arith.constant 0 : i32
        %dma_wait3A_108 = arith.constant 0 : i32
        %dma_wait3A_109 = tpu.memref_slice %arg4[%arg1, %dma_wait3A_107, %dma_wait3A_108] : memref<16x160x128xi32, #tpu.memory_space<hbm>> -> memref<1x80x128xi32, #tpu.memory_space<hbm>>
        %dma_wait3A_110 = tpu.memref_squeeze %dma_wait3A_109 : memref<1x80x128xi32, #tpu.memory_space<hbm>> -> memref<80x128xi32, #tpu.memory_space<hbm>>
        %dma_wait3A_111 = arith.constant 0 : i32
        %dma_wait3A_112 = arith.constant 0 : i32
        %dma_wait3A_113 = tpu.memref_slice %arg4[%arg1, %dma_wait3A_111, %dma_wait3A_112] : memref<16x160x128xi32, #tpu.memory_space<hbm>> -> memref<1x80x128xi32, #tpu.memory_space<hbm>>
        %dma_wait3A_114 = tpu.memref_squeeze %dma_wait3A_113 : memref<1x80x128xi32, #tpu.memory_space<hbm>> -> memref<80x128xi32, #tpu.memory_space<hbm>>
        tpu.wait_dma2 semaphore(%run_scoped3A_98 : memref<!tpu.dma_semaphore, #tpu.memory_space<semaphore_mem>>) src(%dma_wait3A_114 : memref<80x128xi32, #tpu.memory_space<hbm>>) dst(%arg11 : memref<80x128xi32, #tpu.memory_space<vmem>>)
        tpu.yield
      }) : () -> ()
      "tpu.region"() ({
        %run_scoped3A_98 = tpu.sem_alloc : memref<!tpu.dma_semaphore, #tpu.memory_space<semaphore_mem>>
        %dma_start3A_99 = arith.constant 0 : i32
        %dma_start3A_100 = arith.constant 0 : i32
        %dma_start3A_101 = tpu.memref_slice %arg6[%arg1, %dma_start3A_99, %dma_start3A_100] : memref<16x160x128xi32, #tpu.memory_space<hbm>> -> memref<1x80x128xi32, #tpu.memory_space<hbm>>
        %dma_start3A_102 = tpu.memref_squeeze %dma_start3A_101 : memref<1x80x128xi32, #tpu.memory_space<hbm>> -> memref<80x128xi32, #tpu.memory_space<hbm>>
        %dma_start3A_103 = arith.constant 0 : i32
        %dma_start3A_104 = arith.constant 0 : i32
        %dma_start3A_105 = tpu.memref_slice %arg6[%arg1, %dma_start3A_103, %dma_start3A_104] : memref<16x160x128xi32, #tpu.memory_space<hbm>> -> memref<1x80x128xi32, #tpu.memory_space<hbm>>
        %dma_start3A_106 = tpu.memref_squeeze %dma_start3A_105 : memref<1x80x128xi32, #tpu.memory_space<hbm>> -> memref<80x128xi32, #tpu.memory_space<hbm>>
        tpu.enqueue_dma source(%dma_start3A_106 : memref<80x128xi32, #tpu.memory_space<hbm>>) target(%arg12 : memref<80x128xi32, #tpu.memory_space<vmem>>) target_semaphore(%run_scoped3A_98 : memref<!tpu.dma_semaphore, #tpu.memory_space<semaphore_mem>>)
        %dma_wait3A_107 = arith.constant 0 : i32
        %dma_wait3A_108 = arith.constant 0 : i32
        %dma_wait3A_109 = tpu.memref_slice %arg6[%arg1, %dma_wait3A_107, %dma_wait3A_108] : memref<16x160x128xi32, #tpu.memory_space<hbm>> -> memref<1x80x128xi32, #tpu.memory_space<hbm>>
        %dma_wait3A_110 = tpu.memref_squeeze %dma_wait3A_109 : memref<1x80x128xi32, #tpu.memory_space<hbm>> -> memref<80x128xi32, #tpu.memory_space<hbm>>
        %dma_wait3A_111 = arith.constant 0 : i32
        %dma_wait3A_112 = arith.constant 0 : i32
        %dma_wait3A_113 = tpu.memref_slice %arg6[%arg1, %dma_wait3A_111, %dma_wait3A_112] : memref<16x160x128xi32, #tpu.memory_space<hbm>> -> memref<1x80x128xi32, #tpu.memory_space<hbm>>
        %dma_wait3A_114 = tpu.memref_squeeze %dma_wait3A_113 : memref<1x80x128xi32, #tpu.memory_space<hbm>> -> memref<80x128xi32, #tpu.memory_space<hbm>>
        tpu.wait_dma2 semaphore(%run_scoped3A_98 : memref<!tpu.dma_semaphore, #tpu.memory_space<semaphore_mem>>) src(%dma_wait3A_114 : memref<80x128xi32, #tpu.memory_space<hbm>>) dst(%arg12 : memref<80x128xi32, #tpu.memory_space<vmem>>)
        tpu.yield
      }) : () -> ()
      %dma_start3A = arith.constant 0 : i32
      %dma_start3A_33 = arith.constant 0 : i32
      %dma_start3A_34 = tpu.memref_slice %arg11[%dma_start3A, %dma_start3A_33] : memref<80x128xi32, #tpu.memory_space<vmem>> -> memref<1x128xi32, #tpu.memory_space<vmem>>
      %dma_start3A_35 = tpu.memref_squeeze %dma_start3A_34 : memref<1x128xi32, #tpu.memory_space<vmem>> -> memref<128xi32, #tpu.memory_space<vmem>>
      %dma_start3A_36 = arith.constant 0 : i32
      %dma_start3A_37 = arith.constant 0 : i32
      %dma_start3A_38 = tpu.memref_slice %arg2[%dma_start3A_36, %dma_start3A_37] : memref<20096x64xf32, #tpu.memory_space<hbm>> -> memref<20096x64xf32, #tpu.memory_space<hbm>>
      tpu.enqueue_indirect_dma source(%dma_start3A_38 : memref<20096x64xf32, #tpu.memory_space<hbm>>) target(%arg9 : memref<128x64xf32, #tpu.memory_space<vmem>>) offsets(%dma_start3A_35 : memref<128xi32, #tpu.memory_space<vmem>>) semaphore(%arg13 : memref<!tpu.dma_semaphore, #tpu.memory_space<semaphore_mem>>)
      %scan3A_39 = arith.constant 0 : i32
      %scan3A_40 = arith.constant 0 : i32
      %scan3A_41 = arith.constant 39 : i32
      %scan3A_42 = arith.addi %scan3A_40, %scan3A_41 : i32
      %scan3A_43 = arith.constant 1 : i32
      scf.for %scan3A_98 = %scan3A_40 to %scan3A_42 step %scan3A_43  : i32 {
        %mul3A_99 = arith.constant 2 : i32
        %mul3A_100 = arith.muli %mul3A_99, %scan3A_98 : i32
        %add3A_101 = arith.constant 1 : i32
        %add3A_102 = arith.addi %mul3A_100, %add3A_101 : i32
        %dma_start3A_103 = arith.constant 0 : i32
        %dma_start3A_104 = tpu.memref_slice %arg11[%add3A_102, %dma_start3A_103] : memref<80x128xi32, #tpu.memory_space<vmem>> -> memref<1x128xi32, #tpu.memory_space<vmem>>
        %dma_start3A_105 = tpu.memref_squeeze %dma_start3A_104 : memref<1x128xi32, #tpu.memory_space<vmem>> -> memref<128xi32, #tpu.memory_space<vmem>>
        %dma_start3A_106 = arith.constant 0 : i32
        %dma_start3A_107 = arith.constant 0 : i32
        %dma_start3A_108 = tpu.memref_slice %arg2[%dma_start3A_106, %dma_start3A_107] : memref<20096x64xf32, #tpu.memory_space<hbm>> -> memref<20096x64xf32, #tpu.memory_space<hbm>>
        tpu.enqueue_indirect_dma source(%dma_start3A_108 : memref<20096x64xf32, #tpu.memory_space<hbm>>) target(%arg10 : memref<128x64xf32, #tpu.memory_space<vmem>>) offsets(%dma_start3A_105 : memref<128xi32, #tpu.memory_space<vmem>>) semaphore(%arg14 : memref<!tpu.dma_semaphore, #tpu.memory_space<semaphore_mem>>)
        %dma_wait3A_109 = arith.constant 0 : i32
        %dma_wait3A_110 = arith.constant 0 : i32
        %dma_wait3A_111 = tpu.memref_slice %arg2[%dma_wait3A_109, %dma_wait3A_110] : memref<20096x64xf32, #tpu.memory_space<hbm>> -> memref<128x64xf32, #tpu.memory_space<hbm>>
        %dma_wait3A_112 = arith.constant 0 : i32
        %dma_wait3A_113 = arith.constant 0 : i32
        %dma_wait3A_114 = tpu.memref_slice %arg2[%dma_wait3A_112, %dma_wait3A_113] : memref<20096x64xf32, #tpu.memory_space<hbm>> -> memref<128x64xf32, #tpu.memory_space<hbm>>
        tpu.wait_dma2 semaphore(%arg13 : memref<!tpu.dma_semaphore, #tpu.memory_space<semaphore_mem>>) src(%dma_wait3A_114 : memref<128x64xf32, #tpu.memory_space<hbm>>) dst(%arg9 : memref<128x64xf32, #tpu.memory_space<vmem>>)
        %mul3A_115 = arith.constant 2 : i32
        %mul3A_116 = arith.muli %mul3A_115, %scan3A_98 : i32
        "tpu.region"() ({
          %run_scoped3A_137 = tpu.sem_alloc : memref<!tpu.dma_semaphore, #tpu.memory_space<semaphore_mem>>
          %dma_start3A_138 = arith.constant 0 : i32
          %dma_start3A_139 = tpu.memref_slice %arg12[%mul3A_116, %dma_start3A_138] : memref<80x128xi32, #tpu.memory_space<vmem>> -> memref<1x128xi32, #tpu.memory_space<vmem>>
          %dma_start3A_140 = tpu.memref_squeeze %dma_start3A_139 : memref<1x128xi32, #tpu.memory_space<vmem>> -> memref<128xi32, #tpu.memory_space<vmem>>
          %dma_start3A_141 = arith.constant 0 : i32
          %dma_start3A_142 = arith.constant 0 : i32
          %dma_start3A_143 = tpu.memref_slice %arg8[%dma_start3A_141, %dma_start3A_142] : memref<20096x64xf32, #tpu.memory_space<vmem_shared>> -> memref<20096x64xf32, #tpu.memory_space<vmem_shared>>
          tpu.enqueue_indirect_dma source(%arg9 : memref<128x64xf32, #tpu.memory_space<vmem>>) target(%dma_start3A_143 : memref<20096x64xf32, #tpu.memory_space<vmem_shared>>) offsets(%dma_start3A_140 : memref<128xi32, #tpu.memory_space<vmem>>) semaphore(%run_scoped3A_137 : memref<!tpu.dma_semaphore, #tpu.memory_space<semaphore_mem>>) {add = true}
          %dma_wait3A_144 = arith.constant 0 : i32
          %dma_wait3A_145 = tpu.memref_slice %arg12[%mul3A_116, %dma_wait3A_144] : memref<80x128xi32, #tpu.memory_space<vmem>> -> memref<1x128xi32, #tpu.memory_space<vmem>>
          %dma_wait3A_146 = tpu.memref_squeeze %dma_wait3A_145 : memref<1x128xi32, #tpu.memory_space<vmem>> -> memref<128xi32, #tpu.memory_space<vmem>>
          %dma_wait3A_147 = arith.constant 0 : i32
          %dma_wait3A_148 = arith.constant 0 : i32
          %dma_wait3A_149 = tpu.memref_slice %arg8[%dma_wait3A_147, %dma_wait3A_148] : memref<20096x64xf32, #tpu.memory_space<vmem_shared>> -> memref<20096x64xf32, #tpu.memory_space<vmem_shared>>
          tpu.wait_indirect_dma semaphore(%run_scoped3A_137 : memref<!tpu.dma_semaphore, #tpu.memory_space<semaphore_mem>>) src(%arg9 : memref<128x64xf32, #tpu.memory_space<vmem>>) dst(%dma_wait3A_149 : memref<20096x64xf32, #tpu.memory_space<vmem_shared>>)
          tpu.yield
        }) : () -> ()
        %mul3A_117 = arith.constant 2 : i32
        %mul3A_118 = arith.muli %mul3A_117, %scan3A_98 : i32
        %add3A_119 = arith.constant 2 : i32
        %add3A_120 = arith.addi %mul3A_118, %add3A_119 : i32
        %dma_start3A_121 = arith.constant 0 : i32
        %dma_start3A_122 = tpu.memref_slice %arg11[%add3A_120, %dma_start3A_121] : memref<80x128xi32, #tpu.memory_space<vmem>> -> memref<1x128xi32, #tpu.memory_space<vmem>>
        %dma_start3A_123 = tpu.memref_squeeze %dma_start3A_122 : memref<1x128xi32, #tpu.memory_space<vmem>> -> memref<128xi32, #tpu.memory_space<vmem>>
        %dma_start3A_124 = arith.constant 0 : i32
        %dma_start3A_125 = arith.constant 0 : i32
        %dma_start3A_126 = tpu.memref_slice %arg2[%dma_start3A_124, %dma_start3A_125] : memref<20096x64xf32, #tpu.memory_space<hbm>> -> memref<20096x64xf32, #tpu.memory_space<hbm>>
        tpu.enqueue_indirect_dma source(%dma_start3A_126 : memref<20096x64xf32, #tpu.memory_space<hbm>>) target(%arg9 : memref<128x64xf32, #tpu.memory_space<vmem>>) offsets(%dma_start3A_123 : memref<128xi32, #tpu.memory_space<vmem>>) semaphore(%arg13 : memref<!tpu.dma_semaphore, #tpu.memory_space<semaphore_mem>>)
        %dma_wait3A_127 = arith.constant 0 : i32
        %dma_wait3A_128 = arith.constant 0 : i32
        %dma_wait3A_129 = tpu.memref_slice %arg2[%dma_wait3A_127, %dma_wait3A_128] : memref<20096x64xf32, #tpu.memory_space<hbm>> -> memref<128x64xf32, #tpu.memory_space<hbm>>
        %dma_wait3A_130 = arith.constant 0 : i32
        %dma_wait3A_131 = arith.constant 0 : i32
        %dma_wait3A_132 = tpu.memref_slice %arg2[%dma_wait3A_130, %dma_wait3A_131] : memref<20096x64xf32, #tpu.memory_space<hbm>> -> memref<128x64xf32, #tpu.memory_space<hbm>>
        tpu.wait_dma2 semaphore(%arg14 : memref<!tpu.dma_semaphore, #tpu.memory_space<semaphore_mem>>) src(%dma_wait3A_132 : memref<128x64xf32, #tpu.memory_space<hbm>>) dst(%arg10 : memref<128x64xf32, #tpu.memory_space<vmem>>)
        %mul3A_133 = arith.constant 2 : i32
        %mul3A_134 = arith.muli %mul3A_133, %scan3A_98 : i32
        %add3A_135 = arith.constant 1 : i32
        %add3A_136 = arith.addi %mul3A_134, %add3A_135 : i32
        "tpu.region"() ({
          %run_scoped3A_137 = tpu.sem_alloc : memref<!tpu.dma_semaphore, #tpu.memory_space<semaphore_mem>>
          %dma_start3A_138 = arith.constant 0 : i32
          %dma_start3A_139 = tpu.memref_slice %arg12[%add3A_136, %dma_start3A_138] : memref<80x128xi32, #tpu.memory_space<vmem>> -> memref<1x128xi32, #tpu.memory_space<vmem>>
          %dma_start3A_140 = tpu.memref_squeeze %dma_start3A_139 : memref<1x128xi32, #tpu.memory_space<vmem>> -> memref<128xi32, #tpu.memory_space<vmem>>
          %dma_start3A_141 = arith.constant 0 : i32
          %dma_start3A_142 = arith.constant 0 : i32
          %dma_start3A_143 = tpu.memref_slice %arg8[%dma_start3A_141, %dma_start3A_142] : memref<20096x64xf32, #tpu.memory_space<vmem_shared>> -> memref<20096x64xf32, #tpu.memory_space<vmem_shared>>
          tpu.enqueue_indirect_dma source(%arg10 : memref<128x64xf32, #tpu.memory_space<vmem>>) target(%dma_start3A_143 : memref<20096x64xf32, #tpu.memory_space<vmem_shared>>) offsets(%dma_start3A_140 : memref<128xi32, #tpu.memory_space<vmem>>) semaphore(%run_scoped3A_137 : memref<!tpu.dma_semaphore, #tpu.memory_space<semaphore_mem>>) {add = true}
          %dma_wait3A_144 = arith.constant 0 : i32
          %dma_wait3A_145 = tpu.memref_slice %arg12[%add3A_136, %dma_wait3A_144] : memref<80x128xi32, #tpu.memory_space<vmem>> -> memref<1x128xi32, #tpu.memory_space<vmem>>
          %dma_wait3A_146 = tpu.memref_squeeze %dma_wait3A_145 : memref<1x128xi32, #tpu.memory_space<vmem>> -> memref<128xi32, #tpu.memory_space<vmem>>
          %dma_wait3A_147 = arith.constant 0 : i32
          %dma_wait3A_148 = arith.constant 0 : i32
          %dma_wait3A_149 = tpu.memref_slice %arg8[%dma_wait3A_147, %dma_wait3A_148] : memref<20096x64xf32, #tpu.memory_space<vmem_shared>> -> memref<20096x64xf32, #tpu.memory_space<vmem_shared>>
          tpu.wait_indirect_dma semaphore(%run_scoped3A_137 : memref<!tpu.dma_semaphore, #tpu.memory_space<semaphore_mem>>) src(%arg10 : memref<128x64xf32, #tpu.memory_space<vmem>>) dst(%dma_wait3A_149 : memref<20096x64xf32, #tpu.memory_space<vmem_shared>>)
          tpu.yield
        }) : () -> ()
      }
      %scan3A_44 = arith.constant 39 : i32
      %dma_start3A_45 = arith.constant 79 : i32
      %dma_start3A_46 = arith.constant 0 : i32
      %dma_start3A_47 = tpu.memref_slice %arg11[%dma_start3A_45, %dma_start3A_46] : memref<80x128xi32, #tpu.memory_space<vmem>> -> memref<1x128xi32, #tpu.memory_space<vmem>>
      %dma_start3A_48 = tpu.memref_squeeze %dma_start3A_47 : memref<1x128xi32, #tpu.memory_space<vmem>> -> memref<128xi32, #tpu.memory_space<vmem>>
      %dma_start3A_49 = arith.constant 0 : i32
      %dma_start3A_50 = arith.constant 0 : i32
      %dma_start3A_51 = tpu.memref_slice %arg2[%dma_start3A_49, %dma_start3A_50] : memref<20096x64xf32, #tpu.memory_space<hbm>> -> memref<20096x64xf32, #tpu.memory_space<hbm>>
      tpu.enqueue_indirect_dma source(%dma_start3A_51 : memref<20096x64xf32, #tpu.memory_space<hbm>>) target(%arg10 : memref<128x64xf32, #tpu.memory_space<vmem>>) offsets(%dma_start3A_48 : memref<128xi32, #tpu.memory_space<vmem>>) semaphore(%arg14 : memref<!tpu.dma_semaphore, #tpu.memory_space<semaphore_mem>>)
      %dma_wait3A = arith.constant 0 : i32
      %dma_wait3A_52 = arith.constant 0 : i32
      %dma_wait3A_53 = tpu.memref_slice %arg2[%dma_wait3A, %dma_wait3A_52] : memref<20096x64xf32, #tpu.memory_space<hbm>> -> memref<128x64xf32, #tpu.memory_space<hbm>>
      %dma_wait3A_54 = arith.constant 0 : i32
      %dma_wait3A_55 = arith.constant 0 : i32
      %dma_wait3A_56 = tpu.memref_slice %arg2[%dma_wait3A_54, %dma_wait3A_55] : memref<20096x64xf32, #tpu.memory_space<hbm>> -> memref<128x64xf32, #tpu.memory_space<hbm>>
      tpu.wait_dma2 semaphore(%arg13 : memref<!tpu.dma_semaphore, #tpu.memory_space<semaphore_mem>>) src(%dma_wait3A_56 : memref<128x64xf32, #tpu.memory_space<hbm>>) dst(%arg9 : memref<128x64xf32, #tpu.memory_space<vmem>>)
      %run_scoped3A = arith.constant 78 : i32
      "tpu.region"() ({
        %run_scoped3A_98 = tpu.sem_alloc : memref<!tpu.dma_semaphore, #tpu.memory_space<semaphore_mem>>
        %dma_start3A_99 = arith.constant 0 : i32
        %dma_start3A_100 = tpu.memref_slice %arg12[%run_scoped3A, %dma_start3A_99] : memref<80x128xi32, #tpu.memory_space<vmem>> -> memref<1x128xi32, #tpu.memory_space<vmem>>
        %dma_start3A_101 = tpu.memref_squeeze %dma_start3A_100 : memref<1x128xi32, #tpu.memory_space<vmem>> -> memref<128xi32, #tpu.memory_space<vmem>>
        %dma_start3A_102 = arith.constant 0 : i32
        %dma_start3A_103 = arith.constant 0 : i32
        %dma_start3A_104 = tpu.memref_slice %arg8[%dma_start3A_102, %dma_start3A_103] : memref<20096x64xf32, #tpu.memory_space<vmem_shared>> -> memref<20096x64xf32, #tpu.memory_space<vmem_shared>>
        tpu.enqueue_indirect_dma source(%arg9 : memref<128x64xf32, #tpu.memory_space<vmem>>) target(%dma_start3A_104 : memref<20096x64xf32, #tpu.memory_space<vmem_shared>>) offsets(%dma_start3A_101 : memref<128xi32, #tpu.memory_space<vmem>>) semaphore(%run_scoped3A_98 : memref<!tpu.dma_semaphore, #tpu.memory_space<semaphore_mem>>) {add = true}
        %dma_wait3A_105 = arith.constant 0 : i32
        %dma_wait3A_106 = tpu.memref_slice %arg12[%run_scoped3A, %dma_wait3A_105] : memref<80x128xi32, #tpu.memory_space<vmem>> -> memref<1x128xi32, #tpu.memory_space<vmem>>
        %dma_wait3A_107 = tpu.memref_squeeze %dma_wait3A_106 : memref<1x128xi32, #tpu.memory_space<vmem>> -> memref<128xi32, #tpu.memory_space<vmem>>
        %dma_wait3A_108 = arith.constant 0 : i32
        %dma_wait3A_109 = arith.constant 0 : i32
        %dma_wait3A_110 = tpu.memref_slice %arg8[%dma_wait3A_108, %dma_wait3A_109] : memref<20096x64xf32, #tpu.memory_space<vmem_shared>> -> memref<20096x64xf32, #tpu.memory_space<vmem_shared>>
        tpu.wait_indirect_dma semaphore(%run_scoped3A_98 : memref<!tpu.dma_semaphore, #tpu.memory_space<semaphore_mem>>) src(%arg9 : memref<128x64xf32, #tpu.memory_space<vmem>>) dst(%dma_wait3A_110 : memref<20096x64xf32, #tpu.memory_space<vmem_shared>>)
        tpu.yield
      }) : () -> ()
      %dma_wait3A_57 = arith.constant 0 : i32
      %dma_wait3A_58 = arith.constant 0 : i32
      %dma_wait3A_59 = tpu.memref_slice %arg2[%dma_wait3A_57, %dma_wait3A_58] : memref<20096x64xf32, #tpu.memory_space<hbm>> -> memref<128x64xf32, #tpu.memory_space<hbm>>
      %dma_wait3A_60 = arith.constant 0 : i32
      %dma_wait3A_61 = arith.constant 0 : i32
      %dma_wait3A_62 = tpu.memref_slice %arg2[%dma_wait3A_60, %dma_wait3A_61] : memref<20096x64xf32, #tpu.memory_space<hbm>> -> memref<128x64xf32, #tpu.memory_space<hbm>>
      tpu.wait_dma2 semaphore(%arg14 : memref<!tpu.dma_semaphore, #tpu.memory_space<semaphore_mem>>) src(%dma_wait3A_62 : memref<128x64xf32, #tpu.memory_space<hbm>>) dst(%arg10 : memref<128x64xf32, #tpu.memory_space<vmem>>)
      %run_scoped3A_63 = arith.constant 79 : i32
      "tpu.region"() ({
        %run_scoped3A_98 = tpu.sem_alloc : memref<!tpu.dma_semaphore, #tpu.memory_space<semaphore_mem>>
        %dma_start3A_99 = arith.constant 0 : i32
        %dma_start3A_100 = tpu.memref_slice %arg12[%run_scoped3A_63, %dma_start3A_99] : memref<80x128xi32, #tpu.memory_space<vmem>> -> memref<1x128xi32, #tpu.memory_space<vmem>>
        %dma_start3A_101 = tpu.memref_squeeze %dma_start3A_100 : memref<1x128xi32, #tpu.memory_space<vmem>> -> memref<128xi32, #tpu.memory_space<vmem>>
        %dma_start3A_102 = arith.constant 0 : i32
        %dma_start3A_103 = arith.constant 0 : i32
        %dma_start3A_104 = tpu.memref_slice %arg8[%dma_start3A_102, %dma_start3A_103] : memref<20096x64xf32, #tpu.memory_space<vmem_shared>> -> memref<20096x64xf32, #tpu.memory_space<vmem_shared>>
        tpu.enqueue_indirect_dma source(%arg10 : memref<128x64xf32, #tpu.memory_space<vmem>>) target(%dma_start3A_104 : memref<20096x64xf32, #tpu.memory_space<vmem_shared>>) offsets(%dma_start3A_101 : memref<128xi32, #tpu.memory_space<vmem>>) semaphore(%run_scoped3A_98 : memref<!tpu.dma_semaphore, #tpu.memory_space<semaphore_mem>>) {add = true}
        %dma_wait3A_105 = arith.constant 0 : i32
        %dma_wait3A_106 = tpu.memref_slice %arg12[%run_scoped3A_63, %dma_wait3A_105] : memref<80x128xi32, #tpu.memory_space<vmem>> -> memref<1x128xi32, #tpu.memory_space<vmem>>
        %dma_wait3A_107 = tpu.memref_squeeze %dma_wait3A_106 : memref<1x128xi32, #tpu.memory_space<vmem>> -> memref<128xi32, #tpu.memory_space<vmem>>
        %dma_wait3A_108 = arith.constant 0 : i32
        %dma_wait3A_109 = arith.constant 0 : i32
        %dma_wait3A_110 = tpu.memref_slice %arg8[%dma_wait3A_108, %dma_wait3A_109] : memref<20096x64xf32, #tpu.memory_space<vmem_shared>> -> memref<20096x64xf32, #tpu.memory_space<vmem_shared>>
        tpu.wait_indirect_dma semaphore(%run_scoped3A_98 : memref<!tpu.dma_semaphore, #tpu.memory_space<semaphore_mem>>) src(%arg10 : memref<128x64xf32, #tpu.memory_space<vmem>>) dst(%dma_wait3A_110 : memref<20096x64xf32, #tpu.memory_space<vmem_shared>>)
        tpu.yield
      }) : () -> ()
      "tpu.region"() ({
        %run_scoped3A_98 = tpu.sem_alloc : memref<!tpu.dma_semaphore, #tpu.memory_space<semaphore_mem>>
        %dma_start3A_99 = arith.constant 80 : i32
        %dma_start3A_100 = arith.constant 0 : i32
        %dma_start3A_101 = tpu.memref_slice %arg4[%arg1, %dma_start3A_99, %dma_start3A_100] : memref<16x160x128xi32, #tpu.memory_space<hbm>> -> memref<1x80x128xi32, #tpu.memory_space<hbm>>
        %dma_start3A_102 = tpu.memref_squeeze %dma_start3A_101 : memref<1x80x128xi32, #tpu.memory_space<hbm>> -> memref<80x128xi32, #tpu.memory_space<hbm>>
        %dma_start3A_103 = arith.constant 80 : i32
        %dma_start3A_104 = arith.constant 0 : i32
        %dma_start3A_105 = tpu.memref_slice %arg4[%arg1, %dma_start3A_103, %dma_start3A_104] : memref<16x160x128xi32, #tpu.memory_space<hbm>> -> memref<1x80x128xi32, #tpu.memory_space<hbm>>
        %dma_start3A_106 = tpu.memref_squeeze %dma_start3A_105 : memref<1x80x128xi32, #tpu.memory_space<hbm>> -> memref<80x128xi32, #tpu.memory_space<hbm>>
        tpu.enqueue_dma source(%dma_start3A_106 : memref<80x128xi32, #tpu.memory_space<hbm>>) target(%arg11 : memref<80x128xi32, #tpu.memory_space<vmem>>) target_semaphore(%run_scoped3A_98 : memref<!tpu.dma_semaphore, #tpu.memory_space<semaphore_mem>>)
        %dma_wait3A_107 = arith.constant 80 : i32
        %dma_wait3A_108 = arith.constant 0 : i32
        %dma_wait3A_109 = tpu.memref_slice %arg4[%arg1, %dma_wait3A_107, %dma_wait3A_108] : memref<16x160x128xi32, #tpu.memory_space<hbm>> -> memref<1x80x128xi32, #tpu.memory_space<hbm>>
        %dma_wait3A_110 = tpu.memref_squeeze %dma_wait3A_109 : memref<1x80x128xi32, #tpu.memory_space<hbm>> -> memref<80x128xi32, #tpu.memory_space<hbm>>
        %dma_wait3A_111 = arith.constant 80 : i32
        %dma_wait3A_112 = arith.constant 0 : i32
        %dma_wait3A_113 = tpu.memref_slice %arg4[%arg1, %dma_wait3A_111, %dma_wait3A_112] : memref<16x160x128xi32, #tpu.memory_space<hbm>> -> memref<1x80x128xi32, #tpu.memory_space<hbm>>
        %dma_wait3A_114 = tpu.memref_squeeze %dma_wait3A_113 : memref<1x80x128xi32, #tpu.memory_space<hbm>> -> memref<80x128xi32, #tpu.memory_space<hbm>>
        tpu.wait_dma2 semaphore(%run_scoped3A_98 : memref<!tpu.dma_semaphore, #tpu.memory_space<semaphore_mem>>) src(%dma_wait3A_114 : memref<80x128xi32, #tpu.memory_space<hbm>>) dst(%arg11 : memref<80x128xi32, #tpu.memory_space<vmem>>)
        tpu.yield
      }) : () -> ()
      "tpu.region"() ({
        %run_scoped3A_98 = tpu.sem_alloc : memref<!tpu.dma_semaphore, #tpu.memory_space<semaphore_mem>>
        %dma_start3A_99 = arith.constant 80 : i32
        %dma_start3A_100 = arith.constant 0 : i32
        %dma_start3A_101 = tpu.memref_slice %arg6[%arg1, %dma_start3A_99, %dma_start3A_100] : memref<16x160x128xi32, #tpu.memory_space<hbm>> -> memref<1x80x128xi32, #tpu.memory_space<hbm>>
        %dma_start3A_102 = tpu.memref_squeeze %dma_start3A_101 : memref<1x80x128xi32, #tpu.memory_space<hbm>> -> memref<80x128xi32, #tpu.memory_space<hbm>>
        %dma_start3A_103 = arith.constant 80 : i32
        %dma_start3A_104 = arith.constant 0 : i32
        %dma_start3A_105 = tpu.memref_slice %arg6[%arg1, %dma_start3A_103, %dma_start3A_104] : memref<16x160x128xi32, #tpu.memory_space<hbm>> -> memref<1x80x128xi32, #tpu.memory_space<hbm>>
        %dma_start3A_106 = tpu.memref_squeeze %dma_start3A_105 : memref<1x80x128xi32, #tpu.memory_space<hbm>> -> memref<80x128xi32, #tpu.memory_space<hbm>>
        tpu.enqueue_dma source(%dma_start3A_106 : memref<80x128xi32, #tpu.memory_space<hbm>>) target(%arg12 : memref<80x128xi32, #tpu.memory_space<vmem>>) target_semaphore(%run_scoped3A_98 : memref<!tpu.dma_semaphore, #tpu.memory_space<semaphore_mem>>)
        %dma_wait3A_107 = arith.constant 80 : i32
        %dma_wait3A_108 = arith.constant 0 : i32
        %dma_wait3A_109 = tpu.memref_slice %arg6[%arg1, %dma_wait3A_107, %dma_wait3A_108] : memref<16x160x128xi32, #tpu.memory_space<hbm>> -> memref<1x80x128xi32, #tpu.memory_space<hbm>>
        %dma_wait3A_110 = tpu.memref_squeeze %dma_wait3A_109 : memref<1x80x128xi32, #tpu.memory_space<hbm>> -> memref<80x128xi32, #tpu.memory_space<hbm>>
        %dma_wait3A_111 = arith.constant 80 : i32
        %dma_wait3A_112 = arith.constant 0 : i32
        %dma_wait3A_113 = tpu.memref_slice %arg6[%arg1, %dma_wait3A_111, %dma_wait3A_112] : memref<16x160x128xi32, #tpu.memory_space<hbm>> -> memref<1x80x128xi32, #tpu.memory_space<hbm>>
        %dma_wait3A_114 = tpu.memref_squeeze %dma_wait3A_113 : memref<1x80x128xi32, #tpu.memory_space<hbm>> -> memref<80x128xi32, #tpu.memory_space<hbm>>
        tpu.wait_dma2 semaphore(%run_scoped3A_98 : memref<!tpu.dma_semaphore, #tpu.memory_space<semaphore_mem>>) src(%dma_wait3A_114 : memref<80x128xi32, #tpu.memory_space<hbm>>) dst(%arg12 : memref<80x128xi32, #tpu.memory_space<vmem>>)
        tpu.yield
      }) : () -> ()
      %dma_start3A_64 = arith.constant 0 : i32
      %dma_start3A_65 = arith.constant 0 : i32
      %dma_start3A_66 = tpu.memref_slice %arg11[%dma_start3A_64, %dma_start3A_65] : memref<80x128xi32, #tpu.memory_space<vmem>> -> memref<1x128xi32, #tpu.memory_space<vmem>>
      %dma_start3A_67 = tpu.memref_squeeze %dma_start3A_66 : memref<1x128xi32, #tpu.memory_space<vmem>> -> memref<128xi32, #tpu.memory_space<vmem>>
      %dma_start3A_68 = arith.constant 0 : i32
      %dma_start3A_69 = arith.constant 0 : i32
      %dma_start3A_70 = tpu.memref_slice %arg2[%dma_start3A_68, %dma_start3A_69] : memref<20096x64xf32, #tpu.memory_space<hbm>> -> memref<20096x64xf32, #tpu.memory_space<hbm>>
      tpu.enqueue_indirect_dma source(%dma_start3A_70 : memref<20096x64xf32, #tpu.memory_space<hbm>>) target(%arg9 : memref<128x64xf32, #tpu.memory_space<vmem>>) offsets(%dma_start3A_67 : memref<128xi32, #tpu.memory_space<vmem>>) semaphore(%arg13 : memref<!tpu.dma_semaphore, #tpu.memory_space<semaphore_mem>>)
      %scan3A_71 = arith.constant 0 : i32
      %scan3A_72 = arith.constant 0 : i32
      %scan3A_73 = arith.constant 39 : i32
      %scan3A_74 = arith.addi %scan3A_72, %scan3A_73 : i32
      %scan3A_75 = arith.constant 1 : i32
      scf.for %scan3A_98 = %scan3A_72 to %scan3A_74 step %scan3A_75  : i32 {
        %mul3A_99 = arith.constant 2 : i32
        %mul3A_100 = arith.muli %mul3A_99, %scan3A_98 : i32
        %add3A_101 = arith.constant 1 : i32
        %add3A_102 = arith.addi %mul3A_100, %add3A_101 : i32
        %dma_start3A_103 = arith.constant 0 : i32
        %dma_start3A_104 = tpu.memref_slice %arg11[%add3A_102, %dma_start3A_103] : memref<80x128xi32, #tpu.memory_space<vmem>> -> memref<1x128xi32, #tpu.memory_space<vmem>>
        %dma_start3A_105 = tpu.memref_squeeze %dma_start3A_104 : memref<1x128xi32, #tpu.memory_space<vmem>> -> memref<128xi32, #tpu.memory_space<vmem>>
        %dma_start3A_106 = arith.constant 0 : i32
        %dma_start3A_107 = arith.constant 0 : i32
        %dma_start3A_108 = tpu.memref_slice %arg2[%dma_start3A_106, %dma_start3A_107] : memref<20096x64xf32, #tpu.memory_space<hbm>> -> memref<20096x64xf32, #tpu.memory_space<hbm>>
        tpu.enqueue_indirect_dma source(%dma_start3A_108 : memref<20096x64xf32, #tpu.memory_space<hbm>>) target(%arg10 : memref<128x64xf32, #tpu.memory_space<vmem>>) offsets(%dma_start3A_105 : memref<128xi32, #tpu.memory_space<vmem>>) semaphore(%arg14 : memref<!tpu.dma_semaphore, #tpu.memory_space<semaphore_mem>>)
        %dma_wait3A_109 = arith.constant 0 : i32
        %dma_wait3A_110 = arith.constant 0 : i32
        %dma_wait3A_111 = tpu.memref_slice %arg2[%dma_wait3A_109, %dma_wait3A_110] : memref<20096x64xf32, #tpu.memory_space<hbm>> -> memref<128x64xf32, #tpu.memory_space<hbm>>
        %dma_wait3A_112 = arith.constant 0 : i32
        %dma_wait3A_113 = arith.constant 0 : i32
        %dma_wait3A_114 = tpu.memref_slice %arg2[%dma_wait3A_112, %dma_wait3A_113] : memref<20096x64xf32, #tpu.memory_space<hbm>> -> memref<128x64xf32, #tpu.memory_space<hbm>>
        tpu.wait_dma2 semaphore(%arg13 : memref<!tpu.dma_semaphore, #tpu.memory_space<semaphore_mem>>) src(%dma_wait3A_114 : memref<128x64xf32, #tpu.memory_space<hbm>>) dst(%arg9 : memref<128x64xf32, #tpu.memory_space<vmem>>)
        %mul3A_115 = arith.constant 2 : i32
        %mul3A_116 = arith.muli %mul3A_115, %scan3A_98 : i32
        "tpu.region"() ({
          %run_scoped3A_137 = tpu.sem_alloc : memref<!tpu.dma_semaphore, #tpu.memory_space<semaphore_mem>>
          %dma_start3A_138 = arith.constant 0 : i32
          %dma_start3A_139 = tpu.memref_slice %arg12[%mul3A_116, %dma_start3A_138] : memref<80x128xi32, #tpu.memory_space<vmem>> -> memref<1x128xi32, #tpu.memory_space<vmem>>
          %dma_start3A_140 = tpu.memref_squeeze %dma_start3A_139 : memref<1x128xi32, #tpu.memory_space<vmem>> -> memref<128xi32, #tpu.memory_space<vmem>>
          %dma_start3A_141 = arith.constant 0 : i32
          %dma_start3A_142 = arith.constant 0 : i32
          %dma_start3A_143 = tpu.memref_slice %arg8[%dma_start3A_141, %dma_start3A_142] : memref<20096x64xf32, #tpu.memory_space<vmem_shared>> -> memref<20096x64xf32, #tpu.memory_space<vmem_shared>>
          tpu.enqueue_indirect_dma source(%arg9 : memref<128x64xf32, #tpu.memory_space<vmem>>) target(%dma_start3A_143 : memref<20096x64xf32, #tpu.memory_space<vmem_shared>>) offsets(%dma_start3A_140 : memref<128xi32, #tpu.memory_space<vmem>>) semaphore(%run_scoped3A_137 : memref<!tpu.dma_semaphore, #tpu.memory_space<semaphore_mem>>) {add = true}
          %dma_wait3A_144 = arith.constant 0 : i32
          %dma_wait3A_145 = tpu.memref_slice %arg12[%mul3A_116, %dma_wait3A_144] : memref<80x128xi32, #tpu.memory_space<vmem>> -> memref<1x128xi32, #tpu.memory_space<vmem>>
          %dma_wait3A_146 = tpu.memref_squeeze %dma_wait3A_145 : memref<1x128xi32, #tpu.memory_space<vmem>> -> memref<128xi32, #tpu.memory_space<vmem>>
          %dma_wait3A_147 = arith.constant 0 : i32
          %dma_wait3A_148 = arith.constant 0 : i32
          %dma_wait3A_149 = tpu.memref_slice %arg8[%dma_wait3A_147, %dma_wait3A_148] : memref<20096x64xf32, #tpu.memory_space<vmem_shared>> -> memref<20096x64xf32, #tpu.memory_space<vmem_shared>>
          tpu.wait_indirect_dma semaphore(%run_scoped3A_137 : memref<!tpu.dma_semaphore, #tpu.memory_space<semaphore_mem>>) src(%arg9 : memref<128x64xf32, #tpu.memory_space<vmem>>) dst(%dma_wait3A_149 : memref<20096x64xf32, #tpu.memory_space<vmem_shared>>)
          tpu.yield
        }) : () -> ()
        %mul3A_117 = arith.constant 2 : i32
        %mul3A_118 = arith.muli %mul3A_117, %scan3A_98 : i32
        %add3A_119 = arith.constant 2 : i32
        %add3A_120 = arith.addi %mul3A_118, %add3A_119 : i32
        %dma_start3A_121 = arith.constant 0 : i32
        %dma_start3A_122 = tpu.memref_slice %arg11[%add3A_120, %dma_start3A_121] : memref<80x128xi32, #tpu.memory_space<vmem>> -> memref<1x128xi32, #tpu.memory_space<vmem>>
        %dma_start3A_123 = tpu.memref_squeeze %dma_start3A_122 : memref<1x128xi32, #tpu.memory_space<vmem>> -> memref<128xi32, #tpu.memory_space<vmem>>
        %dma_start3A_124 = arith.constant 0 : i32
        %dma_start3A_125 = arith.constant 0 : i32
        %dma_start3A_126 = tpu.memref_slice %arg2[%dma_start3A_124, %dma_start3A_125] : memref<20096x64xf32, #tpu.memory_space<hbm>> -> memref<20096x64xf32, #tpu.memory_space<hbm>>
        tpu.enqueue_indirect_dma source(%dma_start3A_126 : memref<20096x64xf32, #tpu.memory_space<hbm>>) target(%arg9 : memref<128x64xf32, #tpu.memory_space<vmem>>) offsets(%dma_start3A_123 : memref<128xi32, #tpu.memory_space<vmem>>) semaphore(%arg13 : memref<!tpu.dma_semaphore, #tpu.memory_space<semaphore_mem>>)
        %dma_wait3A_127 = arith.constant 0 : i32
        %dma_wait3A_128 = arith.constant 0 : i32
        %dma_wait3A_129 = tpu.memref_slice %arg2[%dma_wait3A_127, %dma_wait3A_128] : memref<20096x64xf32, #tpu.memory_space<hbm>> -> memref<128x64xf32, #tpu.memory_space<hbm>>
        %dma_wait3A_130 = arith.constant 0 : i32
        %dma_wait3A_131 = arith.constant 0 : i32
        %dma_wait3A_132 = tpu.memref_slice %arg2[%dma_wait3A_130, %dma_wait3A_131] : memref<20096x64xf32, #tpu.memory_space<hbm>> -> memref<128x64xf32, #tpu.memory_space<hbm>>
        tpu.wait_dma2 semaphore(%arg14 : memref<!tpu.dma_semaphore, #tpu.memory_space<semaphore_mem>>) src(%dma_wait3A_132 : memref<128x64xf32, #tpu.memory_space<hbm>>) dst(%arg10 : memref<128x64xf32, #tpu.memory_space<vmem>>)
        %mul3A_133 = arith.constant 2 : i32
        %mul3A_134 = arith.muli %mul3A_133, %scan3A_98 : i32
        %add3A_135 = arith.constant 1 : i32
        %add3A_136 = arith.addi %mul3A_134, %add3A_135 : i32
        "tpu.region"() ({
          %run_scoped3A_137 = tpu.sem_alloc : memref<!tpu.dma_semaphore, #tpu.memory_space<semaphore_mem>>
          %dma_start3A_138 = arith.constant 0 : i32
          %dma_start3A_139 = tpu.memref_slice %arg12[%add3A_136, %dma_start3A_138] : memref<80x128xi32, #tpu.memory_space<vmem>> -> memref<1x128xi32, #tpu.memory_space<vmem>>
          %dma_start3A_140 = tpu.memref_squeeze %dma_start3A_139 : memref<1x128xi32, #tpu.memory_space<vmem>> -> memref<128xi32, #tpu.memory_space<vmem>>
          %dma_start3A_141 = arith.constant 0 : i32
          %dma_start3A_142 = arith.constant 0 : i32
          %dma_start3A_143 = tpu.memref_slice %arg8[%dma_start3A_141, %dma_start3A_142] : memref<20096x64xf32, #tpu.memory_space<vmem_shared>> -> memref<20096x64xf32, #tpu.memory_space<vmem_shared>>
          tpu.enqueue_indirect_dma source(%arg10 : memref<128x64xf32, #tpu.memory_space<vmem>>) target(%dma_start3A_143 : memref<20096x64xf32, #tpu.memory_space<vmem_shared>>) offsets(%dma_start3A_140 : memref<128xi32, #tpu.memory_space<vmem>>) semaphore(%run_scoped3A_137 : memref<!tpu.dma_semaphore, #tpu.memory_space<semaphore_mem>>) {add = true}
          %dma_wait3A_144 = arith.constant 0 : i32
          %dma_wait3A_145 = tpu.memref_slice %arg12[%add3A_136, %dma_wait3A_144] : memref<80x128xi32, #tpu.memory_space<vmem>> -> memref<1x128xi32, #tpu.memory_space<vmem>>
          %dma_wait3A_146 = tpu.memref_squeeze %dma_wait3A_145 : memref<1x128xi32, #tpu.memory_space<vmem>> -> memref<128xi32, #tpu.memory_space<vmem>>
          %dma_wait3A_147 = arith.constant 0 : i32
          %dma_wait3A_148 = arith.constant 0 : i32
          %dma_wait3A_149 = tpu.memref_slice %arg8[%dma_wait3A_147, %dma_wait3A_148] : memref<20096x64xf32, #tpu.memory_space<vmem_shared>> -> memref<20096x64xf32, #tpu.memory_space<vmem_shared>>
          tpu.wait_indirect_dma semaphore(%run_scoped3A_137 : memref<!tpu.dma_semaphore, #tpu.memory_space<semaphore_mem>>) src(%arg10 : memref<128x64xf32, #tpu.memory_space<vmem>>) dst(%dma_wait3A_149 : memref<20096x64xf32, #tpu.memory_space<vmem_shared>>)
          tpu.yield
        }) : () -> ()
      }
      %scan3A_76 = arith.constant 39 : i32
      %dma_start3A_77 = arith.constant 79 : i32
      %dma_start3A_78 = arith.constant 0 : i32
      %dma_start3A_79 = tpu.memref_slice %arg11[%dma_start3A_77, %dma_start3A_78] : memref<80x128xi32, #tpu.memory_space<vmem>> -> memref<1x128xi32, #tpu.memory_space<vmem>>
      %dma_start3A_80 = tpu.memref_squeeze %dma_start3A_79 : memref<1x128xi32, #tpu.memory_space<vmem>> -> memref<128xi32, #tpu.memory_space<vmem>>
      %dma_start3A_81 = arith.constant 0 : i32
      %dma_start3A_82 = arith.constant 0 : i32
      %dma_start3A_83 = tpu.memref_slice %arg2[%dma_start3A_81, %dma_start3A_82] : memref<20096x64xf32, #tpu.memory_space<hbm>> -> memref<20096x64xf32, #tpu.memory_space<hbm>>
      tpu.enqueue_indirect_dma source(%dma_start3A_83 : memref<20096x64xf32, #tpu.memory_space<hbm>>) target(%arg10 : memref<128x64xf32, #tpu.memory_space<vmem>>) offsets(%dma_start3A_80 : memref<128xi32, #tpu.memory_space<vmem>>) semaphore(%arg14 : memref<!tpu.dma_semaphore, #tpu.memory_space<semaphore_mem>>)
      %dma_wait3A_84 = arith.constant 0 : i32
      %dma_wait3A_85 = arith.constant 0 : i32
      %dma_wait3A_86 = tpu.memref_slice %arg2[%dma_wait3A_84, %dma_wait3A_85] : memref<20096x64xf32, #tpu.memory_space<hbm>> -> memref<128x64xf32, #tpu.memory_space<hbm>>
      %dma_wait3A_87 = arith.constant 0 : i32
      %dma_wait3A_88 = arith.constant 0 : i32
      %dma_wait3A_89 = tpu.memref_slice %arg2[%dma_wait3A_87, %dma_wait3A_88] : memref<20096x64xf32, #tpu.memory_space<hbm>> -> memref<128x64xf32, #tpu.memory_space<hbm>>
      tpu.wait_dma2 semaphore(%arg13 : memref<!tpu.dma_semaphore, #tpu.memory_space<semaphore_mem>>) src(%dma_wait3A_89 : memref<128x64xf32, #tpu.memory_space<hbm>>) dst(%arg9 : memref<128x64xf32, #tpu.memory_space<vmem>>)
      %run_scoped3A_90 = arith.constant 78 : i32
      "tpu.region"() ({
        %run_scoped3A_98 = tpu.sem_alloc : memref<!tpu.dma_semaphore, #tpu.memory_space<semaphore_mem>>
        %dma_start3A_99 = arith.constant 0 : i32
        %dma_start3A_100 = tpu.memref_slice %arg12[%run_scoped3A_90, %dma_start3A_99] : memref<80x128xi32, #tpu.memory_space<vmem>> -> memref<1x128xi32, #tpu.memory_space<vmem>>
        %dma_start3A_101 = tpu.memref_squeeze %dma_start3A_100 : memref<1x128xi32, #tpu.memory_space<vmem>> -> memref<128xi32, #tpu.memory_space<vmem>>
        %dma_start3A_102 = arith.constant 0 : i32
        %dma_start3A_103 = arith.constant 0 : i32
        %dma_start3A_104 = tpu.memref_slice %arg8[%dma_start3A_102, %dma_start3A_103] : memref<20096x64xf32, #tpu.memory_space<vmem_shared>> -> memref<20096x64xf32, #tpu.memory_space<vmem_shared>>
        tpu.enqueue_indirect_dma source(%arg9 : memref<128x64xf32, #tpu.memory_space<vmem>>) target(%dma_start3A_104 : memref<20096x64xf32, #tpu.memory_space<vmem_shared>>) offsets(%dma_start3A_101 : memref<128xi32, #tpu.memory_space<vmem>>) semaphore(%run_scoped3A_98 : memref<!tpu.dma_semaphore, #tpu.memory_space<semaphore_mem>>) {add = true}
        %dma_wait3A_105 = arith.constant 0 : i32
        %dma_wait3A_106 = tpu.memref_slice %arg12[%run_scoped3A_90, %dma_wait3A_105] : memref<80x128xi32, #tpu.memory_space<vmem>> -> memref<1x128xi32, #tpu.memory_space<vmem>>
        %dma_wait3A_107 = tpu.memref_squeeze %dma_wait3A_106 : memref<1x128xi32, #tpu.memory_space<vmem>> -> memref<128xi32, #tpu.memory_space<vmem>>
        %dma_wait3A_108 = arith.constant 0 : i32
        %dma_wait3A_109 = arith.constant 0 : i32
        %dma_wait3A_110 = tpu.memref_slice %arg8[%dma_wait3A_108, %dma_wait3A_109] : memref<20096x64xf32, #tpu.memory_space<vmem_shared>> -> memref<20096x64xf32, #tpu.memory_space<vmem_shared>>
        tpu.wait_indirect_dma semaphore(%run_scoped3A_98 : memref<!tpu.dma_semaphore, #tpu.memory_space<semaphore_mem>>) src(%arg9 : memref<128x64xf32, #tpu.memory_space<vmem>>) dst(%dma_wait3A_110 : memref<20096x64xf32, #tpu.memory_space<vmem_shared>>)
        tpu.yield
      }) : () -> ()
      %dma_wait3A_91 = arith.constant 0 : i32
      %dma_wait3A_92 = arith.constant 0 : i32
      %dma_wait3A_93 = tpu.memref_slice %arg2[%dma_wait3A_91, %dma_wait3A_92] : memref<20096x64xf32, #tpu.memory_space<hbm>> -> memref<128x64xf32, #tpu.memory_space<hbm>>
      %dma_wait3A_94 = arith.constant 0 : i32
      %dma_wait3A_95 = arith.constant 0 : i32
      %dma_wait3A_96 = tpu.memref_slice %arg2[%dma_wait3A_94, %dma_wait3A_95] : memref<20096x64xf32, #tpu.memory_space<hbm>> -> memref<128x64xf32, #tpu.memory_space<hbm>>
      tpu.wait_dma2 semaphore(%arg14 : memref<!tpu.dma_semaphore, #tpu.memory_space<semaphore_mem>>) src(%dma_wait3A_96 : memref<128x64xf32, #tpu.memory_space<hbm>>) dst(%arg10 : memref<128x64xf32, #tpu.memory_space<vmem>>)
      %run_scoped3A_97 = arith.constant 79 : i32
      "tpu.region"() ({
        %run_scoped3A_98 = tpu.sem_alloc : memref<!tpu.dma_semaphore, #tpu.memory_space<semaphore_mem>>
        %dma_start3A_99 = arith.constant 0 : i32
        %dma_start3A_100 = tpu.memref_slice %arg12[%run_scoped3A_97, %dma_start3A_99] : memref<80x128xi32, #tpu.memory_space<vmem>> -> memref<1x128xi32, #tpu.memory_space<vmem>>
        %dma_start3A_101 = tpu.memref_squeeze %dma_start3A_100 : memref<1x128xi32, #tpu.memory_space<vmem>> -> memref<128xi32, #tpu.memory_space<vmem>>
        %dma_start3A_102 = arith.constant 0 : i32
        %dma_start3A_103 = arith.constant 0 : i32
        %dma_start3A_104 = tpu.memref_slice %arg8[%dma_start3A_102, %dma_start3A_103] : memref<20096x64xf32, #tpu.memory_space<vmem_shared>> -> memref<20096x64xf32, #tpu.memory_space<vmem_shared>>
        tpu.enqueue_indirect_dma source(%arg10 : memref<128x64xf32, #tpu.memory_space<vmem>>) target(%dma_start3A_104 : memref<20096x64xf32, #tpu.memory_space<vmem_shared>>) offsets(%dma_start3A_101 : memref<128xi32, #tpu.memory_space<vmem>>) semaphore(%run_scoped3A_98 : memref<!tpu.dma_semaphore, #tpu.memory_space<semaphore_mem>>) {add = true}
        %dma_wait3A_105 = arith.constant 0 : i32
        %dma_wait3A_106 = tpu.memref_slice %arg12[%run_scoped3A_97, %dma_wait3A_105] : memref<80x128xi32, #tpu.memory_space<vmem>> -> memref<1x128xi32, #tpu.memory_space<vmem>>
        %dma_wait3A_107 = tpu.memref_squeeze %dma_wait3A_106 : memref<1x128xi32, #tpu.memory_space<vmem>> -> memref<128xi32, #tpu.memory_space<vmem>>
        %dma_wait3A_108 = arith.constant 0 : i32
        %dma_wait3A_109 = arith.constant 0 : i32
        %dma_wait3A_110 = tpu.memref_slice %arg8[%dma_wait3A_108, %dma_wait3A_109] : memref<20096x64xf32, #tpu.memory_space<vmem_shared>> -> memref<20096x64xf32, #tpu.memory_space<vmem_shared>>
        tpu.wait_indirect_dma semaphore(%run_scoped3A_98 : memref<!tpu.dma_semaphore, #tpu.memory_space<semaphore_mem>>) src(%arg10 : memref<128x64xf32, #tpu.memory_space<vmem>>) dst(%dma_wait3A_110 : memref<20096x64xf32, #tpu.memory_space<vmem_shared>>)
        tpu.yield
      }) : () -> ()
    } else {
    }
    %barrier3A_32 = arith.constant 0 : index
    tpu.barrier barrier_id(%barrier3A_32)
    "tpu.region"() ({
      %run_scoped3A = tpu.sem_alloc : memref<!tpu.dma_semaphore, #tpu.memory_space<semaphore_mem>>
      %dma_start3A = arith.constant 0 : i32
      %dma_start3A_33 = tpu.memref_slice %arg7[%arg0, %mul3A_0, %dma_start3A] : memref<2x20096x64xf32, #tpu.memory_space<hbm>> -> memref<1x1256x64xf32, #tpu.memory_space<hbm>>
      %dma_start3A_34 = tpu.memref_squeeze %dma_start3A_33 : memref<1x1256x64xf32, #tpu.memory_space<hbm>> -> memref<1256x64xf32, #tpu.memory_space<hbm>>
      %dma_start3A_35 = arith.constant 0 : i32
      %dma_start3A_36 = tpu.memref_slice %arg8[%mul3A_0, %dma_start3A_35] : memref<20096x64xf32, #tpu.memory_space<vmem_shared>> -> memref<1256x64xf32, #tpu.memory_space<vmem_shared>>
      tpu.enqueue_dma source(%dma_start3A_36 : memref<1256x64xf32, #tpu.memory_space<vmem_shared>>) target(%dma_start3A_34 : memref<1256x64xf32, #tpu.memory_space<hbm>>) target_semaphore(%run_scoped3A : memref<!tpu.dma_semaphore, #tpu.memory_space<semaphore_mem>>)
      %dma_wait3A = arith.constant 0 : i32
      %dma_wait3A_37 = tpu.memref_slice %arg7[%arg0, %mul3A_0, %dma_wait3A] : memref<2x20096x64xf32, #tpu.memory_space<hbm>> -> memref<1x1256x64xf32, #tpu.memory_space<hbm>>
      %dma_wait3A_38 = tpu.memref_squeeze %dma_wait3A_37 : memref<1x1256x64xf32, #tpu.memory_space<hbm>> -> memref<1256x64xf32, #tpu.memory_space<hbm>>
      %dma_wait3A_39 = arith.constant 0 : i32
      %dma_wait3A_40 = tpu.memref_slice %arg8[%mul3A_0, %dma_wait3A_39] : memref<20096x64xf32, #tpu.memory_space<vmem_shared>> -> memref<1256x64xf32, #tpu.memory_space<vmem_shared>>
      tpu.wait_dma2 semaphore(%run_scoped3A : memref<!tpu.dma_semaphore, #tpu.memory_space<semaphore_mem>>) src(%dma_wait3A_40 : memref<1256x64xf32, #tpu.memory_space<vmem_shared>>) dst(%dma_wait3A_38 : memref<1256x64xf32, #tpu.memory_space<hbm>>)
      tpu.yield
    }) : () -> ()
    return
  }
}

module attributes {stable_mosaic.version = 14 : i64} {
  func.func @body(%arg0: memref<20096x128xf32, #tpu.memory_space<vmem>>, %arg1: memref<32x20096xf32, #tpu.memory_space<vmem>>, %arg2: memref<128x64xf32, #tpu.memory_space<vmem>>, %arg3: memref<20096x64xf32, #tpu.memory_space<vmem>>, %arg4: memref<1x20096xf32, #tpu.memory_space<vmem>>) attributes {dimension_semantics = [], scalar_prefetch = 0 : i64, scratch_operands = 0 : i64, tpu.core_type = #tpu.core_type<tc>} {
    %get3A = arith.constant 0 : index
    %get3A_0 = arith.constant 0 : index
    %get3A_1 = vector.load %arg1[%get3A, %get3A_0] : memref<32x20096xf32, #tpu.memory_space<vmem>>, vector<32x20096xf32>
    %reduce_sum3A = arith.constant dense<0.000000e+00> : vector<20096xf32>
    %reduce_sum3A_2 = vector.multi_reduction <add>, %get3A_1, %reduce_sum3A [0] : vector<32x20096xf32> to vector<20096xf32>
    %broadcast_in_dim3A = vector.shape_cast %reduce_sum3A_2 : vector<20096xf32> to vector<1x20096xf32>
    %add3A = arith.constant 1.000000e+00 : f32
    %add3A_3 = vector.broadcast %add3A : f32 to vector<1x20096xf32>
    %add3A_4 = arith.addf %broadcast_in_dim3A, %add3A_3 : vector<1x20096xf32>
    %rsqrt3A = math.rsqrt %add3A_4 : vector<1x20096xf32>
    %swap3A = arith.constant 0 : index
    %swap3A_5 = arith.constant 0 : index
    %swap3A_6 = vector.load %arg4[%swap3A, %swap3A_5] : memref<1x20096xf32, #tpu.memory_space<vmem>>, vector<1x20096xf32>
    tpu.vector_store %arg4[%swap3A, %swap3A_5], %rsqrt3A {strides = array<i32>} : memref<1x20096xf32, #tpu.memory_space<vmem>>, vector<1x20096xf32>,
    %reshape3A = vector.shape_cast %rsqrt3A : vector<1x20096xf32> to vector<20096x1xf32>
    %get3A_7 = arith.constant 0 : index
    %get3A_8 = arith.constant 0 : index
    %get3A_9 = vector.load %arg0[%get3A_7, %get3A_8] : memref<20096x128xf32, #tpu.memory_space<vmem>>, vector<20096x128xf32>
    %get3A_10 = arith.constant 0 : index
    %get3A_11 = arith.constant 0 : index
    %get3A_12 = vector.load %arg2[%get3A_10, %get3A_11] : memref<128x64xf32, #tpu.memory_space<vmem>>, vector<128x64xf32>
    %dot_general3A = arith.constant dense<0.000000e+00> : vector<20096x64xf32>
    %dot_general3A_13 = tpu.matmul %get3A_9, %get3A_12, %dot_general3A {dimension_numbers = #tpu.dot_dimension_numbers<[1], [0], [0], [1], [0, 0, 1, 1], [], []>, transpose_lhs_hint = false} : vector<20096x128xf32>, vector<128x64xf32>, vector<20096x64xf32> -> vector<20096x64xf32>
    %mul3A = vector.broadcast %reshape3A : vector<20096x1xf32> to vector<20096x64xf32>
    %mul3A_14 = arith.mulf %dot_general3A_13, %mul3A : vector<20096x64xf32>
    %swap3A_15 = arith.constant 0 : index
    %swap3A_16 = arith.constant 0 : index
    %swap3A_17 = vector.load %arg3[%swap3A_15, %swap3A_16] : memref<20096x64xf32, #tpu.memory_space<vmem>>, vector<20096x64xf32>
    tpu.vector_store %arg3[%swap3A_15, %swap3A_16], %mul3A_14 {strides = array<i32>} : memref<20096x64xf32, #tpu.memory_space<vmem>>, vector<20096x64xf32>,
    return
  }
}

module attributes {stable_mosaic.version = 14 : i64} {
  func.func @body(%arg0: memref<2x20096x64xf32, #tpu.memory_space<vmem>>, %arg1: memref<20096x64xf32, #tpu.memory_space<vmem>>, %arg2: memref<1x20096xf32, #tpu.memory_space<vmem>>, %arg3: memref<64x64xf32, #tpu.memory_space<vmem>>, %arg4: memref<1x64xf32, #tpu.memory_space<vmem>>, %arg5: memref<20096x64xf32, #tpu.memory_space<vmem>>) attributes {dimension_semantics = [], scalar_prefetch = 0 : i64, scratch_operands = 0 : i64, tpu.core_type = #tpu.core_type<tc>} {
    %get3A = arith.constant 0 : index
    %get3A_0 = arith.constant 0 : index
    %get3A_1 = vector.load %arg2[%get3A, %get3A_0] : memref<1x20096xf32, #tpu.memory_space<vmem>>, vector<1x20096xf32>
    %reshape3A = vector.shape_cast %get3A_1 : vector<1x20096xf32> to vector<20096x1xf32>
    %get3A_2 = arith.constant 0 : index
    %get3A_3 = arith.constant 0 : index
    %get3A_4 = arith.constant 0 : index
    %get3A_5 = vector.load %arg0[%get3A_2, %get3A_3, %get3A_4] : memref<2x20096x64xf32, #tpu.memory_space<vmem>>, vector<1x20096x64xf32>
    %get3A_6 = vector.shape_cast %get3A_5 : vector<1x20096x64xf32> to vector<20096x64xf32>
    %get3A_7 = arith.constant 1 : index
    %get3A_8 = arith.constant 0 : index
    %get3A_9 = arith.constant 0 : index
    %get3A_10 = vector.load %arg0[%get3A_7, %get3A_8, %get3A_9] : memref<2x20096x64xf32, #tpu.memory_space<vmem>>, vector<1x20096x64xf32>
    %get3A_11 = vector.shape_cast %get3A_10 : vector<1x20096x64xf32> to vector<20096x64xf32>
    %add3A = arith.addf %get3A_6, %get3A_11 : vector<20096x64xf32>
    %get3A_12 = arith.constant 0 : index
    %get3A_13 = arith.constant 0 : index
    %get3A_14 = vector.load %arg1[%get3A_12, %get3A_13] : memref<20096x64xf32, #tpu.memory_space<vmem>>, vector<20096x64xf32>
    %add3A_15 = arith.addf %add3A, %get3A_14 : vector<20096x64xf32>
    %mul3A = vector.broadcast %reshape3A : vector<20096x1xf32> to vector<20096x64xf32>
    %mul3A_16 = arith.mulf %mul3A, %add3A_15 : vector<20096x64xf32>
    %get3A_17 = arith.constant 0 : index
    %get3A_18 = arith.constant 0 : index
    %get3A_19 = vector.load %arg4[%get3A_17, %get3A_18] : memref<1x64xf32, #tpu.memory_space<vmem>>, vector<1x64xf32>
    %add3A_20 = vector.broadcast %get3A_19 : vector<1x64xf32> to vector<20096x64xf32>
    %add3A_21 = arith.addf %mul3A_16, %add3A_20 : vector<20096x64xf32>
    %max3A = arith.constant 0.000000e+00 : f32
    %max3A_22 = vector.broadcast %max3A : f32 to vector<20096x64xf32>
    %max3A_23 = arith.maximumf %add3A_21, %max3A_22 : vector<20096x64xf32>
    %get3A_24 = arith.constant 0 : index
    %get3A_25 = arith.constant 0 : index
    %get3A_26 = vector.load %arg3[%get3A_24, %get3A_25] : memref<64x64xf32, #tpu.memory_space<vmem>>, vector<64x64xf32>
    %dot_general3A = arith.constant dense<0.000000e+00> : vector<20096x64xf32>
    %dot_general3A_27 = tpu.matmul %max3A_23, %get3A_26, %dot_general3A {dimension_numbers = #tpu.dot_dimension_numbers<[1], [0], [0], [1], [0, 0, 1, 1], [], []>, transpose_lhs_hint = false} : vector<20096x64xf32>, vector<64x64xf32>, vector<20096x64xf32> -> vector<20096x64xf32>
    %mul3A_28 = vector.broadcast %reshape3A : vector<20096x1xf32> to vector<20096x64xf32>
    %mul3A_29 = arith.mulf %dot_general3A_27, %mul3A_28 : vector<20096x64xf32>
    %iota3A = tpu.iota {dimensions = array<i32: 0>} : vector<20096x1xi32>
    %lt3A = arith.constant 20000 : i32
    %lt3A_30 = vector.broadcast %lt3A : i32 to vector<20096x1xi32>
    %lt3A_31 = arith.cmpi slt, %iota3A, %lt3A_30 : vector<20096x1xi32>
    %jit3A = arith.constant 0.000000e+00 : f32
    %broadcast_in_dim3A = vector.shape_cast %lt3A_31 : vector<20096x1xi1> to vector<20096x1xi1>
    %broadcast_in_dim3A_32 = vector.broadcast %broadcast_in_dim3A : vector<20096x1xi1> to vector<20096x64xi1>
    %broadcast_in_dim3A_33 = vector.broadcast %jit3A : f32 to vector<20096x64xf32>
    %select_n3A = arith.select %broadcast_in_dim3A_32, %mul3A_29, %broadcast_in_dim3A_33 : vector<20096x64xi1>, vector<20096x64xf32>
    %swap3A = arith.constant 0 : index
    %swap3A_34 = arith.constant 0 : index
    %swap3A_35 = vector.load %arg5[%swap3A, %swap3A_34] : memref<20096x64xf32, #tpu.memory_space<vmem>>, vector<20096x64xf32>
    tpu.vector_store %arg5[%swap3A, %swap3A_34], %select_n3A {strides = array<i32>} : memref<20096x64xf32, #tpu.memory_space<vmem>>, vector<20096x64xf32>,
    return
  }
}

module attributes {stable_mosaic.version = 14 : i64} {
  func.func @body(%arg0: memref<2x20096x64xf32, #tpu.memory_space<vmem>>, %arg1: memref<20096x64xf32, #tpu.memory_space<vmem>>, %arg2: memref<1x20096xf32, #tpu.memory_space<vmem>>, %arg3: memref<1x64xf32, #tpu.memory_space<vmem>>, %arg4: memref<1x20096xf32, #tpu.memory_space<vmem>>, %arg5: memref<192x64xf32, #tpu.memory_space<vmem>>, %arg6: memref<1x64xf32, #tpu.memory_space<vmem>>, %arg7: memref<64x1xf32, #tpu.memory_space<vmem>>, %arg8: memref<1x1xf32, #tpu.memory_space<vmem>>, %arg9: memref<16x1xf32, #tpu.memory_space<vmem>>) attributes {dimension_semantics = [], scalar_prefetch = 0 : i64, scratch_operands = 0 : i64, tpu.core_type = #tpu.core_type<tc>} {
    %get3A = arith.constant 0 : index
    %get3A_0 = arith.constant 0 : index
    %get3A_1 = vector.load %arg2[%get3A, %get3A_0] : memref<1x20096xf32, #tpu.memory_space<vmem>>, vector<1x20096xf32>
    %reshape3A = vector.shape_cast %get3A_1 : vector<1x20096xf32> to vector<20096x1xf32>
    %get3A_2 = arith.constant 0 : index
    %get3A_3 = arith.constant 0 : index
    %get3A_4 = arith.constant 0 : index
    %get3A_5 = vector.load %arg0[%get3A_2, %get3A_3, %get3A_4] : memref<2x20096x64xf32, #tpu.memory_space<vmem>>, vector<1x20096x64xf32>
    %get3A_6 = vector.shape_cast %get3A_5 : vector<1x20096x64xf32> to vector<20096x64xf32>
    %get3A_7 = arith.constant 1 : index
    %get3A_8 = arith.constant 0 : index
    %get3A_9 = arith.constant 0 : index
    %get3A_10 = vector.load %arg0[%get3A_7, %get3A_8, %get3A_9] : memref<2x20096x64xf32, #tpu.memory_space<vmem>>, vector<1x20096x64xf32>
    %get3A_11 = vector.shape_cast %get3A_10 : vector<1x20096x64xf32> to vector<20096x64xf32>
    %add3A = arith.addf %get3A_6, %get3A_11 : vector<20096x64xf32>
    %get3A_12 = arith.constant 0 : index
    %get3A_13 = arith.constant 0 : index
    %get3A_14 = vector.load %arg1[%get3A_12, %get3A_13] : memref<20096x64xf32, #tpu.memory_space<vmem>>, vector<20096x64xf32>
    %add3A_15 = arith.addf %add3A, %get3A_14 : vector<20096x64xf32>
    %mul3A = vector.broadcast %reshape3A : vector<20096x1xf32> to vector<20096x64xf32>
    %mul3A_16 = arith.mulf %mul3A, %add3A_15 : vector<20096x64xf32>
    %get3A_17 = arith.constant 0 : index
    %get3A_18 = arith.constant 0 : index
    %get3A_19 = vector.load %arg3[%get3A_17, %get3A_18] : memref<1x64xf32, #tpu.memory_space<vmem>>, vector<1x64xf32>
    %add3A_20 = vector.broadcast %get3A_19 : vector<1x64xf32> to vector<20096x64xf32>
    %add3A_21 = arith.addf %mul3A_16, %add3A_20 : vector<20096x64xf32>
    %max3A = arith.constant 0.000000e+00 : f32
    %max3A_22 = vector.broadcast %max3A : f32 to vector<20096x64xf32>
    %max3A_23 = arith.maximumf %add3A_21, %max3A_22 : vector<20096x64xf32>
    %iota3A = tpu.iota {dimensions = array<i32: 0>} : vector<32x1xi32>
    %convert_element_type3A = arith.sitofp %iota3A : vector<32x1xi32> to vector<32x1xf32>
    %get3A_24 = arith.constant 0 : index
    %get3A_25 = arith.constant 0 : index
    %get3A_26 = vector.load %arg4[%get3A_24, %get3A_25] : memref<1x20096xf32, #tpu.memory_space<vmem>>, vector<1x20096xf32>
    %eq3A = vector.broadcast %convert_element_type3A : vector<32x1xf32> to vector<32x20096xf32>
    %eq3A_27 = vector.broadcast %get3A_26 : vector<1x20096xf32> to vector<32x20096xf32>
    %eq3A_28 = arith.cmpf oeq, %eq3A, %eq3A_27 : vector<32x20096xf32>
    %convert_element_type3A_29 = arith.extui %eq3A_28 : vector<32x20096xi1> to vector<32x20096xi32>
    %convert_element_type3A_30 = arith.sitofp %convert_element_type3A_29 : vector<32x20096xi32> to vector<32x20096xf32>
    %dot_general3A = arith.constant dense<0.000000e+00> : vector<32x64xf32>
    %dot_general3A_31 = tpu.matmul %convert_element_type3A_30, %max3A_23, %dot_general3A {dimension_numbers = #tpu.dot_dimension_numbers<[1], [0], [0], [1], [0, 0, 1, 1], [], []>, transpose_lhs_hint = false} : vector<32x20096xf32>, vector<20096x64xf32>, vector<32x64xf32> -> vector<32x64xf32>
    %reduce_sum3A = arith.constant dense<0.000000e+00> : vector<32xf32>
    %reduce_sum3A_32 = vector.multi_reduction <add>, %convert_element_type3A_30, %reduce_sum3A [1] : vector<32x20096xf32> to vector<32xf32>
    %broadcast_in_dim3A = vector.shape_cast %reduce_sum3A_32 : vector<32xf32> to vector<32x1xf32>
    %max3A_33 = arith.constant 1.000000e+00 : f32
    %max3A_34 = vector.broadcast %max3A_33 : f32 to vector<32x1xf32>
    %max3A_35 = arith.maximumf %broadcast_in_dim3A, %max3A_34 : vector<32x1xf32>
    %div3A = vector.broadcast %max3A_35 : vector<32x1xf32> to vector<32x64xf32>
    %div3A_36 = arith.divf %dot_general3A_31, %div3A : vector<32x64xf32>
    %slice3A = vector.extract_strided_slice %div3A_36 {offsets = [0, 0], sizes = [16, 64], strides = [1, 1]} : vector<32x64xf32> to vector<16x64xf32>
    %slice3A_37 = vector.extract_strided_slice %div3A_36 {offsets = [16, 0], sizes = [16, 64], strides = [1, 1]} : vector<32x64xf32> to vector<16x64xf32>
    %get3A_38 = arith.constant 0 : index
    %get3A_39 = arith.constant 0 : index
    %get3A_40 = vector.load %arg5[%get3A_38, %get3A_39] : memref<192x64xf32, #tpu.memory_space<vmem>>, vector<192x64xf32>
    %slice3A_41 = vector.extract_strided_slice %get3A_40 {offsets = [0, 0], sizes = [64, 64], strides = [1, 1]} : vector<192x64xf32> to vector<64x64xf32>
    %dot_general3A_42 = arith.constant dense<0.000000e+00> : vector<16x64xf32>
    %dot_general3A_43 = tpu.matmul %slice3A, %slice3A_41, %dot_general3A_42 {dimension_numbers = #tpu.dot_dimension_numbers<[1], [0], [0], [1], [0, 0, 1, 1], [], []>, transpose_lhs_hint = false} : vector<16x64xf32>, vector<64x64xf32>, vector<16x64xf32> -> vector<16x64xf32>
    %slice3A_44 = vector.extract_strided_slice %get3A_40 {offsets = [64, 0], sizes = [64, 64], strides = [1, 1]} : vector<192x64xf32> to vector<64x64xf32>
    %dot_general3A_45 = arith.constant dense<0.000000e+00> : vector<16x64xf32>
    %dot_general3A_46 = tpu.matmul %slice3A_37, %slice3A_44, %dot_general3A_45 {dimension_numbers = #tpu.dot_dimension_numbers<[1], [0], [0], [1], [0, 0, 1, 1], [], []>, transpose_lhs_hint = false} : vector<16x64xf32>, vector<64x64xf32>, vector<16x64xf32> -> vector<16x64xf32>
    %add3A_47 = arith.addf %dot_general3A_43, %dot_general3A_46 : vector<16x64xf32>
    %sub3A = arith.subf %slice3A, %slice3A_37 : vector<16x64xf32>
    %abs3A = math.absf %sub3A : vector<16x64xf32>
    %slice3A_48 = vector.extract_strided_slice %get3A_40 {offsets = [128, 0], sizes = [64, 64], strides = [1, 1]} : vector<192x64xf32> to vector<64x64xf32>
    %dot_general3A_49 = arith.constant dense<0.000000e+00> : vector<16x64xf32>
    %dot_general3A_50 = tpu.matmul %abs3A, %slice3A_48, %dot_general3A_49 {dimension_numbers = #tpu.dot_dimension_numbers<[1], [0], [0], [1], [0, 0, 1, 1], [], []>, transpose_lhs_hint = false} : vector<16x64xf32>, vector<64x64xf32>, vector<16x64xf32> -> vector<16x64xf32>
    %add3A_51 = arith.addf %add3A_47, %dot_general3A_50 : vector<16x64xf32>
    %get3A_52 = arith.constant 0 : index
    %get3A_53 = arith.constant 0 : index
    %get3A_54 = vector.load %arg6[%get3A_52, %get3A_53] : memref<1x64xf32, #tpu.memory_space<vmem>>, vector<1x64xf32>
    %add3A_55 = vector.broadcast %get3A_54 : vector<1x64xf32> to vector<16x64xf32>
    %add3A_56 = arith.addf %add3A_51, %add3A_55 : vector<16x64xf32>
    %max3A_57 = arith.constant 0.000000e+00 : f32
    %max3A_58 = vector.broadcast %max3A_57 : f32 to vector<16x64xf32>
    %max3A_59 = arith.maximumf %add3A_56, %max3A_58 : vector<16x64xf32>
    %get3A_60 = arith.constant 0 : index
    %get3A_61 = arith.constant 0 : index
    %get3A_62 = vector.load %arg7[%get3A_60, %get3A_61] : memref<64x1xf32, #tpu.memory_space<vmem>>, vector<64x1xf32>
    %dot_general3A_63 = arith.constant dense<0.000000e+00> : vector<16x1xf32>
    %dot_general3A_64 = tpu.matmul %max3A_59, %get3A_62, %dot_general3A_63 {dimension_numbers = #tpu.dot_dimension_numbers<[1], [0], [0], [1], [0, 0, 1, 1], [], []>, transpose_lhs_hint = false} : vector<16x64xf32>, vector<64x1xf32>, vector<16x1xf32> -> vector<16x1xf32>
    %get3A_65 = arith.constant 0 : index
    %get3A_66 = arith.constant 0 : index
    %get3A_67 = vector.load %arg8[%get3A_65, %get3A_66] : memref<1x1xf32, #tpu.memory_space<vmem>>, vector<1x1xf32>
    %add3A_68 = vector.broadcast %get3A_67 : vector<1x1xf32> to vector<16x1xf32>
    %add3A_69 = arith.addf %dot_general3A_64, %add3A_68 : vector<16x1xf32>
    %logistic3A = arith.negf %add3A_69 : vector<16x1xf32>
    %logistic3A_70 = math.exp %logistic3A : vector<16x1xf32>
    %logistic3A_71 = arith.constant 1.000000e+00 : f32
    %logistic3A_72 = vector.broadcast %logistic3A_71 : f32 to vector<16x1xf32>
    %logistic3A_73 = arith.addf %logistic3A_72, %logistic3A_70 : vector<16x1xf32>
    %logistic3A_74 = arith.divf %logistic3A_72, %logistic3A_73 : vector<16x1xf32>
    %swap3A = arith.constant 0 : index
    %swap3A_75 = arith.constant 0 : index
    %swap3A_76 = vector.load %arg9[%swap3A, %swap3A_75] : memref<16x1xf32, #tpu.memory_space<vmem>>, vector<16x1xf32>
    tpu.vector_store %arg9[%swap3A, %swap3A_75], %logistic3A_74 {strides = array<i32>} : memref<16x1xf32, #tpu.memory_space<vmem>>, vector<16x1xf32>,
    return
  }
}

</mosaic_0001>

<sc_bundles>
// kernel: kernel.11.cloned.1.call-start
scs
__scs_entry_jumppad:
0x0: {  	(pc) =	sbr.rel $0x88, $3  }
0x1: {  	(tag) =	ssettag $0x0;
	lr =	simm.s32 $0x1  }
0x2: {  	[smem:$0x3F93] =	sst lr;
	_ =	strace $0xD0000000  }
0x3: {  	_ = 	snop  }
0x4: {  	_ = 	snop  }
0x5: {  	_ = 	snop  }
0x6: {  	_ = 	snop  }
0x7: {  	_ = 	snop  }
__scs_overlays_trampoline_lowered:
0x8: {  	[smem:$0x3FA2] =	sst s0  }
0x9: {  	[smem:$0x3FA3] =	sst s1  }
0xa: {  	[smem:$0x3FA4] =	sst s2  }
0xb: {  	[smem:$0x3FA5] =	sst s3  }
0xc: {  	[smem:$0x3FA6] =	sst s4  }
0xd: {  	[smem:$0x3FA7] =	sst s5  }
0xe: {  	[smem:$0x3FA8] =	sst s6  }
0xf: {  	[smem:$0x3FA9] =	sst s7  }
0x10: {  	[smem:$0x3FAA] =	sst s8  }
0x11: {  	[smem:$0x3FAB] =	sst s9;
	s0 =	simm.s32 @!p0 $0x0  }
0x12: {  	s1 =	sld [smem:$0x3F91];
	s0 =	simm.s32 @p0 $0x1  }
0x13: {  	[smem:$0x3FAC] =	sst s0;
	s0 =	simm.s32 @!p1 $0x0  }
0x14: {  	s2 =	sld [smem:$0x3F90];
	s0 =	simm.s32 @p1 $0x1  }
0x15: {  	[smem:$0x3FAD] =	sst s0;
	s0 =	simm.s32 @!p2 $0x0  }
0x16: {  	s3 =	sld [smem:$0x3FDB];
	s0 =	simm.s32 @p2 $0x1  }
0x17: {  	s4 =	simm.s32 $0x1BF5;
	[smem:$0x3FAF] =	sst s0  }
0x18: {  	s0 =	sld [smem:$0x3F92];
	_ =	swait.ge [sflag:s4], $0x0  }
0x19: {  	s7 =	sld [smem:$0x3F93]  }
0x1a: {  	s8 =	sadd.s32 $0xFFFFE003, lr  }
0x1b: {  	s9 =	sadd.s32 $0xFFFFFEF7, lr;
	s5 =	simm.s32 $0xFFFFFFFF;
	p2 =	slt.u32 s8, $0xFFFFF086  }
0x1c: {  	p1 =	slt.u32 s9, $0xF7A;
	s5 =	simm.s32 @!p2 $0x0  }
0x1d: {  	s5 =	simm.s32 @p1 $0x1;
	p0 =	seq.s32 s7, s2  }
0x1e: {  	s7 =	smul.u32 @!p0 $0xF7A, s2;
	p2 =	seq.s32 @!p0 s5, $0x0  }
0x1f: {  	s9 =	smul.u32 $0xF7A, s1;
	s8 =	simm.s32 @!p0 $0x1BF5;
	p2 =	por !p2, p0  }
0x20: {  	[sflag:s8] =	ssyncset.s32 @!p0 $0xFFFFF086;
	s6 =	sadd.s32 @!p0 s3, s7;
	s7 =	simm.s32 @!p0 $0x108  }
0x21: {  	s3 =	sadd.s32 s3, s9;
	s6 =	sadd.s32 @!p0 $0x88, s6;
	s7 =	simm.s32 @p2 $0x1082  }
0x22: {  	[simem:s7], [sflag:s8] =	dma.local @!p0 [hbm:s6], $0xF7A  }
0x23: {  	s9 =	sor.u32 $0xD0000000, s2;
	s6 =	simm.s32 $0x108;
	_ =	swait.ge @!p0 [sflag:s8], $0x0  }
0x24: {  	s3 =	sadd.s32 $0x88, s3;
	s6 =	simm.s32 @!p1 $0x1082;
	[sflag:s4] =	ssyncset.s32 $0xFFFFF086  }
0x25: {  	[simem:s6], [sflag:s4] =	dma.local [hbm:s3], $0xF7A  }
0x26: {  	[smem:$0x3F93] =	sst s1;
	(tag) =	ssettag s2;
	_ =	strace s9  }
0x27: {  	s1 =	sld [smem:$0x3FA3]  }
0x28: {  	s2 =	sld [smem:$0x3FA4]  }
0x29: {  	s4 =	sld [smem:$0x3FA6]  }
0x2a: {  	p0 =	seq.s32 s5, $0x0;
	s5 =	sld [smem:$0x3FA7]  }
0x2b: {  	s6 =	sld [smem:$0x3FA8]  }
0x2c: {  	s7 =	sld [smem:$0x3FA9]  }
0x2d: {  	s3 =	simm.s32 $0x108;
	s8 =	sld [smem:$0x3FAA]  }
0x2e: {  	s3 =	simm.s32 @!p0 $0x1082;
	s9 =	sld [smem:$0x3FAB]  }
0x2f: {  	lr =	sadd.s32 s0, s3;
	s0 =	sld [smem:$0x3FA2]  }
0x30: {  	s3 =	sld [smem:$0x3FA5]  }
0x31: {  	[smem:$0x3FAE] =	sst s10  }
0x32: {  	s10 =	sld [smem:$0x3FAC];
	_ =	sdelay $0x3  }
0x33: {  	p0 =	seq.s32 s10, $0x1;
	s10 =	sld [smem:$0x3FAE];
	_ =	sdelay $0x3  }
0x34: {  	[smem:$0x3FAE] =	sst s10  }
0x35: {  	s10 =	sld [smem:$0x3FAD];
	_ =	sdelay $0x3  }
0x36: {  	p1 =	seq.s32 s10, $0x1;
	s10 =	sld [smem:$0x3FAE];
	_ =	sdelay $0x3  }
0x37: {  	[smem:$0x3FAE] =	sst s10  }
0x38: {  	s10 =	sld [smem:$0x3FAF]  }
0x39: {  	_ = 	snop;
	(pc) =	sbr.ind lr, $3  }
0x3a: {  	_ = 	snop  }
0x3b: {  	_ = 	snop  }
0x3c: {  	p2 =	seq.s32 s10, $0x1;
	s10 =	sld [smem:$0x3FAE]  }
0x3d: {  	_ =	shalt  }
0x3e: {  	_ =	shalt  }
0x3f: {  	_ =	shalt  }
0x40: {  	_ =	shalt  }
0x41: {  	_ =	shalt  }
0x42: {  	_ =	shalt  }
0x43: {  	_ =	shalt  }
0x44: {  	_ =	shalt  }
0x45: {  	_ =	shalt  }
0x46: {  	_ =	shalt  }
0x47: {  	_ =	shalt  }
0x48: {  	_ =	shalt  }
0x49: {  	_ =	shalt  }
0x4a: {  	_ =	shalt  }
0x4b: {  	_ =	shalt  }
0x4c: {  	_ =	shalt  }
0x4d: {  	_ =	shalt  }
0x4e: {  	_ =	shalt  }
0x4f: {  	_ =	shalt  }
0x50: {  	_ =	shalt  }
0x51: {  	_ =	shalt  }
0x52: {  	_ =	shalt  }
0x53: {  	_ =	shalt  }
0x54: {  	_ =	shalt  }
0x55: {  	_ =	shalt  }
0x56: {  	_ =	shalt  }
0x57: {  	_ =	shalt  }
0x58: {  	_ =	shalt  }
0x59: {  	_ =	shalt  }
0x5a: {  	_ =	shalt  }
0x5b: {  	_ =	shalt  }
0x5c: {  	_ =	shalt  }
0x5d: {  	_ =	shalt  }
0x5e: {  	_ =	shalt  }
0x5f: {  	_ =	shalt  }
0x60: {  	_ =	shalt  }
0x61: {  	_ =	shalt  }
0x62: {  	_ =	shalt  }
0x63: {  	_ =	shalt  }
0x64: {  	_ =	shalt  }
0x65: {  	_ =	shalt  }
0x66: {  	_ =	shalt  }
0x67: {  	_ =	shalt  }
0x68: {  	_ =	shalt  }
0x69: {  	_ =	shalt  }
0x6a: {  	_ =	shalt  }
0x6b: {  	_ =	shalt  }
0x6c: {  	_ =	shalt  }
0x6d: {  	_ =	shalt  }
0x6e: {  	_ =	shalt  }
0x6f: {  	_ =	shalt  }
0x70: {  	_ =	shalt  }
0x71: {  	_ =	shalt  }
0x72: {  	_ =	shalt  }
0x73: {  	_ =	shalt  }
0x74: {  	_ =	shalt  }
0x75: {  	_ =	shalt  }
0x76: {  	_ =	shalt  }
0x77: {  	_ =	shalt  }
0x78: {  	_ =	shalt  }
0x79: {  	_ =	shalt  }
0x7a: {  	_ =	shalt  }
0x7b: {  	_ =	shalt  }
0x7c: {  	_ =	shalt  }
0x7d: {  	_ =	shalt  }
0x7e: {  	_ =	shalt  }
0x7f: {  	_ =	shalt  }
0x80: {  	_ =	shalt  }
0x81: {  	_ =	shalt  }
0x82: {  	_ =	shalt  }
0x83: {  	_ =	shalt  }
0x84: {  	_ =	shalt  }
0x85: {  	_ =	shalt  }
0x86: {  	_ =	shalt  }
0x87: {  	_ =	shalt  }
.Lfunc_end0:
.L_simem_size_0:
called_computation.1_lowered:
.L_overlay_start_0:
0x88: {  	s2 =	sld [smem:$0x3FD9]  }
0x89: {  	s3 =	sld [smem:$0x3FFE];
	_ =	sdelay $0x1  }
0x8a: {  	s1 =	srdreg.scid  }
0x8b: {  	s0 =	sand.u32 $0x1, s1  }
0x8c: {  	s16 =	sshll.u32 s0, $0xA;
	s2 =	sadd.s32 s3, s2  }
0x8d: {  	s2 =	sadd.s32 s2, s16  }
0x8e: {  	[smem:$0x3FBA] =	sst s2  }
0x8f: {  	_ = 	snop  }
0x90: {  	(tm) =	ssettm $0x1  }
0x91: {  	s17 =	sld [smem:$0x3FFB];
	_ =	sdelay $0x3  }
0x92: {  	_ =	strace s17  }
0x93: {  	s2 =	sld [smem:$0x3FFC];
	_ =	sdelay $0x3  }
0x94: {  	_ =	strace s2  }
0x95: {  	s2 =	sld [smem:$0x3FFD];
	_ =	sdelay $0x3  }
0x96: {  	_ =	strace s2  }
0x97: {  	_ =	strace $0x8FFFFFFF  }
0x98: {  	s18 =	sld [smem:$0x3FDB];
	_ =	sdelay $0x1  }
0x99: {  	s19 =	simm.s32 $_scs_section_size  }
0x9a: {  	s4 =	simm.s32 $_size__tile_overlayer_lowered;
	s5 =	simm.s32 $_tile_overlayer_lowered  }
0x9b: {  	s22 =	simm.s32 $0x1BFF;
	s21 =	sshll.u32 s5, $0x1;
	s2 =	sadd.s32 s19, s18  }
0x9c: {  	s6 =	simm.s32 $0x0;
	s20 =	sshll.u32 s4, $0x1;
	s4 =	sadd.s32 s21, s2  }
0x9d: {  	[timem:s6], [sflag:s22] =	dma.local [hbm:s4], s20  }
0x9e: {  	_ =	swait.ge [sflag:s22], s20  }
0x9f: {  	s3 =	ssub.s32 $0x0, s20;
	[sflag:s22] =	ssyncset.done $0x0  }
0xa0: {  	[sflag:s22] =	ssyncadd.s32 s3;
	_ =	sdelay $0x1  }
0xa1: {  	s23 =	simm.s32 $0x1B8B  }
0xa2: {  	_ =	swait.ge [sflag:s23], $0x1  }
0xa3: {  	[sflag:s23] =	ssyncset.done $0x0  }
0xa4: {  	s25 =	simm.s32 $0x1B8E;
	s24 =	sld [smem:$0x3FFE];
	[sflag:s23] =	ssyncadd.s32 $0xFFFFFFFF  }
0xa5: {  	s26 =	simm.s32 $execute0_lowered;
	[smem:$0x3FD2] =	sst s25  }
0xa6: {  	s4 =	sshll.u32 s26, $0x1;
	_ =	strace $0x80000049;
	[dreg:$0x1] =	wrdreg $0xFFFFFFFF  }
0xa7: {  	s28 =	simm.s32 $_size_execute0_lowered;
	s2 =	sadd.s32 s2, s4;
	[dreg:$0x0] =	wrdreg $0x0  }
0xa8: {  	s4 =	sshll.u32 s28, $0x1;
	[dreg:$0x2] =	wrdreg s2  }
0xa9: {  	[dreg:$0x3] =	wrdreg s4  }
0xaa: {  	[dreg:$0x4] =	wrdreg $0xC0  }
0xab: {  	_ =	task [dreg:s6], $0x5FFFF  }
0xac: {  	[dreg:$0x1] =	wrdreg $0xFFFFFFFF  }
0xad: {  	[dreg:$0x0] =	wrdreg $0x60  }
0xae: {  	[dreg:$0x2] =	wrdreg s24  }
0xaf: {  	[dreg:$0x3] =	wrdreg $0x0  }
0xb0: {  	[dreg:$0x4] =	wrdreg $0x9  }
0xb1: {  	_ =	task.clear_ibuf [dreg:s6], $0x5FFFF;
	_ =	strace $0x90000049  }
0xb2: {  	s29 =	simm.s32 $0x9;
	_ =	strace $0x8000004B  }
0xb3: {  	_ =	swait.ge [sflag:s29], $0x1  }
0xb4: {  	[sflag:s29] =	ssyncadd.s32 $0xFFFFFFFF  }
0xb5: {  	_ =	strace $0x9000004B  }
0xb6: {  	_ =	sfence  }
0xb7: {  	s30 =	sld [smem:$0x0];
	_ =	sdelay $0x2  }
0xb8: {  	s31 =	sshll.u32 s1, $0xD;
	s1 =	sshrl.u32 s1, $0x2  }
0xb9: {  	s3 =	sand.u32 $0x4000, s31;
	s1 =	sadd.s32 s1, s30  }
0xba: {  	s0 =	sor.u32 s3, s0;
	s1 =	sshll.u32 s1, $0x11  }
0xbb: {  	s0 =	sor.u32 s1, s0  }
0xbc: {  	s0 =	sadd.s32 $0x8F2B, s0  }
0xbd: {  	[sflag:s0] =	ssyncadd.remote.s32 $0x1  }
0xbe: {  	_ =	sfence.sel $0xFFFF  }
0xbf: {  	[dreg:$0x0] =	wrdreg $0xFFFFFFFF;
	(pc) =	sbr.abs _section_cstart, $3  }
0xc0: {  	[dreg:$0x1] =	wrdreg $0xFFFFFFFF  }
0xc1: {  	_ =	task.clear_ibuf [dreg:s6], $0x2FFFF;
	_ =	strace $0x9FFFFFFF  }
0xc2: {  	(tm) =	ssettm $0x7FFFFFFF  }
0xc3: {  	_ =	shalt  }
tec
execute0_lowered:
.L_overlay_start_1:
0x0: {  	(tag) =	ssettag $0x1  }
0x1: {  	s0 =	rddreg [dreg:$0x0]  }
0x2: {  	s2 =	rddreg [dreg:$0x1]  }
0x3: {  	s3 =	simm.s32 $0x0;
	s4 =	srdreg.scid;
	s1 =	stileid.u32  }
0x4: {  	s28 =	simm.s32 $0x17A00;
	s29 =	simm.s32 $0x1A200;
	s30 =	simm.s32 $0x80  }
0x5: {  	s31 =	simm.s32 $0x15A00;
	[smem:$0x7FF] =	sst s3;
	s15 =	sand.u32 $0x1, s4  }
0x6: {  	s5 =	smul.u32 $0x13A00, s1;
	s4 =	sadd.s32 $0x1E00, s0;
	s16 =	sadd.s32 $0x3D800, s0  }
0x7: {  	s17 =	sadd.s32 $0x47800, s0;
	s7 =	smul.u32 $0x4E800, s1;
	s18 =	sadd.s32 $0x33800, s0  }
0x8: {  	s19 =	sadd.s32 $0x29800, s0;
	s21 =	smul.u32 $0x5000, s1;
	_ =	strace $0x8000004A  }
0x9: {  	s6 =	smul.u32 $0x13A000, s15;
	s8 =	ssub.s32 $0x2, s15;
	p0 =	seq.s32 s15, $0x1  }
0xa: {  	s7 =	sshrl.u32 s7, $0x2;
	s24 =	sshrl.u32 s8, $0x1;
	s21 =	sshrl.u32 s21, $0x3  }
0xb: {  	s6 =	sadd.s32 s5, s6;
	s14 =	sadd.s32 s7, s2;
	s20 =	ssub.s32 s8, s24  }
0xc: {  	s5 =	sadd.s32 s5, s2;
	s15 =	sadd.s32 $0x500, s21;
	s25 =	sadd.s32 s16, s21  }
0xd: {  	s26 =	sadd.s32 s18, s21;
	s23 =	sadd.s32 s17, s21;
	s24 =	sadd.s32 s19, s21  }
0xe: {  	s6 =	sshrl.u32 s6, $0x3;
	s7 =	sadd.s32 $0x4000, s14;
	s8 =	sadd.s32 $0x6000, s14  }
0xf: {  	s9 =	sadd.s32 $0x8000, s14;
	s10 =	sadd.s32 $0xA000, s14;
	[dreg:$0x3] =	wrdreg s25  }
0x10: {  	s11 =	sadd.s32 $0xC000, s14;
	s12 =	sadd.s32 $0xE000, s14;
	[dreg:$0x4] =	wrdreg s26  }
0x11: {  	s13 =	sadd.s32 $0x10000, s14;
	s16 =	sadd.s32 s16, s15;
	[dreg:$0x7] =	wrdreg s23  }
0x12: {  	s22 =	sadd.s32 s18, s15;
	[dreg:$0x8] =	wrdreg s24;
	s25 =	sadd.s32 s17, s15  }
0x13: {  	s26 =	sadd.s32 s19, s15;
	s24 =	smax.u32 s20, $0x1;
	s15 =	simm.s32 $0x2  }
.Ltmp0:
0x14: {  	s17 =	simm.s32 $0x1C900;
	[dreg:$0x5] =	wrdreg s16;
	(pc) =	sbr.rel .LBB2_1-.Ltmp0, $4  }
0x15: {  	s18 =	simm.s32 $0x1C980;
	s0 =	sadd.s32 s6, s0;
	[dreg:$0x6] =	wrdreg s22  }
0x16: {  	s6 =	sadd.s32 $0x2000, s14;
	s14 =	sadd.s32 $0x12000, s14;
	[dreg:$0x9] =	wrdreg s25  }
0x17: {  	[dreg:$0xa] =	wrdreg s26;
	s25 =	simm.s32 $0x13A00;
	s26 =	simm.s32 $0x3  }
0x18: {  	v0 =	vimm.f32 $0.0e+00;
	s16 =	simm.s32 $0x1A180;
	s23 =	sadd.s32 $0x51800, s0;
	s0 =	simm.s32 $0x1  }
.LBB2_8:
0x19: {  	s1 =	sadd.s32 $0x17A80, s19;
	[sflag:s26] =	ssyncadd.s32 $0xFFFFE000  }
0x1a: {  	[tilespmem:s31], [sflag:$0x2] =	stream.indirect.gather [hbm4b:s4+s30], $0x40, s1, s30, $0xb8;
	[tilespmem:$0x1CA00] =	vst v63  }
0x1b: {  	_ =	swait.ge [sflag:s0], $0x2000  }
0x1c: {  	[sflag:s0] =	ssyncset.done $0x0  }
0x1d: {  	s20 =	sadd.s32 $0x1A200, s19;
	[sflag:s0] =	ssyncadd.s32 $0xFFFFE000  }
0x1e: {  	[spmem:s2] =	stream.indirect.scatter.add.f32 [tilespmem:s25], [sflag:$0x3], $0x40, s20, s30, $0xb8;
	[tilespmem:$0x1CA00] =	vst v63  }
0x1f: {  	_ =	swait.ge [sflag:s26], $0x2000  }
0x20: {  	[sflag:s26] =	ssyncset.done $0x0  }
0x21: {  	s21 =	sadd.s32 $0x17B00, s19;
	[sflag:s26] =	ssyncadd.s32 $0xFFFFE000  }
0x22: {  	[tilespmem:s25], [sflag:$0x1] =	stream.indirect.gather [hbm4b:s4+s30], $0x40, s21, s30, $0xb8;
	[tilespmem:$0x1CA00] =	vst v63  }
0x23: {  	_ =	swait.ge [sflag:s15], $0x2000  }
0x24: {  	[sflag:s15] =	ssyncset.done $0x0  }
0x25: {  	s22 =	sadd.s32 $0x1A280, s19;
	[sflag:s15] =	ssyncadd.s32 $0xFFFFE000  }
0x26: {  	[spmem:s2] =	stream.indirect.scatter.add.f32 [tilespmem:s31], [sflag:$0x3], $0x40, s22, s30, $0xb8;
	[tilespmem:$0x1CA00] =	vst v63  }
0x27: {  	_ =	swait.ge [sflag:s26], $0x2000  }
0x28: {  	[sflag:s26] =	ssyncset.done $0x0  }
0x29: {  	[sflag:s26] =	ssyncadd.s32 $0xFFFFE000  }
.LBB2_14:
0x2a: {  	[tilespmem:s31], [sflag:$0x2] =	stream.indirect.gather [hbm4b:s4+s30], $0x40, s16, s30, $0xb8;
	[tilespmem:$0x1CA00] =	vst v63  }
0x2b: {  	_ =	swait.ge [sflag:s0], $0x2000  }
0x2c: {  	[sflag:s0] =	ssyncset.done $0x0  }
0x2d: {  	[sflag:s0] =	ssyncadd.s32 $0xFFFFE000  }
0x2e: {  	[spmem:s2] =	stream.indirect.scatter.add.f32 [tilespmem:s25], [sflag:$0x3], $0x40, s17, s30, $0xb8;
	[tilespmem:$0x1CA00] =	vst v63  }
0x2f: {  	_ =	swait.ge [sflag:s26], $0x2000  }
0x30: {  	[sflag:s26] =	ssyncset.done $0x0  }
0x31: {  	[sflag:s26] =	ssyncadd.s32 $0xFFFFE000  }
0x32: {  	_ =	swait.ge [sflag:s15], $0x2000  }
0x33: {  	[sflag:s15] =	ssyncset.done $0x0  }
0x34: {  	[sflag:s15] =	ssyncadd.s32 $0xFFFFE000  }
0x35: {  	[spmem:s2] =	stream.indirect.scatter.add.f32 [tilespmem:s31], [sflag:$0x3], $0x40, s18, s30, $0xb8;
	[tilespmem:$0x1CA00] =	vst v63  }
0x36: {  	s1 =	stileid.u32;
	_ =	swait.ge [sflag:s26], $0x2000  }
0x37: {  	s19 =	sshrl.u32 s5, $0x3;
	s3 =	sadd.s32 $0x1, s3;
	[sflag:s26] =	ssyncset.done $0x0  }
0x38: {  	s1 =	sshll.u32 s1, $0x6;
	p1 =	sne.s32 s3, s24;
	[sflag:s26] =	ssyncadd.s32 $0xFFFFE000  }
.Ltmp1:
0x39: {  	s1 =	sor.u32 $0x1C03, s1;
	[bflag:$0x0] =	sbarrier.arrive $0xFFFF;
	(pc) =	sbr.rel @!p1 .LBB2_15-.Ltmp1, $4  }
0x3a: {  	[hbm:s23], [sflag:s1] =	dma.local [spmem:s19], $0x2740  }
0x3b: {  	_ =	swait.ge [sflag:s26], $0x2740  }
0x3c: {  	[sflag:s26] =	ssyncset.done $0x0  }
0x3d: {  	[sflag:s26] =	ssyncadd.s32 $0xFFFFD8C0  }
.LBB2_1:
0x3e: {  	s20 =	simm.s32 $0x100;
	s19 =	simm.s32 $0x0  }
.LBB2_2:
0x3f: {  	p1 =	sne.s32 s20, $0x7F00;
	[tilespmem:s19+$0x13A30] =	vst v0;
	s21 =	smov.u32 s20;
	s20 =	sadd.s32 $0x100, s20  }
.Ltmp2:
0x40: {  	[tilespmem:s19+$0x13A20] =	vst v0;
	(pc) =	sbr.rel @p1 .LBB2_2-.Ltmp2, $3  }
0x41: {  	[tilespmem:s19+$0x13A00] =	vst v0  }
0x42: {  	[tilespmem:s19+$0x13A10] =	vst v0;
	_ =	sdelay $0x1  }
0x43: {  	s19 =	sshra.s32 s21, $0x2  }
0x44: {  	[tilespmem:s19+$0x13A30] =	vst v0  }
0x45: {  	[tilespmem:s19+$0x13A20] =	vst v0  }
0x46: {  	[tilespmem:s19+$0x13A00] =	vst v0  }
0x47: {  	[tilespmem:s19+$0x13A10] =	vst v0  }
0x48: {  	[spmem:s5] =	stream.linear.scatter [tilespmem:s25], [sflag:$0x3], $0x2000, $0x38;
	[tilespmem:$0x1CA00] =	vst v63  }
0x49: {  	_ =	swait.ge [sflag:s26], $0x2000  }
0x4a: {  	[sflag:s26] =	ssyncset.done $0x0  }
0x4b: {  	[sflag:s26] =	ssyncadd.s32 $0xFFFFE000  }
0x4c: {  	[spmem:s6] =	stream.linear.scatter [tilespmem:s25], [sflag:$0x3], $0x2000, $0x38;
	[tilespmem:$0x1CA00] =	vst v63  }
0x4d: {  	_ =	swait.ge [sflag:s26], $0x2000  }
0x4e: {  	[sflag:s26] =	ssyncset.done $0x0  }
0x4f: {  	[sflag:s26] =	ssyncadd.s32 $0xFFFFE000  }
0x50: {  	[spmem:s7] =	stream.linear.scatter [tilespmem:s25], [sflag:$0x3], $0x2000, $0x38;
	[tilespmem:$0x1CA00] =	vst v63  }
0x51: {  	_ =	swait.ge [sflag:s26], $0x2000  }
0x52: {  	[sflag:s26] =	ssyncset.done $0x0  }
0x53: {  	[sflag:s26] =	ssyncadd.s32 $0xFFFFE000  }
0x54: {  	[spmem:s8] =	stream.linear.scatter [tilespmem:s25], [sflag:$0x3], $0x2000, $0x38;
	[tilespmem:$0x1CA00] =	vst v63  }
0x55: {  	_ =	swait.ge [sflag:s26], $0x2000  }
0x56: {  	[sflag:s26] =	ssyncset.done $0x0  }
0x57: {  	[sflag:s26] =	ssyncadd.s32 $0xFFFFE000  }
0x58: {  	[spmem:s9] =	stream.linear.scatter [tilespmem:s25], [sflag:$0x3], $0x2000, $0x38;
	[tilespmem:$0x1CA00] =	vst v63  }
0x59: {  	_ =	swait.ge [sflag:s26], $0x2000  }
0x5a: {  	[sflag:s26] =	ssyncset.done $0x0  }
0x5b: {  	[sflag:s26] =	ssyncadd.s32 $0xFFFFE000  }
0x5c: {  	[spmem:s10] =	stream.linear.scatter [tilespmem:s25], [sflag:$0x3], $0x2000, $0x38;
	[tilespmem:$0x1CA00] =	vst v63  }
0x5d: {  	_ =	swait.ge [sflag:s26], $0x2000  }
0x5e: {  	[sflag:s26] =	ssyncset.done $0x0  }
0x5f: {  	[sflag:s26] =	ssyncadd.s32 $0xFFFFE000  }
0x60: {  	[spmem:s11] =	stream.linear.scatter [tilespmem:s25], [sflag:$0x3], $0x2000, $0x38;
	[tilespmem:$0x1CA00] =	vst v63  }
0x61: {  	_ =	swait.ge [sflag:s26], $0x2000  }
0x62: {  	[sflag:s26] =	ssyncset.done $0x0  }
0x63: {  	[sflag:s26] =	ssyncadd.s32 $0xFFFFE000  }
0x64: {  	[spmem:s12] =	stream.linear.scatter [tilespmem:s25], [sflag:$0x3], $0x2000, $0x38;
	[tilespmem:$0x1CA00] =	vst v63  }
0x65: {  	_ =	swait.ge [sflag:s26], $0x2000  }
0x66: {  	[sflag:s26] =	ssyncset.done $0x0  }
0x67: {  	[sflag:s26] =	ssyncadd.s32 $0xFFFFE000  }
0x68: {  	[spmem:s13] =	stream.linear.scatter [tilespmem:s25], [sflag:$0x3], $0x2000, $0x38;
	[tilespmem:$0x1CA00] =	vst v63  }
0x69: {  	_ =	swait.ge [sflag:s26], $0x2000  }
0x6a: {  	[sflag:s26] =	ssyncset.done $0x0  }
0x6b: {  	[sflag:s26] =	ssyncadd.s32 $0xFFFFE000  }
0x6c: {  	[spmem:s14] =	stream.linear.scatter [tilespmem:s25], [sflag:$0x3], $0x1A00, $0x38;
	[tilespmem:$0x1CA00] =	vst v63  }
.Ltmp3:
0x6d: {  	_ =	swait.ge [sflag:s26], $0x1A00;
	(pc) =	sbr.rel @!p0 .LBB2_4-.Ltmp3, $3  }
0x6e: {  	[sflag:s26] =	ssyncset.done $0x0  }
0x6f: {  	[sflag:s26] =	ssyncadd.s32 $0xFFFFE600  }
0x70: {  	[bflag:$0x0] =	sbarrier.arrive $0xFFFF;
	_ =	sdelay $0x1  }
0x71: {  	s1 =	simm.s32 $0x0;
	s19 =	rddreg [dreg:$0x7]  }
0x72: {  	[tilespmem:s28], [sflag:$0x3] =	stream.linear.gather [hbm4b:s19+s1], $0x2800, $0x38;
	[tilespmem:$0x1CA00] =	vst v63  }
0x73: {  	_ =	swait.ge [sflag:s26], $0x2800  }
0x74: {  	[sflag:s26] =	ssyncset.done $0x0  }
0x75: {  	s22 =	rddreg [dreg:$0x8];
	[sflag:s26] =	ssyncadd.s32 $0xFFFFD800  }
0x76: {  	[tilespmem:s29], [sflag:$0x3] =	stream.linear.gather [hbm4b:s22+s1], $0x2800, $0x38;
	[tilespmem:$0x1CA00] =	vst v63  }
0x77: {  	_ =	swait.ge [sflag:s26], $0x2800  }
0x78: {  	[sflag:s26] =	ssyncset.done $0x0  }
0x79: {  	[sflag:s26] =	ssyncadd.s32 $0xFFFFD800  }
0x7a: {  	[tilespmem:s25], [sflag:$0x1] =	stream.indirect.gather [hbm4b:s4+s30], $0x40, s28, s30, $0xb8;
	[tilespmem:$0x1CA00] =	vst v63  }
0x7b: {  	s19 =	simm.s32 $0x17A80  }
0x7c: {  	[tilespmem:s31], [sflag:$0x2] =	stream.indirect.gather [hbm4b:s4+s30], $0x40, s19, s30, $0xb8;
	[tilespmem:$0x1CA00] =	vst v63  }
0x7d: {  	_ =	swait.ge [sflag:s0], $0x2000  }
0x7e: {  	[sflag:s0] =	ssyncset.done $0x0  }
0x7f: {  	s20 =	simm.s32 $0x1A200;
	[sflag:s0] =	ssyncadd.s32 $0xFFFFE000  }
0x80: {  	[spmem:s2] =	stream.indirect.scatter.add.f32 [tilespmem:s25], [sflag:$0x3], $0x40, s20, s30, $0xb8;
	[tilespmem:$0x1CA00] =	vst v63  }
0x81: {  	_ =	swait.ge [sflag:s26], $0x2000  }
0x82: {  	[sflag:s26] =	ssyncset.done $0x0  }
0x83: {  	s21 =	simm.s32 $0x17B00;
	[sflag:s26] =	ssyncadd.s32 $0xFFFFE000  }
0x84: {  	[tilespmem:s25], [sflag:$0x1] =	stream.indirect.gather [hbm4b:s4+s30], $0x40, s21, s30, $0xb8;
	[tilespmem:$0x1CA00] =	vst v63  }
0x85: {  	_ =	swait.ge [sflag:s15], $0x2000  }
0x86: {  	[sflag:s15] =	ssyncset.done $0x0  }
0x87: {  	s22 =	simm.s32 $0x1A280;
	[sflag:s15] =	ssyncadd.s32 $0xFFFFE000  }
0x88: {  	[spmem:s2] =	stream.indirect.scatter.add.f32 [tilespmem:s31], [sflag:$0x3], $0x40, s22, s30, $0xb8;
	[tilespmem:$0x1CA00] =	vst v63  }
0x89: {  	_ =	swait.ge [sflag:s26], $0x2000  }
0x8a: {  	s19 =	simm.s32 $0x100;
	s20 =	simm.s32 $0x800;
	[sflag:s26] =	ssyncset.done $0x0  }
.LBB2_10:
0x8b: {  	s1 =	sadd.s32 $0x17A80, s19  }
0x8c: {  	[sflag:s26] =	ssyncadd.s32 $0xFFFFE000;
	s21 =	smov.u32 s20;
	s22 =	sadd.s32 $0x400, s20  }
0x8d: {  	[tilespmem:s31], [sflag:$0x2] =	stream.indirect.gather [hbm4b:s4+s30], $0x40, s1, s30, $0xb8;
	[tilespmem:$0x1CA00] =	vst v63  }
0x8e: {  	p1 =	sne.s32 s20, $0x9800;
	_ =	swait.ge [sflag:s0], $0x2000  }
0x8f: {  	[sflag:s0] =	ssyncset.done $0x0  }
0x90: {  	s1 =	sadd.s32 $0x1A200, s19;
	[sflag:s0] =	ssyncadd.s32 $0xFFFFE000  }
0x91: {  	[spmem:s2] =	stream.indirect.scatter.add.f32 [tilespmem:s25], [sflag:$0x3], $0x40, s1, s30, $0xb8;
	[tilespmem:$0x1CA00] =	vst v63  }
0x92: {  	_ =	swait.ge [sflag:s26], $0x2000  }
0x93: {  	[sflag:s26] =	ssyncset.done $0x0  }
0x94: {  	s1 =	sadd.s32 $0x17B00, s19;
	[sflag:s26] =	ssyncadd.s32 $0xFFFFE000  }
0x95: {  	[tilespmem:s25], [sflag:$0x1] =	stream.indirect.gather [hbm4b:s4+s30], $0x40, s1, s30, $0xb8;
	[tilespmem:$0x1CA00] =	vst v63  }
0x96: {  	_ =	swait.ge [sflag:s15], $0x2000  }
.Ltmp4:
0x97: {  	[sflag:s15] =	ssyncset.done $0x0;
	(pc) =	sbr.rel @p1 .LBB2_10-.Ltmp4, $4  }
0x98: {  	s1 =	sadd.s32 $0x1A280, s19;
	[sflag:s15] =	ssyncadd.s32 $0xFFFFE000  }
0x99: {  	[spmem:s2] =	stream.indirect.scatter.add.f32 [tilespmem:s31], [sflag:$0x3], $0x40, s1, s30, $0xb8;
	[tilespmem:$0x1CA00] =	vst v63  }
0x9a: {  	_ =	swait.ge [sflag:s26], $0x2000  }
0x9b: {  	s20 =	smov.u32 s22;
	s19 =	sshra.s32 s21, $0x2;
	[sflag:s26] =	ssyncset.done $0x0  }
0x9c: {  	s1 =	sadd.s32 $0x17A80, s19;
	[sflag:s26] =	ssyncadd.s32 $0xFFFFE000  }
0x9d: {  	[tilespmem:s31], [sflag:$0x2] =	stream.indirect.gather [hbm4b:s4+s30], $0x40, s1, s30, $0xb8;
	[tilespmem:$0x1CA00] =	vst v63  }
0x9e: {  	_ =	swait.ge [sflag:s0], $0x2000  }
0x9f: {  	[sflag:s0] =	ssyncset.done $0x0  }
0xa0: {  	s21 =	sadd.s32 $0x1A200, s19;
	[sflag:s0] =	ssyncadd.s32 $0xFFFFE000  }
0xa1: {  	[spmem:s2] =	stream.indirect.scatter.add.f32 [tilespmem:s25], [sflag:$0x3], $0x40, s21, s30, $0xb8;
	[tilespmem:$0x1CA00] =	vst v63  }
0xa2: {  	_ =	swait.ge [sflag:s26], $0x2000  }
0xa3: {  	[sflag:s26] =	ssyncset.done $0x0  }
0xa4: {  	s22 =	sadd.s32 $0x17B00, s19;
	[sflag:s26] =	ssyncadd.s32 $0xFFFFE000  }
0xa5: {  	[tilespmem:s25], [sflag:$0x1] =	stream.indirect.gather [hbm4b:s4+s30], $0x40, s22, s30, $0xb8;
	[tilespmem:$0x1CA00] =	vst v63  }
0xa6: {  	_ =	swait.ge [sflag:s15], $0x2000  }
0xa7: {  	[sflag:s15] =	ssyncset.done $0x0  }
0xa8: {  	s19 =	sadd.s32 $0x1A280, s19;
	[sflag:s15] =	ssyncadd.s32 $0xFFFFE000  }
0xa9: {  	[spmem:s2] =	stream.indirect.scatter.add.f32 [tilespmem:s31], [sflag:$0x3], $0x40, s19, s30, $0xb8;
	[tilespmem:$0x1CA00] =	vst v63  }
0xaa: {  	_ =	swait.ge [sflag:s26], $0x2000  }
0xab: {  	[sflag:s26] =	ssyncset.done $0x0  }
0xac: {  	[sflag:s26] =	ssyncadd.s32 $0xFFFFE000  }
0xad: {  	[tilespmem:s31], [sflag:$0x2] =	stream.indirect.gather [hbm4b:s4+s30], $0x40, s16, s30, $0xb8;
	[tilespmem:$0x1CA00] =	vst v63  }
0xae: {  	_ =	swait.ge [sflag:s0], $0x2000  }
0xaf: {  	[sflag:s0] =	ssyncset.done $0x0  }
0xb0: {  	[sflag:s0] =	ssyncadd.s32 $0xFFFFE000  }
0xb1: {  	[spmem:s2] =	stream.indirect.scatter.add.f32 [tilespmem:s25], [sflag:$0x3], $0x40, s17, s30, $0xb8;
	[tilespmem:$0x1CA00] =	vst v63  }
0xb2: {  	_ =	swait.ge [sflag:s26], $0x2000  }
0xb3: {  	[sflag:s26] =	ssyncset.done $0x0  }
0xb4: {  	[sflag:s26] =	ssyncadd.s32 $0xFFFFE000  }
0xb5: {  	_ =	swait.ge [sflag:s15], $0x2000  }
0xb6: {  	[sflag:s15] =	ssyncset.done $0x0  }
0xb7: {  	[sflag:s15] =	ssyncadd.s32 $0xFFFFE000  }
0xb8: {  	[spmem:s2] =	stream.indirect.scatter.add.f32 [tilespmem:s31], [sflag:$0x3], $0x40, s18, s30, $0xb8;
	[tilespmem:$0x1CA00] =	vst v63  }
0xb9: {  	_ =	swait.ge [sflag:s26], $0x2000  }
0xba: {  	[sflag:s26] =	ssyncset.done $0x0  }
0xbb: {  	s20 =	simm.s32 $0x0;
	s21 =	rddreg [dreg:$0x9];
	[sflag:s26] =	ssyncadd.s32 $0xFFFFE000  }
0xbc: {  	[tilespmem:s28], [sflag:$0x3] =	stream.linear.gather [hbm4b:s21+s20], $0x2800, $0x38;
	[tilespmem:$0x1CA00] =	vst v63  }
0xbd: {  	_ =	swait.ge [sflag:s26], $0x2800  }
0xbe: {  	[sflag:s26] =	ssyncset.done $0x0  }
0xbf: {  	s22 =	rddreg [dreg:$0xa];
	[sflag:s26] =	ssyncadd.s32 $0xFFFFD800  }
0xc0: {  	[tilespmem:s29], [sflag:$0x3] =	stream.linear.gather [hbm4b:s22+s20], $0x2800, $0x38;
	[tilespmem:$0x1CA00] =	vst v63  }
0xc1: {  	_ =	swait.ge [sflag:s26], $0x2800  }
0xc2: {  	[sflag:s26] =	ssyncset.done $0x0  }
0xc3: {  	[sflag:s26] =	ssyncadd.s32 $0xFFFFD800  }
0xc4: {  	[tilespmem:s25], [sflag:$0x1] =	stream.indirect.gather [hbm4b:s4+s30], $0x40, s28, s30, $0xb8;
	[tilespmem:$0x1CA00] =	vst v63  }
0xc5: {  	s19 =	simm.s32 $0x17A80  }
0xc6: {  	[tilespmem:s31], [sflag:$0x2] =	stream.indirect.gather [hbm4b:s4+s30], $0x40, s19, s30, $0xb8;
	[tilespmem:$0x1CA00] =	vst v63  }
0xc7: {  	_ =	swait.ge [sflag:s0], $0x2000  }
0xc8: {  	[sflag:s0] =	ssyncset.done $0x0  }
0xc9: {  	s20 =	simm.s32 $0x1A200;
	[sflag:s0] =	ssyncadd.s32 $0xFFFFE000  }
0xca: {  	[spmem:s2] =	stream.indirect.scatter.add.f32 [tilespmem:s25], [sflag:$0x3], $0x40, s20, s30, $0xb8;
	[tilespmem:$0x1CA00] =	vst v63  }
0xcb: {  	_ =	swait.ge [sflag:s26], $0x2000  }
0xcc: {  	[sflag:s26] =	ssyncset.done $0x0  }
0xcd: {  	s21 =	simm.s32 $0x17B00;
	[sflag:s26] =	ssyncadd.s32 $0xFFFFE000  }
0xce: {  	[tilespmem:s25], [sflag:$0x1] =	stream.indirect.gather [hbm4b:s4+s30], $0x40, s21, s30, $0xb8;
	[tilespmem:$0x1CA00] =	vst v63  }
0xcf: {  	_ =	swait.ge [sflag:s15], $0x2000  }
0xd0: {  	[sflag:s15] =	ssyncset.done $0x0  }
0xd1: {  	s22 =	simm.s32 $0x1A280;
	[sflag:s15] =	ssyncadd.s32 $0xFFFFE000  }
0xd2: {  	[spmem:s2] =	stream.indirect.scatter.add.f32 [tilespmem:s31], [sflag:$0x3], $0x40, s22, s30, $0xb8;
	[tilespmem:$0x1CA00] =	vst v63  }
0xd3: {  	_ =	swait.ge [sflag:s26], $0x2000  }
0xd4: {  	s19 =	simm.s32 $0x100;
	s20 =	simm.s32 $0x800;
	[sflag:s26] =	ssyncset.done $0x0  }
.LBB2_12:
0xd5: {  	s1 =	sadd.s32 $0x17A80, s19  }
0xd6: {  	[sflag:s26] =	ssyncadd.s32 $0xFFFFE000;
	s21 =	smov.u32 s20;
	s22 =	sadd.s32 $0x400, s20  }
0xd7: {  	[tilespmem:s31], [sflag:$0x2] =	stream.indirect.gather [hbm4b:s4+s30], $0x40, s1, s30, $0xb8;
	[tilespmem:$0x1CA00] =	vst v63  }
0xd8: {  	p1 =	sne.s32 s20, $0x9800;
	_ =	swait.ge [sflag:s0], $0x2000  }
0xd9: {  	[sflag:s0] =	ssyncset.done $0x0  }
0xda: {  	s1 =	sadd.s32 $0x1A200, s19;
	[sflag:s0] =	ssyncadd.s32 $0xFFFFE000  }
0xdb: {  	[spmem:s2] =	stream.indirect.scatter.add.f32 [tilespmem:s25], [sflag:$0x3], $0x40, s1, s30, $0xb8;
	[tilespmem:$0x1CA00] =	vst v63  }
0xdc: {  	_ =	swait.ge [sflag:s26], $0x2000  }
0xdd: {  	[sflag:s26] =	ssyncset.done $0x0  }
0xde: {  	s1 =	sadd.s32 $0x17B00, s19;
	[sflag:s26] =	ssyncadd.s32 $0xFFFFE000  }
0xdf: {  	[tilespmem:s25], [sflag:$0x1] =	stream.indirect.gather [hbm4b:s4+s30], $0x40, s1, s30, $0xb8;
	[tilespmem:$0x1CA00] =	vst v63  }
0xe0: {  	_ =	swait.ge [sflag:s15], $0x2000  }
.Ltmp5:
0xe1: {  	[sflag:s15] =	ssyncset.done $0x0;
	(pc) =	sbr.rel @p1 .LBB2_12-.Ltmp5, $4  }
0xe2: {  	s1 =	sadd.s32 $0x1A280, s19;
	[sflag:s15] =	ssyncadd.s32 $0xFFFFE000  }
0xe3: {  	[spmem:s2] =	stream.indirect.scatter.add.f32 [tilespmem:s31], [sflag:$0x3], $0x40, s1, s30, $0xb8;
	[tilespmem:$0x1CA00] =	vst v63  }
0xe4: {  	_ =	swait.ge [sflag:s26], $0x2000  }
0xe5: {  	s20 =	smov.u32 s22;
	s19 =	sshra.s32 s21, $0x2;
	[sflag:s26] =	ssyncset.done $0x0  }
0xe6: {  	s1 =	sadd.s32 $0x17A80, s19;
	[sflag:s26] =	ssyncadd.s32 $0xFFFFE000  }
0xe7: {  	[tilespmem:s31], [sflag:$0x2] =	stream.indirect.gather [hbm4b:s4+s30], $0x40, s1, s30, $0xb8;
	[tilespmem:$0x1CA00] =	vst v63  }
0xe8: {  	_ =	swait.ge [sflag:s0], $0x2000  }
0xe9: {  	[sflag:s0] =	ssyncset.done $0x0  }
0xea: {  	s20 =	sadd.s32 $0x1A200, s19;
	[sflag:s0] =	ssyncadd.s32 $0xFFFFE000  }
0xeb: {  	[spmem:s2] =	stream.indirect.scatter.add.f32 [tilespmem:s25], [sflag:$0x3], $0x40, s20, s30, $0xb8;
	[tilespmem:$0x1CA00] =	vst v63  }
0xec: {  	_ =	swait.ge [sflag:s26], $0x2000  }
0xed: {  	[sflag:s26] =	ssyncset.done $0x0  }
0xee: {  	s21 =	sadd.s32 $0x17B00, s19;
	[sflag:s26] =	ssyncadd.s32 $0xFFFFE000  }
0xef: {  	[tilespmem:s25], [sflag:$0x1] =	stream.indirect.gather [hbm4b:s4+s30], $0x40, s21, s30, $0xb8;
	[tilespmem:$0x1CA00] =	vst v63  }
0xf0: {  	_ =	swait.ge [sflag:s15], $0x2000  }
0xf1: {  	[sflag:s15] =	ssyncset.done $0x0  }
.Ltmp6:
0xf2: {  	s22 =	sadd.s32 $0x1A280, s19;
	[sflag:s15] =	ssyncadd.s32 $0xFFFFE000;
	(pc) =	sbr.rel .LBB2_14-.Ltmp6, $4  }
0xf3: {  	[spmem:s2] =	stream.indirect.scatter.add.f32 [tilespmem:s31], [sflag:$0x3], $0x40, s22, s30, $0xb8;
	[tilespmem:$0x1CA00] =	vst v63  }
0xf4: {  	_ =	swait.ge [sflag:s26], $0x2000  }
0xf5: {  	[sflag:s26] =	ssyncset.done $0x0  }
0xf6: {  	[sflag:s26] =	ssyncadd.s32 $0xFFFFE000  }
.LBB2_4:
0xf7: {  	s19 =	simm.s32 $0x0;
	s1 =	rddreg [dreg:$0x3]  }
0xf8: {  	[tilespmem:s28], [sflag:$0x3] =	stream.linear.gather [hbm4b:s1+s19], $0x2800, $0x38;
	[tilespmem:$0x1CA00] =	vst v63  }
0xf9: {  	_ =	swait.ge [sflag:s26], $0x2800  }
0xfa: {  	[sflag:s26] =	ssyncset.done $0x0  }
0xfb: {  	s22 =	rddreg [dreg:$0x4];
	[sflag:s26] =	ssyncadd.s32 $0xFFFFD800  }
0xfc: {  	[tilespmem:s29], [sflag:$0x3] =	stream.linear.gather [hbm4b:s22+s19], $0x2800, $0x38;
	[tilespmem:$0x1CA00] =	vst v63  }
0xfd: {  	_ =	swait.ge [sflag:s26], $0x2800  }
0xfe: {  	[sflag:s26] =	ssyncset.done $0x0  }
0xff: {  	[sflag:s26] =	ssyncadd.s32 $0xFFFFD800  }
0x100: {  	[tilespmem:s25], [sflag:$0x1] =	stream.indirect.gather [hbm4b:s4+s30], $0x40, s28, s30, $0xb8;
	[tilespmem:$0x1CA00] =	vst v63  }
0x101: {  	s1 =	simm.s32 $0x17A80  }
0x102: {  	[tilespmem:s31], [sflag:$0x2] =	stream.indirect.gather [hbm4b:s4+s30], $0x40, s1, s30, $0xb8;
	[tilespmem:$0x1CA00] =	vst v63  }
0x103: {  	_ =	swait.ge [sflag:s0], $0x2000  }
0x104: {  	[sflag:s0] =	ssyncset.done $0x0  }
0x105: {  	s20 =	simm.s32 $0x1A200;
	[sflag:s0] =	ssyncadd.s32 $0xFFFFE000  }
0x106: {  	[spmem:s2] =	stream.indirect.scatter.add.f32 [tilespmem:s25], [sflag:$0x3], $0x40, s20, s30, $0xb8;
	[tilespmem:$0x1CA00] =	vst v63  }
0x107: {  	_ =	swait.ge [sflag:s26], $0x2000  }
0x108: {  	[sflag:s26] =	ssyncset.done $0x0  }
0x109: {  	s21 =	simm.s32 $0x17B00;
	[sflag:s26] =	ssyncadd.s32 $0xFFFFE000  }
0x10a: {  	[tilespmem:s25], [sflag:$0x1] =	stream.indirect.gather [hbm4b:s4+s30], $0x40, s21, s30, $0xb8;
	[tilespmem:$0x1CA00] =	vst v63  }
0x10b: {  	_ =	swait.ge [sflag:s15], $0x2000  }
0x10c: {  	[sflag:s15] =	ssyncset.done $0x0  }
0x10d: {  	s22 =	simm.s32 $0x1A280;
	[sflag:s15] =	ssyncadd.s32 $0xFFFFE000  }
0x10e: {  	[spmem:s2] =	stream.indirect.scatter.add.f32 [tilespmem:s31], [sflag:$0x3], $0x40, s22, s30, $0xb8;
	[tilespmem:$0x1CA00] =	vst v63  }
0x10f: {  	_ =	swait.ge [sflag:s26], $0x2000  }
0x110: {  	s19 =	simm.s32 $0x100;
	s20 =	simm.s32 $0x800;
	[sflag:s26] =	ssyncset.done $0x0  }
.LBB2_5:
0x111: {  	s21 =	sadd.s32 $0x17A80, s19  }
0x112: {  	[sflag:s26] =	ssyncadd.s32 $0xFFFFE000;
	s22 =	smov.u32 s20;
	s1 =	sadd.s32 $0x400, s20  }
0x113: {  	[tilespmem:s31], [sflag:$0x2] =	stream.indirect.gather [hbm4b:s4+s30], $0x40, s21, s30, $0xb8;
	[tilespmem:$0x1CA00] =	vst v63  }
0x114: {  	p1 =	sne.s32 s20, $0x9800;
	_ =	swait.ge [sflag:s0], $0x2000  }
0x115: {  	[sflag:s0] =	ssyncset.done $0x0  }
0x116: {  	s20 =	sadd.s32 $0x1A200, s19;
	[sflag:s0] =	ssyncadd.s32 $0xFFFFE000  }
0x117: {  	[spmem:s2] =	stream.indirect.scatter.add.f32 [tilespmem:s25], [sflag:$0x3], $0x40, s20, s30, $0xb8;
	[tilespmem:$0x1CA00] =	vst v63  }
0x118: {  	_ =	swait.ge [sflag:s26], $0x2000  }
0x119: {  	[sflag:s26] =	ssyncset.done $0x0  }
0x11a: {  	s20 =	sadd.s32 $0x17B00, s19;
	[sflag:s26] =	ssyncadd.s32 $0xFFFFE000  }
0x11b: {  	[tilespmem:s25], [sflag:$0x1] =	stream.indirect.gather [hbm4b:s4+s30], $0x40, s20, s30, $0xb8;
	[tilespmem:$0x1CA00] =	vst v63  }
0x11c: {  	_ =	swait.ge [sflag:s15], $0x2000  }
.Ltmp7:
0x11d: {  	[sflag:s15] =	ssyncset.done $0x0;
	(pc) =	sbr.rel @p1 .LBB2_5-.Ltmp7, $4  }
0x11e: {  	s19 =	sadd.s32 $0x1A280, s19;
	[sflag:s15] =	ssyncadd.s32 $0xFFFFE000  }
0x11f: {  	[spmem:s2] =	stream.indirect.scatter.add.f32 [tilespmem:s31], [sflag:$0x3], $0x40, s19, s30, $0xb8;
	[tilespmem:$0x1CA00] =	vst v63  }
0x120: {  	_ =	swait.ge [sflag:s26], $0x2000  }
0x121: {  	s20 =	smov.u32 s1;
	s19 =	sshra.s32 s22, $0x2;
	[sflag:s26] =	ssyncset.done $0x0  }
0x122: {  	s1 =	sadd.s32 $0x17A80, s19;
	[sflag:s26] =	ssyncadd.s32 $0xFFFFE000  }
0x123: {  	[tilespmem:s31], [sflag:$0x2] =	stream.indirect.gather [hbm4b:s4+s30], $0x40, s1, s30, $0xb8;
	[tilespmem:$0x1CA00] =	vst v63  }
0x124: {  	_ =	swait.ge [sflag:s0], $0x2000  }
0x125: {  	[sflag:s0] =	ssyncset.done $0x0  }
0x126: {  	s21 =	sadd.s32 $0x1A200, s19;
	[sflag:s0] =	ssyncadd.s32 $0xFFFFE000  }
0x127: {  	[spmem:s2] =	stream.indirect.scatter.add.f32 [tilespmem:s25], [sflag:$0x3], $0x40, s21, s30, $0xb8;
	[tilespmem:$0x1CA00] =	vst v63  }
0x128: {  	_ =	swait.ge [sflag:s26], $0x2000  }
0x129: {  	[sflag:s26] =	ssyncset.done $0x0  }
0x12a: {  	s22 =	sadd.s32 $0x17B00, s19;
	[sflag:s26] =	ssyncadd.s32 $0xFFFFE000  }
0x12b: {  	[tilespmem:s25], [sflag:$0x1] =	stream.indirect.gather [hbm4b:s4+s30], $0x40, s22, s30, $0xb8;
	[tilespmem:$0x1CA00] =	vst v63  }
0x12c: {  	_ =	swait.ge [sflag:s15], $0x2000  }
0x12d: {  	[sflag:s15] =	ssyncset.done $0x0  }
0x12e: {  	s19 =	sadd.s32 $0x1A280, s19;
	[sflag:s15] =	ssyncadd.s32 $0xFFFFE000  }
0x12f: {  	[spmem:s2] =	stream.indirect.scatter.add.f32 [tilespmem:s31], [sflag:$0x3], $0x40, s19, s30, $0xb8;
	[tilespmem:$0x1CA00] =	vst v63  }
0x130: {  	_ =	swait.ge [sflag:s26], $0x2000  }
0x131: {  	[sflag:s26] =	ssyncset.done $0x0  }
0x132: {  	[sflag:s26] =	ssyncadd.s32 $0xFFFFE000  }
0x133: {  	[tilespmem:s31], [sflag:$0x2] =	stream.indirect.gather [hbm4b:s4+s30], $0x40, s16, s30, $0xb8;
	[tilespmem:$0x1CA00] =	vst v63  }
0x134: {  	_ =	swait.ge [sflag:s0], $0x2000  }
0x135: {  	[sflag:s0] =	ssyncset.done $0x0  }
0x136: {  	[sflag:s0] =	ssyncadd.s32 $0xFFFFE000  }
0x137: {  	[spmem:s2] =	stream.indirect.scatter.add.f32 [tilespmem:s25], [sflag:$0x3], $0x40, s17, s30, $0xb8;
	[tilespmem:$0x1CA00] =	vst v63  }
0x138: {  	_ =	swait.ge [sflag:s26], $0x2000  }
0x139: {  	[sflag:s26] =	ssyncset.done $0x0  }
0x13a: {  	[sflag:s26] =	ssyncadd.s32 $0xFFFFE000  }
0x13b: {  	_ =	swait.ge [sflag:s15], $0x2000  }
0x13c: {  	[sflag:s15] =	ssyncset.done $0x0  }
0x13d: {  	[sflag:s15] =	ssyncadd.s32 $0xFFFFE000  }
0x13e: {  	[spmem:s2] =	stream.indirect.scatter.add.f32 [tilespmem:s31], [sflag:$0x3], $0x40, s18, s30, $0xb8;
	[tilespmem:$0x1CA00] =	vst v63  }
0x13f: {  	_ =	swait.ge [sflag:s26], $0x2000  }
0x140: {  	[sflag:s26] =	ssyncset.done $0x0  }
0x141: {  	s20 =	simm.s32 $0x0;
	s21 =	rddreg [dreg:$0x5];
	[sflag:s26] =	ssyncadd.s32 $0xFFFFE000  }
0x142: {  	[tilespmem:s28], [sflag:$0x3] =	stream.linear.gather [hbm4b:s21+s20], $0x2800, $0x38;
	[tilespmem:$0x1CA00] =	vst v63  }
0x143: {  	_ =	swait.ge [sflag:s26], $0x2800  }
0x144: {  	[sflag:s26] =	ssyncset.done $0x0  }
0x145: {  	s22 =	rddreg [dreg:$0x6];
	[sflag:s26] =	ssyncadd.s32 $0xFFFFD800  }
0x146: {  	[tilespmem:s29], [sflag:$0x3] =	stream.linear.gather [hbm4b:s22+s20], $0x2800, $0x38;
	[tilespmem:$0x1CA00] =	vst v63  }
0x147: {  	_ =	swait.ge [sflag:s26], $0x2800  }
0x148: {  	[sflag:s26] =	ssyncset.done $0x0  }
0x149: {  	[sflag:s26] =	ssyncadd.s32 $0xFFFFD800  }
0x14a: {  	[tilespmem:s25], [sflag:$0x1] =	stream.indirect.gather [hbm4b:s4+s30], $0x40, s28, s30, $0xb8;
	[tilespmem:$0x1CA00] =	vst v63  }
0x14b: {  	s19 =	simm.s32 $0x17A80  }
0x14c: {  	[tilespmem:s31], [sflag:$0x2] =	stream.indirect.gather [hbm4b:s4+s30], $0x40, s19, s30, $0xb8;
	[tilespmem:$0x1CA00] =	vst v63  }
0x14d: {  	_ =	swait.ge [sflag:s0], $0x2000  }
0x14e: {  	[sflag:s0] =	ssyncset.done $0x0  }
0x14f: {  	s20 =	simm.s32 $0x1A200;
	[sflag:s0] =	ssyncadd.s32 $0xFFFFE000  }
0x150: {  	[spmem:s2] =	stream.indirect.scatter.add.f32 [tilespmem:s25], [sflag:$0x3], $0x40, s20, s30, $0xb8;
	[tilespmem:$0x1CA00] =	vst v63  }
0x151: {  	_ =	swait.ge [sflag:s26], $0x2000  }
0x152: {  	[sflag:s26] =	ssyncset.done $0x0  }
0x153: {  	s21 =	simm.s32 $0x17B00;
	[sflag:s26] =	ssyncadd.s32 $0xFFFFE000  }
0x154: {  	[tilespmem:s25], [sflag:$0x1] =	stream.indirect.gather [hbm4b:s4+s30], $0x40, s21, s30, $0xb8;
	[tilespmem:$0x1CA00] =	vst v63  }
0x155: {  	_ =	swait.ge [sflag:s15], $0x2000  }
0x156: {  	[sflag:s15] =	ssyncset.done $0x0  }
0x157: {  	s22 =	simm.s32 $0x1A280;
	[sflag:s15] =	ssyncadd.s32 $0xFFFFE000  }
0x158: {  	[spmem:s2] =	stream.indirect.scatter.add.f32 [tilespmem:s31], [sflag:$0x3], $0x40, s22, s30, $0xb8;
	[tilespmem:$0x1CA00] =	vst v63  }
0x159: {  	_ =	swait.ge [sflag:s26], $0x2000  }
0x15a: {  	s19 =	simm.s32 $0x100;
	s20 =	simm.s32 $0x800;
	[sflag:s26] =	ssyncset.done $0x0  }
.LBB2_7:
0x15b: {  	s1 =	sadd.s32 $0x17A80, s19  }
0x15c: {  	[sflag:s26] =	ssyncadd.s32 $0xFFFFE000;
	s21 =	smov.u32 s20;
	s22 =	sadd.s32 $0x400, s20  }
0x15d: {  	[tilespmem:s31], [sflag:$0x2] =	stream.indirect.gather [hbm4b:s4+s30], $0x40, s1, s30, $0xb8;
	[tilespmem:$0x1CA00] =	vst v63  }
0x15e: {  	p1 =	seq.s32 s20, $0x9800;
	_ =	swait.ge [sflag:s0], $0x2000  }
0x15f: {  	[sflag:s0] =	ssyncset.done $0x0  }
0x160: {  	s1 =	sadd.s32 $0x1A200, s19;
	[sflag:s0] =	ssyncadd.s32 $0xFFFFE000  }
0x161: {  	[spmem:s2] =	stream.indirect.scatter.add.f32 [tilespmem:s25], [sflag:$0x3], $0x40, s1, s30, $0xb8;
	[tilespmem:$0x1CA00] =	vst v63  }
0x162: {  	_ =	swait.ge [sflag:s26], $0x2000  }
0x163: {  	[sflag:s26] =	ssyncset.done $0x0  }
0x164: {  	s1 =	sadd.s32 $0x17B00, s19;
	[sflag:s26] =	ssyncadd.s32 $0xFFFFE000  }
0x165: {  	[tilespmem:s25], [sflag:$0x1] =	stream.indirect.gather [hbm4b:s4+s30], $0x40, s1, s30, $0xb8;
	[tilespmem:$0x1CA00] =	vst v63  }
0x166: {  	_ =	swait.ge [sflag:s15], $0x2000  }
.Ltmp8:
0x167: {  	[sflag:s15] =	ssyncset.done $0x0;
	(pc) =	sbr.rel @!p1 .LBB2_7-.Ltmp8, $4  }
0x168: {  	s1 =	sadd.s32 $0x1A280, s19;
	[sflag:s15] =	ssyncadd.s32 $0xFFFFE000  }
0x169: {  	[spmem:s2] =	stream.indirect.scatter.add.f32 [tilespmem:s31], [sflag:$0x3], $0x40, s1, s30, $0xb8;
	[tilespmem:$0x1CA00] =	vst v63  }
0x16a: {  	_ =	swait.ge [sflag:s26], $0x2000  }
0x16b: {  	s20 =	smov.u32 s22;
	s19 =	sshra.s32 s21, $0x2;
	[sflag:s26] =	ssyncset.done $0x0  }
.Ltmp9:
0x16c: {  	_ = 	snop;
	(pc) =	sbr.rel .LBB2_8-.Ltmp9, $1  }
0x16d: {  	_ =	sdelay $0x3  }
.LBB2_15:
0x16e: {  	_ =	sfence.sel $0x180000  }
0x16f: {  	[bflag:$0x0] =	sbarrier.arrive $0xFFFF  }
0x170: {  	_ =	strace $0x9000004A  }
0x171: {  	s0 =	stileid.u32;
	[bflag:$0x2] =	sbarrier.arrive $0xFFFF  }
0x172: {  	p0 =	sne.s32 s0, $0x0;
	s0 =	rddreg [dreg:$0x2]  }
0x173: {  	s0 =	sadd.s32 @!p0 $0x100000, s0  }
0x174: {  	[sflag:s0] =	ssyncadd.tile.s32 @!p0 $0x1;
	_ =	shalt  }
.Lfunc_end2:
_tile_overlayer_lowered:
.L_overlay_start_2:
0x175: {  	(tag) =	ssettag $0x2  }
0x176: {  	s0 =	rddreg [dreg:$0x0];
	s2 =	stileid.u32  }
0x177: {  	s1 =	rddreg [dreg:$0x1];
	p0 =	sne.s32 s2, $0x0  }
0x178: {  	s3 =	rddreg [dreg:$0x2];
	[bflag:$0x3] =	sbarrier.arrive $0xFFFF;
	s2 =	simm.s32 @!p0 $0x1C03  }
0x179: {  	[timem:s3], [sflag:s2] =	dma.local @!p0 [hbm:s0], s1  }
0x17a: {  	s0 =	simm.s32 @!p0 $0x3  }
0x17b: {  	_ =	swait.ge @!p0 [sflag:s0], s1  }
0x17c: {  	s1 =	ssub.s32 @!p0 $0x0, s1;
	[sflag:s0] =	ssyncset.done @!p0 $0x0  }
0x17d: {  	[sflag:s0] =	ssyncadd.s32 @!p0 s1  }
0x17e: {  	[bflag:$0x3] =	sbarrier.arrive $0xFFFF  }
0x17f: {  	_ =	shalt  }

// kernel: kernel.14.cloned.1.call-start
scs
__scs_entry_jumppad:
0x0: {  	(pc) =	sbr.rel $0x88, $3  }
0x1: {  	(tag) =	ssettag $0x0;
	lr =	simm.s32 $0x1  }
0x2: {  	[smem:$0x3F93] =	sst lr;
	_ =	strace $0xD0000000  }
0x3: {  	_ = 	snop  }
0x4: {  	_ = 	snop  }
0x5: {  	_ = 	snop  }
0x6: {  	_ = 	snop  }
0x7: {  	_ = 	snop  }
__scs_overlays_trampoline_lowered:
0x8: {  	[smem:$0x3FA2] =	sst s0  }
0x9: {  	[smem:$0x3FA3] =	sst s1  }
0xa: {  	[smem:$0x3FA4] =	sst s2  }
0xb: {  	[smem:$0x3FA5] =	sst s3  }
0xc: {  	[smem:$0x3FA6] =	sst s4  }
0xd: {  	[smem:$0x3FA7] =	sst s5  }
0xe: {  	[smem:$0x3FA8] =	sst s6  }
0xf: {  	[smem:$0x3FA9] =	sst s7  }
0x10: {  	[smem:$0x3FAA] =	sst s8  }
0x11: {  	[smem:$0x3FAB] =	sst s9;
	s0 =	simm.s32 @!p0 $0x0  }
0x12: {  	s1 =	sld [smem:$0x3F91];
	s0 =	simm.s32 @p0 $0x1  }
0x13: {  	[smem:$0x3FAC] =	sst s0;
	s0 =	simm.s32 @!p1 $0x0  }
0x14: {  	s2 =	sld [smem:$0x3F90];
	s0 =	simm.s32 @p1 $0x1  }
0x15: {  	[smem:$0x3FAD] =	sst s0;
	s0 =	simm.s32 @!p2 $0x0  }
0x16: {  	s3 =	sld [smem:$0x3FDB];
	s0 =	simm.s32 @p2 $0x1  }
0x17: {  	s4 =	simm.s32 $0x1BF5;
	[smem:$0x3FAF] =	sst s0  }
0x18: {  	s0 =	sld [smem:$0x3F92];
	_ =	swait.ge [sflag:s4], $0x0  }
0x19: {  	s7 =	sld [smem:$0x3F93]  }
0x1a: {  	s8 =	sadd.s32 $0xFFFFE003, lr  }
0x1b: {  	s9 =	sadd.s32 $0xFFFFFEF7, lr;
	s5 =	simm.s32 $0xFFFFFFFF;
	p2 =	slt.u32 s8, $0xFFFFF086  }
0x1c: {  	p1 =	slt.u32 s9, $0xF7A;
	s5 =	simm.s32 @!p2 $0x0  }
0x1d: {  	s5 =	simm.s32 @p1 $0x1;
	p0 =	seq.s32 s7, s2  }
0x1e: {  	s7 =	smul.u32 @!p0 $0xF7A, s2;
	p2 =	seq.s32 @!p0 s5, $0x0  }
0x1f: {  	s9 =	smul.u32 $0xF7A, s1;
	s8 =	simm.s32 @!p0 $0x1BF5;
	p2 =	por !p2, p0  }
0x20: {  	[sflag:s8] =	ssyncset.s32 @!p0 $0xFFFFF086;
	s6 =	sadd.s32 @!p0 s3, s7;
	s7 =	simm.s32 @!p0 $0x108  }
0x21: {  	s3 =	sadd.s32 s3, s9;
	s6 =	sadd.s32 @!p0 $0x88, s6;
	s7 =	simm.s32 @p2 $0x1082  }
0x22: {  	[simem:s7], [sflag:s8] =	dma.local @!p0 [hbm:s6], $0xF7A  }
0x23: {  	s9 =	sor.u32 $0xD0000000, s2;
	s6 =	simm.s32 $0x108;
	_ =	swait.ge @!p0 [sflag:s8], $0x0  }
0x24: {  	s3 =	sadd.s32 $0x88, s3;
	s6 =	simm.s32 @!p1 $0x1082;
	[sflag:s4] =	ssyncset.s32 $0xFFFFF086  }
0x25: {  	[simem:s6], [sflag:s4] =	dma.local [hbm:s3], $0xF7A  }
0x26: {  	[smem:$0x3F93] =	sst s1;
	(tag) =	ssettag s2;
	_ =	strace s9  }
0x27: {  	s1 =	sld [smem:$0x3FA3]  }
0x28: {  	s2 =	sld [smem:$0x3FA4]  }
0x29: {  	s4 =	sld [smem:$0x3FA6]  }
0x2a: {  	p0 =	seq.s32 s5, $0x0;
	s5 =	sld [smem:$0x3FA7]  }
0x2b: {  	s6 =	sld [smem:$0x3FA8]  }
0x2c: {  	s7 =	sld [smem:$0x3FA9]  }
0x2d: {  	s3 =	simm.s32 $0x108;
	s8 =	sld [smem:$0x3FAA]  }
0x2e: {  	s3 =	simm.s32 @!p0 $0x1082;
	s9 =	sld [smem:$0x3FAB]  }
0x2f: {  	lr =	sadd.s32 s0, s3;
	s0 =	sld [smem:$0x3FA2]  }
0x30: {  	s3 =	sld [smem:$0x3FA5]  }
0x31: {  	[smem:$0x3FAE] =	sst s10  }
0x32: {  	s10 =	sld [smem:$0x3FAC];
	_ =	sdelay $0x3  }
0x33: {  	p0 =	seq.s32 s10, $0x1;
	s10 =	sld [smem:$0x3FAE];
	_ =	sdelay $0x3  }
0x34: {  	[smem:$0x3FAE] =	sst s10  }
0x35: {  	s10 =	sld [smem:$0x3FAD];
	_ =	sdelay $0x3  }
0x36: {  	p1 =	seq.s32 s10, $0x1;
	s10 =	sld [smem:$0x3FAE];
	_ =	sdelay $0x3  }
0x37: {  	[smem:$0x3FAE] =	sst s10  }
0x38: {  	s10 =	sld [smem:$0x3FAF]  }
0x39: {  	_ = 	snop;
	(pc) =	sbr.ind lr, $3  }
0x3a: {  	_ = 	snop  }
0x3b: {  	_ = 	snop  }
0x3c: {  	p2 =	seq.s32 s10, $0x1;
	s10 =	sld [smem:$0x3FAE]  }
0x3d: {  	_ =	shalt  }
0x3e: {  	_ =	shalt  }
0x3f: {  	_ =	shalt  }
0x40: {  	_ =	shalt  }
0x41: {  	_ =	shalt  }
0x42: {  	_ =	shalt  }
0x43: {  	_ =	shalt  }
0x44: {  	_ =	shalt  }
0x45: {  	_ =	shalt  }
0x46: {  	_ =	shalt  }
0x47: {  	_ =	shalt  }
0x48: {  	_ =	shalt  }
0x49: {  	_ =	shalt  }
0x4a: {  	_ =	shalt  }
0x4b: {  	_ =	shalt  }
0x4c: {  	_ =	shalt  }
0x4d: {  	_ =	shalt  }
0x4e: {  	_ =	shalt  }
0x4f: {  	_ =	shalt  }
0x50: {  	_ =	shalt  }
0x51: {  	_ =	shalt  }
0x52: {  	_ =	shalt  }
0x53: {  	_ =	shalt  }
0x54: {  	_ =	shalt  }
0x55: {  	_ =	shalt  }
0x56: {  	_ =	shalt  }
0x57: {  	_ =	shalt  }
0x58: {  	_ =	shalt  }
0x59: {  	_ =	shalt  }
0x5a: {  	_ =	shalt  }
0x5b: {  	_ =	shalt  }
0x5c: {  	_ =	shalt  }
0x5d: {  	_ =	shalt  }
0x5e: {  	_ =	shalt  }
0x5f: {  	_ =	shalt  }
0x60: {  	_ =	shalt  }
0x61: {  	_ =	shalt  }
0x62: {  	_ =	shalt  }
0x63: {  	_ =	shalt  }
0x64: {  	_ =	shalt  }
0x65: {  	_ =	shalt  }
0x66: {  	_ =	shalt  }
0x67: {  	_ =	shalt  }
0x68: {  	_ =	shalt  }
0x69: {  	_ =	shalt  }
0x6a: {  	_ =	shalt  }
0x6b: {  	_ =	shalt  }
0x6c: {  	_ =	shalt  }
0x6d: {  	_ =	shalt  }
0x6e: {  	_ =	shalt  }
0x6f: {  	_ =	shalt  }
0x70: {  	_ =	shalt  }
0x71: {  	_ =	shalt  }
0x72: {  	_ =	shalt  }
0x73: {  	_ =	shalt  }
0x74: {  	_ =	shalt  }
0x75: {  	_ =	shalt  }
0x76: {  	_ =	shalt  }
0x77: {  	_ =	shalt  }
0x78: {  	_ =	shalt  }
0x79: {  	_ =	shalt  }
0x7a: {  	_ =	shalt  }
0x7b: {  	_ =	shalt  }
0x7c: {  	_ =	shalt  }
0x7d: {  	_ =	shalt  }
0x7e: {  	_ =	shalt  }
0x7f: {  	_ =	shalt  }
0x80: {  	_ =	shalt  }
0x81: {  	_ =	shalt  }
0x82: {  	_ =	shalt  }
0x83: {  	_ =	shalt  }
0x84: {  	_ =	shalt  }
0x85: {  	_ =	shalt  }
0x86: {  	_ =	shalt  }
0x87: {  	_ =	shalt  }
.Lfunc_end0:
.L_simem_size_0:
called_computation.2_lowered:
.L_overlay_start_0:
0x88: {  	s2 =	sld [smem:$0x3FD9]  }
0x89: {  	s3 =	sld [smem:$0x3FFE];
	_ =	sdelay $0x1  }
0x8a: {  	s1 =	srdreg.scid  }
0x8b: {  	s0 =	sand.u32 $0x1, s1  }
0x8c: {  	s16 =	sshll.u32 s0, $0xA;
	s2 =	sadd.s32 s3, s2  }
0x8d: {  	s2 =	sadd.s32 s2, s16  }
0x8e: {  	[smem:$0x3FBA] =	sst s2  }
0x8f: {  	_ = 	snop  }
0x90: {  	(tm) =	ssettm $0x1  }
0x91: {  	s17 =	sld [smem:$0x3FFB];
	_ =	sdelay $0x3  }
0x92: {  	_ =	strace s17  }
0x93: {  	s2 =	sld [smem:$0x3FFC];
	_ =	sdelay $0x3  }
0x94: {  	_ =	strace s2  }
0x95: {  	s2 =	sld [smem:$0x3FFD];
	_ =	sdelay $0x3  }
0x96: {  	_ =	strace s2  }
0x97: {  	_ =	strace $0x8FFFFFFF  }
0x98: {  	s18 =	sld [smem:$0x3FDB];
	_ =	sdelay $0x1  }
0x99: {  	s19 =	simm.s32 $_scs_section_size  }
0x9a: {  	s4 =	simm.s32 $_size__tile_overlayer_lowered;
	s5 =	simm.s32 $_tile_overlayer_lowered  }
0x9b: {  	s22 =	simm.s32 $0x1BFF;
	s21 =	sshll.u32 s5, $0x1;
	s2 =	sadd.s32 s19, s18  }
0x9c: {  	s6 =	simm.s32 $0x0;
	s20 =	sshll.u32 s4, $0x1;
	s4 =	sadd.s32 s21, s2  }
0x9d: {  	[timem:s6], [sflag:s22] =	dma.local [hbm:s4], s20  }
0x9e: {  	_ =	swait.ge [sflag:s22], s20  }
0x9f: {  	s3 =	ssub.s32 $0x0, s20;
	[sflag:s22] =	ssyncset.done $0x0  }
0xa0: {  	[sflag:s22] =	ssyncadd.s32 s3;
	_ =	sdelay $0x1  }
0xa1: {  	s23 =	simm.s32 $0x1B8B  }
0xa2: {  	_ =	swait.ge [sflag:s23], $0x1  }
0xa3: {  	[sflag:s23] =	ssyncset.done $0x0  }
0xa4: {  	s25 =	simm.s32 $0x1B8E;
	s24 =	sld [smem:$0x3FFE];
	[sflag:s23] =	ssyncadd.s32 $0xFFFFFFFF  }
0xa5: {  	s26 =	simm.s32 $execute0_lowered;
	[smem:$0x3FD2] =	sst s25  }
0xa6: {  	s4 =	sshll.u32 s26, $0x1;
	_ =	strace $0x8000004C;
	[dreg:$0x1] =	wrdreg $0xFFFFFFFF  }
0xa7: {  	s28 =	simm.s32 $_size_execute0_lowered;
	s2 =	sadd.s32 s2, s4;
	[dreg:$0x0] =	wrdreg $0x0  }
0xa8: {  	s4 =	sshll.u32 s28, $0x1;
	[dreg:$0x2] =	wrdreg s2  }
0xa9: {  	[dreg:$0x3] =	wrdreg s4  }
0xaa: {  	[dreg:$0x4] =	wrdreg $0xC0  }
0xab: {  	_ =	task [dreg:s6], $0x5FFFF  }
0xac: {  	[dreg:$0x1] =	wrdreg $0xFFFFFFFF  }
0xad: {  	[dreg:$0x0] =	wrdreg $0x60  }
0xae: {  	[dreg:$0x2] =	wrdreg s24  }
0xaf: {  	[dreg:$0x3] =	wrdreg $0x0  }
0xb0: {  	[dreg:$0x4] =	wrdreg $0x9  }
0xb1: {  	_ =	task.clear_ibuf [dreg:s6], $0x5FFFF;
	_ =	strace $0x9000004C  }
0xb2: {  	s29 =	simm.s32 $0x9;
	_ =	strace $0x8000004E  }
0xb3: {  	_ =	swait.ge [sflag:s29], $0x1  }
0xb4: {  	[sflag:s29] =	ssyncadd.s32 $0xFFFFFFFF  }
0xb5: {  	_ =	strace $0x9000004E  }
0xb6: {  	_ =	sfence  }
0xb7: {  	s30 =	sld [smem:$0x0];
	_ =	sdelay $0x2  }
0xb8: {  	s31 =	sshll.u32 s1, $0xD;
	s1 =	sshrl.u32 s1, $0x2  }
0xb9: {  	s3 =	sand.u32 $0x4000, s31;
	s1 =	sadd.s32 s1, s30  }
0xba: {  	s0 =	sor.u32 s3, s0;
	s1 =	sshll.u32 s1, $0x11  }
0xbb: {  	s0 =	sor.u32 s1, s0  }
0xbc: {  	s0 =	sadd.s32 $0x8F2B, s0  }
0xbd: {  	[sflag:s0] =	ssyncadd.remote.s32 $0x1  }
0xbe: {  	_ =	sfence.sel $0xFFFF  }
0xbf: {  	[dreg:$0x0] =	wrdreg $0xFFFFFFFF;
	(pc) =	sbr.abs _section_cstart, $3  }
0xc0: {  	[dreg:$0x1] =	wrdreg $0xFFFFFFFF  }
0xc1: {  	_ =	task.clear_ibuf [dreg:s6], $0x2FFFF;
	_ =	strace $0x9FFFFFFF  }
0xc2: {  	(tm) =	ssettm $0x7FFFFFFF  }
0xc3: {  	_ =	shalt  }
tec
execute0_lowered:
.L_overlay_start_1:
0x0: {  	(tag) =	ssettag $0x1  }
0x1: {  	s0 =	rddreg [dreg:$0x0]  }
0x2: {  	s2 =	rddreg [dreg:$0x1]  }
0x3: {  	s3 =	simm.s32 $0x0;
	s4 =	srdreg.scid;
	s1 =	stileid.u32  }
0x4: {  	s28 =	simm.s32 $0x17A00;
	s29 =	simm.s32 $0x1A200;
	s30 =	simm.s32 $0x80  }
0x5: {  	s31 =	simm.s32 $0x15A00;
	[smem:$0x7FF] =	sst s3;
	s15 =	sand.u32 $0x1, s4  }
0x6: {  	s5 =	smul.u32 $0x13A00, s1;
	s4 =	sadd.s32 $0x1E00, s0;
	s16 =	sadd.s32 $0x3D800, s0  }
0x7: {  	s17 =	sadd.s32 $0x47800, s0;
	s7 =	smul.u32 $0x4E800, s1;
	s18 =	sadd.s32 $0x33800, s0  }
0x8: {  	s19 =	sadd.s32 $0x29800, s0;
	s21 =	smul.u32 $0x5000, s1;
	_ =	strace $0x8000004D  }
0x9: {  	s6 =	smul.u32 $0x13A000, s15;
	s8 =	ssub.s32 $0x2, s15;
	p0 =	seq.s32 s15, $0x1  }
0xa: {  	s7 =	sshrl.u32 s7, $0x2;
	s24 =	sshrl.u32 s8, $0x1;
	s21 =	sshrl.u32 s21, $0x3  }
0xb: {  	s6 =	sadd.s32 s5, s6;
	s14 =	sadd.s32 s7, s2;
	s20 =	ssub.s32 s8, s24  }
0xc: {  	s5 =	sadd.s32 s5, s2;
	s15 =	sadd.s32 $0x500, s21;
	s25 =	sadd.s32 s16, s21  }
0xd: {  	s26 =	sadd.s32 s18, s21;
	s23 =	sadd.s32 s17, s21;
	s24 =	sadd.s32 s19, s21  }
0xe: {  	s6 =	sshrl.u32 s6, $0x3;
	s7 =	sadd.s32 $0x4000, s14;
	s8 =	sadd.s32 $0x6000, s14  }
0xf: {  	s9 =	sadd.s32 $0x8000, s14;
	s10 =	sadd.s32 $0xA000, s14;
	[dreg:$0x3] =	wrdreg s25  }
0x10: {  	s11 =	sadd.s32 $0xC000, s14;
	s12 =	sadd.s32 $0xE000, s14;
	[dreg:$0x4] =	wrdreg s26  }
0x11: {  	s13 =	sadd.s32 $0x10000, s14;
	s16 =	sadd.s32 s16, s15;
	[dreg:$0x7] =	wrdreg s23  }
0x12: {  	s22 =	sadd.s32 s18, s15;
	[dreg:$0x8] =	wrdreg s24;
	s25 =	sadd.s32 s17, s15  }
0x13: {  	s26 =	sadd.s32 s19, s15;
	s24 =	smax.u32 s20, $0x1;
	s15 =	simm.s32 $0x2  }
.Ltmp0:
0x14: {  	s17 =	simm.s32 $0x1C900;
	[dreg:$0x5] =	wrdreg s16;
	(pc) =	sbr.rel .LBB2_1-.Ltmp0, $4  }
0x15: {  	s18 =	simm.s32 $0x1C980;
	s0 =	sadd.s32 s6, s0;
	[dreg:$0x6] =	wrdreg s22  }
0x16: {  	s6 =	sadd.s32 $0x2000, s14;
	s14 =	sadd.s32 $0x12000, s14;
	[dreg:$0x9] =	wrdreg s25  }
0x17: {  	[dreg:$0xa] =	wrdreg s26;
	s25 =	simm.s32 $0x13A00;
	s26 =	simm.s32 $0x3  }
0x18: {  	v0 =	vimm.f32 $0.0e+00;
	s16 =	simm.s32 $0x1A180;
	s23 =	sadd.s32 $0x51800, s0;
	s0 =	simm.s32 $0x1  }
.LBB2_8:
0x19: {  	s1 =	sadd.s32 $0x17A80, s19;
	[sflag:s26] =	ssyncadd.s32 $0xFFFFE000  }
0x1a: {  	[tilespmem:s31], [sflag:$0x2] =	stream.indirect.gather [hbm4b:s4+s30], $0x40, s1, s30, $0xb8;
	[tilespmem:$0x1CA00] =	vst v63  }
0x1b: {  	_ =	swait.ge [sflag:s0], $0x2000  }
0x1c: {  	[sflag:s0] =	ssyncset.done $0x0  }
0x1d: {  	s20 =	sadd.s32 $0x1A200, s19;
	[sflag:s0] =	ssyncadd.s32 $0xFFFFE000  }
0x1e: {  	[spmem:s2] =	stream.indirect.scatter.add.f32 [tilespmem:s25], [sflag:$0x3], $0x40, s20, s30, $0xb8;
	[tilespmem:$0x1CA00] =	vst v63  }
0x1f: {  	_ =	swait.ge [sflag:s26], $0x2000  }
0x20: {  	[sflag:s26] =	ssyncset.done $0x0  }
0x21: {  	s21 =	sadd.s32 $0x17B00, s19;
	[sflag:s26] =	ssyncadd.s32 $0xFFFFE000  }
0x22: {  	[tilespmem:s25], [sflag:$0x1] =	stream.indirect.gather [hbm4b:s4+s30], $0x40, s21, s30, $0xb8;
	[tilespmem:$0x1CA00] =	vst v63  }
0x23: {  	_ =	swait.ge [sflag:s15], $0x2000  }
0x24: {  	[sflag:s15] =	ssyncset.done $0x0  }
0x25: {  	s22 =	sadd.s32 $0x1A280, s19;
	[sflag:s15] =	ssyncadd.s32 $0xFFFFE000  }
0x26: {  	[spmem:s2] =	stream.indirect.scatter.add.f32 [tilespmem:s31], [sflag:$0x3], $0x40, s22, s30, $0xb8;
	[tilespmem:$0x1CA00] =	vst v63  }
0x27: {  	_ =	swait.ge [sflag:s26], $0x2000  }
0x28: {  	[sflag:s26] =	ssyncset.done $0x0  }
0x29: {  	[sflag:s26] =	ssyncadd.s32 $0xFFFFE000  }
.LBB2_14:
0x2a: {  	[tilespmem:s31], [sflag:$0x2] =	stream.indirect.gather [hbm4b:s4+s30], $0x40, s16, s30, $0xb8;
	[tilespmem:$0x1CA00] =	vst v63  }
0x2b: {  	_ =	swait.ge [sflag:s0], $0x2000  }
0x2c: {  	[sflag:s0] =	ssyncset.done $0x0  }
0x2d: {  	[sflag:s0] =	ssyncadd.s32 $0xFFFFE000  }
0x2e: {  	[spmem:s2] =	stream.indirect.scatter.add.f32 [tilespmem:s25], [sflag:$0x3], $0x40, s17, s30, $0xb8;
	[tilespmem:$0x1CA00] =	vst v63  }
0x2f: {  	_ =	swait.ge [sflag:s26], $0x2000  }
0x30: {  	[sflag:s26] =	ssyncset.done $0x0  }
0x31: {  	[sflag:s26] =	ssyncadd.s32 $0xFFFFE000  }
0x32: {  	_ =	swait.ge [sflag:s15], $0x2000  }
0x33: {  	[sflag:s15] =	ssyncset.done $0x0  }
0x34: {  	[sflag:s15] =	ssyncadd.s32 $0xFFFFE000  }
0x35: {  	[spmem:s2] =	stream.indirect.scatter.add.f32 [tilespmem:s31], [sflag:$0x3], $0x40, s18, s30, $0xb8;
	[tilespmem:$0x1CA00] =	vst v63  }
0x36: {  	s1 =	stileid.u32;
	_ =	swait.ge [sflag:s26], $0x2000  }
0x37: {  	s19 =	sshrl.u32 s5, $0x3;
	s3 =	sadd.s32 $0x1, s3;
	[sflag:s26] =	ssyncset.done $0x0  }
0x38: {  	s1 =	sshll.u32 s1, $0x6;
	p1 =	sne.s32 s3, s24;
	[sflag:s26] =	ssyncadd.s32 $0xFFFFE000  }
.Ltmp1:
0x39: {  	s1 =	sor.u32 $0x1C03, s1;
	[bflag:$0x0] =	sbarrier.arrive $0xFFFF;
	(pc) =	sbr.rel @!p1 .LBB2_15-.Ltmp1, $4  }
0x3a: {  	[hbm:s23], [sflag:s1] =	dma.local [spmem:s19], $0x2740  }
0x3b: {  	_ =	swait.ge [sflag:s26], $0x2740  }
0x3c: {  	[sflag:s26] =	ssyncset.done $0x0  }
0x3d: {  	[sflag:s26] =	ssyncadd.s32 $0xFFFFD8C0  }
.LBB2_1:
0x3e: {  	s20 =	simm.s32 $0x100;
	s19 =	simm.s32 $0x0  }
.LBB2_2:
0x3f: {  	p1 =	sne.s32 s20, $0x7F00;
	[tilespmem:s19+$0x13A30] =	vst v0;
	s21 =	smov.u32 s20;
	s20 =	sadd.s32 $0x100, s20  }
.Ltmp2:
0x40: {  	[tilespmem:s19+$0x13A20] =	vst v0;
	(pc) =	sbr.rel @p1 .LBB2_2-.Ltmp2, $3  }
0x41: {  	[tilespmem:s19+$0x13A00] =	vst v0  }
0x42: {  	[tilespmem:s19+$0x13A10] =	vst v0;
	_ =	sdelay $0x1  }
0x43: {  	s19 =	sshra.s32 s21, $0x2  }
0x44: {  	[tilespmem:s19+$0x13A30] =	vst v0  }
0x45: {  	[tilespmem:s19+$0x13A20] =	vst v0  }
0x46: {  	[tilespmem:s19+$0x13A00] =	vst v0  }
0x47: {  	[tilespmem:s19+$0x13A10] =	vst v0  }
0x48: {  	[spmem:s5] =	stream.linear.scatter [tilespmem:s25], [sflag:$0x3], $0x2000, $0x38;
	[tilespmem:$0x1CA00] =	vst v63  }
0x49: {  	_ =	swait.ge [sflag:s26], $0x2000  }
0x4a: {  	[sflag:s26] =	ssyncset.done $0x0  }
0x4b: {  	[sflag:s26] =	ssyncadd.s32 $0xFFFFE000  }
0x4c: {  	[spmem:s6] =	stream.linear.scatter [tilespmem:s25], [sflag:$0x3], $0x2000, $0x38;
	[tilespmem:$0x1CA00] =	vst v63  }
0x4d: {  	_ =	swait.ge [sflag:s26], $0x2000  }
0x4e: {  	[sflag:s26] =	ssyncset.done $0x0  }
0x4f: {  	[sflag:s26] =	ssyncadd.s32 $0xFFFFE000  }
0x50: {  	[spmem:s7] =	stream.linear.scatter [tilespmem:s25], [sflag:$0x3], $0x2000, $0x38;
	[tilespmem:$0x1CA00] =	vst v63  }
0x51: {  	_ =	swait.ge [sflag:s26], $0x2000  }
0x52: {  	[sflag:s26] =	ssyncset.done $0x0  }
0x53: {  	[sflag:s26] =	ssyncadd.s32 $0xFFFFE000  }
0x54: {  	[spmem:s8] =	stream.linear.scatter [tilespmem:s25], [sflag:$0x3], $0x2000, $0x38;
	[tilespmem:$0x1CA00] =	vst v63  }
0x55: {  	_ =	swait.ge [sflag:s26], $0x2000  }
0x56: {  	[sflag:s26] =	ssyncset.done $0x0  }
0x57: {  	[sflag:s26] =	ssyncadd.s32 $0xFFFFE000  }
0x58: {  	[spmem:s9] =	stream.linear.scatter [tilespmem:s25], [sflag:$0x3], $0x2000, $0x38;
	[tilespmem:$0x1CA00] =	vst v63  }
0x59: {  	_ =	swait.ge [sflag:s26], $0x2000  }
0x5a: {  	[sflag:s26] =	ssyncset.done $0x0  }
0x5b: {  	[sflag:s26] =	ssyncadd.s32 $0xFFFFE000  }
0x5c: {  	[spmem:s10] =	stream.linear.scatter [tilespmem:s25], [sflag:$0x3], $0x2000, $0x38;
	[tilespmem:$0x1CA00] =	vst v63  }
0x5d: {  	_ =	swait.ge [sflag:s26], $0x2000  }
0x5e: {  	[sflag:s26] =	ssyncset.done $0x0  }
0x5f: {  	[sflag:s26] =	ssyncadd.s32 $0xFFFFE000  }
0x60: {  	[spmem:s11] =	stream.linear.scatter [tilespmem:s25], [sflag:$0x3], $0x2000, $0x38;
	[tilespmem:$0x1CA00] =	vst v63  }
0x61: {  	_ =	swait.ge [sflag:s26], $0x2000  }
0x62: {  	[sflag:s26] =	ssyncset.done $0x0  }
0x63: {  	[sflag:s26] =	ssyncadd.s32 $0xFFFFE000  }
0x64: {  	[spmem:s12] =	stream.linear.scatter [tilespmem:s25], [sflag:$0x3], $0x2000, $0x38;
	[tilespmem:$0x1CA00] =	vst v63  }
0x65: {  	_ =	swait.ge [sflag:s26], $0x2000  }
0x66: {  	[sflag:s26] =	ssyncset.done $0x0  }
0x67: {  	[sflag:s26] =	ssyncadd.s32 $0xFFFFE000  }
0x68: {  	[spmem:s13] =	stream.linear.scatter [tilespmem:s25], [sflag:$0x3], $0x2000, $0x38;
	[tilespmem:$0x1CA00] =	vst v63  }
0x69: {  	_ =	swait.ge [sflag:s26], $0x2000  }
0x6a: {  	[sflag:s26] =	ssyncset.done $0x0  }
0x6b: {  	[sflag:s26] =	ssyncadd.s32 $0xFFFFE000  }
0x6c: {  	[spmem:s14] =	stream.linear.scatter [tilespmem:s25], [sflag:$0x3], $0x1A00, $0x38;
	[tilespmem:$0x1CA00] =	vst v63  }
.Ltmp3:
0x6d: {  	_ =	swait.ge [sflag:s26], $0x1A00;
	(pc) =	sbr.rel @!p0 .LBB2_4-.Ltmp3, $3  }
0x6e: {  	[sflag:s26] =	ssyncset.done $0x0  }
0x6f: {  	[sflag:s26] =	ssyncadd.s32 $0xFFFFE600  }
0x70: {  	[bflag:$0x0] =	sbarrier.arrive $0xFFFF;
	_ =	sdelay $0x1  }
0x71: {  	s1 =	simm.s32 $0x0;
	s19 =	rddreg [dreg:$0x7]  }
0x72: {  	[tilespmem:s28], [sflag:$0x3] =	stream.linear.gather [hbm4b:s19+s1], $0x2800, $0x38;
	[tilespmem:$0x1CA00] =	vst v63  }
0x73: {  	_ =	swait.ge [sflag:s26], $0x2800  }
0x74: {  	[sflag:s26] =	ssyncset.done $0x0  }
0x75: {  	s22 =	rddreg [dreg:$0x8];
	[sflag:s26] =	ssyncadd.s32 $0xFFFFD800  }
0x76: {  	[tilespmem:s29], [sflag:$0x3] =	stream.linear.gather [hbm4b:s22+s1], $0x2800, $0x38;
	[tilespmem:$0x1CA00] =	vst v63  }
0x77: {  	_ =	swait.ge [sflag:s26], $0x2800  }
0x78: {  	[sflag:s26] =	ssyncset.done $0x0  }
0x79: {  	[sflag:s26] =	ssyncadd.s32 $0xFFFFD800  }
0x7a: {  	[tilespmem:s25], [sflag:$0x1] =	stream.indirect.gather [hbm4b:s4+s30], $0x40, s28, s30, $0xb8;
	[tilespmem:$0x1CA00] =	vst v63  }
0x7b: {  	s19 =	simm.s32 $0x17A80  }
0x7c: {  	[tilespmem:s31], [sflag:$0x2] =	stream.indirect.gather [hbm4b:s4+s30], $0x40, s19, s30, $0xb8;
	[tilespmem:$0x1CA00] =	vst v63  }
0x7d: {  	_ =	swait.ge [sflag:s0], $0x2000  }
0x7e: {  	[sflag:s0] =	ssyncset.done $0x0  }
0x7f: {  	s20 =	simm.s32 $0x1A200;
	[sflag:s0] =	ssyncadd.s32 $0xFFFFE000  }
0x80: {  	[spmem:s2] =	stream.indirect.scatter.add.f32 [tilespmem:s25], [sflag:$0x3], $0x40, s20, s30, $0xb8;
	[tilespmem:$0x1CA00] =	vst v63  }
0x81: {  	_ =	swait.ge [sflag:s26], $0x2000  }
0x82: {  	[sflag:s26] =	ssyncset.done $0x0  }
0x83: {  	s21 =	simm.s32 $0x17B00;
	[sflag:s26] =	ssyncadd.s32 $0xFFFFE000  }
0x84: {  	[tilespmem:s25], [sflag:$0x1] =	stream.indirect.gather [hbm4b:s4+s30], $0x40, s21, s30, $0xb8;
	[tilespmem:$0x1CA00] =	vst v63  }
0x85: {  	_ =	swait.ge [sflag:s15], $0x2000  }
0x86: {  	[sflag:s15] =	ssyncset.done $0x0  }
0x87: {  	s22 =	simm.s32 $0x1A280;
	[sflag:s15] =	ssyncadd.s32 $0xFFFFE000  }
0x88: {  	[spmem:s2] =	stream.indirect.scatter.add.f32 [tilespmem:s31], [sflag:$0x3], $0x40, s22, s30, $0xb8;
	[tilespmem:$0x1CA00] =	vst v63  }
0x89: {  	_ =	swait.ge [sflag:s26], $0x2000  }
0x8a: {  	s19 =	simm.s32 $0x100;
	s20 =	simm.s32 $0x800;
	[sflag:s26] =	ssyncset.done $0x0  }
.LBB2_10:
0x8b: {  	s1 =	sadd.s32 $0x17A80, s19  }
0x8c: {  	[sflag:s26] =	ssyncadd.s32 $0xFFFFE000;
	s21 =	smov.u32 s20;
	s22 =	sadd.s32 $0x400, s20  }
0x8d: {  	[tilespmem:s31], [sflag:$0x2] =	stream.indirect.gather [hbm4b:s4+s30], $0x40, s1, s30, $0xb8;
	[tilespmem:$0x1CA00] =	vst v63  }
0x8e: {  	p1 =	sne.s32 s20, $0x9800;
	_ =	swait.ge [sflag:s0], $0x2000  }
0x8f: {  	[sflag:s0] =	ssyncset.done $0x0  }
0x90: {  	s1 =	sadd.s32 $0x1A200, s19;
	[sflag:s0] =	ssyncadd.s32 $0xFFFFE000  }
0x91: {  	[spmem:s2] =	stream.indirect.scatter.add.f32 [tilespmem:s25], [sflag:$0x3], $0x40, s1, s30, $0xb8;
	[tilespmem:$0x1CA00] =	vst v63  }
0x92: {  	_ =	swait.ge [sflag:s26], $0x2000  }
0x93: {  	[sflag:s26] =	ssyncset.done $0x0  }
0x94: {  	s1 =	sadd.s32 $0x17B00, s19;
	[sflag:s26] =	ssyncadd.s32 $0xFFFFE000  }
0x95: {  	[tilespmem:s25], [sflag:$0x1] =	stream.indirect.gather [hbm4b:s4+s30], $0x40, s1, s30, $0xb8;
	[tilespmem:$0x1CA00] =	vst v63  }
0x96: {  	_ =	swait.ge [sflag:s15], $0x2000  }
.Ltmp4:
0x97: {  	[sflag:s15] =	ssyncset.done $0x0;
	(pc) =	sbr.rel @p1 .LBB2_10-.Ltmp4, $4  }
0x98: {  	s1 =	sadd.s32 $0x1A280, s19;
	[sflag:s15] =	ssyncadd.s32 $0xFFFFE000  }
0x99: {  	[spmem:s2] =	stream.indirect.scatter.add.f32 [tilespmem:s31], [sflag:$0x3], $0x40, s1, s30, $0xb8;
	[tilespmem:$0x1CA00] =	vst v63  }
0x9a: {  	_ =	swait.ge [sflag:s26], $0x2000  }
0x9b: {  	s20 =	smov.u32 s22;
	s19 =	sshra.s32 s21, $0x2;
	[sflag:s26] =	ssyncset.done $0x0  }
0x9c: {  	s1 =	sadd.s32 $0x17A80, s19;
	[sflag:s26] =	ssyncadd.s32 $0xFFFFE000  }
0x9d: {  	[tilespmem:s31], [sflag:$0x2] =	stream.indirect.gather [hbm4b:s4+s30], $0x40, s1, s30, $0xb8;
	[tilespmem:$0x1CA00] =	vst v63  }
0x9e: {  	_ =	swait.ge [sflag:s0], $0x2000  }
0x9f: {  	[sflag:s0] =	ssyncset.done $0x0  }
0xa0: {  	s21 =	sadd.s32 $0x1A200, s19;
	[sflag:s0] =	ssyncadd.s32 $0xFFFFE000  }
0xa1: {  	[spmem:s2] =	stream.indirect.scatter.add.f32 [tilespmem:s25], [sflag:$0x3], $0x40, s21, s30, $0xb8;
	[tilespmem:$0x1CA00] =	vst v63  }
0xa2: {  	_ =	swait.ge [sflag:s26], $0x2000  }
0xa3: {  	[sflag:s26] =	ssyncset.done $0x0  }
0xa4: {  	s22 =	sadd.s32 $0x17B00, s19;
	[sflag:s26] =	ssyncadd.s32 $0xFFFFE000  }
0xa5: {  	[tilespmem:s25], [sflag:$0x1] =	stream.indirect.gather [hbm4b:s4+s30], $0x40, s22, s30, $0xb8;
	[tilespmem:$0x1CA00] =	vst v63  }
0xa6: {  	_ =	swait.ge [sflag:s15], $0x2000  }
0xa7: {  	[sflag:s15] =	ssyncset.done $0x0  }
0xa8: {  	s19 =	sadd.s32 $0x1A280, s19;
	[sflag:s15] =	ssyncadd.s32 $0xFFFFE000  }
0xa9: {  	[spmem:s2] =	stream.indirect.scatter.add.f32 [tilespmem:s31], [sflag:$0x3], $0x40, s19, s30, $0xb8;
	[tilespmem:$0x1CA00] =	vst v63  }
0xaa: {  	_ =	swait.ge [sflag:s26], $0x2000  }
0xab: {  	[sflag:s26] =	ssyncset.done $0x0  }
0xac: {  	[sflag:s26] =	ssyncadd.s32 $0xFFFFE000  }
0xad: {  	[tilespmem:s31], [sflag:$0x2] =	stream.indirect.gather [hbm4b:s4+s30], $0x40, s16, s30, $0xb8;
	[tilespmem:$0x1CA00] =	vst v63  }
0xae: {  	_ =	swait.ge [sflag:s0], $0x2000  }
0xaf: {  	[sflag:s0] =	ssyncset.done $0x0  }
0xb0: {  	[sflag:s0] =	ssyncadd.s32 $0xFFFFE000  }
0xb1: {  	[spmem:s2] =	stream.indirect.scatter.add.f32 [tilespmem:s25], [sflag:$0x3], $0x40, s17, s30, $0xb8;
	[tilespmem:$0x1CA00] =	vst v63  }
0xb2: {  	_ =	swait.ge [sflag:s26], $0x2000  }
0xb3: {  	[sflag:s26] =	ssyncset.done $0x0  }
0xb4: {  	[sflag:s26] =	ssyncadd.s32 $0xFFFFE000  }
0xb5: {  	_ =	swait.ge [sflag:s15], $0x2000  }
0xb6: {  	[sflag:s15] =	ssyncset.done $0x0  }
0xb7: {  	[sflag:s15] =	ssyncadd.s32 $0xFFFFE000  }
0xb8: {  	[spmem:s2] =	stream.indirect.scatter.add.f32 [tilespmem:s31], [sflag:$0x3], $0x40, s18, s30, $0xb8;
	[tilespmem:$0x1CA00] =	vst v63  }
0xb9: {  	_ =	swait.ge [sflag:s26], $0x2000  }
0xba: {  	[sflag:s26] =	ssyncset.done $0x0  }
0xbb: {  	s20 =	simm.s32 $0x0;
	s21 =	rddreg [dreg:$0x9];
	[sflag:s26] =	ssyncadd.s32 $0xFFFFE000  }
0xbc: {  	[tilespmem:s28], [sflag:$0x3] =	stream.linear.gather [hbm4b:s21+s20], $0x2800, $0x38;
	[tilespmem:$0x1CA00] =	vst v63  }
0xbd: {  	_ =	swait.ge [sflag:s26], $0x2800  }
0xbe: {  	[sflag:s26] =	ssyncset.done $0x0  }
0xbf: {  	s22 =	rddreg [dreg:$0xa];
	[sflag:s26] =	ssyncadd.s32 $0xFFFFD800  }
0xc0: {  	[tilespmem:s29], [sflag:$0x3] =	stream.linear.gather [hbm4b:s22+s20], $0x2800, $0x38;
	[tilespmem:$0x1CA00] =	vst v63  }
0xc1: {  	_ =	swait.ge [sflag:s26], $0x2800  }
0xc2: {  	[sflag:s26] =	ssyncset.done $0x0  }
0xc3: {  	[sflag:s26] =	ssyncadd.s32 $0xFFFFD800  }
0xc4: {  	[tilespmem:s25], [sflag:$0x1] =	stream.indirect.gather [hbm4b:s4+s30], $0x40, s28, s30, $0xb8;
	[tilespmem:$0x1CA00] =	vst v63  }
0xc5: {  	s19 =	simm.s32 $0x17A80  }
0xc6: {  	[tilespmem:s31], [sflag:$0x2] =	stream.indirect.gather [hbm4b:s4+s30], $0x40, s19, s30, $0xb8;
	[tilespmem:$0x1CA00] =	vst v63  }
0xc7: {  	_ =	swait.ge [sflag:s0], $0x2000  }
0xc8: {  	[sflag:s0] =	ssyncset.done $0x0  }
0xc9: {  	s20 =	simm.s32 $0x1A200;
	[sflag:s0] =	ssyncadd.s32 $0xFFFFE000  }
0xca: {  	[spmem:s2] =	stream.indirect.scatter.add.f32 [tilespmem:s25], [sflag:$0x3], $0x40, s20, s30, $0xb8;
	[tilespmem:$0x1CA00] =	vst v63  }
0xcb: {  	_ =	swait.ge [sflag:s26], $0x2000  }
0xcc: {  	[sflag:s26] =	ssyncset.done $0x0  }
0xcd: {  	s21 =	simm.s32 $0x17B00;
	[sflag:s26] =	ssyncadd.s32 $0xFFFFE000  }
0xce: {  	[tilespmem:s25], [sflag:$0x1] =	stream.indirect.gather [hbm4b:s4+s30], $0x40, s21, s30, $0xb8;
	[tilespmem:$0x1CA00] =	vst v63  }
0xcf: {  	_ =	swait.ge [sflag:s15], $0x2000  }
0xd0: {  	[sflag:s15] =	ssyncset.done $0x0  }
0xd1: {  	s22 =	simm.s32 $0x1A280;
	[sflag:s15] =	ssyncadd.s32 $0xFFFFE000  }
0xd2: {  	[spmem:s2] =	stream.indirect.scatter.add.f32 [tilespmem:s31], [sflag:$0x3], $0x40, s22, s30, $0xb8;
	[tilespmem:$0x1CA00] =	vst v63  }
0xd3: {  	_ =	swait.ge [sflag:s26], $0x2000  }
0xd4: {  	s19 =	simm.s32 $0x100;
	s20 =	simm.s32 $0x800;
	[sflag:s26] =	ssyncset.done $0x0  }
.LBB2_12:
0xd5: {  	s1 =	sadd.s32 $0x17A80, s19  }
0xd6: {  	[sflag:s26] =	ssyncadd.s32 $0xFFFFE000;
	s21 =	smov.u32 s20;
	s22 =	sadd.s32 $0x400, s20  }
0xd7: {  	[tilespmem:s31], [sflag:$0x2] =	stream.indirect.gather [hbm4b:s4+s30], $0x40, s1, s30, $0xb8;
	[tilespmem:$0x1CA00] =	vst v63  }
0xd8: {  	p1 =	sne.s32 s20, $0x9800;
	_ =	swait.ge [sflag:s0], $0x2000  }
0xd9: {  	[sflag:s0] =	ssyncset.done $0x0  }
0xda: {  	s1 =	sadd.s32 $0x1A200, s19;
	[sflag:s0] =	ssyncadd.s32 $0xFFFFE000  }
0xdb: {  	[spmem:s2] =	stream.indirect.scatter.add.f32 [tilespmem:s25], [sflag:$0x3], $0x40, s1, s30, $0xb8;
	[tilespmem:$0x1CA00] =	vst v63  }
0xdc: {  	_ =	swait.ge [sflag:s26], $0x2000  }
0xdd: {  	[sflag:s26] =	ssyncset.done $0x0  }
0xde: {  	s1 =	sadd.s32 $0x17B00, s19;
	[sflag:s26] =	ssyncadd.s32 $0xFFFFE000  }
0xdf: {  	[tilespmem:s25], [sflag:$0x1] =	stream.indirect.gather [hbm4b:s4+s30], $0x40, s1, s30, $0xb8;
	[tilespmem:$0x1CA00] =	vst v63  }
0xe0: {  	_ =	swait.ge [sflag:s15], $0x2000  }
.Ltmp5:
0xe1: {  	[sflag:s15] =	ssyncset.done $0x0;
	(pc) =	sbr.rel @p1 .LBB2_12-.Ltmp5, $4  }
0xe2: {  	s1 =	sadd.s32 $0x1A280, s19;
	[sflag:s15] =	ssyncadd.s32 $0xFFFFE000  }
0xe3: {  	[spmem:s2] =	stream.indirect.scatter.add.f32 [tilespmem:s31], [sflag:$0x3], $0x40, s1, s30, $0xb8;
	[tilespmem:$0x1CA00] =	vst v63  }
0xe4: {  	_ =	swait.ge [sflag:s26], $0x2000  }
0xe5: {  	s20 =	smov.u32 s22;
	s19 =	sshra.s32 s21, $0x2;
	[sflag:s26] =	ssyncset.done $0x0  }
0xe6: {  	s1 =	sadd.s32 $0x17A80, s19;
	[sflag:s26] =	ssyncadd.s32 $0xFFFFE000  }
0xe7: {  	[tilespmem:s31], [sflag:$0x2] =	stream.indirect.gather [hbm4b:s4+s30], $0x40, s1, s30, $0xb8;
	[tilespmem:$0x1CA00] =	vst v63  }
0xe8: {  	_ =	swait.ge [sflag:s0], $0x2000  }
0xe9: {  	[sflag:s0] =	ssyncset.done $0x0  }
0xea: {  	s20 =	sadd.s32 $0x1A200, s19;
	[sflag:s0] =	ssyncadd.s32 $0xFFFFE000  }
0xeb: {  	[spmem:s2] =	stream.indirect.scatter.add.f32 [tilespmem:s25], [sflag:$0x3], $0x40, s20, s30, $0xb8;
	[tilespmem:$0x1CA00] =	vst v63  }
0xec: {  	_ =	swait.ge [sflag:s26], $0x2000  }
0xed: {  	[sflag:s26] =	ssyncset.done $0x0  }
0xee: {  	s21 =	sadd.s32 $0x17B00, s19;
	[sflag:s26] =	ssyncadd.s32 $0xFFFFE000  }
0xef: {  	[tilespmem:s25], [sflag:$0x1] =	stream.indirect.gather [hbm4b:s4+s30], $0x40, s21, s30, $0xb8;
	[tilespmem:$0x1CA00] =	vst v63  }
0xf0: {  	_ =	swait.ge [sflag:s15], $0x2000  }
0xf1: {  	[sflag:s15] =	ssyncset.done $0x0  }
.Ltmp6:
0xf2: {  	s22 =	sadd.s32 $0x1A280, s19;
	[sflag:s15] =	ssyncadd.s32 $0xFFFFE000;
	(pc) =	sbr.rel .LBB2_14-.Ltmp6, $4  }
0xf3: {  	[spmem:s2] =	stream.indirect.scatter.add.f32 [tilespmem:s31], [sflag:$0x3], $0x40, s22, s30, $0xb8;
	[tilespmem:$0x1CA00] =	vst v63  }
0xf4: {  	_ =	swait.ge [sflag:s26], $0x2000  }
0xf5: {  	[sflag:s26] =	ssyncset.done $0x0  }
0xf6: {  	[sflag:s26] =	ssyncadd.s32 $0xFFFFE000  }
.LBB2_4:
0xf7: {  	s19 =	simm.s32 $0x0;
	s1 =	rddreg [dreg:$0x3]  }
0xf8: {  	[tilespmem:s28], [sflag:$0x3] =	stream.linear.gather [hbm4b:s1+s19], $0x2800, $0x38;
	[tilespmem:$0x1CA00] =	vst v63  }
0xf9: {  	_ =	swait.ge [sflag:s26], $0x2800  }
0xfa: {  	[sflag:s26] =	ssyncset.done $0x0  }
0xfb: {  	s22 =	rddreg [dreg:$0x4];
	[sflag:s26] =	ssyncadd.s32 $0xFFFFD800  }
0xfc: {  	[tilespmem:s29], [sflag:$0x3] =	stream.linear.gather [hbm4b:s22+s19], $0x2800, $0x38;
	[tilespmem:$0x1CA00] =	vst v63  }
0xfd: {  	_ =	swait.ge [sflag:s26], $0x2800  }
0xfe: {  	[sflag:s26] =	ssyncset.done $0x0  }
0xff: {  	[sflag:s26] =	ssyncadd.s32 $0xFFFFD800  }
0x100: {  	[tilespmem:s25], [sflag:$0x1] =	stream.indirect.gather [hbm4b:s4+s30], $0x40, s28, s30, $0xb8;
	[tilespmem:$0x1CA00] =	vst v63  }
0x101: {  	s1 =	simm.s32 $0x17A80  }
0x102: {  	[tilespmem:s31], [sflag:$0x2] =	stream.indirect.gather [hbm4b:s4+s30], $0x40, s1, s30, $0xb8;
	[tilespmem:$0x1CA00] =	vst v63  }
0x103: {  	_ =	swait.ge [sflag:s0], $0x2000  }
0x104: {  	[sflag:s0] =	ssyncset.done $0x0  }
0x105: {  	s20 =	simm.s32 $0x1A200;
	[sflag:s0] =	ssyncadd.s32 $0xFFFFE000  }
0x106: {  	[spmem:s2] =	stream.indirect.scatter.add.f32 [tilespmem:s25], [sflag:$0x3], $0x40, s20, s30, $0xb8;
	[tilespmem:$0x1CA00] =	vst v63  }
0x107: {  	_ =	swait.ge [sflag:s26], $0x2000  }
0x108: {  	[sflag:s26] =	ssyncset.done $0x0  }
0x109: {  	s21 =	simm.s32 $0x17B00;
	[sflag:s26] =	ssyncadd.s32 $0xFFFFE000  }
0x10a: {  	[tilespmem:s25], [sflag:$0x1] =	stream.indirect.gather [hbm4b:s4+s30], $0x40, s21, s30, $0xb8;
	[tilespmem:$0x1CA00] =	vst v63  }
0x10b: {  	_ =	swait.ge [sflag:s15], $0x2000  }
0x10c: {  	[sflag:s15] =	ssyncset.done $0x0  }
0x10d: {  	s22 =	simm.s32 $0x1A280;
	[sflag:s15] =	ssyncadd.s32 $0xFFFFE000  }
0x10e: {  	[spmem:s2] =	stream.indirect.scatter.add.f32 [tilespmem:s31], [sflag:$0x3], $0x40, s22, s30, $0xb8;
	[tilespmem:$0x1CA00] =	vst v63  }
0x10f: {  	_ =	swait.ge [sflag:s26], $0x2000  }
0x110: {  	s19 =	simm.s32 $0x100;
	s20 =	simm.s32 $0x800;
	[sflag:s26] =	ssyncset.done $0x0  }
.LBB2_5:
0x111: {  	s21 =	sadd.s32 $0x17A80, s19  }
0x112: {  	[sflag:s26] =	ssyncadd.s32 $0xFFFFE000;
	s22 =	smov.u32 s20;
	s1 =	sadd.s32 $0x400, s20  }
0x113: {  	[tilespmem:s31], [sflag:$0x2] =	stream.indirect.gather [hbm4b:s4+s30], $0x40, s21, s30, $0xb8;
	[tilespmem:$0x1CA00] =	vst v63  }
0x114: {  	p1 =	sne.s32 s20, $0x9800;
	_ =	swait.ge [sflag:s0], $0x2000  }
0x115: {  	[sflag:s0] =	ssyncset.done $0x0  }
0x116: {  	s20 =	sadd.s32 $0x1A200, s19;
	[sflag:s0] =	ssyncadd.s32 $0xFFFFE000  }
0x117: {  	[spmem:s2] =	stream.indirect.scatter.add.f32 [tilespmem:s25], [sflag:$0x3], $0x40, s20, s30, $0xb8;
	[tilespmem:$0x1CA00] =	vst v63  }
0x118: {  	_ =	swait.ge [sflag:s26], $0x2000  }
0x119: {  	[sflag:s26] =	ssyncset.done $0x0  }
0x11a: {  	s20 =	sadd.s32 $0x17B00, s19;
	[sflag:s26] =	ssyncadd.s32 $0xFFFFE000  }
0x11b: {  	[tilespmem:s25], [sflag:$0x1] =	stream.indirect.gather [hbm4b:s4+s30], $0x40, s20, s30, $0xb8;
	[tilespmem:$0x1CA00] =	vst v63  }
0x11c: {  	_ =	swait.ge [sflag:s15], $0x2000  }
.Ltmp7:
0x11d: {  	[sflag:s15] =	ssyncset.done $0x0;
	(pc) =	sbr.rel @p1 .LBB2_5-.Ltmp7, $4  }
0x11e: {  	s19 =	sadd.s32 $0x1A280, s19;
	[sflag:s15] =	ssyncadd.s32 $0xFFFFE000  }
0x11f: {  	[spmem:s2] =	stream.indirect.scatter.add.f32 [tilespmem:s31], [sflag:$0x3], $0x40, s19, s30, $0xb8;
	[tilespmem:$0x1CA00] =	vst v63  }
0x120: {  	_ =	swait.ge [sflag:s26], $0x2000  }
0x121: {  	s20 =	smov.u32 s1;
	s19 =	sshra.s32 s22, $0x2;
	[sflag:s26] =	ssyncset.done $0x0  }
0x122: {  	s1 =	sadd.s32 $0x17A80, s19;
	[sflag:s26] =	ssyncadd.s32 $0xFFFFE000  }
0x123: {  	[tilespmem:s31], [sflag:$0x2] =	stream.indirect.gather [hbm4b:s4+s30], $0x40, s1, s30, $0xb8;
	[tilespmem:$0x1CA00] =	vst v63  }
0x124: {  	_ =	swait.ge [sflag:s0], $0x2000  }
0x125: {  	[sflag:s0] =	ssyncset.done $0x0  }
0x126: {  	s21 =	sadd.s32 $0x1A200, s19;
	[sflag:s0] =	ssyncadd.s32 $0xFFFFE000  }
0x127: {  	[spmem:s2] =	stream.indirect.scatter.add.f32 [tilespmem:s25], [sflag:$0x3], $0x40, s21, s30, $0xb8;
	[tilespmem:$0x1CA00] =	vst v63  }
0x128: {  	_ =	swait.ge [sflag:s26], $0x2000  }
0x129: {  	[sflag:s26] =	ssyncset.done $0x0  }
0x12a: {  	s22 =	sadd.s32 $0x17B00, s19;
	[sflag:s26] =	ssyncadd.s32 $0xFFFFE000  }
0x12b: {  	[tilespmem:s25], [sflag:$0x1] =	stream.indirect.gather [hbm4b:s4+s30], $0x40, s22, s30, $0xb8;
	[tilespmem:$0x1CA00] =	vst v63  }
0x12c: {  	_ =	swait.ge [sflag:s15], $0x2000  }
0x12d: {  	[sflag:s15] =	ssyncset.done $0x0  }
0x12e: {  	s19 =	sadd.s32 $0x1A280, s19;
	[sflag:s15] =	ssyncadd.s32 $0xFFFFE000  }
0x12f: {  	[spmem:s2] =	stream.indirect.scatter.add.f32 [tilespmem:s31], [sflag:$0x3], $0x40, s19, s30, $0xb8;
	[tilespmem:$0x1CA00] =	vst v63  }
0x130: {  	_ =	swait.ge [sflag:s26], $0x2000  }
0x131: {  	[sflag:s26] =	ssyncset.done $0x0  }
0x132: {  	[sflag:s26] =	ssyncadd.s32 $0xFFFFE000  }
0x133: {  	[tilespmem:s31], [sflag:$0x2] =	stream.indirect.gather [hbm4b:s4+s30], $0x40, s16, s30, $0xb8;
	[tilespmem:$0x1CA00] =	vst v63  }
0x134: {  	_ =	swait.ge [sflag:s0], $0x2000  }
0x135: {  	[sflag:s0] =	ssyncset.done $0x0  }
0x136: {  	[sflag:s0] =	ssyncadd.s32 $0xFFFFE000  }
0x137: {  	[spmem:s2] =	stream.indirect.scatter.add.f32 [tilespmem:s25], [sflag:$0x3], $0x40, s17, s30, $0xb8;
	[tilespmem:$0x1CA00] =	vst v63  }
0x138: {  	_ =	swait.ge [sflag:s26], $0x2000  }
0x139: {  	[sflag:s26] =	ssyncset.done $0x0  }
0x13a: {  	[sflag:s26] =	ssyncadd.s32 $0xFFFFE000  }
0x13b: {  	_ =	swait.ge [sflag:s15], $0x2000  }
0x13c: {  	[sflag:s15] =	ssyncset.done $0x0  }
0x13d: {  	[sflag:s15] =	ssyncadd.s32 $0xFFFFE000  }
0x13e: {  	[spmem:s2] =	stream.indirect.scatter.add.f32 [tilespmem:s31], [sflag:$0x3], $0x40, s18, s30, $0xb8;
	[tilespmem:$0x1CA00] =	vst v63  }
0x13f: {  	_ =	swait.ge [sflag:s26], $0x2000  }
0x140: {  	[sflag:s26] =	ssyncset.done $0x0  }
0x141: {  	s20 =	simm.s32 $0x0;
	s21 =	rddreg [dreg:$0x5];
	[sflag:s26] =	ssyncadd.s32 $0xFFFFE000  }
0x142: {  	[tilespmem:s28], [sflag:$0x3] =	stream.linear.gather [hbm4b:s21+s20], $0x2800, $0x38;
	[tilespmem:$0x1CA00] =	vst v63  }
0x143: {  	_ =	swait.ge [sflag:s26], $0x2800  }
0x144: {  	[sflag:s26] =	ssyncset.done $0x0  }
0x145: {  	s22 =	rddreg [dreg:$0x6];
	[sflag:s26] =	ssyncadd.s32 $0xFFFFD800  }
0x146: {  	[tilespmem:s29], [sflag:$0x3] =	stream.linear.gather [hbm4b:s22+s20], $0x2800, $0x38;
	[tilespmem:$0x1CA00] =	vst v63  }
0x147: {  	_ =	swait.ge [sflag:s26], $0x2800  }
0x148: {  	[sflag:s26] =	ssyncset.done $0x0  }
0x149: {  	[sflag:s26] =	ssyncadd.s32 $0xFFFFD800  }
0x14a: {  	[tilespmem:s25], [sflag:$0x1] =	stream.indirect.gather [hbm4b:s4+s30], $0x40, s28, s30, $0xb8;
	[tilespmem:$0x1CA00] =	vst v63  }
0x14b: {  	s19 =	simm.s32 $0x17A80  }
0x14c: {  	[tilespmem:s31], [sflag:$0x2] =	stream.indirect.gather [hbm4b:s4+s30], $0x40, s19, s30, $0xb8;
	[tilespmem:$0x1CA00] =	vst v63  }
0x14d: {  	_ =	swait.ge [sflag:s0], $0x2000  }
0x14e: {  	[sflag:s0] =	ssyncset.done $0x0  }
0x14f: {  	s20 =	simm.s32 $0x1A200;
	[sflag:s0] =	ssyncadd.s32 $0xFFFFE000  }
0x150: {  	[spmem:s2] =	stream.indirect.scatter.add.f32 [tilespmem:s25], [sflag:$0x3], $0x40, s20, s30, $0xb8;
	[tilespmem:$0x1CA00] =	vst v63  }
0x151: {  	_ =	swait.ge [sflag:s26], $0x2000  }
0x152: {  	[sflag:s26] =	ssyncset.done $0x0  }
0x153: {  	s21 =	simm.s32 $0x17B00;
	[sflag:s26] =	ssyncadd.s32 $0xFFFFE000  }
0x154: {  	[tilespmem:s25], [sflag:$0x1] =	stream.indirect.gather [hbm4b:s4+s30], $0x40, s21, s30, $0xb8;
	[tilespmem:$0x1CA00] =	vst v63  }
0x155: {  	_ =	swait.ge [sflag:s15], $0x2000  }
0x156: {  	[sflag:s15] =	ssyncset.done $0x0  }
0x157: {  	s22 =	simm.s32 $0x1A280;
	[sflag:s15] =	ssyncadd.s32 $0xFFFFE000  }
0x158: {  	[spmem:s2] =	stream.indirect.scatter.add.f32 [tilespmem:s31], [sflag:$0x3], $0x40, s22, s30, $0xb8;
	[tilespmem:$0x1CA00] =	vst v63  }
0x159: {  	_ =	swait.ge [sflag:s26], $0x2000  }
0x15a: {  	s19 =	simm.s32 $0x100;
	s20 =	simm.s32 $0x800;
	[sflag:s26] =	ssyncset.done $0x0  }
.LBB2_7:
0x15b: {  	s1 =	sadd.s32 $0x17A80, s19  }
0x15c: {  	[sflag:s26] =	ssyncadd.s32 $0xFFFFE000;
	s21 =	smov.u32 s20;
	s22 =	sadd.s32 $0x400, s20  }
0x15d: {  	[tilespmem:s31], [sflag:$0x2] =	stream.indirect.gather [hbm4b:s4+s30], $0x40, s1, s30, $0xb8;
	[tilespmem:$0x1CA00] =	vst v63  }
0x15e: {  	p1 =	seq.s32 s20, $0x9800;
	_ =	swait.ge [sflag:s0], $0x2000  }
0x15f: {  	[sflag:s0] =	ssyncset.done $0x0  }
0x160: {  	s1 =	sadd.s32 $0x1A200, s19;
	[sflag:s0] =	ssyncadd.s32 $0xFFFFE000  }
0x161: {  	[spmem:s2] =	stream.indirect.scatter.add.f32 [tilespmem:s25], [sflag:$0x3], $0x40, s1, s30, $0xb8;
	[tilespmem:$0x1CA00] =	vst v63  }
0x162: {  	_ =	swait.ge [sflag:s26], $0x2000  }
0x163: {  	[sflag:s26] =	ssyncset.done $0x0  }
0x164: {  	s1 =	sadd.s32 $0x17B00, s19;
	[sflag:s26] =	ssyncadd.s32 $0xFFFFE000  }
0x165: {  	[tilespmem:s25], [sflag:$0x1] =	stream.indirect.gather [hbm4b:s4+s30], $0x40, s1, s30, $0xb8;
	[tilespmem:$0x1CA00] =	vst v63  }
0x166: {  	_ =	swait.ge [sflag:s15], $0x2000  }
.Ltmp8:
0x167: {  	[sflag:s15] =	ssyncset.done $0x0;
	(pc) =	sbr.rel @!p1 .LBB2_7-.Ltmp8, $4  }
0x168: {  	s1 =	sadd.s32 $0x1A280, s19;
	[sflag:s15] =	ssyncadd.s32 $0xFFFFE000  }
0x169: {  	[spmem:s2] =	stream.indirect.scatter.add.f32 [tilespmem:s31], [sflag:$0x3], $0x40, s1, s30, $0xb8;
	[tilespmem:$0x1CA00] =	vst v63  }
0x16a: {  	_ =	swait.ge [sflag:s26], $0x2000  }
0x16b: {  	s20 =	smov.u32 s22;
	s19 =	sshra.s32 s21, $0x2;
	[sflag:s26] =	ssyncset.done $0x0  }
.Ltmp9:
0x16c: {  	_ = 	snop;
	(pc) =	sbr.rel .LBB2_8-.Ltmp9, $1  }
0x16d: {  	_ =	sdelay $0x3  }
.LBB2_15:
0x16e: {  	_ =	sfence.sel $0x180000  }
0x16f: {  	[bflag:$0x0] =	sbarrier.arrive $0xFFFF  }
0x170: {  	_ =	strace $0x9000004D  }
0x171: {  	s0 =	stileid.u32;
	[bflag:$0x2] =	sbarrier.arrive $0xFFFF  }
0x172: {  	p0 =	sne.s32 s0, $0x0;
	s0 =	rddreg [dreg:$0x2]  }
0x173: {  	s0 =	sadd.s32 @!p0 $0x100000, s0  }
0x174: {  	[sflag:s0] =	ssyncadd.tile.s32 @!p0 $0x1;
	_ =	shalt  }
.Lfunc_end2:
_tile_overlayer_lowered:
.L_overlay_start_2:
0x175: {  	(tag) =	ssettag $0x2  }
0x176: {  	s0 =	rddreg [dreg:$0x0];
	s2 =	stileid.u32  }
0x177: {  	s1 =	rddreg [dreg:$0x1];
	p0 =	sne.s32 s2, $0x0  }
0x178: {  	s3 =	rddreg [dreg:$0x2];
	[bflag:$0x3] =	sbarrier.arrive $0xFFFF;
	s2 =	simm.s32 @!p0 $0x1C03  }
0x179: {  	[timem:s3], [sflag:s2] =	dma.local @!p0 [hbm:s0], s1  }
0x17a: {  	s0 =	simm.s32 @!p0 $0x3  }
0x17b: {  	_ =	swait.ge @!p0 [sflag:s0], s1  }
0x17c: {  	s1 =	ssub.s32 @!p0 $0x0, s1;
	[sflag:s0] =	ssyncset.done @!p0 $0x0  }
0x17d: {  	[sflag:s0] =	ssyncadd.s32 @!p0 s1  }
0x17e: {  	[bflag:$0x3] =	sbarrier.arrive $0xFFFF  }
0x17f: {  	_ =	shalt  }

// kernel: kernel.8.cloned.1.call-start
scs
__scs_entry_jumppad:
0x0: {  	(pc) =	sbr.rel $0x88, $3  }
0x1: {  	(tag) =	ssettag $0x0;
	lr =	simm.s32 $0x1  }
0x2: {  	[smem:$0x3F93] =	sst lr;
	_ =	strace $0xD0000000  }
0x3: {  	_ = 	snop  }
0x4: {  	_ = 	snop  }
0x5: {  	_ = 	snop  }
0x6: {  	_ = 	snop  }
0x7: {  	_ = 	snop  }
__scs_overlays_trampoline_lowered:
0x8: {  	[smem:$0x3FA2] =	sst s0  }
0x9: {  	[smem:$0x3FA3] =	sst s1  }
0xa: {  	[smem:$0x3FA4] =	sst s2  }
0xb: {  	[smem:$0x3FA5] =	sst s3  }
0xc: {  	[smem:$0x3FA6] =	sst s4  }
0xd: {  	[smem:$0x3FA7] =	sst s5  }
0xe: {  	[smem:$0x3FA8] =	sst s6  }
0xf: {  	[smem:$0x3FA9] =	sst s7  }
0x10: {  	[smem:$0x3FAA] =	sst s8  }
0x11: {  	[smem:$0x3FAB] =	sst s9;
	s0 =	simm.s32 @!p0 $0x0  }
0x12: {  	s1 =	sld [smem:$0x3F91];
	s0 =	simm.s32 @p0 $0x1  }
0x13: {  	[smem:$0x3FAC] =	sst s0;
	s0 =	simm.s32 @!p1 $0x0  }
0x14: {  	s2 =	sld [smem:$0x3F90];
	s0 =	simm.s32 @p1 $0x1  }
0x15: {  	[smem:$0x3FAD] =	sst s0;
	s0 =	simm.s32 @!p2 $0x0  }
0x16: {  	s3 =	sld [smem:$0x3FDB];
	s0 =	simm.s32 @p2 $0x1  }
0x17: {  	s4 =	simm.s32 $0x1BF5;
	[smem:$0x3FAF] =	sst s0  }
0x18: {  	s0 =	sld [smem:$0x3F92];
	_ =	swait.ge [sflag:s4], $0x0  }
0x19: {  	s7 =	sld [smem:$0x3F93]  }
0x1a: {  	s8 =	sadd.s32 $0xFFFFE003, lr  }
0x1b: {  	s9 =	sadd.s32 $0xFFFFFEF7, lr;
	s5 =	simm.s32 $0xFFFFFFFF;
	p2 =	slt.u32 s8, $0xFFFFF086  }
0x1c: {  	p1 =	slt.u32 s9, $0xF7A;
	s5 =	simm.s32 @!p2 $0x0  }
0x1d: {  	s5 =	simm.s32 @p1 $0x1;
	p0 =	seq.s32 s7, s2  }
0x1e: {  	s7 =	smul.u32 @!p0 $0xF7A, s2;
	p2 =	seq.s32 @!p0 s5, $0x0  }
0x1f: {  	s9 =	smul.u32 $0xF7A, s1;
	s8 =	simm.s32 @!p0 $0x1BF5;
	p2 =	por !p2, p0  }
0x20: {  	[sflag:s8] =	ssyncset.s32 @!p0 $0xFFFFF086;
	s6 =	sadd.s32 @!p0 s3, s7;
	s7 =	simm.s32 @!p0 $0x108  }
0x21: {  	s3 =	sadd.s32 s3, s9;
	s6 =	sadd.s32 @!p0 $0x88, s6;
	s7 =	simm.s32 @p2 $0x1082  }
0x22: {  	[simem:s7], [sflag:s8] =	dma.local @!p0 [hbm:s6], $0xF7A  }
0x23: {  	s9 =	sor.u32 $0xD0000000, s2;
	s6 =	simm.s32 $0x108;
	_ =	swait.ge @!p0 [sflag:s8], $0x0  }
0x24: {  	s3 =	sadd.s32 $0x88, s3;
	s6 =	simm.s32 @!p1 $0x1082;
	[sflag:s4] =	ssyncset.s32 $0xFFFFF086  }
0x25: {  	[simem:s6], [sflag:s4] =	dma.local [hbm:s3], $0xF7A  }
0x26: {  	[smem:$0x3F93] =	sst s1;
	(tag) =	ssettag s2;
	_ =	strace s9  }
0x27: {  	s1 =	sld [smem:$0x3FA3]  }
0x28: {  	s2 =	sld [smem:$0x3FA4]  }
0x29: {  	s4 =	sld [smem:$0x3FA6]  }
0x2a: {  	p0 =	seq.s32 s5, $0x0;
	s5 =	sld [smem:$0x3FA7]  }
0x2b: {  	s6 =	sld [smem:$0x3FA8]  }
0x2c: {  	s7 =	sld [smem:$0x3FA9]  }
0x2d: {  	s3 =	simm.s32 $0x108;
	s8 =	sld [smem:$0x3FAA]  }
0x2e: {  	s3 =	simm.s32 @!p0 $0x1082;
	s9 =	sld [smem:$0x3FAB]  }
0x2f: {  	lr =	sadd.s32 s0, s3;
	s0 =	sld [smem:$0x3FA2]  }
0x30: {  	s3 =	sld [smem:$0x3FA5]  }
0x31: {  	[smem:$0x3FAE] =	sst s10  }
0x32: {  	s10 =	sld [smem:$0x3FAC];
	_ =	sdelay $0x3  }
0x33: {  	p0 =	seq.s32 s10, $0x1;
	s10 =	sld [smem:$0x3FAE];
	_ =	sdelay $0x3  }
0x34: {  	[smem:$0x3FAE] =	sst s10  }
0x35: {  	s10 =	sld [smem:$0x3FAD];
	_ =	sdelay $0x3  }
0x36: {  	p1 =	seq.s32 s10, $0x1;
	s10 =	sld [smem:$0x3FAE];
	_ =	sdelay $0x3  }
0x37: {  	[smem:$0x3FAE] =	sst s10  }
0x38: {  	s10 =	sld [smem:$0x3FAF]  }
0x39: {  	_ = 	snop;
	(pc) =	sbr.ind lr, $3  }
0x3a: {  	_ = 	snop  }
0x3b: {  	_ = 	snop  }
0x3c: {  	p2 =	seq.s32 s10, $0x1;
	s10 =	sld [smem:$0x3FAE]  }
0x3d: {  	_ =	shalt  }
0x3e: {  	_ =	shalt  }
0x3f: {  	_ =	shalt  }
0x40: {  	_ =	shalt  }
0x41: {  	_ =	shalt  }
0x42: {  	_ =	shalt  }
0x43: {  	_ =	shalt  }
0x44: {  	_ =	shalt  }
0x45: {  	_ =	shalt  }
0x46: {  	_ =	shalt  }
0x47: {  	_ =	shalt  }
0x48: {  	_ =	shalt  }
0x49: {  	_ =	shalt  }
0x4a: {  	_ =	shalt  }
0x4b: {  	_ =	shalt  }
0x4c: {  	_ =	shalt  }
0x4d: {  	_ =	shalt  }
0x4e: {  	_ =	shalt  }
0x4f: {  	_ =	shalt  }
0x50: {  	_ =	shalt  }
0x51: {  	_ =	shalt  }
0x52: {  	_ =	shalt  }
0x53: {  	_ =	shalt  }
0x54: {  	_ =	shalt  }
0x55: {  	_ =	shalt  }
0x56: {  	_ =	shalt  }
0x57: {  	_ =	shalt  }
0x58: {  	_ =	shalt  }
0x59: {  	_ =	shalt  }
0x5a: {  	_ =	shalt  }
0x5b: {  	_ =	shalt  }
0x5c: {  	_ =	shalt  }
0x5d: {  	_ =	shalt  }
0x5e: {  	_ =	shalt  }
0x5f: {  	_ =	shalt  }
0x60: {  	_ =	shalt  }
0x61: {  	_ =	shalt  }
0x62: {  	_ =	shalt  }
0x63: {  	_ =	shalt  }
0x64: {  	_ =	shalt  }
0x65: {  	_ =	shalt  }
0x66: {  	_ =	shalt  }
0x67: {  	_ =	shalt  }
0x68: {  	_ =	shalt  }
0x69: {  	_ =	shalt  }
0x6a: {  	_ =	shalt  }
0x6b: {  	_ =	shalt  }
0x6c: {  	_ =	shalt  }
0x6d: {  	_ =	shalt  }
0x6e: {  	_ =	shalt  }
0x6f: {  	_ =	shalt  }
0x70: {  	_ =	shalt  }
0x71: {  	_ =	shalt  }
0x72: {  	_ =	shalt  }
0x73: {  	_ =	shalt  }
0x74: {  	_ =	shalt  }
0x75: {  	_ =	shalt  }
0x76: {  	_ =	shalt  }
0x77: {  	_ =	shalt  }
0x78: {  	_ =	shalt  }
0x79: {  	_ =	shalt  }
0x7a: {  	_ =	shalt  }
0x7b: {  	_ =	shalt  }
0x7c: {  	_ =	shalt  }
0x7d: {  	_ =	shalt  }
0x7e: {  	_ =	shalt  }
0x7f: {  	_ =	shalt  }
0x80: {  	_ =	shalt  }
0x81: {  	_ =	shalt  }
0x82: {  	_ =	shalt  }
0x83: {  	_ =	shalt  }
0x84: {  	_ =	shalt  }
0x85: {  	_ =	shalt  }
0x86: {  	_ =	shalt  }
0x87: {  	_ =	shalt  }
.Lfunc_end0:
.L_simem_size_0:
called_computation_lowered:
.L_overlay_start_0:
0x88: {  	s2 =	sld [smem:$0x3FD9]  }
0x89: {  	s3 =	sld [smem:$0x3FFE];
	_ =	sdelay $0x1  }
0x8a: {  	s1 =	srdreg.scid  }
0x8b: {  	s0 =	sand.u32 $0x1, s1  }
0x8c: {  	s16 =	sshll.u32 s0, $0xA;
	s2 =	sadd.s32 s3, s2  }
0x8d: {  	s2 =	sadd.s32 s2, s16  }
0x8e: {  	[smem:$0x3FBA] =	sst s2  }
0x8f: {  	_ = 	snop  }
0x90: {  	(tm) =	ssettm $0x1  }
0x91: {  	s17 =	sld [smem:$0x3FFB];
	_ =	sdelay $0x3  }
0x92: {  	_ =	strace s17  }
0x93: {  	s2 =	sld [smem:$0x3FFC];
	_ =	sdelay $0x3  }
0x94: {  	_ =	strace s2  }
0x95: {  	s2 =	sld [smem:$0x3FFD];
	_ =	sdelay $0x3  }
0x96: {  	_ =	strace s2  }
0x97: {  	_ =	strace $0x8FFFFFFF  }
0x98: {  	s18 =	sld [smem:$0x3FDB];
	_ =	sdelay $0x1  }
0x99: {  	s19 =	simm.s32 $_scs_section_size  }
0x9a: {  	s4 =	simm.s32 $_size__tile_overlayer_lowered;
	s5 =	simm.s32 $_tile_overlayer_lowered  }
0x9b: {  	s22 =	simm.s32 $0x1BFF;
	s21 =	sshll.u32 s5, $0x1;
	s2 =	sadd.s32 s19, s18  }
0x9c: {  	s6 =	simm.s32 $0x0;
	s20 =	sshll.u32 s4, $0x1;
	s4 =	sadd.s32 s21, s2  }
0x9d: {  	[timem:s6], [sflag:s22] =	dma.local [hbm:s4], s20  }
0x9e: {  	_ =	swait.ge [sflag:s22], s20  }
0x9f: {  	s3 =	ssub.s32 $0x0, s20;
	[sflag:s22] =	ssyncset.done $0x0  }
0xa0: {  	[sflag:s22] =	ssyncadd.s32 s3;
	_ =	sdelay $0x1  }
0xa1: {  	s23 =	simm.s32 $0x1B8B  }
0xa2: {  	_ =	swait.ge [sflag:s23], $0x1  }
0xa3: {  	[sflag:s23] =	ssyncset.done $0x0  }
0xa4: {  	s25 =	simm.s32 $0x1B8E;
	s24 =	sld [smem:$0x3FFE];
	[sflag:s23] =	ssyncadd.s32 $0xFFFFFFFF  }
0xa5: {  	s26 =	simm.s32 $execute0_lowered;
	[smem:$0x3FD2] =	sst s25  }
0xa6: {  	s4 =	sshll.u32 s26, $0x1;
	_ =	strace $0x80000046;
	[dreg:$0x1] =	wrdreg $0xFFFFFFFF  }
0xa7: {  	s28 =	simm.s32 $_size_execute0_lowered;
	s2 =	sadd.s32 s2, s4;
	[dreg:$0x0] =	wrdreg $0x0  }
0xa8: {  	s4 =	sshll.u32 s28, $0x1;
	[dreg:$0x2] =	wrdreg s2  }
0xa9: {  	[dreg:$0x3] =	wrdreg s4  }
0xaa: {  	[dreg:$0x4] =	wrdreg $0xC0  }
0xab: {  	_ =	task [dreg:s6], $0x5FFFF  }
0xac: {  	[dreg:$0x1] =	wrdreg $0xFFFFFFFF  }
0xad: {  	[dreg:$0x0] =	wrdreg $0x60  }
0xae: {  	[dreg:$0x2] =	wrdreg s24  }
0xaf: {  	[dreg:$0x3] =	wrdreg $0x9  }
0xb0: {  	_ =	task.clear_ibuf [dreg:s6], $0x4FFFF;
	_ =	strace $0x90000046  }
0xb1: {  	s29 =	simm.s32 $0x9;
	_ =	strace $0x80000048  }
0xb2: {  	_ =	swait.ge [sflag:s29], $0x1  }
0xb3: {  	[sflag:s29] =	ssyncadd.s32 $0xFFFFFFFF  }
0xb4: {  	_ =	strace $0x90000048  }
0xb5: {  	_ =	sfence  }
0xb6: {  	s30 =	sld [smem:$0x0];
	_ =	sdelay $0x2  }
0xb7: {  	s31 =	sshll.u32 s1, $0xD;
	s1 =	sshrl.u32 s1, $0x2  }
0xb8: {  	s3 =	sand.u32 $0x4000, s31;
	s1 =	sadd.s32 s1, s30  }
0xb9: {  	s0 =	sor.u32 s3, s0;
	s1 =	sshll.u32 s1, $0x11  }
0xba: {  	s0 =	sor.u32 s1, s0  }
0xbb: {  	s0 =	sadd.s32 $0x8F2B, s0  }
0xbc: {  	[sflag:s0] =	ssyncadd.remote.s32 $0x1  }
0xbd: {  	_ =	sfence.sel $0xFFFF  }
0xbe: {  	[dreg:$0x0] =	wrdreg $0xFFFFFFFF;
	(pc) =	sbr.abs _section_cstart, $3  }
0xbf: {  	[dreg:$0x1] =	wrdreg $0xFFFFFFFF  }
0xc0: {  	_ =	task.clear_ibuf [dreg:s6], $0x2FFFF;
	_ =	strace $0x9FFFFFFF  }
0xc1: {  	(tm) =	ssettm $0x7FFFFFFF  }
tec
execute0_lowered:
.L_overlay_start_1:
0x0: {  	(tag) =	ssettag $0x1  }
0x1: {  	s1 =	srdreg.scid  }
0x2: {  	s0 =	stileid.u32;
	s5 =	rddreg [dreg:$0x0]  }
0x3: {  	s2 =	simm.s32 $0x0;
	s8 =	simm.s32 $0x80;
	s9 =	simm.s32 $0x400  }
0x4: {  	s10 =	simm.s32 $0x0;
	s3 =	sand.u32 $0x1, s1;
	s29 =	sshll.u32 s0, $0x1  }
0x5: {  	s30 =	sshrl.u32 s0, $0x2;
	s1 =	rddreg [dreg:$0x1];
	s4 =	sor.u32 s3, s29  }
0x6: {  	[smem:$0x7FF] =	sst s2;
	s6 =	smul.u32 $0x27400, s30;
	s7 =	sshll.u32 s4, $0x7  }
0x7: {  	s3 =	ssub.s32 $0x2, s3;
	s4 =	smul.u32 $0xA00, s4;
	s7 =	sand.u32 $0x380, s7  }
0x8: {  	_ =	strace $0x80000047;
	s31 =	sshrl.u32 s3, $0x1;
	s6 =	sor.u32 s6, s7  }
0x9: {  	s4 =	sadd.s32 s4, s5;
	s7 =	simm.s32 $0x1;
	s6 =	sshrl.u32 s6, $0x3  }
0xa: {  	s5 =	sadd.s32 s6, s5;
	s6 =	ssub.s32 s3, s31;
	s3 =	sadd.s32 $0x1E00, s4  }
0xb: {  	v0 =	vimm.f32 $0.0e+00;
	v1 =	vimm.f32 $1.000000000e+00;
	s4 =	sadd.s32 $0x15E00, s5;
	s5 =	smax.u32 s6, $0x1;
	s6 =	simm.s32 $0x4E80  }
.LBB2_1:
0xc: {  	[tilespmem:s6], [sflag:$0x1] =	stream.linear.gather [hbm4b:s3+s2], $0x5000, $0x38;
	[tilespmem:$0x9E80] =	vst v63  }
0xd: {  	_ =	swait.ge [sflag:s7], $0x5000  }
0xe: {  	[sflag:s7] =	ssyncset.done $0x0  }
0xf: {  	s11 =	simm.s32 $0x0;
	[sflag:s7] =	ssyncadd.s32 $0xFFFFB000  }
.LBB2_2:
0x10: {  	p0 =	sne.s32 s11, $0x139C0  }
.Ltmp0:
0x11: {  	_ = 	snop;
	(pc) =	sbr.rel @p0 .LBB2_2-.Ltmp0, $3  }
0x12: {  	_ =	sdelay $0x1  }
0x13: {  	s12 =	sshra.s32 s11, $0x2  }
0x14: {  	s11 =	sadd.s32 $0x40, s11;
	[tilespmem:s12+$0x0] =	vst v0  }
0x15: {  	s11 =	simm.s32 $0x0  }
.LBB2_4:
0x16: {  	s12 =	sshra.s32 s11, $0x2  }
0x17: {  	v2 =	vld [tilespmem:s12+$0x4E80];
	_ =	sdelay $0x7  }
0x18: {  	[tilespmem:v2+s2+$0x0] =	vst.idx.add.f32.msk $0xffff, v1  }
0x19: {  	v2 =	vld [tilespmem:s12+$0x4E90];
	_ =	sdelay $0x7  }
0x1a: {  	[tilespmem:v2+s2+$0x0] =	vst.idx.add.f32.msk $0xffff, v1  }
0x1b: {  	v2 =	vld [tilespmem:s12+$0x4EA0];
	_ =	sdelay $0x7  }
0x1c: {  	[tilespmem:v2+s2+$0x0] =	vst.idx.add.f32.msk $0xffff, v1  }
0x1d: {  	v2 =	vld [tilespmem:s12+$0x4EB0];
	_ =	sdelay $0x7  }
0x1e: {  	[tilespmem:v2+s2+$0x0] =	vst.idx.add.f32.msk $0xffff, v1  }
0x1f: {  	v2 =	vld [tilespmem:s12+$0x4EC0];
	_ =	sdelay $0x7  }
0x20: {  	[tilespmem:v2+s2+$0x0] =	vst.idx.add.f32.msk $0xffff, v1  }
0x21: {  	v2 =	vld [tilespmem:s12+$0x4ED0];
	_ =	sdelay $0x7  }
0x22: {  	[tilespmem:v2+s2+$0x0] =	vst.idx.add.f32.msk $0xffff, v1  }
0x23: {  	v2 =	vld [tilespmem:s12+$0x4EE0];
	_ =	sdelay $0x7  }
0x24: {  	[tilespmem:v2+s2+$0x0] =	vst.idx.add.f32.msk $0xffff, v1  }
0x25: {  	v2 =	vld [tilespmem:s12+$0x4EF0];
	_ =	sdelay $0x2  }
0x26: {  	p0 =	sne.s32 s11, $0x13E00  }
.Ltmp1:
0x27: {  	_ = 	snop;
	(pc) =	sbr.rel @p0 .LBB2_4-.Ltmp1, $2  }
0x28: {  	_ =	sdelay $0x2  }
0x29: {  	s11 =	sadd.s32 $0x200, s11;
	[tilespmem:v2+s2+$0x0] =	vst.idx.add.f32.msk $0xffff, v1  }
0x2a: {  	s10 =	sadd.s32 $0x1, s10  }
0x2b: {  	p0 =	sne.s32 s10, s5  }
.Ltmp2:
0x2c: {  	_ = 	snop;
	(pc) =	sbr.rel @p0 .LBB2_1-.Ltmp2, $4  }
0x2d: {  	[hbm4b:s4+s8] =	stream.strided.scatter [tilespmem:s2], [sflag:$0x1], $0x4E80, s9, s8, $0x38;
	[tilespmem:$0x9E80] =	vst v63  }
0x2e: {  	_ =	swait.ge [sflag:s7], $0x4E80  }
0x2f: {  	[sflag:s7] =	ssyncset.done $0x0  }
0x30: {  	[sflag:s7] =	ssyncadd.s32 $0xFFFFB180  }
0x31: {  	_ =	sfence.sel $0x180000  }
0x32: {  	[bflag:$0x0] =	sbarrier.arrive $0xFFFF  }
0x33: {  	p0 =	sne.s32 s0, $0x0;
	_ =	strace $0x90000047  }
0x34: {  	s0 =	sadd.s32 @!p0 $0x100000, s1;
	[bflag:$0x2] =	sbarrier.arrive $0xFFFF  }
0x35: {  	[sflag:s0] =	ssyncadd.tile.s32 @!p0 $0x1;
	_ =	shalt  }
.Lfunc_end2:
_tile_overlayer_lowered:
.L_overlay_start_2:
0x36: {  	(tag) =	ssettag $0x2  }
0x37: {  	s0 =	rddreg [dreg:$0x0];
	s2 =	stileid.u32  }
0x38: {  	s1 =	rddreg [dreg:$0x1];
	p0 =	sne.s32 s2, $0x0  }
0x39: {  	s3 =	rddreg [dreg:$0x2];
	[bflag:$0x3] =	sbarrier.arrive $0xFFFF;
	s2 =	simm.s32 @!p0 $0x1C01  }
0x3a: {  	[timem:s3], [sflag:s2] =	dma.local @!p0 [hbm:s0], s1  }
0x3b: {  	s0 =	simm.s32 @!p0 $0x1  }
0x3c: {  	_ =	swait.ge @!p0 [sflag:s0], s1  }
0x3d: {  	s1 =	ssub.s32 @!p0 $0x0, s1;
	[sflag:s0] =	ssyncset.done @!p0 $0x0  }
0x3e: {  	[sflag:s0] =	ssyncadd.s32 @!p0 s1  }
0x3f: {  	[bflag:$0x3] =	sbarrier.arrive $0xFFFF  }
0x40: {  	_ =	shalt  }

</sc_bundles>
